<compile_context>
chip_gen: v7x
topology: tpu7x:2x2x1
jax: 0.10.2.dev20260603
libtpu: 0.0.44.dev20260713+nightly
codegen_flags: <defaults>
</compile_context>

<pallas_src>
import functools
import jax
import jax.numpy as jnp
from jax import lax
from jax.experimental import pallas as pl
from jax.experimental.pallas import tpu as pltpu
from jax.experimental.pallas import tpu_sc as plsc

_PLACEHOLDER = 100
_B, _N, _D = 1024, 77, 768
_ROWS = _B * _N
_L = 16
_NSL = _D // _L

_NC, _NS = 2, 16
_NW = _NC * _NS
_RPW = _ROWS // _NW
_CH = 16
_NCHUNK = _RPW // _CH
_NB = 4
_CW = _CH * _D

_VROWS = 8
_VBLK = _PLACEHOLDER // _VROWS
_VOFF = _PLACEHOLDER % _VROWS


def _subj_body(vrow_ref, wproj_ref, subj_ref):
    row = vrow_ref[_VOFF:_VOFF + 1, :]
    subj_ref[...] = jnp.dot(row, wproj_ref[...],
                            preferred_element_type=jnp.float32)


def _sc_body(emb_hbm, tok_hbm, subj_hbm, out_hbm,
             buf0, buf1, buf2, buf3, tok_v, subj_v,
             si0, si1, si2, si3, so0, so1, so2, so3):
    wid = lax.axis_index("c") * _NS + lax.axis_index("s")
    rbase = wid * _RPW
    ebase = rbase * _D
    bufs = (buf0, buf1, buf2, buf3)
    isems = (si0, si1, si2, si3)
    osems = (so0, so1, so2, so3)

    pltpu.sync_copy(tok_hbm.at[pl.ds(rbase * _L, _RPW * _L)], tok_v)
    pltpu.sync_copy(subj_hbm, subj_v)

    def in_copy(j, b):
        return pltpu.make_async_copy(
            emb_hbm.at[pl.ds(ebase + j * _CW, _CW)], bufs[b], isems[b])

    def out_copy(j, b):
        return pltpu.make_async_copy(
            bufs[b], out_hbm.at[pl.ds(ebase + j * _CW, _CW)], osems[b])

    subj_sl = [subj_v[pl.ds(c * _L, _L)] for c in range(_NSL)]

    def select_chunk(j, buf):
        @plsc.parallel_loop(0, _CH, unroll=4)
        def row_body(r):
            tokr = tok_v[pl.ds((j * _CH + r) * _L, _L)]
            m = tokr == _PLACEHOLDER
            for c in range(_NSL):
                off = r * _D + c * _L
                x = buf[pl.ds(off, _L)]
                buf[pl.ds(off, _L)] = jnp.where(m, subj_sl[c], x)

    for k in range(_NB - 1):
        in_copy(k, k).start()

    def chunk_body(j, carry):
        for b in range(_NB):
            @pl.when(j % _NB == b)
            def _do(b=b):
                in_copy(j, b).wait()

                @pl.when(j + _NB - 1 < _NCHUNK)
                def _prefetch():
                    nb = (b + _NB - 1) % _NB

                    @pl.when(j >= 1)
                    def _drain_prev_out():
                        out_copy(j - 1, nb).wait()
                    in_copy(j + _NB - 1, nb).start()

                select_chunk(j, bufs[b])
                out_copy(j, b).start()
        return carry

    lax.fori_loop(0, _NCHUNK, chunk_body, 0)
    for k in range(_NB):
        jj = _NCHUNK - _NB + k
        out_copy(jj, jj % _NB).wait()


def kernel(tokenized_text, embedded_text, vocab_table, W_proj):
    subj = pl.pallas_call(
        _subj_body,
        grid=(1,),
        in_specs=[
            pl.BlockSpec((_VROWS, _D), lambda i: (_VBLK, 0)),
            pl.BlockSpec((_D, _D), lambda i: (0, 0)),
        ],
        out_specs=pl.BlockSpec((1, _D), lambda i: (0, 0)),
        out_shape=jax.ShapeDtypeStruct((1, _D), jnp.float32),
    )(vocab_table, W_proj)

    emb1 = embedded_text.reshape(_ROWS * _D)
    tok16 = jnp.broadcast_to(tokenized_text.reshape(_ROWS)[:, None],
                             (_ROWS, _L)).reshape(_ROWS * _L)
    subj1 = subj.reshape(_D)
    sc = functools.partial(
        pl.kernel,
        out_type=jax.ShapeDtypeStruct((_ROWS * _D,), jnp.float32),
        mesh=plsc.VectorSubcoreMesh(core_axis_name="c", subcore_axis_name="s"),
        scratch_types=[pltpu.VMEM((_CW,), jnp.float32)] * _NB
                      + [pltpu.VMEM((_RPW * _L,), jnp.int32),
                         pltpu.VMEM((_D,), jnp.float32)]
                      + [pltpu.SemaphoreType.DMA] * (2 * _NB),
    )(_sc_body)
    out1 = sc(emb1, tok16, subj1)
    return out1.reshape(_B, _N, _D)

# --- scband reference (transcript-rebuilt; emitter-appended) ---
"""Pipeline reference for scband-embedding-manager-55911884259925 (READ-ONLY COPY).

The authoritative reference and input builder live on the scoring server;
editing this copy changes nothing except your own understanding.
"""

import jax, jax.numpy as jnp
import numpy as np

PLACEHOLDER_TOKEN = 100
VOCAB = 49408
B, N, D = 1024, 77, 768


def setup_inputs(seed: int = 0) -> dict:
    key = jax.random.key(seed)
    k1, k2, k3, k4 = jax.random.split(key, 4)
    tokenized_text = jax.random.randint(k1, (B, N), 0, VOCAB, dtype=jnp.int32)
    embedded_text = jax.random.normal(k2, (B, N, D), dtype=jnp.float32)
    # learned parameters: CLIP token-embedding table (get_embeddings_for_clip_tokens)
    # and a projection standing in for the subj_basis_generator producing adaface
    # subject embeddings that overwrite placeholder-token positions.
    vocab_table = jax.random.normal(k3, (VOCAB, D), dtype=jnp.float32) * 0.02
    W_proj = jax.random.normal(k4, (D, D), dtype=jnp.float32) * 0.02
    return {
        "tokenized_text": tokenized_text,
        "embedded_text": embedded_text,
        "vocab_table": vocab_table,
        "W_proj": W_proj,
    }


def reference(tokenized_text, embedded_text, vocab_table, W_proj):
    # update_text_embeddings: clone embedded_text, look up token embeddings for
    # every position (embedding gather), generate subject embeddings via the
    # subj_basis_generator (modeled as a linear projection of the gathered
    # token embeddings), and overwrite the positions whose token id matches the
    # subject placeholder token. All other positions keep the original
    # (frozen CLIP) embedded_text.
    token_embs = jnp.take(vocab_table, tokenized_text, axis=0)  # [B, N, D] gather
    subj_gen = token_embs @ W_proj                              # [B, N, D]
    mask = (tokenized_text == PLACEHOLDER_TOKEN)[..., None]
    static_embedded_text = jnp.where(mask, subj_gen, embedded_text)
    return static_embedded_text

if __name__ == "__main__":
    import jax
    _d = setup_inputs()
    print(jax.jit(kernel)(*tuple(_d.values())))

</pallas_src>

<mosaic_0001>
#map = affine_map<(d0, d1) -> (0)>
module attributes {stable_mosaic.version = 14 : i64} {
  func.func @_sc_body(%arg0: i32, %arg1: i32, %arg2: memref<60555264xf32, #tpu.memory_space<hbm>>, %arg3: memref<1261568xi32, #tpu.memory_space<hbm>>, %arg4: memref<768xf32, #tpu.memory_space<hbm>>, %arg5: memref<60555264xf32, #tpu.memory_space<hbm>>, %arg6: memref<12288xf32, #tpu.memory_space<vmem>>, %arg7: memref<12288xf32, #tpu.memory_space<vmem>>, %arg8: memref<12288xf32, #tpu.memory_space<vmem>>, %arg9: memref<12288xf32, #tpu.memory_space<vmem>>, %arg10: memref<39424xi32, #tpu.memory_space<vmem>>, %arg11: memref<768xf32, #tpu.memory_space<vmem>>, %arg12: memref<!tpu.dma_semaphore, #tpu.memory_space<semaphore_mem>>, %arg13: memref<!tpu.dma_semaphore, #tpu.memory_space<semaphore_mem>>, %arg14: memref<!tpu.dma_semaphore, #tpu.memory_space<semaphore_mem>>, %arg15: memref<!tpu.dma_semaphore, #tpu.memory_space<semaphore_mem>>, %arg16: memref<!tpu.dma_semaphore, #tpu.memory_space<semaphore_mem>>, %arg17: memref<!tpu.dma_semaphore, #tpu.memory_space<semaphore_mem>>, %arg18: memref<!tpu.dma_semaphore, #tpu.memory_space<semaphore_mem>>, %arg19: memref<!tpu.dma_semaphore, #tpu.memory_space<semaphore_mem>>) attributes {dimension_semantics = [#tpu.dimension_semantics<core_parallel>, #tpu.dimension_semantics<subcore_parallel>], iteration_bounds = array<i64: 2, 16>, scalar_prefetch = 0 : i64, scratch_operands = 14 : i64, tpu.core_type = #tpu.core_type<sc_vector_subcore>, window_params = [{transform_indices = #map}, {transform_indices = #map}, {transform_indices = #map}, {transform_indices = #map}]} {
    %mul3A = arith.constant 16 : i32
    %mul3A_0 = arith.muli %arg0, %mul3A : i32
    %add3A = arith.addi %mul3A_0, %arg1 : i32
    %mul3A_1 = arith.constant 2464 : i32
    %mul3A_2 = arith.muli %add3A, %mul3A_1 : i32
    %mul3A_3 = arith.constant 768 : i32
    %mul3A_4 = arith.muli %mul3A_2, %mul3A_3 : i32
    %mul3A_5 = arith.constant 16 : i32
    %mul3A_6 = arith.muli %mul3A_2, %mul3A_5 : i32
    "tpu.region"() ({
      %run_scoped3A = tpu.sem_alloc : memref<!tpu.dma_semaphore, #tpu.memory_space<semaphore_mem>>
      %dma_start3A_181 = tpu.memref_slice %arg3[%mul3A_6] : memref<1261568xi32, #tpu.memory_space<hbm>> -> memref<39424xi32, #tpu.memory_space<hbm>>
      %dma_start3A_182 = tpu.memref_slice %arg3[%mul3A_6] : memref<1261568xi32, #tpu.memory_space<hbm>> -> memref<39424xi32, #tpu.memory_space<hbm>>
      tpu.enqueue_dma source(%dma_start3A_182 : memref<39424xi32, #tpu.memory_space<hbm>>) target(%arg10 : memref<39424xi32, #tpu.memory_space<vmem>>) target_semaphore(%run_scoped3A : memref<!tpu.dma_semaphore, #tpu.memory_space<semaphore_mem>>)
      %dma_wait3A_183 = tpu.memref_slice %arg3[%mul3A_6] : memref<1261568xi32, #tpu.memory_space<hbm>> -> memref<39424xi32, #tpu.memory_space<hbm>>
      %dma_wait3A_184 = tpu.memref_slice %arg3[%mul3A_6] : memref<1261568xi32, #tpu.memory_space<hbm>> -> memref<39424xi32, #tpu.memory_space<hbm>>
      tpu.wait_dma2 semaphore(%run_scoped3A : memref<!tpu.dma_semaphore, #tpu.memory_space<semaphore_mem>>) src(%dma_wait3A_184 : memref<39424xi32, #tpu.memory_space<hbm>>) dst(%arg10 : memref<39424xi32, #tpu.memory_space<vmem>>)
      tpu.yield
    }) : () -> ()
    "tpu.region"() ({
      %run_scoped3A = tpu.sem_alloc : memref<!tpu.dma_semaphore, #tpu.memory_space<semaphore_mem>>
      tpu.enqueue_dma source(%arg4 : memref<768xf32, #tpu.memory_space<hbm>>) target(%arg11 : memref<768xf32, #tpu.memory_space<vmem>>) target_semaphore(%run_scoped3A : memref<!tpu.dma_semaphore, #tpu.memory_space<semaphore_mem>>)
      tpu.wait_dma2 semaphore(%run_scoped3A : memref<!tpu.dma_semaphore, #tpu.memory_space<semaphore_mem>>) src(%arg4 : memref<768xf32, #tpu.memory_space<hbm>>) dst(%arg11 : memref<768xf32, #tpu.memory_space<vmem>>)
      tpu.yield
    }) : () -> ()
    %get3A = arith.constant 0 : index
    %get3A_7 = tpu.vector_load %arg11[%get3A] {strides = array<i32>} : memref<768xf32, #tpu.memory_space<vmem>>, vector<16xf32>,
    %get3A_8 = vector.shape_cast %get3A_7 : vector<16xf32> to vector<16xf32>
    %get3A_9 = arith.constant 16 : index
    %get3A_10 = tpu.vector_load %arg11[%get3A_9] {strides = array<i32>} : memref<768xf32, #tpu.memory_space<vmem>>, vector<16xf32>,
    %get3A_11 = vector.shape_cast %get3A_10 : vector<16xf32> to vector<16xf32>
    %get3A_12 = arith.constant 32 : index
    %get3A_13 = tpu.vector_load %arg11[%get3A_12] {strides = array<i32>} : memref<768xf32, #tpu.memory_space<vmem>>, vector<16xf32>,
    %get3A_14 = vector.shape_cast %get3A_13 : vector<16xf32> to vector<16xf32>
    %get3A_15 = arith.constant 48 : index
    %get3A_16 = tpu.vector_load %arg11[%get3A_15] {strides = array<i32>} : memref<768xf32, #tpu.memory_space<vmem>>, vector<16xf32>,
    %get3A_17 = vector.shape_cast %get3A_16 : vector<16xf32> to vector<16xf32>
    %get3A_18 = arith.constant 64 : index
    %get3A_19 = tpu.vector_load %arg11[%get3A_18] {strides = array<i32>} : memref<768xf32, #tpu.memory_space<vmem>>, vector<16xf32>,
    %get3A_20 = vector.shape_cast %get3A_19 : vector<16xf32> to vector<16xf32>
    %get3A_21 = arith.constant 80 : index
    %get3A_22 = tpu.vector_load %arg11[%get3A_21] {strides = array<i32>} : memref<768xf32, #tpu.memory_space<vmem>>, vector<16xf32>,
    %get3A_23 = vector.shape_cast %get3A_22 : vector<16xf32> to vector<16xf32>
    %get3A_24 = arith.constant 96 : index
    %get3A_25 = tpu.vector_load %arg11[%get3A_24] {strides = array<i32>} : memref<768xf32, #tpu.memory_space<vmem>>, vector<16xf32>,
    %get3A_26 = vector.shape_cast %get3A_25 : vector<16xf32> to vector<16xf32>
    %get3A_27 = arith.constant 112 : index
    %get3A_28 = tpu.vector_load %arg11[%get3A_27] {strides = array<i32>} : memref<768xf32, #tpu.memory_space<vmem>>, vector<16xf32>,
    %get3A_29 = vector.shape_cast %get3A_28 : vector<16xf32> to vector<16xf32>
    %get3A_30 = arith.constant 128 : index
    %get3A_31 = tpu.vector_load %arg11[%get3A_30] {strides = array<i32>} : memref<768xf32, #tpu.memory_space<vmem>>, vector<16xf32>,
    %get3A_32 = vector.shape_cast %get3A_31 : vector<16xf32> to vector<16xf32>
    %get3A_33 = arith.constant 144 : index
    %get3A_34 = tpu.vector_load %arg11[%get3A_33] {strides = array<i32>} : memref<768xf32, #tpu.memory_space<vmem>>, vector<16xf32>,
    %get3A_35 = vector.shape_cast %get3A_34 : vector<16xf32> to vector<16xf32>
    %get3A_36 = arith.constant 160 : index
    %get3A_37 = tpu.vector_load %arg11[%get3A_36] {strides = array<i32>} : memref<768xf32, #tpu.memory_space<vmem>>, vector<16xf32>,
    %get3A_38 = vector.shape_cast %get3A_37 : vector<16xf32> to vector<16xf32>
    %get3A_39 = arith.constant 176 : index
    %get3A_40 = tpu.vector_load %arg11[%get3A_39] {strides = array<i32>} : memref<768xf32, #tpu.memory_space<vmem>>, vector<16xf32>,
    %get3A_41 = vector.shape_cast %get3A_40 : vector<16xf32> to vector<16xf32>
    %get3A_42 = arith.constant 192 : index
    %get3A_43 = tpu.vector_load %arg11[%get3A_42] {strides = array<i32>} : memref<768xf32, #tpu.memory_space<vmem>>, vector<16xf32>,
    %get3A_44 = vector.shape_cast %get3A_43 : vector<16xf32> to vector<16xf32>
    %get3A_45 = arith.constant 208 : index
    %get3A_46 = tpu.vector_load %arg11[%get3A_45] {strides = array<i32>} : memref<768xf32, #tpu.memory_space<vmem>>, vector<16xf32>,
    %get3A_47 = vector.shape_cast %get3A_46 : vector<16xf32> to vector<16xf32>
    %get3A_48 = arith.constant 224 : index
    %get3A_49 = tpu.vector_load %arg11[%get3A_48] {strides = array<i32>} : memref<768xf32, #tpu.memory_space<vmem>>, vector<16xf32>,
    %get3A_50 = vector.shape_cast %get3A_49 : vector<16xf32> to vector<16xf32>
    %get3A_51 = arith.constant 240 : index
    %get3A_52 = tpu.vector_load %arg11[%get3A_51] {strides = array<i32>} : memref<768xf32, #tpu.memory_space<vmem>>, vector<16xf32>,
    %get3A_53 = vector.shape_cast %get3A_52 : vector<16xf32> to vector<16xf32>
    %get3A_54 = arith.constant 256 : index
    %get3A_55 = tpu.vector_load %arg11[%get3A_54] {strides = array<i32>} : memref<768xf32, #tpu.memory_space<vmem>>, vector<16xf32>,
    %get3A_56 = vector.shape_cast %get3A_55 : vector<16xf32> to vector<16xf32>
    %get3A_57 = arith.constant 272 : index
    %get3A_58 = tpu.vector_load %arg11[%get3A_57] {strides = array<i32>} : memref<768xf32, #tpu.memory_space<vmem>>, vector<16xf32>,
    %get3A_59 = vector.shape_cast %get3A_58 : vector<16xf32> to vector<16xf32>
    %get3A_60 = arith.constant 288 : index
    %get3A_61 = tpu.vector_load %arg11[%get3A_60] {strides = array<i32>} : memref<768xf32, #tpu.memory_space<vmem>>, vector<16xf32>,
    %get3A_62 = vector.shape_cast %get3A_61 : vector<16xf32> to vector<16xf32>
    %get3A_63 = arith.constant 304 : index
    %get3A_64 = tpu.vector_load %arg11[%get3A_63] {strides = array<i32>} : memref<768xf32, #tpu.memory_space<vmem>>, vector<16xf32>,
    %get3A_65 = vector.shape_cast %get3A_64 : vector<16xf32> to vector<16xf32>
    %get3A_66 = arith.constant 320 : index
    %get3A_67 = tpu.vector_load %arg11[%get3A_66] {strides = array<i32>} : memref<768xf32, #tpu.memory_space<vmem>>, vector<16xf32>,
    %get3A_68 = vector.shape_cast %get3A_67 : vector<16xf32> to vector<16xf32>
    %get3A_69 = arith.constant 336 : index
    %get3A_70 = tpu.vector_load %arg11[%get3A_69] {strides = array<i32>} : memref<768xf32, #tpu.memory_space<vmem>>, vector<16xf32>,
    %get3A_71 = vector.shape_cast %get3A_70 : vector<16xf32> to vector<16xf32>
    %get3A_72 = arith.constant 352 : index
    %get3A_73 = tpu.vector_load %arg11[%get3A_72] {strides = array<i32>} : memref<768xf32, #tpu.memory_space<vmem>>, vector<16xf32>,
    %get3A_74 = vector.shape_cast %get3A_73 : vector<16xf32> to vector<16xf32>
    %get3A_75 = arith.constant 368 : index
    %get3A_76 = tpu.vector_load %arg11[%get3A_75] {strides = array<i32>} : memref<768xf32, #tpu.memory_space<vmem>>, vector<16xf32>,
    %get3A_77 = vector.shape_cast %get3A_76 : vector<16xf32> to vector<16xf32>
    %get3A_78 = arith.constant 384 : index
    %get3A_79 = tpu.vector_load %arg11[%get3A_78] {strides = array<i32>} : memref<768xf32, #tpu.memory_space<vmem>>, vector<16xf32>,
    %get3A_80 = vector.shape_cast %get3A_79 : vector<16xf32> to vector<16xf32>
    %get3A_81 = arith.constant 400 : index
    %get3A_82 = tpu.vector_load %arg11[%get3A_81] {strides = array<i32>} : memref<768xf32, #tpu.memory_space<vmem>>, vector<16xf32>,
    %get3A_83 = vector.shape_cast %get3A_82 : vector<16xf32> to vector<16xf32>
    %get3A_84 = arith.constant 416 : index
    %get3A_85 = tpu.vector_load %arg11[%get3A_84] {strides = array<i32>} : memref<768xf32, #tpu.memory_space<vmem>>, vector<16xf32>,
    %get3A_86 = vector.shape_cast %get3A_85 : vector<16xf32> to vector<16xf32>
    %get3A_87 = arith.constant 432 : index
    %get3A_88 = tpu.vector_load %arg11[%get3A_87] {strides = array<i32>} : memref<768xf32, #tpu.memory_space<vmem>>, vector<16xf32>,
    %get3A_89 = vector.shape_cast %get3A_88 : vector<16xf32> to vector<16xf32>
    %get3A_90 = arith.constant 448 : index
    %get3A_91 = tpu.vector_load %arg11[%get3A_90] {strides = array<i32>} : memref<768xf32, #tpu.memory_space<vmem>>, vector<16xf32>,
    %get3A_92 = vector.shape_cast %get3A_91 : vector<16xf32> to vector<16xf32>
    %get3A_93 = arith.constant 464 : index
    %get3A_94 = tpu.vector_load %arg11[%get3A_93] {strides = array<i32>} : memref<768xf32, #tpu.memory_space<vmem>>, vector<16xf32>,
    %get3A_95 = vector.shape_cast %get3A_94 : vector<16xf32> to vector<16xf32>
    %get3A_96 = arith.constant 480 : index
    %get3A_97 = tpu.vector_load %arg11[%get3A_96] {strides = array<i32>} : memref<768xf32, #tpu.memory_space<vmem>>, vector<16xf32>,
    %get3A_98 = vector.shape_cast %get3A_97 : vector<16xf32> to vector<16xf32>
    %get3A_99 = arith.constant 496 : index
    %get3A_100 = tpu.vector_load %arg11[%get3A_99] {strides = array<i32>} : memref<768xf32, #tpu.memory_space<vmem>>, vector<16xf32>,
    %get3A_101 = vector.shape_cast %get3A_100 : vector<16xf32> to vector<16xf32>
    %get3A_102 = arith.constant 512 : index
    %get3A_103 = tpu.vector_load %arg11[%get3A_102] {strides = array<i32>} : memref<768xf32, #tpu.memory_space<vmem>>, vector<16xf32>,
    %get3A_104 = vector.shape_cast %get3A_103 : vector<16xf32> to vector<16xf32>
    %get3A_105 = arith.constant 528 : index
    %get3A_106 = tpu.vector_load %arg11[%get3A_105] {strides = array<i32>} : memref<768xf32, #tpu.memory_space<vmem>>, vector<16xf32>,
    %get3A_107 = vector.shape_cast %get3A_106 : vector<16xf32> to vector<16xf32>
    %get3A_108 = arith.constant 544 : index
    %get3A_109 = tpu.vector_load %arg11[%get3A_108] {strides = array<i32>} : memref<768xf32, #tpu.memory_space<vmem>>, vector<16xf32>,
    %get3A_110 = vector.shape_cast %get3A_109 : vector<16xf32> to vector<16xf32>
    %get3A_111 = arith.constant 560 : index
    %get3A_112 = tpu.vector_load %arg11[%get3A_111] {strides = array<i32>} : memref<768xf32, #tpu.memory_space<vmem>>, vector<16xf32>,
    %get3A_113 = vector.shape_cast %get3A_112 : vector<16xf32> to vector<16xf32>
    %get3A_114 = arith.constant 576 : index
    %get3A_115 = tpu.vector_load %arg11[%get3A_114] {strides = array<i32>} : memref<768xf32, #tpu.memory_space<vmem>>, vector<16xf32>,
    %get3A_116 = vector.shape_cast %get3A_115 : vector<16xf32> to vector<16xf32>
    %get3A_117 = arith.constant 592 : index
    %get3A_118 = tpu.vector_load %arg11[%get3A_117] {strides = array<i32>} : memref<768xf32, #tpu.memory_space<vmem>>, vector<16xf32>,
    %get3A_119 = vector.shape_cast %get3A_118 : vector<16xf32> to vector<16xf32>
    %get3A_120 = arith.constant 608 : index
    %get3A_121 = tpu.vector_load %arg11[%get3A_120] {strides = array<i32>} : memref<768xf32, #tpu.memory_space<vmem>>, vector<16xf32>,
    %get3A_122 = vector.shape_cast %get3A_121 : vector<16xf32> to vector<16xf32>
    %get3A_123 = arith.constant 624 : index
    %get3A_124 = tpu.vector_load %arg11[%get3A_123] {strides = array<i32>} : memref<768xf32, #tpu.memory_space<vmem>>, vector<16xf32>,
    %get3A_125 = vector.shape_cast %get3A_124 : vector<16xf32> to vector<16xf32>
    %get3A_126 = arith.constant 640 : index
    %get3A_127 = tpu.vector_load %arg11[%get3A_126] {strides = array<i32>} : memref<768xf32, #tpu.memory_space<vmem>>, vector<16xf32>,
    %get3A_128 = vector.shape_cast %get3A_127 : vector<16xf32> to vector<16xf32>
    %get3A_129 = arith.constant 656 : index
    %get3A_130 = tpu.vector_load %arg11[%get3A_129] {strides = array<i32>} : memref<768xf32, #tpu.memory_space<vmem>>, vector<16xf32>,
    %get3A_131 = vector.shape_cast %get3A_130 : vector<16xf32> to vector<16xf32>
    %get3A_132 = arith.constant 672 : index
    %get3A_133 = tpu.vector_load %arg11[%get3A_132] {strides = array<i32>} : memref<768xf32, #tpu.memory_space<vmem>>, vector<16xf32>,
    %get3A_134 = vector.shape_cast %get3A_133 : vector<16xf32> to vector<16xf32>
    %get3A_135 = arith.constant 688 : index
    %get3A_136 = tpu.vector_load %arg11[%get3A_135] {strides = array<i32>} : memref<768xf32, #tpu.memory_space<vmem>>, vector<16xf32>,
    %get3A_137 = vector.shape_cast %get3A_136 : vector<16xf32> to vector<16xf32>
    %get3A_138 = arith.constant 704 : index
    %get3A_139 = tpu.vector_load %arg11[%get3A_138] {strides = array<i32>} : memref<768xf32, #tpu.memory_space<vmem>>, vector<16xf32>,
    %get3A_140 = vector.shape_cast %get3A_139 : vector<16xf32> to vector<16xf32>
    %get3A_141 = arith.constant 720 : index
    %get3A_142 = tpu.vector_load %arg11[%get3A_141] {strides = array<i32>} : memref<768xf32, #tpu.memory_space<vmem>>, vector<16xf32>,
    %get3A_143 = vector.shape_cast %get3A_142 : vector<16xf32> to vector<16xf32>
    %get3A_144 = arith.constant 736 : index
    %get3A_145 = tpu.vector_load %arg11[%get3A_144] {strides = array<i32>} : memref<768xf32, #tpu.memory_space<vmem>>, vector<16xf32>,
    %get3A_146 = vector.shape_cast %get3A_145 : vector<16xf32> to vector<16xf32>
    %get3A_147 = arith.constant 752 : index
    %get3A_148 = tpu.vector_load %arg11[%get3A_147] {strides = array<i32>} : memref<768xf32, #tpu.memory_space<vmem>>, vector<16xf32>,
    %get3A_149 = vector.shape_cast %get3A_148 : vector<16xf32> to vector<16xf32>
    %add3A_150 = arith.constant 0 : i32
    %add3A_151 = arith.addi %mul3A_4, %add3A_150 : i32
    %dma_start3A = tpu.memref_slice %arg2[%add3A_151] : memref<60555264xf32, #tpu.memory_space<hbm>> -> memref<12288xf32, #tpu.memory_space<hbm>>
    %dma_start3A_152 = tpu.memref_slice %arg2[%add3A_151] : memref<60555264xf32, #tpu.memory_space<hbm>> -> memref<12288xf32, #tpu.memory_space<hbm>>
    tpu.enqueue_dma source(%dma_start3A_152 : memref<12288xf32, #tpu.memory_space<hbm>>) target(%arg6 : memref<12288xf32, #tpu.memory_space<vmem>>) target_semaphore(%arg12 : memref<!tpu.dma_semaphore, #tpu.memory_space<semaphore_mem>>)
    %add3A_153 = arith.constant 12288 : i32
    %add3A_154 = arith.addi %mul3A_4, %add3A_153 : i32
    %dma_start3A_155 = tpu.memref_slice %arg2[%add3A_154] : memref<60555264xf32, #tpu.memory_space<hbm>> -> memref<12288xf32, #tpu.memory_space<hbm>>
    %dma_start3A_156 = tpu.memref_slice %arg2[%add3A_154] : memref<60555264xf32, #tpu.memory_space<hbm>> -> memref<12288xf32, #tpu.memory_space<hbm>>
    tpu.enqueue_dma source(%dma_start3A_156 : memref<12288xf32, #tpu.memory_space<hbm>>) target(%arg7 : memref<12288xf32, #tpu.memory_space<vmem>>) target_semaphore(%arg13 : memref<!tpu.dma_semaphore, #tpu.memory_space<semaphore_mem>>)
    %add3A_157 = arith.constant 24576 : i32
    %add3A_158 = arith.addi %mul3A_4, %add3A_157 : i32
    %dma_start3A_159 = tpu.memref_slice %arg2[%add3A_158] : memref<60555264xf32, #tpu.memory_space<hbm>> -> memref<12288xf32, #tpu.memory_space<hbm>>
    %dma_start3A_160 = tpu.memref_slice %arg2[%add3A_158] : memref<60555264xf32, #tpu.memory_space<hbm>> -> memref<12288xf32, #tpu.memory_space<hbm>>
    tpu.enqueue_dma source(%dma_start3A_160 : memref<12288xf32, #tpu.memory_space<hbm>>) target(%arg8 : memref<12288xf32, #tpu.memory_space<vmem>>) target_semaphore(%arg14 : memref<!tpu.dma_semaphore, #tpu.memory_space<semaphore_mem>>)
    %scan3A = arith.constant 0 : i32
    %scan3A_161 = arith.constant 0 : i32
    %scan3A_162 = arith.constant 154 : i32
    %scan3A_163 = arith.addi %scan3A_161, %scan3A_162 : i32
    %scan3A_164 = arith.constant 1 : i32
    scf.for %scan3A_181 = %scan3A_161 to %scan3A_163 step %scan3A_164  : i32 {
      %jit3A = arith.constant 4 : i32
      %eq3A = arith.constant 0 : i32
      %eq3A_182 = arith.cmpi eq, %jit3A, %eq3A : i32
      %jit3A_183 = arith.constant 1 : i32
      %select_n3A = arith.select %eq3A_182, %jit3A_183, %jit3A : i32
      %rem3A = arith.remsi %scan3A_181, %select_n3A : i32
      %ne3A = arith.constant 0 : i32
      %ne3A_184 = arith.cmpi ne, %rem3A, %ne3A : i32
      %lt3A = arith.constant 0 : i32
      %lt3A_185 = arith.cmpi slt, %rem3A, %lt3A : i32
      %lt3A_186 = arith.constant 0 : i32
      %lt3A_187 = arith.cmpi slt, %select_n3A, %lt3A_186 : i32
      %ne3A_188 = arith.xori %lt3A_185, %lt3A_187 : i1
      %and3A = arith.andi %ne3A_188, %ne3A_184 : i1
      %add3A_189 = arith.addi %rem3A, %select_n3A : i32
      %select_n3A_190 = arith.select %and3A, %add3A_189, %rem3A : i32
      %eq3A_191 = arith.constant 0 : i32
      %eq3A_192 = arith.cmpi eq, %select_n3A_190, %eq3A_191 : i32
      %convert_element_type3A = arith.extui %eq3A_192 : i1 to i32
      %cond3A = arith.constant 0 : i32
      %cond3A_193 = arith.cmpi ne, %convert_element_type3A, %cond3A : i32
      scf.if %cond3A_193 {
        %mul3A_257 = arith.constant 12288 : i32
        %mul3A_258 = arith.muli %scan3A_181, %mul3A_257 : i32
        %add3A_259 = arith.addi %mul3A_4, %mul3A_258 : i32
        %dma_wait3A_260 = tpu.memref_slice %arg2[%add3A_259] : memref<60555264xf32, #tpu.memory_space<hbm>> -> memref<12288xf32, #tpu.memory_space<hbm>>
        %dma_wait3A_261 = tpu.memref_slice %arg2[%add3A_259] : memref<60555264xf32, #tpu.memory_space<hbm>> -> memref<12288xf32, #tpu.memory_space<hbm>>
        tpu.wait_dma2 semaphore(%arg12 : memref<!tpu.dma_semaphore, #tpu.memory_space<semaphore_mem>>) src(%dma_wait3A_261 : memref<12288xf32, #tpu.memory_space<hbm>>) dst(%arg6 : memref<12288xf32, #tpu.memory_space<vmem>>)
        %add3A_262 = arith.constant 4 : i32
        %add3A_263 = arith.addi %scan3A_181, %add3A_262 : i32
        %sub3A = arith.constant 1 : i32
        %sub3A_264 = arith.subi %add3A_263, %sub3A : i32
        %lt3A_265 = arith.constant 154 : i32
        %lt3A_266 = arith.cmpi slt, %sub3A_264, %lt3A_265 : i32
        %convert_element_type3A_267 = arith.extui %lt3A_266 : i1 to i32
        %cond3A_268 = arith.constant 0 : i32
        %cond3A_269 = arith.cmpi ne, %convert_element_type3A_267, %cond3A_268 : i32
        scf.if %cond3A_269 {
          %ge3A = arith.constant 1 : i32
          %ge3A_277 = arith.cmpi sge, %scan3A_181, %ge3A : i32
          %convert_element_type3A_278 = arith.extui %ge3A_277 : i1 to i32
          %cond3A_279 = arith.constant 0 : i32
          %cond3A_280 = arith.cmpi ne, %convert_element_type3A_278, %cond3A_279 : i32
          scf.if %cond3A_280 {
            %sub3A_290 = arith.constant 1 : i32
            %sub3A_291 = arith.subi %scan3A_181, %sub3A_290 : i32
            %mul3A_292 = arith.constant 12288 : i32
            %mul3A_293 = arith.muli %sub3A_291, %mul3A_292 : i32
            %add3A_294 = arith.addi %mul3A_4, %mul3A_293 : i32
            %dma_wait3A_295 = tpu.memref_slice %arg5[%add3A_294] : memref<60555264xf32, #tpu.memory_space<hbm>> -> memref<12288xf32, #tpu.memory_space<hbm>>
            %dma_wait3A_296 = tpu.memref_slice %arg5[%add3A_294] : memref<60555264xf32, #tpu.memory_space<hbm>> -> memref<12288xf32, #tpu.memory_space<hbm>>
            tpu.wait_dma2 semaphore(%arg19 : memref<!tpu.dma_semaphore, #tpu.memory_space<semaphore_mem>>) src(%arg9 : memref<12288xf32, #tpu.memory_space<vmem>>) dst(%dma_wait3A_296 : memref<12288xf32, #tpu.memory_space<hbm>>)
          } else {
          }
          %add3A_281 = arith.constant 4 : i32
          %add3A_282 = arith.addi %scan3A_181, %add3A_281 : i32
          %sub3A_283 = arith.constant 1 : i32
          %sub3A_284 = arith.subi %add3A_282, %sub3A_283 : i32
          %mul3A_285 = arith.constant 12288 : i32
          %mul3A_286 = arith.muli %sub3A_284, %mul3A_285 : i32
          %add3A_287 = arith.addi %mul3A_4, %mul3A_286 : i32
          %dma_start3A_288 = tpu.memref_slice %arg2[%add3A_287] : memref<60555264xf32, #tpu.memory_space<hbm>> -> memref<12288xf32, #tpu.memory_space<hbm>>
          %dma_start3A_289 = tpu.memref_slice %arg2[%add3A_287] : memref<60555264xf32, #tpu.memory_space<hbm>> -> memref<12288xf32, #tpu.memory_space<hbm>>
          tpu.enqueue_dma source(%dma_start3A_289 : memref<12288xf32, #tpu.memory_space<hbm>>) target(%arg9 : memref<12288xf32, #tpu.memory_space<vmem>>) target_semaphore(%arg15 : memref<!tpu.dma_semaphore, #tpu.memory_space<semaphore_mem>>)
        } else {
        }
        %parallel_loop3A = arith.constant 0 : i32
        %parallel_loop3A_270 = arith.constant 16 : i32
        %parallel_loop3A_271 = arith.constant 1 : i32
        scf.for %parallel_loop3A_277 = %parallel_loop3A to %parallel_loop3A_270 step %parallel_loop3A_271  : i32 {
          %parallel_loop3A_278 = arith.constant 16 : i32
          %parallel_loop3A_279 = arith.muli %scan3A_181, %parallel_loop3A_278 : i32
          %parallel_loop3A_280 = arith.addi %parallel_loop3A_279, %parallel_loop3A_277 : i32
          %parallel_loop3A_281 = arith.constant 16 : i32
          %parallel_loop3A_282 = arith.muli %parallel_loop3A_280, %parallel_loop3A_281 : i32
          %parallel_loop3A_283 = arith.index_cast %parallel_loop3A_282 : i32 to index
          %parallel_loop3A_284 = tpu.vector_load %arg10[%parallel_loop3A_283] {strides = array<i32>} : memref<39424xi32, #tpu.memory_space<vmem>>, vector<16xi32>,
          %parallel_loop3A_285 = vector.shape_cast %parallel_loop3A_284 : vector<16xi32> to vector<16xi32>
          %parallel_loop3A_286 = arith.constant 100 : i32
          %parallel_loop3A_287 = vector.broadcast %parallel_loop3A_286 : i32 to vector<16xi32>
          %parallel_loop3A_288 = arith.cmpi eq, %parallel_loop3A_285, %parallel_loop3A_287 : vector<16xi32>
          %parallel_loop3A_289 = arith.constant 768 : i32
          %parallel_loop3A_290 = arith.muli %parallel_loop3A_277, %parallel_loop3A_289 : i32
          %parallel_loop3A_291 = arith.constant 0 : i32
          %parallel_loop3A_292 = arith.addi %parallel_loop3A_290, %parallel_loop3A_291 : i32
          %parallel_loop3A_293 = arith.index_cast %parallel_loop3A_292 : i32 to index
          %parallel_loop3A_294 = tpu.vector_load %arg6[%parallel_loop3A_293] {strides = array<i32>} : memref<12288xf32, #tpu.memory_space<vmem>>, vector<16xf32>,
          %parallel_loop3A_295 = vector.shape_cast %parallel_loop3A_294 : vector<16xf32> to vector<16xf32>
          %parallel_loop3A_296 = arith.select %parallel_loop3A_288, %get3A_8, %parallel_loop3A_295 : vector<16xi1>, vector<16xf32>
          %parallel_loop3A_297 = arith.index_cast %parallel_loop3A_292 : i32 to index
          %parallel_loop3A_298 = tpu.vector_load %arg6[%parallel_loop3A_297] {strides = array<i32>} : memref<12288xf32, #tpu.memory_space<vmem>>, vector<16xf32>,
          %parallel_loop3A_299 = vector.shape_cast %parallel_loop3A_298 : vector<16xf32> to vector<16xf32>
          %parallel_loop3A_300 = vector.shape_cast %parallel_loop3A_296 : vector<16xf32> to vector<16xf32>
          tpu.vector_store %arg6[%parallel_loop3A_297], %parallel_loop3A_300 {strides = array<i32>} : memref<12288xf32, #tpu.memory_space<vmem>>, vector<16xf32>,
          %parallel_loop3A_301 = arith.constant 768 : i32
          %parallel_loop3A_302 = arith.muli %parallel_loop3A_277, %parallel_loop3A_301 : i32
          %parallel_loop3A_303 = arith.constant 16 : i32
          %parallel_loop3A_304 = arith.addi %parallel_loop3A_302, %parallel_loop3A_303 : i32
          %parallel_loop3A_305 = arith.index_cast %parallel_loop3A_304 : i32 to index
          %parallel_loop3A_306 = tpu.vector_load %arg6[%parallel_loop3A_305] {strides = array<i32>} : memref<12288xf32, #tpu.memory_space<vmem>>, vector<16xf32>,
          %parallel_loop3A_307 = vector.shape_cast %parallel_loop3A_306 : vector<16xf32> to vector<16xf32>
          %parallel_loop3A_308 = arith.select %parallel_loop3A_288, %get3A_11, %parallel_loop3A_307 : vector<16xi1>, vector<16xf32>
          %parallel_loop3A_309 = arith.index_cast %parallel_loop3A_304 : i32 to index
          %parallel_loop3A_310 = tpu.vector_load %arg6[%parallel_loop3A_309] {strides = array<i32>} : memref<12288xf32, #tpu.memory_space<vmem>>, vector<16xf32>,
          %parallel_loop3A_311 = vector.shape_cast %parallel_loop3A_310 : vector<16xf32> to vector<16xf32>
          %parallel_loop3A_312 = vector.shape_cast %parallel_loop3A_308 : vector<16xf32> to vector<16xf32>
          tpu.vector_store %arg6[%parallel_loop3A_309], %parallel_loop3A_312 {strides = array<i32>} : memref<12288xf32, #tpu.memory_space<vmem>>, vector<16xf32>,
          %parallel_loop3A_313 = arith.constant 768 : i32
          %parallel_loop3A_314 = arith.muli %parallel_loop3A_277, %parallel_loop3A_313 : i32
          %parallel_loop3A_315 = arith.constant 32 : i32
          %parallel_loop3A_316 = arith.addi %parallel_loop3A_314, %parallel_loop3A_315 : i32
          %parallel_loop3A_317 = arith.index_cast %parallel_loop3A_316 : i32 to index
          %parallel_loop3A_318 = tpu.vector_load %arg6[%parallel_loop3A_317] {strides = array<i32>} : memref<12288xf32, #tpu.memory_space<vmem>>, vector<16xf32>,
          %parallel_loop3A_319 = vector.shape_cast %parallel_loop3A_318 : vector<16xf32> to vector<16xf32>
          %parallel_loop3A_320 = arith.select %parallel_loop3A_288, %get3A_14, %parallel_loop3A_319 : vector<16xi1>, vector<16xf32>
          %parallel_loop3A_321 = arith.index_cast %parallel_loop3A_316 : i32 to index
          %parallel_loop3A_322 = tpu.vector_load %arg6[%parallel_loop3A_321] {strides = array<i32>} : memref<12288xf32, #tpu.memory_space<vmem>>, vector<16xf32>,
          %parallel_loop3A_323 = vector.shape_cast %parallel_loop3A_322 : vector<16xf32> to vector<16xf32>
          %parallel_loop3A_324 = vector.shape_cast %parallel_loop3A_320 : vector<16xf32> to vector<16xf32>
          tpu.vector_store %arg6[%parallel_loop3A_321], %parallel_loop3A_324 {strides = array<i32>} : memref<12288xf32, #tpu.memory_space<vmem>>, vector<16xf32>,
          %parallel_loop3A_325 = arith.constant 768 : i32
          %parallel_loop3A_326 = arith.muli %parallel_loop3A_277, %parallel_loop3A_325 : i32
          %parallel_loop3A_327 = arith.constant 48 : i32
          %parallel_loop3A_328 = arith.addi %parallel_loop3A_326, %parallel_loop3A_327 : i32
          %parallel_loop3A_329 = arith.index_cast %parallel_loop3A_328 : i32 to index
          %parallel_loop3A_330 = tpu.vector_load %arg6[%parallel_loop3A_329] {strides = array<i32>} : memref<12288xf32, #tpu.memory_space<vmem>>, vector<16xf32>,
          %parallel_loop3A_331 = vector.shape_cast %parallel_loop3A_330 : vector<16xf32> to vector<16xf32>
          %parallel_loop3A_332 = arith.select %parallel_loop3A_288, %get3A_17, %parallel_loop3A_331 : vector<16xi1>, vector<16xf32>
          %parallel_loop3A_333 = arith.index_cast %parallel_loop3A_328 : i32 to index
          %parallel_loop3A_334 = tpu.vector_load %arg6[%parallel_loop3A_333] {strides = array<i32>} : memref<12288xf32, #tpu.memory_space<vmem>>, vector<16xf32>,
          %parallel_loop3A_335 = vector.shape_cast %parallel_loop3A_334 : vector<16xf32> to vector<16xf32>
          %parallel_loop3A_336 = vector.shape_cast %parallel_loop3A_332 : vector<16xf32> to vector<16xf32>
          tpu.vector_store %arg6[%parallel_loop3A_333], %parallel_loop3A_336 {strides = array<i32>} : memref<12288xf32, #tpu.memory_space<vmem>>, vector<16xf32>,
          %parallel_loop3A_337 = arith.constant 768 : i32
          %parallel_loop3A_338 = arith.muli %parallel_loop3A_277, %parallel_loop3A_337 : i32
          %parallel_loop3A_339 = arith.constant 64 : i32
          %parallel_loop3A_340 = arith.addi %parallel_loop3A_338, %parallel_loop3A_339 : i32
          %parallel_loop3A_341 = arith.index_cast %parallel_loop3A_340 : i32 to index
          %parallel_loop3A_342 = tpu.vector_load %arg6[%parallel_loop3A_341] {strides = array<i32>} : memref<12288xf32, #tpu.memory_space<vmem>>, vector<16xf32>,
          %parallel_loop3A_343 = vector.shape_cast %parallel_loop3A_342 : vector<16xf32> to vector<16xf32>
          %parallel_loop3A_344 = arith.select %parallel_loop3A_288, %get3A_20, %parallel_loop3A_343 : vector<16xi1>, vector<16xf32>
          %parallel_loop3A_345 = arith.index_cast %parallel_loop3A_340 : i32 to index
          %parallel_loop3A_346 = tpu.vector_load %arg6[%parallel_loop3A_345] {strides = array<i32>} : memref<12288xf32, #tpu.memory_space<vmem>>, vector<16xf32>,
          %parallel_loop3A_347 = vector.shape_cast %parallel_loop3A_346 : vector<16xf32> to vector<16xf32>
          %parallel_loop3A_348 = vector.shape_cast %parallel_loop3A_344 : vector<16xf32> to vector<16xf32>
          tpu.vector_store %arg6[%parallel_loop3A_345], %parallel_loop3A_348 {strides = array<i32>} : memref<12288xf32, #tpu.memory_space<vmem>>, vector<16xf32>,
          %parallel_loop3A_349 = arith.constant 768 : i32
          %parallel_loop3A_350 = arith.muli %parallel_loop3A_277, %parallel_loop3A_349 : i32
          %parallel_loop3A_351 = arith.constant 80 : i32
          %parallel_loop3A_352 = arith.addi %parallel_loop3A_350, %parallel_loop3A_351 : i32
          %parallel_loop3A_353 = arith.index_cast %parallel_loop3A_352 : i32 to index
          %parallel_loop3A_354 = tpu.vector_load %arg6[%parallel_loop3A_353] {strides = array<i32>} : memref<12288xf32, #tpu.memory_space<vmem>>, vector<16xf32>,
          %parallel_loop3A_355 = vector.shape_cast %parallel_loop3A_354 : vector<16xf32> to vector<16xf32>
          %parallel_loop3A_356 = arith.select %parallel_loop3A_288, %get3A_23, %parallel_loop3A_355 : vector<16xi1>, vector<16xf32>
          %parallel_loop3A_357 = arith.index_cast %parallel_loop3A_352 : i32 to index
          %parallel_loop3A_358 = tpu.vector_load %arg6[%parallel_loop3A_357] {strides = array<i32>} : memref<12288xf32, #tpu.memory_space<vmem>>, vector<16xf32>,
          %parallel_loop3A_359 = vector.shape_cast %parallel_loop3A_358 : vector<16xf32> to vector<16xf32>
          %parallel_loop3A_360 = vector.shape_cast %parallel_loop3A_356 : vector<16xf32> to vector<16xf32>
          tpu.vector_store %arg6[%parallel_loop3A_357], %parallel_loop3A_360 {strides = array<i32>} : memref<12288xf32, #tpu.memory_space<vmem>>, vector<16xf32>,
          %parallel_loop3A_361 = arith.constant 768 : i32
          %parallel_loop3A_362 = arith.muli %parallel_loop3A_277, %parallel_loop3A_361 : i32
          %parallel_loop3A_363 = arith.constant 96 : i32
          %parallel_loop3A_364 = arith.addi %parallel_loop3A_362, %parallel_loop3A_363 : i32
          %parallel_loop3A_365 = arith.index_cast %parallel_loop3A_364 : i32 to index
          %parallel_loop3A_366 = tpu.vector_load %arg6[%parallel_loop3A_365] {strides = array<i32>} : memref<12288xf32, #tpu.memory_space<vmem>>, vector<16xf32>,
          %parallel_loop3A_367 = vector.shape_cast %parallel_loop3A_366 : vector<16xf32> to vector<16xf32>
          %parallel_loop3A_368 = arith.select %parallel_loop3A_288, %get3A_26, %parallel_loop3A_367 : vector<16xi1>, vector<16xf32>
          %parallel_loop3A_369 = arith.index_cast %parallel_loop3A_364 : i32 to index
          %parallel_loop3A_370 = tpu.vector_load %arg6[%parallel_loop3A_369] {strides = array<i32>} : memref<12288xf32, #tpu.memory_space<vmem>>, vector<16xf32>,
          %parallel_loop3A_371 = vector.shape_cast %parallel_loop3A_370 : vector<16xf32> to vector<16xf32>
          %parallel_loop3A_372 = vector.shape_cast %parallel_loop3A_368 : vector<16xf32> to vector<16xf32>
          tpu.vector_store %arg6[%parallel_loop3A_369], %parallel_loop3A_372 {strides = array<i32>} : memref<12288xf32, #tpu.memory_space<vmem>>, vector<16xf32>,
          %parallel_loop3A_373 = arith.constant 768 : i32
          %parallel_loop3A_374 = arith.muli %parallel_loop3A_277, %parallel_loop3A_373 : i32
          %parallel_loop3A_375 = arith.constant 112 : i32
          %parallel_loop3A_376 = arith.addi %parallel_loop3A_374, %parallel_loop3A_375 : i32
          %parallel_loop3A_377 = arith.index_cast %parallel_loop3A_376 : i32 to index
          %parallel_loop3A_378 = tpu.vector_load %arg6[%parallel_loop3A_377] {strides = array<i32>} : memref<12288xf32, #tpu.memory_space<vmem>>, vector<16xf32>,
          %parallel_loop3A_379 = vector.shape_cast %parallel_loop3A_378 : vector<16xf32> to vector<16xf32>
          %parallel_loop3A_380 = arith.select %parallel_loop3A_288, %get3A_29, %parallel_loop3A_379 : vector<16xi1>, vector<16xf32>
          %parallel_loop3A_381 = arith.index_cast %parallel_loop3A_376 : i32 to index
          %parallel_loop3A_382 = tpu.vector_load %arg6[%parallel_loop3A_381] {strides = array<i32>} : memref<12288xf32, #tpu.memory_space<vmem>>, vector<16xf32>,
          %parallel_loop3A_383 = vector.shape_cast %parallel_loop3A_382 : vector<16xf32> to vector<16xf32>
          %parallel_loop3A_384 = vector.shape_cast %parallel_loop3A_380 : vector<16xf32> to vector<16xf32>
          tpu.vector_store %arg6[%parallel_loop3A_381], %parallel_loop3A_384 {strides = array<i32>} : memref<12288xf32, #tpu.memory_space<vmem>>, vector<16xf32>,
          %parallel_loop3A_385 = arith.constant 768 : i32
          %parallel_loop3A_386 = arith.muli %parallel_loop3A_277, %parallel_loop3A_385 : i32
          %parallel_loop3A_387 = arith.constant 128 : i32
          %parallel_loop3A_388 = arith.addi %parallel_loop3A_386, %parallel_loop3A_387 : i32
          %parallel_loop3A_389 = arith.index_cast %parallel_loop3A_388 : i32 to index
          %parallel_loop3A_390 = tpu.vector_load %arg6[%parallel_loop3A_389] {strides = array<i32>} : memref<12288xf32, #tpu.memory_space<vmem>>, vector<16xf32>,
          %parallel_loop3A_391 = vector.shape_cast %parallel_loop3A_390 : vector<16xf32> to vector<16xf32>
          %parallel_loop3A_392 = arith.select %parallel_loop3A_288, %get3A_32, %parallel_loop3A_391 : vector<16xi1>, vector<16xf32>
          %parallel_loop3A_393 = arith.index_cast %parallel_loop3A_388 : i32 to index
          %parallel_loop3A_394 = tpu.vector_load %arg6[%parallel_loop3A_393] {strides = array<i32>} : memref<12288xf32, #tpu.memory_space<vmem>>, vector<16xf32>,
          %parallel_loop3A_395 = vector.shape_cast %parallel_loop3A_394 : vector<16xf32> to vector<16xf32>
          %parallel_loop3A_396 = vector.shape_cast %parallel_loop3A_392 : vector<16xf32> to vector<16xf32>
          tpu.vector_store %arg6[%parallel_loop3A_393], %parallel_loop3A_396 {strides = array<i32>} : memref<12288xf32, #tpu.memory_space<vmem>>, vector<16xf32>,
          %parallel_loop3A_397 = arith.constant 768 : i32
          %parallel_loop3A_398 = arith.muli %parallel_loop3A_277, %parallel_loop3A_397 : i32
          %parallel_loop3A_399 = arith.constant 144 : i32
          %parallel_loop3A_400 = arith.addi %parallel_loop3A_398, %parallel_loop3A_399 : i32
          %parallel_loop3A_401 = arith.index_cast %parallel_loop3A_400 : i32 to index
          %parallel_loop3A_402 = tpu.vector_load %arg6[%parallel_loop3A_401] {strides = array<i32>} : memref<12288xf32, #tpu.memory_space<vmem>>, vector<16xf32>,
          %parallel_loop3A_403 = vector.shape_cast %parallel_loop3A_402 : vector<16xf32> to vector<16xf32>
          %parallel_loop3A_404 = arith.select %parallel_loop3A_288, %get3A_35, %parallel_loop3A_403 : vector<16xi1>, vector<16xf32>
          %parallel_loop3A_405 = arith.index_cast %parallel_loop3A_400 : i32 to index
          %parallel_loop3A_406 = tpu.vector_load %arg6[%parallel_loop3A_405] {strides = array<i32>} : memref<12288xf32, #tpu.memory_space<vmem>>, vector<16xf32>,
          %parallel_loop3A_407 = vector.shape_cast %parallel_loop3A_406 : vector<16xf32> to vector<16xf32>
          %parallel_loop3A_408 = vector.shape_cast %parallel_loop3A_404 : vector<16xf32> to vector<16xf32>
          tpu.vector_store %arg6[%parallel_loop3A_405], %parallel_loop3A_408 {strides = array<i32>} : memref<12288xf32, #tpu.memory_space<vmem>>, vector<16xf32>,
          %parallel_loop3A_409 = arith.constant 768 : i32
          %parallel_loop3A_410 = arith.muli %parallel_loop3A_277, %parallel_loop3A_409 : i32
          %parallel_loop3A_411 = arith.constant 160 : i32
          %parallel_loop3A_412 = arith.addi %parallel_loop3A_410, %parallel_loop3A_411 : i32
          %parallel_loop3A_413 = arith.index_cast %parallel_loop3A_412 : i32 to index
          %parallel_loop3A_414 = tpu.vector_load %arg6[%parallel_loop3A_413] {strides = array<i32>} : memref<12288xf32, #tpu.memory_space<vmem>>, vector<16xf32>,
          %parallel_loop3A_415 = vector.shape_cast %parallel_loop3A_414 : vector<16xf32> to vector<16xf32>
          %parallel_loop3A_416 = arith.select %parallel_loop3A_288, %get3A_38, %parallel_loop3A_415 : vector<16xi1>, vector<16xf32>
          %parallel_loop3A_417 = arith.index_cast %parallel_loop3A_412 : i32 to index
          %parallel_loop3A_418 = tpu.vector_load %arg6[%parallel_loop3A_417] {strides = array<i32>} : memref<12288xf32, #tpu.memory_space<vmem>>, vector<16xf32>,
          %parallel_loop3A_419 = vector.shape_cast %parallel_loop3A_418 : vector<16xf32> to vector<16xf32>
          %parallel_loop3A_420 = vector.shape_cast %parallel_loop3A_416 : vector<16xf32> to vector<16xf32>
          tpu.vector_store %arg6[%parallel_loop3A_417], %parallel_loop3A_420 {strides = array<i32>} : memref<12288xf32, #tpu.memory_space<vmem>>, vector<16xf32>,
          %parallel_loop3A_421 = arith.constant 768 : i32
          %parallel_loop3A_422 = arith.muli %parallel_loop3A_277, %parallel_loop3A_421 : i32
          %parallel_loop3A_423 = arith.constant 176 : i32
          %parallel_loop3A_424 = arith.addi %parallel_loop3A_422, %parallel_loop3A_423 : i32
          %parallel_loop3A_425 = arith.index_cast %parallel_loop3A_424 : i32 to index
          %parallel_loop3A_426 = tpu.vector_load %arg6[%parallel_loop3A_425] {strides = array<i32>} : memref<12288xf32, #tpu.memory_space<vmem>>, vector<16xf32>,
          %parallel_loop3A_427 = vector.shape_cast %parallel_loop3A_426 : vector<16xf32> to vector<16xf32>
          %parallel_loop3A_428 = arith.select %parallel_loop3A_288, %get3A_41, %parallel_loop3A_427 : vector<16xi1>, vector<16xf32>
          %parallel_loop3A_429 = arith.index_cast %parallel_loop3A_424 : i32 to index
          %parallel_loop3A_430 = tpu.vector_load %arg6[%parallel_loop3A_429] {strides = array<i32>} : memref<12288xf32, #tpu.memory_space<vmem>>, vector<16xf32>,
          %parallel_loop3A_431 = vector.shape_cast %parallel_loop3A_430 : vector<16xf32> to vector<16xf32>
          %parallel_loop3A_432 = vector.shape_cast %parallel_loop3A_428 : vector<16xf32> to vector<16xf32>
          tpu.vector_store %arg6[%parallel_loop3A_429], %parallel_loop3A_432 {strides = array<i32>} : memref<12288xf32, #tpu.memory_space<vmem>>, vector<16xf32>,
          %parallel_loop3A_433 = arith.constant 768 : i32
          %parallel_loop3A_434 = arith.muli %parallel_loop3A_277, %parallel_loop3A_433 : i32
          %parallel_loop3A_435 = arith.constant 192 : i32
          %parallel_loop3A_436 = arith.addi %parallel_loop3A_434, %parallel_loop3A_435 : i32
          %parallel_loop3A_437 = arith.index_cast %parallel_loop3A_436 : i32 to index
          %parallel_loop3A_438 = tpu.vector_load %arg6[%parallel_loop3A_437] {strides = array<i32>} : memref<12288xf32, #tpu.memory_space<vmem>>, vector<16xf32>,
          %parallel_loop3A_439 = vector.shape_cast %parallel_loop3A_438 : vector<16xf32> to vector<16xf32>
          %parallel_loop3A_440 = arith.select %parallel_loop3A_288, %get3A_44, %parallel_loop3A_439 : vector<16xi1>, vector<16xf32>
          %parallel_loop3A_441 = arith.index_cast %parallel_loop3A_436 : i32 to index
          %parallel_loop3A_442 = tpu.vector_load %arg6[%parallel_loop3A_441] {strides = array<i32>} : memref<12288xf32, #tpu.memory_space<vmem>>, vector<16xf32>,
          %parallel_loop3A_443 = vector.shape_cast %parallel_loop3A_442 : vector<16xf32> to vector<16xf32>
          %parallel_loop3A_444 = vector.shape_cast %parallel_loop3A_440 : vector<16xf32> to vector<16xf32>
          tpu.vector_store %arg6[%parallel_loop3A_441], %parallel_loop3A_444 {strides = array<i32>} : memref<12288xf32, #tpu.memory_space<vmem>>, vector<16xf32>,
          %parallel_loop3A_445 = arith.constant 768 : i32
          %parallel_loop3A_446 = arith.muli %parallel_loop3A_277, %parallel_loop3A_445 : i32
          %parallel_loop3A_447 = arith.constant 208 : i32
          %parallel_loop3A_448 = arith.addi %parallel_loop3A_446, %parallel_loop3A_447 : i32
          %parallel_loop3A_449 = arith.index_cast %parallel_loop3A_448 : i32 to index
          %parallel_loop3A_450 = tpu.vector_load %arg6[%parallel_loop3A_449] {strides = array<i32>} : memref<12288xf32, #tpu.memory_space<vmem>>, vector<16xf32>,
          %parallel_loop3A_451 = vector.shape_cast %parallel_loop3A_450 : vector<16xf32> to vector<16xf32>
          %parallel_loop3A_452 = arith.select %parallel_loop3A_288, %get3A_47, %parallel_loop3A_451 : vector<16xi1>, vector<16xf32>
          %parallel_loop3A_453 = arith.index_cast %parallel_loop3A_448 : i32 to index
          %parallel_loop3A_454 = tpu.vector_load %arg6[%parallel_loop3A_453] {strides = array<i32>} : memref<12288xf32, #tpu.memory_space<vmem>>, vector<16xf32>,
          %parallel_loop3A_455 = vector.shape_cast %parallel_loop3A_454 : vector<16xf32> to vector<16xf32>
          %parallel_loop3A_456 = vector.shape_cast %parallel_loop3A_452 : vector<16xf32> to vector<16xf32>
          tpu.vector_store %arg6[%parallel_loop3A_453], %parallel_loop3A_456 {strides = array<i32>} : memref<12288xf32, #tpu.memory_space<vmem>>, vector<16xf32>,
          %parallel_loop3A_457 = arith.constant 768 : i32
          %parallel_loop3A_458 = arith.muli %parallel_loop3A_277, %parallel_loop3A_457 : i32
          %parallel_loop3A_459 = arith.constant 224 : i32
          %parallel_loop3A_460 = arith.addi %parallel_loop3A_458, %parallel_loop3A_459 : i32
          %parallel_loop3A_461 = arith.index_cast %parallel_loop3A_460 : i32 to index
          %parallel_loop3A_462 = tpu.vector_load %arg6[%parallel_loop3A_461] {strides = array<i32>} : memref<12288xf32, #tpu.memory_space<vmem>>, vector<16xf32>,
          %parallel_loop3A_463 = vector.shape_cast %parallel_loop3A_462 : vector<16xf32> to vector<16xf32>
          %parallel_loop3A_464 = arith.select %parallel_loop3A_288, %get3A_50, %parallel_loop3A_463 : vector<16xi1>, vector<16xf32>
          %parallel_loop3A_465 = arith.index_cast %parallel_loop3A_460 : i32 to index
          %parallel_loop3A_466 = tpu.vector_load %arg6[%parallel_loop3A_465] {strides = array<i32>} : memref<12288xf32, #tpu.memory_space<vmem>>, vector<16xf32>,
          %parallel_loop3A_467 = vector.shape_cast %parallel_loop3A_466 : vector<16xf32> to vector<16xf32>
          %parallel_loop3A_468 = vector.shape_cast %parallel_loop3A_464 : vector<16xf32> to vector<16xf32>
          tpu.vector_store %arg6[%parallel_loop3A_465], %parallel_loop3A_468 {strides = array<i32>} : memref<12288xf32, #tpu.memory_space<vmem>>, vector<16xf32>,
          %parallel_loop3A_469 = arith.constant 768 : i32
          %parallel_loop3A_470 = arith.muli %parallel_loop3A_277, %parallel_loop3A_469 : i32
          %parallel_loop3A_471 = arith.constant 240 : i32
          %parallel_loop3A_472 = arith.addi %parallel_loop3A_470, %parallel_loop3A_471 : i32
          %parallel_loop3A_473 = arith.index_cast %parallel_loop3A_472 : i32 to index
          %parallel_loop3A_474 = tpu.vector_load %arg6[%parallel_loop3A_473] {strides = array<i32>} : memref<12288xf32, #tpu.memory_space<vmem>>, vector<16xf32>,
          %parallel_loop3A_475 = vector.shape_cast %parallel_loop3A_474 : vector<16xf32> to vector<16xf32>
          %parallel_loop3A_476 = arith.select %parallel_loop3A_288, %get3A_53, %parallel_loop3A_475 : vector<16xi1>, vector<16xf32>
          %parallel_loop3A_477 = arith.index_cast %parallel_loop3A_472 : i32 to index
          %parallel_loop3A_478 = tpu.vector_load %arg6[%parallel_loop3A_477] {strides = array<i32>} : memref<12288xf32, #tpu.memory_space<vmem>>, vector<16xf32>,
          %parallel_loop3A_479 = vector.shape_cast %parallel_loop3A_478 : vector<16xf32> to vector<16xf32>
          %parallel_loop3A_480 = vector.shape_cast %parallel_loop3A_476 : vector<16xf32> to vector<16xf32>
          tpu.vector_store %arg6[%parallel_loop3A_477], %parallel_loop3A_480 {strides = array<i32>} : memref<12288xf32, #tpu.memory_space<vmem>>, vector<16xf32>,
          %parallel_loop3A_481 = arith.constant 768 : i32
          %parallel_loop3A_482 = arith.muli %parallel_loop3A_277, %parallel_loop3A_481 : i32
          %parallel_loop3A_483 = arith.constant 256 : i32
          %parallel_loop3A_484 = arith.addi %parallel_loop3A_482, %parallel_loop3A_483 : i32
          %parallel_loop3A_485 = arith.index_cast %parallel_loop3A_484 : i32 to index
          %parallel_loop3A_486 = tpu.vector_load %arg6[%parallel_loop3A_485] {strides = array<i32>} : memref<12288xf32, #tpu.memory_space<vmem>>, vector<16xf32>,
          %parallel_loop3A_487 = vector.shape_cast %parallel_loop3A_486 : vector<16xf32> to vector<16xf32>
          %parallel_loop3A_488 = arith.select %parallel_loop3A_288, %get3A_56, %parallel_loop3A_487 : vector<16xi1>, vector<16xf32>
          %parallel_loop3A_489 = arith.index_cast %parallel_loop3A_484 : i32 to index
          %parallel_loop3A_490 = tpu.vector_load %arg6[%parallel_loop3A_489] {strides = array<i32>} : memref<12288xf32, #tpu.memory_space<vmem>>, vector<16xf32>,
          %parallel_loop3A_491 = vector.shape_cast %parallel_loop3A_490 : vector<16xf32> to vector<16xf32>
          %parallel_loop3A_492 = vector.shape_cast %parallel_loop3A_488 : vector<16xf32> to vector<16xf32>
          tpu.vector_store %arg6[%parallel_loop3A_489], %parallel_loop3A_492 {strides = array<i32>} : memref<12288xf32, #tpu.memory_space<vmem>>, vector<16xf32>,
          %parallel_loop3A_493 = arith.constant 768 : i32
          %parallel_loop3A_494 = arith.muli %parallel_loop3A_277, %parallel_loop3A_493 : i32
          %parallel_loop3A_495 = arith.constant 272 : i32
          %parallel_loop3A_496 = arith.addi %parallel_loop3A_494, %parallel_loop3A_495 : i32
          %parallel_loop3A_497 = arith.index_cast %parallel_loop3A_496 : i32 to index
          %parallel_loop3A_498 = tpu.vector_load %arg6[%parallel_loop3A_497] {strides = array<i32>} : memref<12288xf32, #tpu.memory_space<vmem>>, vector<16xf32>,
          %parallel_loop3A_499 = vector.shape_cast %parallel_loop3A_498 : vector<16xf32> to vector<16xf32>
          %parallel_loop3A_500 = arith.select %parallel_loop3A_288, %get3A_59, %parallel_loop3A_499 : vector<16xi1>, vector<16xf32>
          %parallel_loop3A_501 = arith.index_cast %parallel_loop3A_496 : i32 to index
          %parallel_loop3A_502 = tpu.vector_load %arg6[%parallel_loop3A_501] {strides = array<i32>} : memref<12288xf32, #tpu.memory_space<vmem>>, vector<16xf32>,
          %parallel_loop3A_503 = vector.shape_cast %parallel_loop3A_502 : vector<16xf32> to vector<16xf32>
          %parallel_loop3A_504 = vector.shape_cast %parallel_loop3A_500 : vector<16xf32> to vector<16xf32>
          tpu.vector_store %arg6[%parallel_loop3A_501], %parallel_loop3A_504 {strides = array<i32>} : memref<12288xf32, #tpu.memory_space<vmem>>, vector<16xf32>,
          %parallel_loop3A_505 = arith.constant 768 : i32
          %parallel_loop3A_506 = arith.muli %parallel_loop3A_277, %parallel_loop3A_505 : i32
          %parallel_loop3A_507 = arith.constant 288 : i32
          %parallel_loop3A_508 = arith.addi %parallel_loop3A_506, %parallel_loop3A_507 : i32
          %parallel_loop3A_509 = arith.index_cast %parallel_loop3A_508 : i32 to index
          %parallel_loop3A_510 = tpu.vector_load %arg6[%parallel_loop3A_509] {strides = array<i32>} : memref<12288xf32, #tpu.memory_space<vmem>>, vector<16xf32>,
          %parallel_loop3A_511 = vector.shape_cast %parallel_loop3A_510 : vector<16xf32> to vector<16xf32>
          %parallel_loop3A_512 = arith.select %parallel_loop3A_288, %get3A_62, %parallel_loop3A_511 : vector<16xi1>, vector<16xf32>
          %parallel_loop3A_513 = arith.index_cast %parallel_loop3A_508 : i32 to index
          %parallel_loop3A_514 = tpu.vector_load %arg6[%parallel_loop3A_513] {strides = array<i32>} : memref<12288xf32, #tpu.memory_space<vmem>>, vector<16xf32>,
          %parallel_loop3A_515 = vector.shape_cast %parallel_loop3A_514 : vector<16xf32> to vector<16xf32>
          %parallel_loop3A_516 = vector.shape_cast %parallel_loop3A_512 : vector<16xf32> to vector<16xf32>
          tpu.vector_store %arg6[%parallel_loop3A_513], %parallel_loop3A_516 {strides = array<i32>} : memref<12288xf32, #tpu.memory_space<vmem>>, vector<16xf32>,
          %parallel_loop3A_517 = arith.constant 768 : i32
          %parallel_loop3A_518 = arith.muli %parallel_loop3A_277, %parallel_loop3A_517 : i32
          %parallel_loop3A_519 = arith.constant 304 : i32
          %parallel_loop3A_520 = arith.addi %parallel_loop3A_518, %parallel_loop3A_519 : i32
          %parallel_loop3A_521 = arith.index_cast %parallel_loop3A_520 : i32 to index
          %parallel_loop3A_522 = tpu.vector_load %arg6[%parallel_loop3A_521] {strides = array<i32>} : memref<12288xf32, #tpu.memory_space<vmem>>, vector<16xf32>,
          %parallel_loop3A_523 = vector.shape_cast %parallel_loop3A_522 : vector<16xf32> to vector<16xf32>
          %parallel_loop3A_524 = arith.select %parallel_loop3A_288, %get3A_65, %parallel_loop3A_523 : vector<16xi1>, vector<16xf32>
          %parallel_loop3A_525 = arith.index_cast %parallel_loop3A_520 : i32 to index
          %parallel_loop3A_526 = tpu.vector_load %arg6[%parallel_loop3A_525] {strides = array<i32>} : memref<12288xf32, #tpu.memory_space<vmem>>, vector<16xf32>,
          %parallel_loop3A_527 = vector.shape_cast %parallel_loop3A_526 : vector<16xf32> to vector<16xf32>
          %parallel_loop3A_528 = vector.shape_cast %parallel_loop3A_524 : vector<16xf32> to vector<16xf32>
          tpu.vector_store %arg6[%parallel_loop3A_525], %parallel_loop3A_528 {strides = array<i32>} : memref<12288xf32, #tpu.memory_space<vmem>>, vector<16xf32>,
          %parallel_loop3A_529 = arith.constant 768 : i32
          %parallel_loop3A_530 = arith.muli %parallel_loop3A_277, %parallel_loop3A_529 : i32
          %parallel_loop3A_531 = arith.constant 320 : i32
          %parallel_loop3A_532 = arith.addi %parallel_loop3A_530, %parallel_loop3A_531 : i32
          %parallel_loop3A_533 = arith.index_cast %parallel_loop3A_532 : i32 to index
          %parallel_loop3A_534 = tpu.vector_load %arg6[%parallel_loop3A_533] {strides = array<i32>} : memref<12288xf32, #tpu.memory_space<vmem>>, vector<16xf32>,
          %parallel_loop3A_535 = vector.shape_cast %parallel_loop3A_534 : vector<16xf32> to vector<16xf32>
          %parallel_loop3A_536 = arith.select %parallel_loop3A_288, %get3A_68, %parallel_loop3A_535 : vector<16xi1>, vector<16xf32>
          %parallel_loop3A_537 = arith.index_cast %parallel_loop3A_532 : i32 to index
          %parallel_loop3A_538 = tpu.vector_load %arg6[%parallel_loop3A_537] {strides = array<i32>} : memref<12288xf32, #tpu.memory_space<vmem>>, vector<16xf32>,
          %parallel_loop3A_539 = vector.shape_cast %parallel_loop3A_538 : vector<16xf32> to vector<16xf32>
          %parallel_loop3A_540 = vector.shape_cast %parallel_loop3A_536 : vector<16xf32> to vector<16xf32>
          tpu.vector_store %arg6[%parallel_loop3A_537], %parallel_loop3A_540 {strides = array<i32>} : memref<12288xf32, #tpu.memory_space<vmem>>, vector<16xf32>,
          %parallel_loop3A_541 = arith.constant 768 : i32
          %parallel_loop3A_542 = arith.muli %parallel_loop3A_277, %parallel_loop3A_541 : i32
          %parallel_loop3A_543 = arith.constant 336 : i32
          %parallel_loop3A_544 = arith.addi %parallel_loop3A_542, %parallel_loop3A_543 : i32
          %parallel_loop3A_545 = arith.index_cast %parallel_loop3A_544 : i32 to index
          %parallel_loop3A_546 = tpu.vector_load %arg6[%parallel_loop3A_545] {strides = array<i32>} : memref<12288xf32, #tpu.memory_space<vmem>>, vector<16xf32>,
          %parallel_loop3A_547 = vector.shape_cast %parallel_loop3A_546 : vector<16xf32> to vector<16xf32>
          %parallel_loop3A_548 = arith.select %parallel_loop3A_288, %get3A_71, %parallel_loop3A_547 : vector<16xi1>, vector<16xf32>
          %parallel_loop3A_549 = arith.index_cast %parallel_loop3A_544 : i32 to index
          %parallel_loop3A_550 = tpu.vector_load %arg6[%parallel_loop3A_549] {strides = array<i32>} : memref<12288xf32, #tpu.memory_space<vmem>>, vector<16xf32>,
          %parallel_loop3A_551 = vector.shape_cast %parallel_loop3A_550 : vector<16xf32> to vector<16xf32>
          %parallel_loop3A_552 = vector.shape_cast %parallel_loop3A_548 : vector<16xf32> to vector<16xf32>
          tpu.vector_store %arg6[%parallel_loop3A_549], %parallel_loop3A_552 {strides = array<i32>} : memref<12288xf32, #tpu.memory_space<vmem>>, vector<16xf32>,
          %parallel_loop3A_553 = arith.constant 768 : i32
          %parallel_loop3A_554 = arith.muli %parallel_loop3A_277, %parallel_loop3A_553 : i32
          %parallel_loop3A_555 = arith.constant 352 : i32
          %parallel_loop3A_556 = arith.addi %parallel_loop3A_554, %parallel_loop3A_555 : i32
          %parallel_loop3A_557 = arith.index_cast %parallel_loop3A_556 : i32 to index
          %parallel_loop3A_558 = tpu.vector_load %arg6[%parallel_loop3A_557] {strides = array<i32>} : memref<12288xf32, #tpu.memory_space<vmem>>, vector<16xf32>,
          %parallel_loop3A_559 = vector.shape_cast %parallel_loop3A_558 : vector<16xf32> to vector<16xf32>
          %parallel_loop3A_560 = arith.select %parallel_loop3A_288, %get3A_74, %parallel_loop3A_559 : vector<16xi1>, vector<16xf32>
          %parallel_loop3A_561 = arith.index_cast %parallel_loop3A_556 : i32 to index
          %parallel_loop3A_562 = tpu.vector_load %arg6[%parallel_loop3A_561] {strides = array<i32>} : memref<12288xf32, #tpu.memory_space<vmem>>, vector<16xf32>,
          %parallel_loop3A_563 = vector.shape_cast %parallel_loop3A_562 : vector<16xf32> to vector<16xf32>
          %parallel_loop3A_564 = vector.shape_cast %parallel_loop3A_560 : vector<16xf32> to vector<16xf32>
          tpu.vector_store %arg6[%parallel_loop3A_561], %parallel_loop3A_564 {strides = array<i32>} : memref<12288xf32, #tpu.memory_space<vmem>>, vector<16xf32>,
          %parallel_loop3A_565 = arith.constant 768 : i32
          %parallel_loop3A_566 = arith.muli %parallel_loop3A_277, %parallel_loop3A_565 : i32
          %parallel_loop3A_567 = arith.constant 368 : i32
          %parallel_loop3A_568 = arith.addi %parallel_loop3A_566, %parallel_loop3A_567 : i32
          %parallel_loop3A_569 = arith.index_cast %parallel_loop3A_568 : i32 to index
          %parallel_loop3A_570 = tpu.vector_load %arg6[%parallel_loop3A_569] {strides = array<i32>} : memref<12288xf32, #tpu.memory_space<vmem>>, vector<16xf32>,
          %parallel_loop3A_571 = vector.shape_cast %parallel_loop3A_570 : vector<16xf32> to vector<16xf32>
          %parallel_loop3A_572 = arith.select %parallel_loop3A_288, %get3A_77, %parallel_loop3A_571 : vector<16xi1>, vector<16xf32>
          %parallel_loop3A_573 = arith.index_cast %parallel_loop3A_568 : i32 to index
          %parallel_loop3A_574 = tpu.vector_load %arg6[%parallel_loop3A_573] {strides = array<i32>} : memref<12288xf32, #tpu.memory_space<vmem>>, vector<16xf32>,
          %parallel_loop3A_575 = vector.shape_cast %parallel_loop3A_574 : vector<16xf32> to vector<16xf32>
          %parallel_loop3A_576 = vector.shape_cast %parallel_loop3A_572 : vector<16xf32> to vector<16xf32>
          tpu.vector_store %arg6[%parallel_loop3A_573], %parallel_loop3A_576 {strides = array<i32>} : memref<12288xf32, #tpu.memory_space<vmem>>, vector<16xf32>,
          %parallel_loop3A_577 = arith.constant 768 : i32
          %parallel_loop3A_578 = arith.muli %parallel_loop3A_277, %parallel_loop3A_577 : i32
          %parallel_loop3A_579 = arith.constant 384 : i32
          %parallel_loop3A_580 = arith.addi %parallel_loop3A_578, %parallel_loop3A_579 : i32
          %parallel_loop3A_581 = arith.index_cast %parallel_loop3A_580 : i32 to index
          %parallel_loop3A_582 = tpu.vector_load %arg6[%parallel_loop3A_581] {strides = array<i32>} : memref<12288xf32, #tpu.memory_space<vmem>>, vector<16xf32>,
          %parallel_loop3A_583 = vector.shape_cast %parallel_loop3A_582 : vector<16xf32> to vector<16xf32>
          %parallel_loop3A_584 = arith.select %parallel_loop3A_288, %get3A_80, %parallel_loop3A_583 : vector<16xi1>, vector<16xf32>
          %parallel_loop3A_585 = arith.index_cast %parallel_loop3A_580 : i32 to index
          %parallel_loop3A_586 = tpu.vector_load %arg6[%parallel_loop3A_585] {strides = array<i32>} : memref<12288xf32, #tpu.memory_space<vmem>>, vector<16xf32>,
          %parallel_loop3A_587 = vector.shape_cast %parallel_loop3A_586 : vector<16xf32> to vector<16xf32>
          %parallel_loop3A_588 = vector.shape_cast %parallel_loop3A_584 : vector<16xf32> to vector<16xf32>
          tpu.vector_store %arg6[%parallel_loop3A_585], %parallel_loop3A_588 {strides = array<i32>} : memref<12288xf32, #tpu.memory_space<vmem>>, vector<16xf32>,
          %parallel_loop3A_589 = arith.constant 768 : i32
          %parallel_loop3A_590 = arith.muli %parallel_loop3A_277, %parallel_loop3A_589 : i32
          %parallel_loop3A_591 = arith.constant 400 : i32
          %parallel_loop3A_592 = arith.addi %parallel_loop3A_590, %parallel_loop3A_591 : i32
          %parallel_loop3A_593 = arith.index_cast %parallel_loop3A_592 : i32 to index
          %parallel_loop3A_594 = tpu.vector_load %arg6[%parallel_loop3A_593] {strides = array<i32>} : memref<12288xf32, #tpu.memory_space<vmem>>, vector<16xf32>,
          %parallel_loop3A_595 = vector.shape_cast %parallel_loop3A_594 : vector<16xf32> to vector<16xf32>
          %parallel_loop3A_596 = arith.select %parallel_loop3A_288, %get3A_83, %parallel_loop3A_595 : vector<16xi1>, vector<16xf32>
          %parallel_loop3A_597 = arith.index_cast %parallel_loop3A_592 : i32 to index
          %parallel_loop3A_598 = tpu.vector_load %arg6[%parallel_loop3A_597] {strides = array<i32>} : memref<12288xf32, #tpu.memory_space<vmem>>, vector<16xf32>,
          %parallel_loop3A_599 = vector.shape_cast %parallel_loop3A_598 : vector<16xf32> to vector<16xf32>
          %parallel_loop3A_600 = vector.shape_cast %parallel_loop3A_596 : vector<16xf32> to vector<16xf32>
          tpu.vector_store %arg6[%parallel_loop3A_597], %parallel_loop3A_600 {strides = array<i32>} : memref<12288xf32, #tpu.memory_space<vmem>>, vector<16xf32>,
          %parallel_loop3A_601 = arith.constant 768 : i32
          %parallel_loop3A_602 = arith.muli %parallel_loop3A_277, %parallel_loop3A_601 : i32
          %parallel_loop3A_603 = arith.constant 416 : i32
          %parallel_loop3A_604 = arith.addi %parallel_loop3A_602, %parallel_loop3A_603 : i32
          %parallel_loop3A_605 = arith.index_cast %parallel_loop3A_604 : i32 to index
          %parallel_loop3A_606 = tpu.vector_load %arg6[%parallel_loop3A_605] {strides = array<i32>} : memref<12288xf32, #tpu.memory_space<vmem>>, vector<16xf32>,
          %parallel_loop3A_607 = vector.shape_cast %parallel_loop3A_606 : vector<16xf32> to vector<16xf32>
          %parallel_loop3A_608 = arith.select %parallel_loop3A_288, %get3A_86, %parallel_loop3A_607 : vector<16xi1>, vector<16xf32>
          %parallel_loop3A_609 = arith.index_cast %parallel_loop3A_604 : i32 to index
          %parallel_loop3A_610 = tpu.vector_load %arg6[%parallel_loop3A_609] {strides = array<i32>} : memref<12288xf32, #tpu.memory_space<vmem>>, vector<16xf32>,
          %parallel_loop3A_611 = vector.shape_cast %parallel_loop3A_610 : vector<16xf32> to vector<16xf32>
          %parallel_loop3A_612 = vector.shape_cast %parallel_loop3A_608 : vector<16xf32> to vector<16xf32>
          tpu.vector_store %arg6[%parallel_loop3A_609], %parallel_loop3A_612 {strides = array<i32>} : memref<12288xf32, #tpu.memory_space<vmem>>, vector<16xf32>,
          %parallel_loop3A_613 = arith.constant 768 : i32
          %parallel_loop3A_614 = arith.muli %parallel_loop3A_277, %parallel_loop3A_613 : i32
          %parallel_loop3A_615 = arith.constant 432 : i32
          %parallel_loop3A_616 = arith.addi %parallel_loop3A_614, %parallel_loop3A_615 : i32
          %parallel_loop3A_617 = arith.index_cast %parallel_loop3A_616 : i32 to index
          %parallel_loop3A_618 = tpu.vector_load %arg6[%parallel_loop3A_617] {strides = array<i32>} : memref<12288xf32, #tpu.memory_space<vmem>>, vector<16xf32>,
          %parallel_loop3A_619 = vector.shape_cast %parallel_loop3A_618 : vector<16xf32> to vector<16xf32>
          %parallel_loop3A_620 = arith.select %parallel_loop3A_288, %get3A_89, %parallel_loop3A_619 : vector<16xi1>, vector<16xf32>
          %parallel_loop3A_621 = arith.index_cast %parallel_loop3A_616 : i32 to index
          %parallel_loop3A_622 = tpu.vector_load %arg6[%parallel_loop3A_621] {strides = array<i32>} : memref<12288xf32, #tpu.memory_space<vmem>>, vector<16xf32>,
          %parallel_loop3A_623 = vector.shape_cast %parallel_loop3A_622 : vector<16xf32> to vector<16xf32>
          %parallel_loop3A_624 = vector.shape_cast %parallel_loop3A_620 : vector<16xf32> to vector<16xf32>
          tpu.vector_store %arg6[%parallel_loop3A_621], %parallel_loop3A_624 {strides = array<i32>} : memref<12288xf32, #tpu.memory_space<vmem>>, vector<16xf32>,
          %parallel_loop3A_625 = arith.constant 768 : i32
          %parallel_loop3A_626 = arith.muli %parallel_loop3A_277, %parallel_loop3A_625 : i32
          %parallel_loop3A_627 = arith.constant 448 : i32
          %parallel_loop3A_628 = arith.addi %parallel_loop3A_626, %parallel_loop3A_627 : i32
          %parallel_loop3A_629 = arith.index_cast %parallel_loop3A_628 : i32 to index
          %parallel_loop3A_630 = tpu.vector_load %arg6[%parallel_loop3A_629] {strides = array<i32>} : memref<12288xf32, #tpu.memory_space<vmem>>, vector<16xf32>,
          %parallel_loop3A_631 = vector.shape_cast %parallel_loop3A_630 : vector<16xf32> to vector<16xf32>
          %parallel_loop3A_632 = arith.select %parallel_loop3A_288, %get3A_92, %parallel_loop3A_631 : vector<16xi1>, vector<16xf32>
          %parallel_loop3A_633 = arith.index_cast %parallel_loop3A_628 : i32 to index
          %parallel_loop3A_634 = tpu.vector_load %arg6[%parallel_loop3A_633] {strides = array<i32>} : memref<12288xf32, #tpu.memory_space<vmem>>, vector<16xf32>,
          %parallel_loop3A_635 = vector.shape_cast %parallel_loop3A_634 : vector<16xf32> to vector<16xf32>
          %parallel_loop3A_636 = vector.shape_cast %parallel_loop3A_632 : vector<16xf32> to vector<16xf32>
          tpu.vector_store %arg6[%parallel_loop3A_633], %parallel_loop3A_636 {strides = array<i32>} : memref<12288xf32, #tpu.memory_space<vmem>>, vector<16xf32>,
          %parallel_loop3A_637 = arith.constant 768 : i32
          %parallel_loop3A_638 = arith.muli %parallel_loop3A_277, %parallel_loop3A_637 : i32
          %parallel_loop3A_639 = arith.constant 464 : i32
          %parallel_loop3A_640 = arith.addi %parallel_loop3A_638, %parallel_loop3A_639 : i32
          %parallel_loop3A_641 = arith.index_cast %parallel_loop3A_640 : i32 to index
          %parallel_loop3A_642 = tpu.vector_load %arg6[%parallel_loop3A_641] {strides = array<i32>} : memref<12288xf32, #tpu.memory_space<vmem>>, vector<16xf32>,
          %parallel_loop3A_643 = vector.shape_cast %parallel_loop3A_642 : vector<16xf32> to vector<16xf32>
          %parallel_loop3A_644 = arith.select %parallel_loop3A_288, %get3A_95, %parallel_loop3A_643 : vector<16xi1>, vector<16xf32>
          %parallel_loop3A_645 = arith.index_cast %parallel_loop3A_640 : i32 to index
          %parallel_loop3A_646 = tpu.vector_load %arg6[%parallel_loop3A_645] {strides = array<i32>} : memref<12288xf32, #tpu.memory_space<vmem>>, vector<16xf32>,
          %parallel_loop3A_647 = vector.shape_cast %parallel_loop3A_646 : vector<16xf32> to vector<16xf32>
          %parallel_loop3A_648 = vector.shape_cast %parallel_loop3A_644 : vector<16xf32> to vector<16xf32>
          tpu.vector_store %arg6[%parallel_loop3A_645], %parallel_loop3A_648 {strides = array<i32>} : memref<12288xf32, #tpu.memory_space<vmem>>, vector<16xf32>,
          %parallel_loop3A_649 = arith.constant 768 : i32
          %parallel_loop3A_650 = arith.muli %parallel_loop3A_277, %parallel_loop3A_649 : i32
          %parallel_loop3A_651 = arith.constant 480 : i32
          %parallel_loop3A_652 = arith.addi %parallel_loop3A_650, %parallel_loop3A_651 : i32
          %parallel_loop3A_653 = arith.index_cast %parallel_loop3A_652 : i32 to index
          %parallel_loop3A_654 = tpu.vector_load %arg6[%parallel_loop3A_653] {strides = array<i32>} : memref<12288xf32, #tpu.memory_space<vmem>>, vector<16xf32>,
          %parallel_loop3A_655 = vector.shape_cast %parallel_loop3A_654 : vector<16xf32> to vector<16xf32>
          %parallel_loop3A_656 = arith.select %parallel_loop3A_288, %get3A_98, %parallel_loop3A_655 : vector<16xi1>, vector<16xf32>
          %parallel_loop3A_657 = arith.index_cast %parallel_loop3A_652 : i32 to index
          %parallel_loop3A_658 = tpu.vector_load %arg6[%parallel_loop3A_657] {strides = array<i32>} : memref<12288xf32, #tpu.memory_space<vmem>>, vector<16xf32>,
          %parallel_loop3A_659 = vector.shape_cast %parallel_loop3A_658 : vector<16xf32> to vector<16xf32>
          %parallel_loop3A_660 = vector.shape_cast %parallel_loop3A_656 : vector<16xf32> to vector<16xf32>
          tpu.vector_store %arg6[%parallel_loop3A_657], %parallel_loop3A_660 {strides = array<i32>} : memref<12288xf32, #tpu.memory_space<vmem>>, vector<16xf32>,
          %parallel_loop3A_661 = arith.constant 768 : i32
          %parallel_loop3A_662 = arith.muli %parallel_loop3A_277, %parallel_loop3A_661 : i32
          %parallel_loop3A_663 = arith.constant 496 : i32
          %parallel_loop3A_664 = arith.addi %parallel_loop3A_662, %parallel_loop3A_663 : i32
          %parallel_loop3A_665 = arith.index_cast %parallel_loop3A_664 : i32 to index
          %parallel_loop3A_666 = tpu.vector_load %arg6[%parallel_loop3A_665] {strides = array<i32>} : memref<12288xf32, #tpu.memory_space<vmem>>, vector<16xf32>,
          %parallel_loop3A_667 = vector.shape_cast %parallel_loop3A_666 : vector<16xf32> to vector<16xf32>
          %parallel_loop3A_668 = arith.select %parallel_loop3A_288, %get3A_101, %parallel_loop3A_667 : vector<16xi1>, vector<16xf32>
          %parallel_loop3A_669 = arith.index_cast %parallel_loop3A_664 : i32 to index
          %parallel_loop3A_670 = tpu.vector_load %arg6[%parallel_loop3A_669] {strides = array<i32>} : memref<12288xf32, #tpu.memory_space<vmem>>, vector<16xf32>,
          %parallel_loop3A_671 = vector.shape_cast %parallel_loop3A_670 : vector<16xf32> to vector<16xf32>
          %parallel_loop3A_672 = vector.shape_cast %parallel_loop3A_668 : vector<16xf32> to vector<16xf32>
          tpu.vector_store %arg6[%parallel_loop3A_669], %parallel_loop3A_672 {strides = array<i32>} : memref<12288xf32, #tpu.memory_space<vmem>>, vector<16xf32>,
          %parallel_loop3A_673 = arith.constant 768 : i32
          %parallel_loop3A_674 = arith.muli %parallel_loop3A_277, %parallel_loop3A_673 : i32
          %parallel_loop3A_675 = arith.constant 512 : i32
          %parallel_loop3A_676 = arith.addi %parallel_loop3A_674, %parallel_loop3A_675 : i32
          %parallel_loop3A_677 = arith.index_cast %parallel_loop3A_676 : i32 to index
          %parallel_loop3A_678 = tpu.vector_load %arg6[%parallel_loop3A_677] {strides = array<i32>} : memref<12288xf32, #tpu.memory_space<vmem>>, vector<16xf32>,
          %parallel_loop3A_679 = vector.shape_cast %parallel_loop3A_678 : vector<16xf32> to vector<16xf32>
          %parallel_loop3A_680 = arith.select %parallel_loop3A_288, %get3A_104, %parallel_loop3A_679 : vector<16xi1>, vector<16xf32>
          %parallel_loop3A_681 = arith.index_cast %parallel_loop3A_676 : i32 to index
          %parallel_loop3A_682 = tpu.vector_load %arg6[%parallel_loop3A_681] {strides = array<i32>} : memref<12288xf32, #tpu.memory_space<vmem>>, vector<16xf32>,
          %parallel_loop3A_683 = vector.shape_cast %parallel_loop3A_682 : vector<16xf32> to vector<16xf32>
          %parallel_loop3A_684 = vector.shape_cast %parallel_loop3A_680 : vector<16xf32> to vector<16xf32>
          tpu.vector_store %arg6[%parallel_loop3A_681], %parallel_loop3A_684 {strides = array<i32>} : memref<12288xf32, #tpu.memory_space<vmem>>, vector<16xf32>,
          %parallel_loop3A_685 = arith.constant 768 : i32
          %parallel_loop3A_686 = arith.muli %parallel_loop3A_277, %parallel_loop3A_685 : i32
          %parallel_loop3A_687 = arith.constant 528 : i32
          %parallel_loop3A_688 = arith.addi %parallel_loop3A_686, %parallel_loop3A_687 : i32
          %parallel_loop3A_689 = arith.index_cast %parallel_loop3A_688 : i32 to index
          %parallel_loop3A_690 = tpu.vector_load %arg6[%parallel_loop3A_689] {strides = array<i32>} : memref<12288xf32, #tpu.memory_space<vmem>>, vector<16xf32>,
          %parallel_loop3A_691 = vector.shape_cast %parallel_loop3A_690 : vector<16xf32> to vector<16xf32>
          %parallel_loop3A_692 = arith.select %parallel_loop3A_288, %get3A_107, %parallel_loop3A_691 : vector<16xi1>, vector<16xf32>
          %parallel_loop3A_693 = arith.index_cast %parallel_loop3A_688 : i32 to index
          %parallel_loop3A_694 = tpu.vector_load %arg6[%parallel_loop3A_693] {strides = array<i32>} : memref<12288xf32, #tpu.memory_space<vmem>>, vector<16xf32>,
          %parallel_loop3A_695 = vector.shape_cast %parallel_loop3A_694 : vector<16xf32> to vector<16xf32>
          %parallel_loop3A_696 = vector.shape_cast %parallel_loop3A_692 : vector<16xf32> to vector<16xf32>
          tpu.vector_store %arg6[%parallel_loop3A_693], %parallel_loop3A_696 {strides = array<i32>} : memref<12288xf32, #tpu.memory_space<vmem>>, vector<16xf32>,
          %parallel_loop3A_697 = arith.constant 768 : i32
          %parallel_loop3A_698 = arith.muli %parallel_loop3A_277, %parallel_loop3A_697 : i32
          %parallel_loop3A_699 = arith.constant 544 : i32
          %parallel_loop3A_700 = arith.addi %parallel_loop3A_698, %parallel_loop3A_699 : i32
          %parallel_loop3A_701 = arith.index_cast %parallel_loop3A_700 : i32 to index
          %parallel_loop3A_702 = tpu.vector_load %arg6[%parallel_loop3A_701] {strides = array<i32>} : memref<12288xf32, #tpu.memory_space<vmem>>, vector<16xf32>,
          %parallel_loop3A_703 = vector.shape_cast %parallel_loop3A_702 : vector<16xf32> to vector<16xf32>
          %parallel_loop3A_704 = arith.select %parallel_loop3A_288, %get3A_110, %parallel_loop3A_703 : vector<16xi1>, vector<16xf32>
          %parallel_loop3A_705 = arith.index_cast %parallel_loop3A_700 : i32 to index
          %parallel_loop3A_706 = tpu.vector_load %arg6[%parallel_loop3A_705] {strides = array<i32>} : memref<12288xf32, #tpu.memory_space<vmem>>, vector<16xf32>,
          %parallel_loop3A_707 = vector.shape_cast %parallel_loop3A_706 : vector<16xf32> to vector<16xf32>
          %parallel_loop3A_708 = vector.shape_cast %parallel_loop3A_704 : vector<16xf32> to vector<16xf32>
          tpu.vector_store %arg6[%parallel_loop3A_705], %parallel_loop3A_708 {strides = array<i32>} : memref<12288xf32, #tpu.memory_space<vmem>>, vector<16xf32>,
          %parallel_loop3A_709 = arith.constant 768 : i32
          %parallel_loop3A_710 = arith.muli %parallel_loop3A_277, %parallel_loop3A_709 : i32
          %parallel_loop3A_711 = arith.constant 560 : i32
          %parallel_loop3A_712 = arith.addi %parallel_loop3A_710, %parallel_loop3A_711 : i32
          %parallel_loop3A_713 = arith.index_cast %parallel_loop3A_712 : i32 to index
          %parallel_loop3A_714 = tpu.vector_load %arg6[%parallel_loop3A_713] {strides = array<i32>} : memref<12288xf32, #tpu.memory_space<vmem>>, vector<16xf32>,
          %parallel_loop3A_715 = vector.shape_cast %parallel_loop3A_714 : vector<16xf32> to vector<16xf32>
          %parallel_loop3A_716 = arith.select %parallel_loop3A_288, %get3A_113, %parallel_loop3A_715 : vector<16xi1>, vector<16xf32>
          %parallel_loop3A_717 = arith.index_cast %parallel_loop3A_712 : i32 to index
          %parallel_loop3A_718 = tpu.vector_load %arg6[%parallel_loop3A_717] {strides = array<i32>} : memref<12288xf32, #tpu.memory_space<vmem>>, vector<16xf32>,
          %parallel_loop3A_719 = vector.shape_cast %parallel_loop3A_718 : vector<16xf32> to vector<16xf32>
          %parallel_loop3A_720 = vector.shape_cast %parallel_loop3A_716 : vector<16xf32> to vector<16xf32>
          tpu.vector_store %arg6[%parallel_loop3A_717], %parallel_loop3A_720 {strides = array<i32>} : memref<12288xf32, #tpu.memory_space<vmem>>, vector<16xf32>,
          %parallel_loop3A_721 = arith.constant 768 : i32
          %parallel_loop3A_722 = arith.muli %parallel_loop3A_277, %parallel_loop3A_721 : i32
          %parallel_loop3A_723 = arith.constant 576 : i32
          %parallel_loop3A_724 = arith.addi %parallel_loop3A_722, %parallel_loop3A_723 : i32
          %parallel_loop3A_725 = arith.index_cast %parallel_loop3A_724 : i32 to index
          %parallel_loop3A_726 = tpu.vector_load %arg6[%parallel_loop3A_725] {strides = array<i32>} : memref<12288xf32, #tpu.memory_space<vmem>>, vector<16xf32>,
          %parallel_loop3A_727 = vector.shape_cast %parallel_loop3A_726 : vector<16xf32> to vector<16xf32>
          %parallel_loop3A_728 = arith.select %parallel_loop3A_288, %get3A_116, %parallel_loop3A_727 : vector<16xi1>, vector<16xf32>
          %parallel_loop3A_729 = arith.index_cast %parallel_loop3A_724 : i32 to index
          %parallel_loop3A_730 = tpu.vector_load %arg6[%parallel_loop3A_729] {strides = array<i32>} : memref<12288xf32, #tpu.memory_space<vmem>>, vector<16xf32>,
          %parallel_loop3A_731 = vector.shape_cast %parallel_loop3A_730 : vector<16xf32> to vector<16xf32>
          %parallel_loop3A_732 = vector.shape_cast %parallel_loop3A_728 : vector<16xf32> to vector<16xf32>
          tpu.vector_store %arg6[%parallel_loop3A_729], %parallel_loop3A_732 {strides = array<i32>} : memref<12288xf32, #tpu.memory_space<vmem>>, vector<16xf32>,
          %parallel_loop3A_733 = arith.constant 768 : i32
          %parallel_loop3A_734 = arith.muli %parallel_loop3A_277, %parallel_loop3A_733 : i32
          %parallel_loop3A_735 = arith.constant 592 : i32
          %parallel_loop3A_736 = arith.addi %parallel_loop3A_734, %parallel_loop3A_735 : i32
          %parallel_loop3A_737 = arith.index_cast %parallel_loop3A_736 : i32 to index
          %parallel_loop3A_738 = tpu.vector_load %arg6[%parallel_loop3A_737] {strides = array<i32>} : memref<12288xf32, #tpu.memory_space<vmem>>, vector<16xf32>,
          %parallel_loop3A_739 = vector.shape_cast %parallel_loop3A_738 : vector<16xf32> to vector<16xf32>
          %parallel_loop3A_740 = arith.select %parallel_loop3A_288, %get3A_119, %parallel_loop3A_739 : vector<16xi1>, vector<16xf32>
          %parallel_loop3A_741 = arith.index_cast %parallel_loop3A_736 : i32 to index
          %parallel_loop3A_742 = tpu.vector_load %arg6[%parallel_loop3A_741] {strides = array<i32>} : memref<12288xf32, #tpu.memory_space<vmem>>, vector<16xf32>,
          %parallel_loop3A_743 = vector.shape_cast %parallel_loop3A_742 : vector<16xf32> to vector<16xf32>
          %parallel_loop3A_744 = vector.shape_cast %parallel_loop3A_740 : vector<16xf32> to vector<16xf32>
          tpu.vector_store %arg6[%parallel_loop3A_741], %parallel_loop3A_744 {strides = array<i32>} : memref<12288xf32, #tpu.memory_space<vmem>>, vector<16xf32>,
          %parallel_loop3A_745 = arith.constant 768 : i32
          %parallel_loop3A_746 = arith.muli %parallel_loop3A_277, %parallel_loop3A_745 : i32
          %parallel_loop3A_747 = arith.constant 608 : i32
          %parallel_loop3A_748 = arith.addi %parallel_loop3A_746, %parallel_loop3A_747 : i32
          %parallel_loop3A_749 = arith.index_cast %parallel_loop3A_748 : i32 to index
          %parallel_loop3A_750 = tpu.vector_load %arg6[%parallel_loop3A_749] {strides = array<i32>} : memref<12288xf32, #tpu.memory_space<vmem>>, vector<16xf32>,
          %parallel_loop3A_751 = vector.shape_cast %parallel_loop3A_750 : vector<16xf32> to vector<16xf32>
          %parallel_loop3A_752 = arith.select %parallel_loop3A_288, %get3A_122, %parallel_loop3A_751 : vector<16xi1>, vector<16xf32>
          %parallel_loop3A_753 = arith.index_cast %parallel_loop3A_748 : i32 to index
          %parallel_loop3A_754 = tpu.vector_load %arg6[%parallel_loop3A_753] {strides = array<i32>} : memref<12288xf32, #tpu.memory_space<vmem>>, vector<16xf32>,
          %parallel_loop3A_755 = vector.shape_cast %parallel_loop3A_754 : vector<16xf32> to vector<16xf32>
          %parallel_loop3A_756 = vector.shape_cast %parallel_loop3A_752 : vector<16xf32> to vector<16xf32>
          tpu.vector_store %arg6[%parallel_loop3A_753], %parallel_loop3A_756 {strides = array<i32>} : memref<12288xf32, #tpu.memory_space<vmem>>, vector<16xf32>,
          %parallel_loop3A_757 = arith.constant 768 : i32
          %parallel_loop3A_758 = arith.muli %parallel_loop3A_277, %parallel_loop3A_757 : i32
          %parallel_loop3A_759 = arith.constant 624 : i32
          %parallel_loop3A_760 = arith.addi %parallel_loop3A_758, %parallel_loop3A_759 : i32
          %parallel_loop3A_761 = arith.index_cast %parallel_loop3A_760 : i32 to index
          %parallel_loop3A_762 = tpu.vector_load %arg6[%parallel_loop3A_761] {strides = array<i32>} : memref<12288xf32, #tpu.memory_space<vmem>>, vector<16xf32>,
          %parallel_loop3A_763 = vector.shape_cast %parallel_loop3A_762 : vector<16xf32> to vector<16xf32>
          %parallel_loop3A_764 = arith.select %parallel_loop3A_288, %get3A_125, %parallel_loop3A_763 : vector<16xi1>, vector<16xf32>
          %parallel_loop3A_765 = arith.index_cast %parallel_loop3A_760 : i32 to index
          %parallel_loop3A_766 = tpu.vector_load %arg6[%parallel_loop3A_765] {strides = array<i32>} : memref<12288xf32, #tpu.memory_space<vmem>>, vector<16xf32>,
          %parallel_loop3A_767 = vector.shape_cast %parallel_loop3A_766 : vector<16xf32> to vector<16xf32>
          %parallel_loop3A_768 = vector.shape_cast %parallel_loop3A_764 : vector<16xf32> to vector<16xf32>
          tpu.vector_store %arg6[%parallel_loop3A_765], %parallel_loop3A_768 {strides = array<i32>} : memref<12288xf32, #tpu.memory_space<vmem>>, vector<16xf32>,
          %parallel_loop3A_769 = arith.constant 768 : i32
          %parallel_loop3A_770 = arith.muli %parallel_loop3A_277, %parallel_loop3A_769 : i32
          %parallel_loop3A_771 = arith.constant 640 : i32
          %parallel_loop3A_772 = arith.addi %parallel_loop3A_770, %parallel_loop3A_771 : i32
          %parallel_loop3A_773 = arith.index_cast %parallel_loop3A_772 : i32 to index
          %parallel_loop3A_774 = tpu.vector_load %arg6[%parallel_loop3A_773] {strides = array<i32>} : memref<12288xf32, #tpu.memory_space<vmem>>, vector<16xf32>,
          %parallel_loop3A_775 = vector.shape_cast %parallel_loop3A_774 : vector<16xf32> to vector<16xf32>
          %parallel_loop3A_776 = arith.select %parallel_loop3A_288, %get3A_128, %parallel_loop3A_775 : vector<16xi1>, vector<16xf32>
          %parallel_loop3A_777 = arith.index_cast %parallel_loop3A_772 : i32 to index
          %parallel_loop3A_778 = tpu.vector_load %arg6[%parallel_loop3A_777] {strides = array<i32>} : memref<12288xf32, #tpu.memory_space<vmem>>, vector<16xf32>,
          %parallel_loop3A_779 = vector.shape_cast %parallel_loop3A_778 : vector<16xf32> to vector<16xf32>
          %parallel_loop3A_780 = vector.shape_cast %parallel_loop3A_776 : vector<16xf32> to vector<16xf32>
          tpu.vector_store %arg6[%parallel_loop3A_777], %parallel_loop3A_780 {strides = array<i32>} : memref<12288xf32, #tpu.memory_space<vmem>>, vector<16xf32>,
          %parallel_loop3A_781 = arith.constant 768 : i32
          %parallel_loop3A_782 = arith.muli %parallel_loop3A_277, %parallel_loop3A_781 : i32
          %parallel_loop3A_783 = arith.constant 656 : i32
          %parallel_loop3A_784 = arith.addi %parallel_loop3A_782, %parallel_loop3A_783 : i32
          %parallel_loop3A_785 = arith.index_cast %parallel_loop3A_784 : i32 to index
          %parallel_loop3A_786 = tpu.vector_load %arg6[%parallel_loop3A_785] {strides = array<i32>} : memref<12288xf32, #tpu.memory_space<vmem>>, vector<16xf32>,
          %parallel_loop3A_787 = vector.shape_cast %parallel_loop3A_786 : vector<16xf32> to vector<16xf32>
          %parallel_loop3A_788 = arith.select %parallel_loop3A_288, %get3A_131, %parallel_loop3A_787 : vector<16xi1>, vector<16xf32>
          %parallel_loop3A_789 = arith.index_cast %parallel_loop3A_784 : i32 to index
          %parallel_loop3A_790 = tpu.vector_load %arg6[%parallel_loop3A_789] {strides = array<i32>} : memref<12288xf32, #tpu.memory_space<vmem>>, vector<16xf32>,
          %parallel_loop3A_791 = vector.shape_cast %parallel_loop3A_790 : vector<16xf32> to vector<16xf32>
          %parallel_loop3A_792 = vector.shape_cast %parallel_loop3A_788 : vector<16xf32> to vector<16xf32>
          tpu.vector_store %arg6[%parallel_loop3A_789], %parallel_loop3A_792 {strides = array<i32>} : memref<12288xf32, #tpu.memory_space<vmem>>, vector<16xf32>,
          %parallel_loop3A_793 = arith.constant 768 : i32
          %parallel_loop3A_794 = arith.muli %parallel_loop3A_277, %parallel_loop3A_793 : i32
          %parallel_loop3A_795 = arith.constant 672 : i32
          %parallel_loop3A_796 = arith.addi %parallel_loop3A_794, %parallel_loop3A_795 : i32
          %parallel_loop3A_797 = arith.index_cast %parallel_loop3A_796 : i32 to index
          %parallel_loop3A_798 = tpu.vector_load %arg6[%parallel_loop3A_797] {strides = array<i32>} : memref<12288xf32, #tpu.memory_space<vmem>>, vector<16xf32>,
          %parallel_loop3A_799 = vector.shape_cast %parallel_loop3A_798 : vector<16xf32> to vector<16xf32>
          %parallel_loop3A_800 = arith.select %parallel_loop3A_288, %get3A_134, %parallel_loop3A_799 : vector<16xi1>, vector<16xf32>
          %parallel_loop3A_801 = arith.index_cast %parallel_loop3A_796 : i32 to index
          %parallel_loop3A_802 = tpu.vector_load %arg6[%parallel_loop3A_801] {strides = array<i32>} : memref<12288xf32, #tpu.memory_space<vmem>>, vector<16xf32>,
          %parallel_loop3A_803 = vector.shape_cast %parallel_loop3A_802 : vector<16xf32> to vector<16xf32>
          %parallel_loop3A_804 = vector.shape_cast %parallel_loop3A_800 : vector<16xf32> to vector<16xf32>
          tpu.vector_store %arg6[%parallel_loop3A_801], %parallel_loop3A_804 {strides = array<i32>} : memref<12288xf32, #tpu.memory_space<vmem>>, vector<16xf32>,
          %parallel_loop3A_805 = arith.constant 768 : i32
          %parallel_loop3A_806 = arith.muli %parallel_loop3A_277, %parallel_loop3A_805 : i32
          %parallel_loop3A_807 = arith.constant 688 : i32
          %parallel_loop3A_808 = arith.addi %parallel_loop3A_806, %parallel_loop3A_807 : i32
          %parallel_loop3A_809 = arith.index_cast %parallel_loop3A_808 : i32 to index
          %parallel_loop3A_810 = tpu.vector_load %arg6[%parallel_loop3A_809] {strides = array<i32>} : memref<12288xf32, #tpu.memory_space<vmem>>, vector<16xf32>,
          %parallel_loop3A_811 = vector.shape_cast %parallel_loop3A_810 : vector<16xf32> to vector<16xf32>
          %parallel_loop3A_812 = arith.select %parallel_loop3A_288, %get3A_137, %parallel_loop3A_811 : vector<16xi1>, vector<16xf32>
          %parallel_loop3A_813 = arith.index_cast %parallel_loop3A_808 : i32 to index
          %parallel_loop3A_814 = tpu.vector_load %arg6[%parallel_loop3A_813] {strides = array<i32>} : memref<12288xf32, #tpu.memory_space<vmem>>, vector<16xf32>,
          %parallel_loop3A_815 = vector.shape_cast %parallel_loop3A_814 : vector<16xf32> to vector<16xf32>
          %parallel_loop3A_816 = vector.shape_cast %parallel_loop3A_812 : vector<16xf32> to vector<16xf32>
          tpu.vector_store %arg6[%parallel_loop3A_813], %parallel_loop3A_816 {strides = array<i32>} : memref<12288xf32, #tpu.memory_space<vmem>>, vector<16xf32>,
          %parallel_loop3A_817 = arith.constant 768 : i32
          %parallel_loop3A_818 = arith.muli %parallel_loop3A_277, %parallel_loop3A_817 : i32
          %parallel_loop3A_819 = arith.constant 704 : i32
          %parallel_loop3A_820 = arith.addi %parallel_loop3A_818, %parallel_loop3A_819 : i32
          %parallel_loop3A_821 = arith.index_cast %parallel_loop3A_820 : i32 to index
          %parallel_loop3A_822 = tpu.vector_load %arg6[%parallel_loop3A_821] {strides = array<i32>} : memref<12288xf32, #tpu.memory_space<vmem>>, vector<16xf32>,
          %parallel_loop3A_823 = vector.shape_cast %parallel_loop3A_822 : vector<16xf32> to vector<16xf32>
          %parallel_loop3A_824 = arith.select %parallel_loop3A_288, %get3A_140, %parallel_loop3A_823 : vector<16xi1>, vector<16xf32>
          %parallel_loop3A_825 = arith.index_cast %parallel_loop3A_820 : i32 to index
          %parallel_loop3A_826 = tpu.vector_load %arg6[%parallel_loop3A_825] {strides = array<i32>} : memref<12288xf32, #tpu.memory_space<vmem>>, vector<16xf32>,
          %parallel_loop3A_827 = vector.shape_cast %parallel_loop3A_826 : vector<16xf32> to vector<16xf32>
          %parallel_loop3A_828 = vector.shape_cast %parallel_loop3A_824 : vector<16xf32> to vector<16xf32>
          tpu.vector_store %arg6[%parallel_loop3A_825], %parallel_loop3A_828 {strides = array<i32>} : memref<12288xf32, #tpu.memory_space<vmem>>, vector<16xf32>,
          %parallel_loop3A_829 = arith.constant 768 : i32
          %parallel_loop3A_830 = arith.muli %parallel_loop3A_277, %parallel_loop3A_829 : i32
          %parallel_loop3A_831 = arith.constant 720 : i32
          %parallel_loop3A_832 = arith.addi %parallel_loop3A_830, %parallel_loop3A_831 : i32
          %parallel_loop3A_833 = arith.index_cast %parallel_loop3A_832 : i32 to index
          %parallel_loop3A_834 = tpu.vector_load %arg6[%parallel_loop3A_833] {strides = array<i32>} : memref<12288xf32, #tpu.memory_space<vmem>>, vector<16xf32>,
          %parallel_loop3A_835 = vector.shape_cast %parallel_loop3A_834 : vector<16xf32> to vector<16xf32>
          %parallel_loop3A_836 = arith.select %parallel_loop3A_288, %get3A_143, %parallel_loop3A_835 : vector<16xi1>, vector<16xf32>
          %parallel_loop3A_837 = arith.index_cast %parallel_loop3A_832 : i32 to index
          %parallel_loop3A_838 = tpu.vector_load %arg6[%parallel_loop3A_837] {strides = array<i32>} : memref<12288xf32, #tpu.memory_space<vmem>>, vector<16xf32>,
          %parallel_loop3A_839 = vector.shape_cast %parallel_loop3A_838 : vector<16xf32> to vector<16xf32>
          %parallel_loop3A_840 = vector.shape_cast %parallel_loop3A_836 : vector<16xf32> to vector<16xf32>
          tpu.vector_store %arg6[%parallel_loop3A_837], %parallel_loop3A_840 {strides = array<i32>} : memref<12288xf32, #tpu.memory_space<vmem>>, vector<16xf32>,
          %parallel_loop3A_841 = arith.constant 768 : i32
          %parallel_loop3A_842 = arith.muli %parallel_loop3A_277, %parallel_loop3A_841 : i32
          %parallel_loop3A_843 = arith.constant 736 : i32
          %parallel_loop3A_844 = arith.addi %parallel_loop3A_842, %parallel_loop3A_843 : i32
          %parallel_loop3A_845 = arith.index_cast %parallel_loop3A_844 : i32 to index
          %parallel_loop3A_846 = tpu.vector_load %arg6[%parallel_loop3A_845] {strides = array<i32>} : memref<12288xf32, #tpu.memory_space<vmem>>, vector<16xf32>,
          %parallel_loop3A_847 = vector.shape_cast %parallel_loop3A_846 : vector<16xf32> to vector<16xf32>
          %parallel_loop3A_848 = arith.select %parallel_loop3A_288, %get3A_146, %parallel_loop3A_847 : vector<16xi1>, vector<16xf32>
          %parallel_loop3A_849 = arith.index_cast %parallel_loop3A_844 : i32 to index
          %parallel_loop3A_850 = tpu.vector_load %arg6[%parallel_loop3A_849] {strides = array<i32>} : memref<12288xf32, #tpu.memory_space<vmem>>, vector<16xf32>,
          %parallel_loop3A_851 = vector.shape_cast %parallel_loop3A_850 : vector<16xf32> to vector<16xf32>
          %parallel_loop3A_852 = vector.shape_cast %parallel_loop3A_848 : vector<16xf32> to vector<16xf32>
          tpu.vector_store %arg6[%parallel_loop3A_849], %parallel_loop3A_852 {strides = array<i32>} : memref<12288xf32, #tpu.memory_space<vmem>>, vector<16xf32>,
          %parallel_loop3A_853 = arith.constant 768 : i32
          %parallel_loop3A_854 = arith.muli %parallel_loop3A_277, %parallel_loop3A_853 : i32
          %parallel_loop3A_855 = arith.constant 752 : i32
          %parallel_loop3A_856 = arith.addi %parallel_loop3A_854, %parallel_loop3A_855 : i32
          %parallel_loop3A_857 = arith.index_cast %parallel_loop3A_856 : i32 to index
          %parallel_loop3A_858 = tpu.vector_load %arg6[%parallel_loop3A_857] {strides = array<i32>} : memref<12288xf32, #tpu.memory_space<vmem>>, vector<16xf32>,
          %parallel_loop3A_859 = vector.shape_cast %parallel_loop3A_858 : vector<16xf32> to vector<16xf32>
          %parallel_loop3A_860 = arith.select %parallel_loop3A_288, %get3A_149, %parallel_loop3A_859 : vector<16xi1>, vector<16xf32>
          %parallel_loop3A_861 = arith.index_cast %parallel_loop3A_856 : i32 to index
          %parallel_loop3A_862 = tpu.vector_load %arg6[%parallel_loop3A_861] {strides = array<i32>} : memref<12288xf32, #tpu.memory_space<vmem>>, vector<16xf32>,
          %parallel_loop3A_863 = vector.shape_cast %parallel_loop3A_862 : vector<16xf32> to vector<16xf32>
          %parallel_loop3A_864 = vector.shape_cast %parallel_loop3A_860 : vector<16xf32> to vector<16xf32>
          tpu.vector_store %arg6[%parallel_loop3A_861], %parallel_loop3A_864 {strides = array<i32>} : memref<12288xf32, #tpu.memory_space<vmem>>, vector<16xf32>,
        } {sc.loop_unroll_factor = 4 : i64, sc.parallel_access}
        %mul3A_272 = arith.constant 12288 : i32
        %mul3A_273 = arith.muli %scan3A_181, %mul3A_272 : i32
        %add3A_274 = arith.addi %mul3A_4, %mul3A_273 : i32
        %dma_start3A_275 = tpu.memref_slice %arg5[%add3A_274] : memref<60555264xf32, #tpu.memory_space<hbm>> -> memref<12288xf32, #tpu.memory_space<hbm>>
        %dma_start3A_276 = tpu.memref_slice %arg5[%add3A_274] : memref<60555264xf32, #tpu.memory_space<hbm>> -> memref<12288xf32, #tpu.memory_space<hbm>>
        tpu.enqueue_dma source(%arg6 : memref<12288xf32, #tpu.memory_space<vmem>>) target(%dma_start3A_276 : memref<12288xf32, #tpu.memory_space<hbm>>) target_semaphore(%arg16 : memref<!tpu.dma_semaphore, #tpu.memory_space<semaphore_mem>>)
      } else {
      }
      %jit3A_194 = arith.constant 4 : i32
      %eq3A_195 = arith.constant 0 : i32
      %eq3A_196 = arith.cmpi eq, %jit3A_194, %eq3A_195 : i32
      %jit3A_197 = arith.constant 1 : i32
      %select_n3A_198 = arith.select %eq3A_196, %jit3A_197, %jit3A_194 : i32
      %rem3A_199 = arith.remsi %scan3A_181, %select_n3A_198 : i32
      %ne3A_200 = arith.constant 0 : i32
      %ne3A_201 = arith.cmpi ne, %rem3A_199, %ne3A_200 : i32
      %lt3A_202 = arith.constant 0 : i32
      %lt3A_203 = arith.cmpi slt, %rem3A_199, %lt3A_202 : i32
      %lt3A_204 = arith.constant 0 : i32
      %lt3A_205 = arith.cmpi slt, %select_n3A_198, %lt3A_204 : i32
      %ne3A_206 = arith.xori %lt3A_203, %lt3A_205 : i1
      %and3A_207 = arith.andi %ne3A_206, %ne3A_201 : i1
      %add3A_208 = arith.addi %rem3A_199, %select_n3A_198 : i32
      %select_n3A_209 = arith.select %and3A_207, %add3A_208, %rem3A_199 : i32
      %eq3A_210 = arith.constant 1 : i32
      %eq3A_211 = arith.cmpi eq, %select_n3A_209, %eq3A_210 : i32
      %convert_element_type3A_212 = arith.extui %eq3A_211 : i1 to i32
      %cond3A_213 = arith.constant 0 : i32
      %cond3A_214 = arith.cmpi ne, %convert_element_type3A_212, %cond3A_213 : i32
      scf.if %cond3A_214 {
        %mul3A_257 = arith.constant 12288 : i32
        %mul3A_258 = arith.muli %scan3A_181, %mul3A_257 : i32
        %add3A_259 = arith.addi %mul3A_4, %mul3A_258 : i32
        %dma_wait3A_260 = tpu.memref_slice %arg2[%add3A_259] : memref<60555264xf32, #tpu.memory_space<hbm>> -> memref<12288xf32, #tpu.memory_space<hbm>>
        %dma_wait3A_261 = tpu.memref_slice %arg2[%add3A_259] : memref<60555264xf32, #tpu.memory_space<hbm>> -> memref<12288xf32, #tpu.memory_space<hbm>>
        tpu.wait_dma2 semaphore(%arg13 : memref<!tpu.dma_semaphore, #tpu.memory_space<semaphore_mem>>) src(%dma_wait3A_261 : memref<12288xf32, #tpu.memory_space<hbm>>) dst(%arg7 : memref<12288xf32, #tpu.memory_space<vmem>>)
        %add3A_262 = arith.constant 4 : i32
        %add3A_263 = arith.addi %scan3A_181, %add3A_262 : i32
        %sub3A = arith.constant 1 : i32
        %sub3A_264 = arith.subi %add3A_263, %sub3A : i32
        %lt3A_265 = arith.constant 154 : i32
        %lt3A_266 = arith.cmpi slt, %sub3A_264, %lt3A_265 : i32
        %convert_element_type3A_267 = arith.extui %lt3A_266 : i1 to i32
        %cond3A_268 = arith.constant 0 : i32
        %cond3A_269 = arith.cmpi ne, %convert_element_type3A_267, %cond3A_268 : i32
        scf.if %cond3A_269 {
          %ge3A = arith.constant 1 : i32
          %ge3A_277 = arith.cmpi sge, %scan3A_181, %ge3A : i32
          %convert_element_type3A_278 = arith.extui %ge3A_277 : i1 to i32
          %cond3A_279 = arith.constant 0 : i32
          %cond3A_280 = arith.cmpi ne, %convert_element_type3A_278, %cond3A_279 : i32
          scf.if %cond3A_280 {
            %sub3A_290 = arith.constant 1 : i32
            %sub3A_291 = arith.subi %scan3A_181, %sub3A_290 : i32
            %mul3A_292 = arith.constant 12288 : i32
            %mul3A_293 = arith.muli %sub3A_291, %mul3A_292 : i32
            %add3A_294 = arith.addi %mul3A_4, %mul3A_293 : i32
            %dma_wait3A_295 = tpu.memref_slice %arg5[%add3A_294] : memref<60555264xf32, #tpu.memory_space<hbm>> -> memref<12288xf32, #tpu.memory_space<hbm>>
            %dma_wait3A_296 = tpu.memref_slice %arg5[%add3A_294] : memref<60555264xf32, #tpu.memory_space<hbm>> -> memref<12288xf32, #tpu.memory_space<hbm>>
            tpu.wait_dma2 semaphore(%arg16 : memref<!tpu.dma_semaphore, #tpu.memory_space<semaphore_mem>>) src(%arg6 : memref<12288xf32, #tpu.memory_space<vmem>>) dst(%dma_wait3A_296 : memref<12288xf32, #tpu.memory_space<hbm>>)
          } else {
          }
          %add3A_281 = arith.constant 4 : i32
          %add3A_282 = arith.addi %scan3A_181, %add3A_281 : i32
          %sub3A_283 = arith.constant 1 : i32
          %sub3A_284 = arith.subi %add3A_282, %sub3A_283 : i32
          %mul3A_285 = arith.constant 12288 : i32
          %mul3A_286 = arith.muli %sub3A_284, %mul3A_285 : i32
          %add3A_287 = arith.addi %mul3A_4, %mul3A_286 : i32
          %dma_start3A_288 = tpu.memref_slice %arg2[%add3A_287] : memref<60555264xf32, #tpu.memory_space<hbm>> -> memref<12288xf32, #tpu.memory_space<hbm>>
          %dma_start3A_289 = tpu.memref_slice %arg2[%add3A_287] : memref<60555264xf32, #tpu.memory_space<hbm>> -> memref<12288xf32, #tpu.memory_space<hbm>>
          tpu.enqueue_dma source(%dma_start3A_289 : memref<12288xf32, #tpu.memory_space<hbm>>) target(%arg6 : memref<12288xf32, #tpu.memory_space<vmem>>) target_semaphore(%arg12 : memref<!tpu.dma_semaphore, #tpu.memory_space<semaphore_mem>>)
        } else {
        }
        %parallel_loop3A = arith.constant 0 : i32
        %parallel_loop3A_270 = arith.constant 16 : i32
        %parallel_loop3A_271 = arith.constant 1 : i32
        scf.for %parallel_loop3A_277 = %parallel_loop3A to %parallel_loop3A_270 step %parallel_loop3A_271  : i32 {
          %parallel_loop3A_278 = arith.constant 16 : i32
          %parallel_loop3A_279 = arith.muli %scan3A_181, %parallel_loop3A_278 : i32
          %parallel_loop3A_280 = arith.addi %parallel_loop3A_279, %parallel_loop3A_277 : i32
          %parallel_loop3A_281 = arith.constant 16 : i32
          %parallel_loop3A_282 = arith.muli %parallel_loop3A_280, %parallel_loop3A_281 : i32
          %parallel_loop3A_283 = arith.index_cast %parallel_loop3A_282 : i32 to index
          %parallel_loop3A_284 = tpu.vector_load %arg10[%parallel_loop3A_283] {strides = array<i32>} : memref<39424xi32, #tpu.memory_space<vmem>>, vector<16xi32>,
          %parallel_loop3A_285 = vector.shape_cast %parallel_loop3A_284 : vector<16xi32> to vector<16xi32>
          %parallel_loop3A_286 = arith.constant 100 : i32
          %parallel_loop3A_287 = vector.broadcast %parallel_loop3A_286 : i32 to vector<16xi32>
          %parallel_loop3A_288 = arith.cmpi eq, %parallel_loop3A_285, %parallel_loop3A_287 : vector<16xi32>
          %parallel_loop3A_289 = arith.constant 768 : i32
          %parallel_loop3A_290 = arith.muli %parallel_loop3A_277, %parallel_loop3A_289 : i32
          %parallel_loop3A_291 = arith.constant 0 : i32
          %parallel_loop3A_292 = arith.addi %parallel_loop3A_290, %parallel_loop3A_291 : i32
          %parallel_loop3A_293 = arith.index_cast %parallel_loop3A_292 : i32 to index
          %parallel_loop3A_294 = tpu.vector_load %arg7[%parallel_loop3A_293] {strides = array<i32>} : memref<12288xf32, #tpu.memory_space<vmem>>, vector<16xf32>,
          %parallel_loop3A_295 = vector.shape_cast %parallel_loop3A_294 : vector<16xf32> to vector<16xf32>
          %parallel_loop3A_296 = arith.select %parallel_loop3A_288, %get3A_8, %parallel_loop3A_295 : vector<16xi1>, vector<16xf32>
          %parallel_loop3A_297 = arith.index_cast %parallel_loop3A_292 : i32 to index
          %parallel_loop3A_298 = tpu.vector_load %arg7[%parallel_loop3A_297] {strides = array<i32>} : memref<12288xf32, #tpu.memory_space<vmem>>, vector<16xf32>,
          %parallel_loop3A_299 = vector.shape_cast %parallel_loop3A_298 : vector<16xf32> to vector<16xf32>
          %parallel_loop3A_300 = vector.shape_cast %parallel_loop3A_296 : vector<16xf32> to vector<16xf32>
          tpu.vector_store %arg7[%parallel_loop3A_297], %parallel_loop3A_300 {strides = array<i32>} : memref<12288xf32, #tpu.memory_space<vmem>>, vector<16xf32>,
          %parallel_loop3A_301 = arith.constant 768 : i32
          %parallel_loop3A_302 = arith.muli %parallel_loop3A_277, %parallel_loop3A_301 : i32
          %parallel_loop3A_303 = arith.constant 16 : i32
          %parallel_loop3A_304 = arith.addi %parallel_loop3A_302, %parallel_loop3A_303 : i32
          %parallel_loop3A_305 = arith.index_cast %parallel_loop3A_304 : i32 to index
          %parallel_loop3A_306 = tpu.vector_load %arg7[%parallel_loop3A_305] {strides = array<i32>} : memref<12288xf32, #tpu.memory_space<vmem>>, vector<16xf32>,
          %parallel_loop3A_307 = vector.shape_cast %parallel_loop3A_306 : vector<16xf32> to vector<16xf32>
          %parallel_loop3A_308 = arith.select %parallel_loop3A_288, %get3A_11, %parallel_loop3A_307 : vector<16xi1>, vector<16xf32>
          %parallel_loop3A_309 = arith.index_cast %parallel_loop3A_304 : i32 to index
          %parallel_loop3A_310 = tpu.vector_load %arg7[%parallel_loop3A_309] {strides = array<i32>} : memref<12288xf32, #tpu.memory_space<vmem>>, vector<16xf32>,
          %parallel_loop3A_311 = vector.shape_cast %parallel_loop3A_310 : vector<16xf32> to vector<16xf32>
          %parallel_loop3A_312 = vector.shape_cast %parallel_loop3A_308 : vector<16xf32> to vector<16xf32>
          tpu.vector_store %arg7[%parallel_loop3A_309], %parallel_loop3A_312 {strides = array<i32>} : memref<12288xf32, #tpu.memory_space<vmem>>, vector<16xf32>,
          %parallel_loop3A_313 = arith.constant 768 : i32
          %parallel_loop3A_314 = arith.muli %parallel_loop3A_277, %parallel_loop3A_313 : i32
          %parallel_loop3A_315 = arith.constant 32 : i32
          %parallel_loop3A_316 = arith.addi %parallel_loop3A_314, %parallel_loop3A_315 : i32
          %parallel_loop3A_317 = arith.index_cast %parallel_loop3A_316 : i32 to index
          %parallel_loop3A_318 = tpu.vector_load %arg7[%parallel_loop3A_317] {strides = array<i32>} : memref<12288xf32, #tpu.memory_space<vmem>>, vector<16xf32>,
          %parallel_loop3A_319 = vector.shape_cast %parallel_loop3A_318 : vector<16xf32> to vector<16xf32>
          %parallel_loop3A_320 = arith.select %parallel_loop3A_288, %get3A_14, %parallel_loop3A_319 : vector<16xi1>, vector<16xf32>
          %parallel_loop3A_321 = arith.index_cast %parallel_loop3A_316 : i32 to index
          %parallel_loop3A_322 = tpu.vector_load %arg7[%parallel_loop3A_321] {strides = array<i32>} : memref<12288xf32, #tpu.memory_space<vmem>>, vector<16xf32>,
          %parallel_loop3A_323 = vector.shape_cast %parallel_loop3A_322 : vector<16xf32> to vector<16xf32>
          %parallel_loop3A_324 = vector.shape_cast %parallel_loop3A_320 : vector<16xf32> to vector<16xf32>
          tpu.vector_store %arg7[%parallel_loop3A_321], %parallel_loop3A_324 {strides = array<i32>} : memref<12288xf32, #tpu.memory_space<vmem>>, vector<16xf32>,
          %parallel_loop3A_325 = arith.constant 768 : i32
          %parallel_loop3A_326 = arith.muli %parallel_loop3A_277, %parallel_loop3A_325 : i32
          %parallel_loop3A_327 = arith.constant 48 : i32
          %parallel_loop3A_328 = arith.addi %parallel_loop3A_326, %parallel_loop3A_327 : i32
          %parallel_loop3A_329 = arith.index_cast %parallel_loop3A_328 : i32 to index
          %parallel_loop3A_330 = tpu.vector_load %arg7[%parallel_loop3A_329] {strides = array<i32>} : memref<12288xf32, #tpu.memory_space<vmem>>, vector<16xf32>,
          %parallel_loop3A_331 = vector.shape_cast %parallel_loop3A_330 : vector<16xf32> to vector<16xf32>
          %parallel_loop3A_332 = arith.select %parallel_loop3A_288, %get3A_17, %parallel_loop3A_331 : vector<16xi1>, vector<16xf32>
          %parallel_loop3A_333 = arith.index_cast %parallel_loop3A_328 : i32 to index
          %parallel_loop3A_334 = tpu.vector_load %arg7[%parallel_loop3A_333] {strides = array<i32>} : memref<12288xf32, #tpu.memory_space<vmem>>, vector<16xf32>,
          %parallel_loop3A_335 = vector.shape_cast %parallel_loop3A_334 : vector<16xf32> to vector<16xf32>
          %parallel_loop3A_336 = vector.shape_cast %parallel_loop3A_332 : vector<16xf32> to vector<16xf32>
          tpu.vector_store %arg7[%parallel_loop3A_333], %parallel_loop3A_336 {strides = array<i32>} : memref<12288xf32, #tpu.memory_space<vmem>>, vector<16xf32>,
          %parallel_loop3A_337 = arith.constant 768 : i32
          %parallel_loop3A_338 = arith.muli %parallel_loop3A_277, %parallel_loop3A_337 : i32
          %parallel_loop3A_339 = arith.constant 64 : i32
          %parallel_loop3A_340 = arith.addi %parallel_loop3A_338, %parallel_loop3A_339 : i32
          %parallel_loop3A_341 = arith.index_cast %parallel_loop3A_340 : i32 to index
          %parallel_loop3A_342 = tpu.vector_load %arg7[%parallel_loop3A_341] {strides = array<i32>} : memref<12288xf32, #tpu.memory_space<vmem>>, vector<16xf32>,
          %parallel_loop3A_343 = vector.shape_cast %parallel_loop3A_342 : vector<16xf32> to vector<16xf32>
          %parallel_loop3A_344 = arith.select %parallel_loop3A_288, %get3A_20, %parallel_loop3A_343 : vector<16xi1>, vector<16xf32>
          %parallel_loop3A_345 = arith.index_cast %parallel_loop3A_340 : i32 to index
          %parallel_loop3A_346 = tpu.vector_load %arg7[%parallel_loop3A_345] {strides = array<i32>} : memref<12288xf32, #tpu.memory_space<vmem>>, vector<16xf32>,
          %parallel_loop3A_347 = vector.shape_cast %parallel_loop3A_346 : vector<16xf32> to vector<16xf32>
          %parallel_loop3A_348 = vector.shape_cast %parallel_loop3A_344 : vector<16xf32> to vector<16xf32>
          tpu.vector_store %arg7[%parallel_loop3A_345], %parallel_loop3A_348 {strides = array<i32>} : memref<12288xf32, #tpu.memory_space<vmem>>, vector<16xf32>,
          %parallel_loop3A_349 = arith.constant 768 : i32
          %parallel_loop3A_350 = arith.muli %parallel_loop3A_277, %parallel_loop3A_349 : i32
          %parallel_loop3A_351 = arith.constant 80 : i32
          %parallel_loop3A_352 = arith.addi %parallel_loop3A_350, %parallel_loop3A_351 : i32
          %parallel_loop3A_353 = arith.index_cast %parallel_loop3A_352 : i32 to index
          %parallel_loop3A_354 = tpu.vector_load %arg7[%parallel_loop3A_353] {strides = array<i32>} : memref<12288xf32, #tpu.memory_space<vmem>>, vector<16xf32>,
          %parallel_loop3A_355 = vector.shape_cast %parallel_loop3A_354 : vector<16xf32> to vector<16xf32>
          %parallel_loop3A_356 = arith.select %parallel_loop3A_288, %get3A_23, %parallel_loop3A_355 : vector<16xi1>, vector<16xf32>
          %parallel_loop3A_357 = arith.index_cast %parallel_loop3A_352 : i32 to index
          %parallel_loop3A_358 = tpu.vector_load %arg7[%parallel_loop3A_357] {strides = array<i32>} : memref<12288xf32, #tpu.memory_space<vmem>>, vector<16xf32>,
          %parallel_loop3A_359 = vector.shape_cast %parallel_loop3A_358 : vector<16xf32> to vector<16xf32>
          %parallel_loop3A_360 = vector.shape_cast %parallel_loop3A_356 : vector<16xf32> to vector<16xf32>
          tpu.vector_store %arg7[%parallel_loop3A_357], %parallel_loop3A_360 {strides = array<i32>} : memref<12288xf32, #tpu.memory_space<vmem>>, vector<16xf32>,
          %parallel_loop3A_361 = arith.constant 768 : i32
          %parallel_loop3A_362 = arith.muli %parallel_loop3A_277, %parallel_loop3A_361 : i32
          %parallel_loop3A_363 = arith.constant 96 : i32
          %parallel_loop3A_364 = arith.addi %parallel_loop3A_362, %parallel_loop3A_363 : i32
          %parallel_loop3A_365 = arith.index_cast %parallel_loop3A_364 : i32 to index
          %parallel_loop3A_366 = tpu.vector_load %arg7[%parallel_loop3A_365] {strides = array<i32>} : memref<12288xf32, #tpu.memory_space<vmem>>, vector<16xf32>,
          %parallel_loop3A_367 = vector.shape_cast %parallel_loop3A_366 : vector<16xf32> to vector<16xf32>
          %parallel_loop3A_368 = arith.select %parallel_loop3A_288, %get3A_26, %parallel_loop3A_367 : vector<16xi1>, vector<16xf32>
          %parallel_loop3A_369 = arith.index_cast %parallel_loop3A_364 : i32 to index
          %parallel_loop3A_370 = tpu.vector_load %arg7[%parallel_loop3A_369] {strides = array<i32>} : memref<12288xf32, #tpu.memory_space<vmem>>, vector<16xf32>,
          %parallel_loop3A_371 = vector.shape_cast %parallel_loop3A_370 : vector<16xf32> to vector<16xf32>
          %parallel_loop3A_372 = vector.shape_cast %parallel_loop3A_368 : vector<16xf32> to vector<16xf32>
          tpu.vector_store %arg7[%parallel_loop3A_369], %parallel_loop3A_372 {strides = array<i32>} : memref<12288xf32, #tpu.memory_space<vmem>>, vector<16xf32>,
          %parallel_loop3A_373 = arith.constant 768 : i32
          %parallel_loop3A_374 = arith.muli %parallel_loop3A_277, %parallel_loop3A_373 : i32
          %parallel_loop3A_375 = arith.constant 112 : i32
          %parallel_loop3A_376 = arith.addi %parallel_loop3A_374, %parallel_loop3A_375 : i32
          %parallel_loop3A_377 = arith.index_cast %parallel_loop3A_376 : i32 to index
          %parallel_loop3A_378 = tpu.vector_load %arg7[%parallel_loop3A_377] {strides = array<i32>} : memref<12288xf32, #tpu.memory_space<vmem>>, vector<16xf32>,
          %parallel_loop3A_379 = vector.shape_cast %parallel_loop3A_378 : vector<16xf32> to vector<16xf32>
          %parallel_loop3A_380 = arith.select %parallel_loop3A_288, %get3A_29, %parallel_loop3A_379 : vector<16xi1>, vector<16xf32>
          %parallel_loop3A_381 = arith.index_cast %parallel_loop3A_376 : i32 to index
          %parallel_loop3A_382 = tpu.vector_load %arg7[%parallel_loop3A_381] {strides = array<i32>} : memref<12288xf32, #tpu.memory_space<vmem>>, vector<16xf32>,
          %parallel_loop3A_383 = vector.shape_cast %parallel_loop3A_382 : vector<16xf32> to vector<16xf32>
          %parallel_loop3A_384 = vector.shape_cast %parallel_loop3A_380 : vector<16xf32> to vector<16xf32>
          tpu.vector_store %arg7[%parallel_loop3A_381], %parallel_loop3A_384 {strides = array<i32>} : memref<12288xf32, #tpu.memory_space<vmem>>, vector<16xf32>,
          %parallel_loop3A_385 = arith.constant 768 : i32
          %parallel_loop3A_386 = arith.muli %parallel_loop3A_277, %parallel_loop3A_385 : i32
          %parallel_loop3A_387 = arith.constant 128 : i32
          %parallel_loop3A_388 = arith.addi %parallel_loop3A_386, %parallel_loop3A_387 : i32
          %parallel_loop3A_389 = arith.index_cast %parallel_loop3A_388 : i32 to index
          %parallel_loop3A_390 = tpu.vector_load %arg7[%parallel_loop3A_389] {strides = array<i32>} : memref<12288xf32, #tpu.memory_space<vmem>>, vector<16xf32>,
          %parallel_loop3A_391 = vector.shape_cast %parallel_loop3A_390 : vector<16xf32> to vector<16xf32>
          %parallel_loop3A_392 = arith.select %parallel_loop3A_288, %get3A_32, %parallel_loop3A_391 : vector<16xi1>, vector<16xf32>
          %parallel_loop3A_393 = arith.index_cast %parallel_loop3A_388 : i32 to index
          %parallel_loop3A_394 = tpu.vector_load %arg7[%parallel_loop3A_393] {strides = array<i32>} : memref<12288xf32, #tpu.memory_space<vmem>>, vector<16xf32>,
          %parallel_loop3A_395 = vector.shape_cast %parallel_loop3A_394 : vector<16xf32> to vector<16xf32>
          %parallel_loop3A_396 = vector.shape_cast %parallel_loop3A_392 : vector<16xf32> to vector<16xf32>
          tpu.vector_store %arg7[%parallel_loop3A_393], %parallel_loop3A_396 {strides = array<i32>} : memref<12288xf32, #tpu.memory_space<vmem>>, vector<16xf32>,
          %parallel_loop3A_397 = arith.constant 768 : i32
          %parallel_loop3A_398 = arith.muli %parallel_loop3A_277, %parallel_loop3A_397 : i32
          %parallel_loop3A_399 = arith.constant 144 : i32
          %parallel_loop3A_400 = arith.addi %parallel_loop3A_398, %parallel_loop3A_399 : i32
          %parallel_loop3A_401 = arith.index_cast %parallel_loop3A_400 : i32 to index
          %parallel_loop3A_402 = tpu.vector_load %arg7[%parallel_loop3A_401] {strides = array<i32>} : memref<12288xf32, #tpu.memory_space<vmem>>, vector<16xf32>,
          %parallel_loop3A_403 = vector.shape_cast %parallel_loop3A_402 : vector<16xf32> to vector<16xf32>
          %parallel_loop3A_404 = arith.select %parallel_loop3A_288, %get3A_35, %parallel_loop3A_403 : vector<16xi1>, vector<16xf32>
          %parallel_loop3A_405 = arith.index_cast %parallel_loop3A_400 : i32 to index
          %parallel_loop3A_406 = tpu.vector_load %arg7[%parallel_loop3A_405] {strides = array<i32>} : memref<12288xf32, #tpu.memory_space<vmem>>, vector<16xf32>,
          %parallel_loop3A_407 = vector.shape_cast %parallel_loop3A_406 : vector<16xf32> to vector<16xf32>
          %parallel_loop3A_408 = vector.shape_cast %parallel_loop3A_404 : vector<16xf32> to vector<16xf32>
          tpu.vector_store %arg7[%parallel_loop3A_405], %parallel_loop3A_408 {strides = array<i32>} : memref<12288xf32, #tpu.memory_space<vmem>>, vector<16xf32>,
          %parallel_loop3A_409 = arith.constant 768 : i32
          %parallel_loop3A_410 = arith.muli %parallel_loop3A_277, %parallel_loop3A_409 : i32
          %parallel_loop3A_411 = arith.constant 160 : i32
          %parallel_loop3A_412 = arith.addi %parallel_loop3A_410, %parallel_loop3A_411 : i32
          %parallel_loop3A_413 = arith.index_cast %parallel_loop3A_412 : i32 to index
          %parallel_loop3A_414 = tpu.vector_load %arg7[%parallel_loop3A_413] {strides = array<i32>} : memref<12288xf32, #tpu.memory_space<vmem>>, vector<16xf32>,
          %parallel_loop3A_415 = vector.shape_cast %parallel_loop3A_414 : vector<16xf32> to vector<16xf32>
          %parallel_loop3A_416 = arith.select %parallel_loop3A_288, %get3A_38, %parallel_loop3A_415 : vector<16xi1>, vector<16xf32>
          %parallel_loop3A_417 = arith.index_cast %parallel_loop3A_412 : i32 to index
          %parallel_loop3A_418 = tpu.vector_load %arg7[%parallel_loop3A_417] {strides = array<i32>} : memref<12288xf32, #tpu.memory_space<vmem>>, vector<16xf32>,
          %parallel_loop3A_419 = vector.shape_cast %parallel_loop3A_418 : vector<16xf32> to vector<16xf32>
          %parallel_loop3A_420 = vector.shape_cast %parallel_loop3A_416 : vector<16xf32> to vector<16xf32>
          tpu.vector_store %arg7[%parallel_loop3A_417], %parallel_loop3A_420 {strides = array<i32>} : memref<12288xf32, #tpu.memory_space<vmem>>, vector<16xf32>,
          %parallel_loop3A_421 = arith.constant 768 : i32
          %parallel_loop3A_422 = arith.muli %parallel_loop3A_277, %parallel_loop3A_421 : i32
          %parallel_loop3A_423 = arith.constant 176 : i32
          %parallel_loop3A_424 = arith.addi %parallel_loop3A_422, %parallel_loop3A_423 : i32
          %parallel_loop3A_425 = arith.index_cast %parallel_loop3A_424 : i32 to index
          %parallel_loop3A_426 = tpu.vector_load %arg7[%parallel_loop3A_425] {strides = array<i32>} : memref<12288xf32, #tpu.memory_space<vmem>>, vector<16xf32>,
          %parallel_loop3A_427 = vector.shape_cast %parallel_loop3A_426 : vector<16xf32> to vector<16xf32>
          %parallel_loop3A_428 = arith.select %parallel_loop3A_288, %get3A_41, %parallel_loop3A_427 : vector<16xi1>, vector<16xf32>
          %parallel_loop3A_429 = arith.index_cast %parallel_loop3A_424 : i32 to index
          %parallel_loop3A_430 = tpu.vector_load %arg7[%parallel_loop3A_429] {strides = array<i32>} : memref<12288xf32, #tpu.memory_space<vmem>>, vector<16xf32>,
          %parallel_loop3A_431 = vector.shape_cast %parallel_loop3A_430 : vector<16xf32> to vector<16xf32>
          %parallel_loop3A_432 = vector.shape_cast %parallel_loop3A_428 : vector<16xf32> to vector<16xf32>
          tpu.vector_store %arg7[%parallel_loop3A_429], %parallel_loop3A_432 {strides = array<i32>} : memref<12288xf32, #tpu.memory_space<vmem>>, vector<16xf32>,
          %parallel_loop3A_433 = arith.constant 768 : i32
          %parallel_loop3A_434 = arith.muli %parallel_loop3A_277, %parallel_loop3A_433 : i32
          %parallel_loop3A_435 = arith.constant 192 : i32
          %parallel_loop3A_436 = arith.addi %parallel_loop3A_434, %parallel_loop3A_435 : i32
          %parallel_loop3A_437 = arith.index_cast %parallel_loop3A_436 : i32 to index
          %parallel_loop3A_438 = tpu.vector_load %arg7[%parallel_loop3A_437] {strides = array<i32>} : memref<12288xf32, #tpu.memory_space<vmem>>, vector<16xf32>,
          %parallel_loop3A_439 = vector.shape_cast %parallel_loop3A_438 : vector<16xf32> to vector<16xf32>
          %parallel_loop3A_440 = arith.select %parallel_loop3A_288, %get3A_44, %parallel_loop3A_439 : vector<16xi1>, vector<16xf32>
          %parallel_loop3A_441 = arith.index_cast %parallel_loop3A_436 : i32 to index
          %parallel_loop3A_442 = tpu.vector_load %arg7[%parallel_loop3A_441] {strides = array<i32>} : memref<12288xf32, #tpu.memory_space<vmem>>, vector<16xf32>,
          %parallel_loop3A_443 = vector.shape_cast %parallel_loop3A_442 : vector<16xf32> to vector<16xf32>
          %parallel_loop3A_444 = vector.shape_cast %parallel_loop3A_440 : vector<16xf32> to vector<16xf32>
          tpu.vector_store %arg7[%parallel_loop3A_441], %parallel_loop3A_444 {strides = array<i32>} : memref<12288xf32, #tpu.memory_space<vmem>>, vector<16xf32>,
          %parallel_loop3A_445 = arith.constant 768 : i32
          %parallel_loop3A_446 = arith.muli %parallel_loop3A_277, %parallel_loop3A_445 : i32
          %parallel_loop3A_447 = arith.constant 208 : i32
          %parallel_loop3A_448 = arith.addi %parallel_loop3A_446, %parallel_loop3A_447 : i32
          %parallel_loop3A_449 = arith.index_cast %parallel_loop3A_448 : i32 to index
          %parallel_loop3A_450 = tpu.vector_load %arg7[%parallel_loop3A_449] {strides = array<i32>} : memref<12288xf32, #tpu.memory_space<vmem>>, vector<16xf32>,
          %parallel_loop3A_451 = vector.shape_cast %parallel_loop3A_450 : vector<16xf32> to vector<16xf32>
          %parallel_loop3A_452 = arith.select %parallel_loop3A_288, %get3A_47, %parallel_loop3A_451 : vector<16xi1>, vector<16xf32>
          %parallel_loop3A_453 = arith.index_cast %parallel_loop3A_448 : i32 to index
          %parallel_loop3A_454 = tpu.vector_load %arg7[%parallel_loop3A_453] {strides = array<i32>} : memref<12288xf32, #tpu.memory_space<vmem>>, vector<16xf32>,
          %parallel_loop3A_455 = vector.shape_cast %parallel_loop3A_454 : vector<16xf32> to vector<16xf32>
          %parallel_loop3A_456 = vector.shape_cast %parallel_loop3A_452 : vector<16xf32> to vector<16xf32>
          tpu.vector_store %arg7[%parallel_loop3A_453], %parallel_loop3A_456 {strides = array<i32>} : memref<12288xf32, #tpu.memory_space<vmem>>, vector<16xf32>,
          %parallel_loop3A_457 = arith.constant 768 : i32
          %parallel_loop3A_458 = arith.muli %parallel_loop3A_277, %parallel_loop3A_457 : i32
          %parallel_loop3A_459 = arith.constant 224 : i32
          %parallel_loop3A_460 = arith.addi %parallel_loop3A_458, %parallel_loop3A_459 : i32
          %parallel_loop3A_461 = arith.index_cast %parallel_loop3A_460 : i32 to index
          %parallel_loop3A_462 = tpu.vector_load %arg7[%parallel_loop3A_461] {strides = array<i32>} : memref<12288xf32, #tpu.memory_space<vmem>>, vector<16xf32>,
          %parallel_loop3A_463 = vector.shape_cast %parallel_loop3A_462 : vector<16xf32> to vector<16xf32>
          %parallel_loop3A_464 = arith.select %parallel_loop3A_288, %get3A_50, %parallel_loop3A_463 : vector<16xi1>, vector<16xf32>
          %parallel_loop3A_465 = arith.index_cast %parallel_loop3A_460 : i32 to index
          %parallel_loop3A_466 = tpu.vector_load %arg7[%parallel_loop3A_465] {strides = array<i32>} : memref<12288xf32, #tpu.memory_space<vmem>>, vector<16xf32>,
          %parallel_loop3A_467 = vector.shape_cast %parallel_loop3A_466 : vector<16xf32> to vector<16xf32>
          %parallel_loop3A_468 = vector.shape_cast %parallel_loop3A_464 : vector<16xf32> to vector<16xf32>
          tpu.vector_store %arg7[%parallel_loop3A_465], %parallel_loop3A_468 {strides = array<i32>} : memref<12288xf32, #tpu.memory_space<vmem>>, vector<16xf32>,
          %parallel_loop3A_469 = arith.constant 768 : i32
          %parallel_loop3A_470 = arith.muli %parallel_loop3A_277, %parallel_loop3A_469 : i32
          %parallel_loop3A_471 = arith.constant 240 : i32
          %parallel_loop3A_472 = arith.addi %parallel_loop3A_470, %parallel_loop3A_471 : i32
          %parallel_loop3A_473 = arith.index_cast %parallel_loop3A_472 : i32 to index
          %parallel_loop3A_474 = tpu.vector_load %arg7[%parallel_loop3A_473] {strides = array<i32>} : memref<12288xf32, #tpu.memory_space<vmem>>, vector<16xf32>,
          %parallel_loop3A_475 = vector.shape_cast %parallel_loop3A_474 : vector<16xf32> to vector<16xf32>
          %parallel_loop3A_476 = arith.select %parallel_loop3A_288, %get3A_53, %parallel_loop3A_475 : vector<16xi1>, vector<16xf32>
          %parallel_loop3A_477 = arith.index_cast %parallel_loop3A_472 : i32 to index
          %parallel_loop3A_478 = tpu.vector_load %arg7[%parallel_loop3A_477] {strides = array<i32>} : memref<12288xf32, #tpu.memory_space<vmem>>, vector<16xf32>,
          %parallel_loop3A_479 = vector.shape_cast %parallel_loop3A_478 : vector<16xf32> to vector<16xf32>
          %parallel_loop3A_480 = vector.shape_cast %parallel_loop3A_476 : vector<16xf32> to vector<16xf32>
          tpu.vector_store %arg7[%parallel_loop3A_477], %parallel_loop3A_480 {strides = array<i32>} : memref<12288xf32, #tpu.memory_space<vmem>>, vector<16xf32>,
          %parallel_loop3A_481 = arith.constant 768 : i32
          %parallel_loop3A_482 = arith.muli %parallel_loop3A_277, %parallel_loop3A_481 : i32
          %parallel_loop3A_483 = arith.constant 256 : i32
          %parallel_loop3A_484 = arith.addi %parallel_loop3A_482, %parallel_loop3A_483 : i32
          %parallel_loop3A_485 = arith.index_cast %parallel_loop3A_484 : i32 to index
          %parallel_loop3A_486 = tpu.vector_load %arg7[%parallel_loop3A_485] {strides = array<i32>} : memref<12288xf32, #tpu.memory_space<vmem>>, vector<16xf32>,
          %parallel_loop3A_487 = vector.shape_cast %parallel_loop3A_486 : vector<16xf32> to vector<16xf32>
          %parallel_loop3A_488 = arith.select %parallel_loop3A_288, %get3A_56, %parallel_loop3A_487 : vector<16xi1>, vector<16xf32>
          %parallel_loop3A_489 = arith.index_cast %parallel_loop3A_484 : i32 to index
          %parallel_loop3A_490 = tpu.vector_load %arg7[%parallel_loop3A_489] {strides = array<i32>} : memref<12288xf32, #tpu.memory_space<vmem>>, vector<16xf32>,
          %parallel_loop3A_491 = vector.shape_cast %parallel_loop3A_490 : vector<16xf32> to vector<16xf32>
          %parallel_loop3A_492 = vector.shape_cast %parallel_loop3A_488 : vector<16xf32> to vector<16xf32>
          tpu.vector_store %arg7[%parallel_loop3A_489], %parallel_loop3A_492 {strides = array<i32>} : memref<12288xf32, #tpu.memory_space<vmem>>, vector<16xf32>,
          %parallel_loop3A_493 = arith.constant 768 : i32
          %parallel_loop3A_494 = arith.muli %parallel_loop3A_277, %parallel_loop3A_493 : i32
          %parallel_loop3A_495 = arith.constant 272 : i32
          %parallel_loop3A_496 = arith.addi %parallel_loop3A_494, %parallel_loop3A_495 : i32
          %parallel_loop3A_497 = arith.index_cast %parallel_loop3A_496 : i32 to index
          %parallel_loop3A_498 = tpu.vector_load %arg7[%parallel_loop3A_497] {strides = array<i32>} : memref<12288xf32, #tpu.memory_space<vmem>>, vector<16xf32>,
          %parallel_loop3A_499 = vector.shape_cast %parallel_loop3A_498 : vector<16xf32> to vector<16xf32>
          %parallel_loop3A_500 = arith.select %parallel_loop3A_288, %get3A_59, %parallel_loop3A_499 : vector<16xi1>, vector<16xf32>
          %parallel_loop3A_501 = arith.index_cast %parallel_loop3A_496 : i32 to index
          %parallel_loop3A_502 = tpu.vector_load %arg7[%parallel_loop3A_501] {strides = array<i32>} : memref<12288xf32, #tpu.memory_space<vmem>>, vector<16xf32>,
          %parallel_loop3A_503 = vector.shape_cast %parallel_loop3A_502 : vector<16xf32> to vector<16xf32>
          %parallel_loop3A_504 = vector.shape_cast %parallel_loop3A_500 : vector<16xf32> to vector<16xf32>
          tpu.vector_store %arg7[%parallel_loop3A_501], %parallel_loop3A_504 {strides = array<i32>} : memref<12288xf32, #tpu.memory_space<vmem>>, vector<16xf32>,
          %parallel_loop3A_505 = arith.constant 768 : i32
          %parallel_loop3A_506 = arith.muli %parallel_loop3A_277, %parallel_loop3A_505 : i32
          %parallel_loop3A_507 = arith.constant 288 : i32
          %parallel_loop3A_508 = arith.addi %parallel_loop3A_506, %parallel_loop3A_507 : i32
          %parallel_loop3A_509 = arith.index_cast %parallel_loop3A_508 : i32 to index
          %parallel_loop3A_510 = tpu.vector_load %arg7[%parallel_loop3A_509] {strides = array<i32>} : memref<12288xf32, #tpu.memory_space<vmem>>, vector<16xf32>,
          %parallel_loop3A_511 = vector.shape_cast %parallel_loop3A_510 : vector<16xf32> to vector<16xf32>
          %parallel_loop3A_512 = arith.select %parallel_loop3A_288, %get3A_62, %parallel_loop3A_511 : vector<16xi1>, vector<16xf32>
          %parallel_loop3A_513 = arith.index_cast %parallel_loop3A_508 : i32 to index
          %parallel_loop3A_514 = tpu.vector_load %arg7[%parallel_loop3A_513] {strides = array<i32>} : memref<12288xf32, #tpu.memory_space<vmem>>, vector<16xf32>,
          %parallel_loop3A_515 = vector.shape_cast %parallel_loop3A_514 : vector<16xf32> to vector<16xf32>
          %parallel_loop3A_516 = vector.shape_cast %parallel_loop3A_512 : vector<16xf32> to vector<16xf32>
          tpu.vector_store %arg7[%parallel_loop3A_513], %parallel_loop3A_516 {strides = array<i32>} : memref<12288xf32, #tpu.memory_space<vmem>>, vector<16xf32>,
          %parallel_loop3A_517 = arith.constant 768 : i32
          %parallel_loop3A_518 = arith.muli %parallel_loop3A_277, %parallel_loop3A_517 : i32
          %parallel_loop3A_519 = arith.constant 304 : i32
          %parallel_loop3A_520 = arith.addi %parallel_loop3A_518, %parallel_loop3A_519 : i32
          %parallel_loop3A_521 = arith.index_cast %parallel_loop3A_520 : i32 to index
          %parallel_loop3A_522 = tpu.vector_load %arg7[%parallel_loop3A_521] {strides = array<i32>} : memref<12288xf32, #tpu.memory_space<vmem>>, vector<16xf32>,
          %parallel_loop3A_523 = vector.shape_cast %parallel_loop3A_522 : vector<16xf32> to vector<16xf32>
          %parallel_loop3A_524 = arith.select %parallel_loop3A_288, %get3A_65, %parallel_loop3A_523 : vector<16xi1>, vector<16xf32>
          %parallel_loop3A_525 = arith.index_cast %parallel_loop3A_520 : i32 to index
          %parallel_loop3A_526 = tpu.vector_load %arg7[%parallel_loop3A_525] {strides = array<i32>} : memref<12288xf32, #tpu.memory_space<vmem>>, vector<16xf32>,
          %parallel_loop3A_527 = vector.shape_cast %parallel_loop3A_526 : vector<16xf32> to vector<16xf32>
          %parallel_loop3A_528 = vector.shape_cast %parallel_loop3A_524 : vector<16xf32> to vector<16xf32>
          tpu.vector_store %arg7[%parallel_loop3A_525], %parallel_loop3A_528 {strides = array<i32>} : memref<12288xf32, #tpu.memory_space<vmem>>, vector<16xf32>,
          %parallel_loop3A_529 = arith.constant 768 : i32
          %parallel_loop3A_530 = arith.muli %parallel_loop3A_277, %parallel_loop3A_529 : i32
          %parallel_loop3A_531 = arith.constant 320 : i32
          %parallel_loop3A_532 = arith.addi %parallel_loop3A_530, %parallel_loop3A_531 : i32
          %parallel_loop3A_533 = arith.index_cast %parallel_loop3A_532 : i32 to index
          %parallel_loop3A_534 = tpu.vector_load %arg7[%parallel_loop3A_533] {strides = array<i32>} : memref<12288xf32, #tpu.memory_space<vmem>>, vector<16xf32>,
          %parallel_loop3A_535 = vector.shape_cast %parallel_loop3A_534 : vector<16xf32> to vector<16xf32>
          %parallel_loop3A_536 = arith.select %parallel_loop3A_288, %get3A_68, %parallel_loop3A_535 : vector<16xi1>, vector<16xf32>
          %parallel_loop3A_537 = arith.index_cast %parallel_loop3A_532 : i32 to index
          %parallel_loop3A_538 = tpu.vector_load %arg7[%parallel_loop3A_537] {strides = array<i32>} : memref<12288xf32, #tpu.memory_space<vmem>>, vector<16xf32>,
          %parallel_loop3A_539 = vector.shape_cast %parallel_loop3A_538 : vector<16xf32> to vector<16xf32>
          %parallel_loop3A_540 = vector.shape_cast %parallel_loop3A_536 : vector<16xf32> to vector<16xf32>
          tpu.vector_store %arg7[%parallel_loop3A_537], %parallel_loop3A_540 {strides = array<i32>} : memref<12288xf32, #tpu.memory_space<vmem>>, vector<16xf32>,
          %parallel_loop3A_541 = arith.constant 768 : i32
          %parallel_loop3A_542 = arith.muli %parallel_loop3A_277, %parallel_loop3A_541 : i32
          %parallel_loop3A_543 = arith.constant 336 : i32
          %parallel_loop3A_544 = arith.addi %parallel_loop3A_542, %parallel_loop3A_543 : i32
          %parallel_loop3A_545 = arith.index_cast %parallel_loop3A_544 : i32 to index
          %parallel_loop3A_546 = tpu.vector_load %arg7[%parallel_loop3A_545] {strides = array<i32>} : memref<12288xf32, #tpu.memory_space<vmem>>, vector<16xf32>,
          %parallel_loop3A_547 = vector.shape_cast %parallel_loop3A_546 : vector<16xf32> to vector<16xf32>
          %parallel_loop3A_548 = arith.select %parallel_loop3A_288, %get3A_71, %parallel_loop3A_547 : vector<16xi1>, vector<16xf32>
          %parallel_loop3A_549 = arith.index_cast %parallel_loop3A_544 : i32 to index
          %parallel_loop3A_550 = tpu.vector_load %arg7[%parallel_loop3A_549] {strides = array<i32>} : memref<12288xf32, #tpu.memory_space<vmem>>, vector<16xf32>,
          %parallel_loop3A_551 = vector.shape_cast %parallel_loop3A_550 : vector<16xf32> to vector<16xf32>
          %parallel_loop3A_552 = vector.shape_cast %parallel_loop3A_548 : vector<16xf32> to vector<16xf32>
          tpu.vector_store %arg7[%parallel_loop3A_549], %parallel_loop3A_552 {strides = array<i32>} : memref<12288xf32, #tpu.memory_space<vmem>>, vector<16xf32>,
          %parallel_loop3A_553 = arith.constant 768 : i32
          %parallel_loop3A_554 = arith.muli %parallel_loop3A_277, %parallel_loop3A_553 : i32
          %parallel_loop3A_555 = arith.constant 352 : i32
          %parallel_loop3A_556 = arith.addi %parallel_loop3A_554, %parallel_loop3A_555 : i32
          %parallel_loop3A_557 = arith.index_cast %parallel_loop3A_556 : i32 to index
          %parallel_loop3A_558 = tpu.vector_load %arg7[%parallel_loop3A_557] {strides = array<i32>} : memref<12288xf32, #tpu.memory_space<vmem>>, vector<16xf32>,
          %parallel_loop3A_559 = vector.shape_cast %parallel_loop3A_558 : vector<16xf32> to vector<16xf32>
          %parallel_loop3A_560 = arith.select %parallel_loop3A_288, %get3A_74, %parallel_loop3A_559 : vector<16xi1>, vector<16xf32>
          %parallel_loop3A_561 = arith.index_cast %parallel_loop3A_556 : i32 to index
          %parallel_loop3A_562 = tpu.vector_load %arg7[%parallel_loop3A_561] {strides = array<i32>} : memref<12288xf32, #tpu.memory_space<vmem>>, vector<16xf32>,
          %parallel_loop3A_563 = vector.shape_cast %parallel_loop3A_562 : vector<16xf32> to vector<16xf32>
          %parallel_loop3A_564 = vector.shape_cast %parallel_loop3A_560 : vector<16xf32> to vector<16xf32>
          tpu.vector_store %arg7[%parallel_loop3A_561], %parallel_loop3A_564 {strides = array<i32>} : memref<12288xf32, #tpu.memory_space<vmem>>, vector<16xf32>,
          %parallel_loop3A_565 = arith.constant 768 : i32
          %parallel_loop3A_566 = arith.muli %parallel_loop3A_277, %parallel_loop3A_565 : i32
          %parallel_loop3A_567 = arith.constant 368 : i32
          %parallel_loop3A_568 = arith.addi %parallel_loop3A_566, %parallel_loop3A_567 : i32
          %parallel_loop3A_569 = arith.index_cast %parallel_loop3A_568 : i32 to index
          %parallel_loop3A_570 = tpu.vector_load %arg7[%parallel_loop3A_569] {strides = array<i32>} : memref<12288xf32, #tpu.memory_space<vmem>>, vector<16xf32>,
          %parallel_loop3A_571 = vector.shape_cast %parallel_loop3A_570 : vector<16xf32> to vector<16xf32>
          %parallel_loop3A_572 = arith.select %parallel_loop3A_288, %get3A_77, %parallel_loop3A_571 : vector<16xi1>, vector<16xf32>
          %parallel_loop3A_573 = arith.index_cast %parallel_loop3A_568 : i32 to index
          %parallel_loop3A_574 = tpu.vector_load %arg7[%parallel_loop3A_573] {strides = array<i32>} : memref<12288xf32, #tpu.memory_space<vmem>>, vector<16xf32>,
          %parallel_loop3A_575 = vector.shape_cast %parallel_loop3A_574 : vector<16xf32> to vector<16xf32>
          %parallel_loop3A_576 = vector.shape_cast %parallel_loop3A_572 : vector<16xf32> to vector<16xf32>
          tpu.vector_store %arg7[%parallel_loop3A_573], %parallel_loop3A_576 {strides = array<i32>} : memref<12288xf32, #tpu.memory_space<vmem>>, vector<16xf32>,
          %parallel_loop3A_577 = arith.constant 768 : i32
          %parallel_loop3A_578 = arith.muli %parallel_loop3A_277, %parallel_loop3A_577 : i32
          %parallel_loop3A_579 = arith.constant 384 : i32
          %parallel_loop3A_580 = arith.addi %parallel_loop3A_578, %parallel_loop3A_579 : i32
          %parallel_loop3A_581 = arith.index_cast %parallel_loop3A_580 : i32 to index
          %parallel_loop3A_582 = tpu.vector_load %arg7[%parallel_loop3A_581] {strides = array<i32>} : memref<12288xf32, #tpu.memory_space<vmem>>, vector<16xf32>,
          %parallel_loop3A_583 = vector.shape_cast %parallel_loop3A_582 : vector<16xf32> to vector<16xf32>
          %parallel_loop3A_584 = arith.select %parallel_loop3A_288, %get3A_80, %parallel_loop3A_583 : vector<16xi1>, vector<16xf32>
          %parallel_loop3A_585 = arith.index_cast %parallel_loop3A_580 : i32 to index
          %parallel_loop3A_586 = tpu.vector_load %arg7[%parallel_loop3A_585] {strides = array<i32>} : memref<12288xf32, #tpu.memory_space<vmem>>, vector<16xf32>,
          %parallel_loop3A_587 = vector.shape_cast %parallel_loop3A_586 : vector<16xf32> to vector<16xf32>
          %parallel_loop3A_588 = vector.shape_cast %parallel_loop3A_584 : vector<16xf32> to vector<16xf32>
          tpu.vector_store %arg7[%parallel_loop3A_585], %parallel_loop3A_588 {strides = array<i32>} : memref<12288xf32, #tpu.memory_space<vmem>>, vector<16xf32>,
          %parallel_loop3A_589 = arith.constant 768 : i32
          %parallel_loop3A_590 = arith.muli %parallel_loop3A_277, %parallel_loop3A_589 : i32
          %parallel_loop3A_591 = arith.constant 400 : i32
          %parallel_loop3A_592 = arith.addi %parallel_loop3A_590, %parallel_loop3A_591 : i32
          %parallel_loop3A_593 = arith.index_cast %parallel_loop3A_592 : i32 to index
          %parallel_loop3A_594 = tpu.vector_load %arg7[%parallel_loop3A_593] {strides = array<i32>} : memref<12288xf32, #tpu.memory_space<vmem>>, vector<16xf32>,
          %parallel_loop3A_595 = vector.shape_cast %parallel_loop3A_594 : vector<16xf32> to vector<16xf32>
          %parallel_loop3A_596 = arith.select %parallel_loop3A_288, %get3A_83, %parallel_loop3A_595 : vector<16xi1>, vector<16xf32>
          %parallel_loop3A_597 = arith.index_cast %parallel_loop3A_592 : i32 to index
          %parallel_loop3A_598 = tpu.vector_load %arg7[%parallel_loop3A_597] {strides = array<i32>} : memref<12288xf32, #tpu.memory_space<vmem>>, vector<16xf32>,
          %parallel_loop3A_599 = vector.shape_cast %parallel_loop3A_598 : vector<16xf32> to vector<16xf32>
          %parallel_loop3A_600 = vector.shape_cast %parallel_loop3A_596 : vector<16xf32> to vector<16xf32>
          tpu.vector_store %arg7[%parallel_loop3A_597], %parallel_loop3A_600 {strides = array<i32>} : memref<12288xf32, #tpu.memory_space<vmem>>, vector<16xf32>,
          %parallel_loop3A_601 = arith.constant 768 : i32
          %parallel_loop3A_602 = arith.muli %parallel_loop3A_277, %parallel_loop3A_601 : i32
          %parallel_loop3A_603 = arith.constant 416 : i32
          %parallel_loop3A_604 = arith.addi %parallel_loop3A_602, %parallel_loop3A_603 : i32
          %parallel_loop3A_605 = arith.index_cast %parallel_loop3A_604 : i32 to index
          %parallel_loop3A_606 = tpu.vector_load %arg7[%parallel_loop3A_605] {strides = array<i32>} : memref<12288xf32, #tpu.memory_space<vmem>>, vector<16xf32>,
          %parallel_loop3A_607 = vector.shape_cast %parallel_loop3A_606 : vector<16xf32> to vector<16xf32>
          %parallel_loop3A_608 = arith.select %parallel_loop3A_288, %get3A_86, %parallel_loop3A_607 : vector<16xi1>, vector<16xf32>
          %parallel_loop3A_609 = arith.index_cast %parallel_loop3A_604 : i32 to index
          %parallel_loop3A_610 = tpu.vector_load %arg7[%parallel_loop3A_609] {strides = array<i32>} : memref<12288xf32, #tpu.memory_space<vmem>>, vector<16xf32>,
          %parallel_loop3A_611 = vector.shape_cast %parallel_loop3A_610 : vector<16xf32> to vector<16xf32>
          %parallel_loop3A_612 = vector.shape_cast %parallel_loop3A_608 : vector<16xf32> to vector<16xf32>
          tpu.vector_store %arg7[%parallel_loop3A_609], %parallel_loop3A_612 {strides = array<i32>} : memref<12288xf32, #tpu.memory_space<vmem>>, vector<16xf32>,
          %parallel_loop3A_613 = arith.constant 768 : i32
          %parallel_loop3A_614 = arith.muli %parallel_loop3A_277, %parallel_loop3A_613 : i32
          %parallel_loop3A_615 = arith.constant 432 : i32
          %parallel_loop3A_616 = arith.addi %parallel_loop3A_614, %parallel_loop3A_615 : i32
          %parallel_loop3A_617 = arith.index_cast %parallel_loop3A_616 : i32 to index
          %parallel_loop3A_618 = tpu.vector_load %arg7[%parallel_loop3A_617] {strides = array<i32>} : memref<12288xf32, #tpu.memory_space<vmem>>, vector<16xf32>,
          %parallel_loop3A_619 = vector.shape_cast %parallel_loop3A_618 : vector<16xf32> to vector<16xf32>
          %parallel_loop3A_620 = arith.select %parallel_loop3A_288, %get3A_89, %parallel_loop3A_619 : vector<16xi1>, vector<16xf32>
          %parallel_loop3A_621 = arith.index_cast %parallel_loop3A_616 : i32 to index
          %parallel_loop3A_622 = tpu.vector_load %arg7[%parallel_loop3A_621] {strides = array<i32>} : memref<12288xf32, #tpu.memory_space<vmem>>, vector<16xf32>,
          %parallel_loop3A_623 = vector.shape_cast %parallel_loop3A_622 : vector<16xf32> to vector<16xf32>
          %parallel_loop3A_624 = vector.shape_cast %parallel_loop3A_620 : vector<16xf32> to vector<16xf32>
          tpu.vector_store %arg7[%parallel_loop3A_621], %parallel_loop3A_624 {strides = array<i32>} : memref<12288xf32, #tpu.memory_space<vmem>>, vector<16xf32>,
          %parallel_loop3A_625 = arith.constant 768 : i32
          %parallel_loop3A_626 = arith.muli %parallel_loop3A_277, %parallel_loop3A_625 : i32
          %parallel_loop3A_627 = arith.constant 448 : i32
          %parallel_loop3A_628 = arith.addi %parallel_loop3A_626, %parallel_loop3A_627 : i32
          %parallel_loop3A_629 = arith.index_cast %parallel_loop3A_628 : i32 to index
          %parallel_loop3A_630 = tpu.vector_load %arg7[%parallel_loop3A_629] {strides = array<i32>} : memref<12288xf32, #tpu.memory_space<vmem>>, vector<16xf32>,
          %parallel_loop3A_631 = vector.shape_cast %parallel_loop3A_630 : vector<16xf32> to vector<16xf32>
          %parallel_loop3A_632 = arith.select %parallel_loop3A_288, %get3A_92, %parallel_loop3A_631 : vector<16xi1>, vector<16xf32>
          %parallel_loop3A_633 = arith.index_cast %parallel_loop3A_628 : i32 to index
          %parallel_loop3A_634 = tpu.vector_load %arg7[%parallel_loop3A_633] {strides = array<i32>} : memref<12288xf32, #tpu.memory_space<vmem>>, vector<16xf32>,
          %parallel_loop3A_635 = vector.shape_cast %parallel_loop3A_634 : vector<16xf32> to vector<16xf32>
          %parallel_loop3A_636 = vector.shape_cast %parallel_loop3A_632 : vector<16xf32> to vector<16xf32>
          tpu.vector_store %arg7[%parallel_loop3A_633], %parallel_loop3A_636 {strides = array<i32>} : memref<12288xf32, #tpu.memory_space<vmem>>, vector<16xf32>,
          %parallel_loop3A_637 = arith.constant 768 : i32
          %parallel_loop3A_638 = arith.muli %parallel_loop3A_277, %parallel_loop3A_637 : i32
          %parallel_loop3A_639 = arith.constant 464 : i32
          %parallel_loop3A_640 = arith.addi %parallel_loop3A_638, %parallel_loop3A_639 : i32
          %parallel_loop3A_641 = arith.index_cast %parallel_loop3A_640 : i32 to index
          %parallel_loop3A_642 = tpu.vector_load %arg7[%parallel_loop3A_641] {strides = array<i32>} : memref<12288xf32, #tpu.memory_space<vmem>>, vector<16xf32>,
          %parallel_loop3A_643 = vector.shape_cast %parallel_loop3A_642 : vector<16xf32> to vector<16xf32>
          %parallel_loop3A_644 = arith.select %parallel_loop3A_288, %get3A_95, %parallel_loop3A_643 : vector<16xi1>, vector<16xf32>
          %parallel_loop3A_645 = arith.index_cast %parallel_loop3A_640 : i32 to index
          %parallel_loop3A_646 = tpu.vector_load %arg7[%parallel_loop3A_645] {strides = array<i32>} : memref<12288xf32, #tpu.memory_space<vmem>>, vector<16xf32>,
          %parallel_loop3A_647 = vector.shape_cast %parallel_loop3A_646 : vector<16xf32> to vector<16xf32>
          %parallel_loop3A_648 = vector.shape_cast %parallel_loop3A_644 : vector<16xf32> to vector<16xf32>
          tpu.vector_store %arg7[%parallel_loop3A_645], %parallel_loop3A_648 {strides = array<i32>} : memref<12288xf32, #tpu.memory_space<vmem>>, vector<16xf32>,
          %parallel_loop3A_649 = arith.constant 768 : i32
          %parallel_loop3A_650 = arith.muli %parallel_loop3A_277, %parallel_loop3A_649 : i32
          %parallel_loop3A_651 = arith.constant 480 : i32
          %parallel_loop3A_652 = arith.addi %parallel_loop3A_650, %parallel_loop3A_651 : i32
          %parallel_loop3A_653 = arith.index_cast %parallel_loop3A_652 : i32 to index
          %parallel_loop3A_654 = tpu.vector_load %arg7[%parallel_loop3A_653] {strides = array<i32>} : memref<12288xf32, #tpu.memory_space<vmem>>, vector<16xf32>,
          %parallel_loop3A_655 = vector.shape_cast %parallel_loop3A_654 : vector<16xf32> to vector<16xf32>
          %parallel_loop3A_656 = arith.select %parallel_loop3A_288, %get3A_98, %parallel_loop3A_655 : vector<16xi1>, vector<16xf32>
          %parallel_loop3A_657 = arith.index_cast %parallel_loop3A_652 : i32 to index
          %parallel_loop3A_658 = tpu.vector_load %arg7[%parallel_loop3A_657] {strides = array<i32>} : memref<12288xf32, #tpu.memory_space<vmem>>, vector<16xf32>,
          %parallel_loop3A_659 = vector.shape_cast %parallel_loop3A_658 : vector<16xf32> to vector<16xf32>
          %parallel_loop3A_660 = vector.shape_cast %parallel_loop3A_656 : vector<16xf32> to vector<16xf32>
          tpu.vector_store %arg7[%parallel_loop3A_657], %parallel_loop3A_660 {strides = array<i32>} : memref<12288xf32, #tpu.memory_space<vmem>>, vector<16xf32>,
          %parallel_loop3A_661 = arith.constant 768 : i32
          %parallel_loop3A_662 = arith.muli %parallel_loop3A_277, %parallel_loop3A_661 : i32
          %parallel_loop3A_663 = arith.constant 496 : i32
          %parallel_loop3A_664 = arith.addi %parallel_loop3A_662, %parallel_loop3A_663 : i32
          %parallel_loop3A_665 = arith.index_cast %parallel_loop3A_664 : i32 to index
          %parallel_loop3A_666 = tpu.vector_load %arg7[%parallel_loop3A_665] {strides = array<i32>} : memref<12288xf32, #tpu.memory_space<vmem>>, vector<16xf32>,
          %parallel_loop3A_667 = vector.shape_cast %parallel_loop3A_666 : vector<16xf32> to vector<16xf32>
          %parallel_loop3A_668 = arith.select %parallel_loop3A_288, %get3A_101, %parallel_loop3A_667 : vector<16xi1>, vector<16xf32>
          %parallel_loop3A_669 = arith.index_cast %parallel_loop3A_664 : i32 to index
          %parallel_loop3A_670 = tpu.vector_load %arg7[%parallel_loop3A_669] {strides = array<i32>} : memref<12288xf32, #tpu.memory_space<vmem>>, vector<16xf32>,
          %parallel_loop3A_671 = vector.shape_cast %parallel_loop3A_670 : vector<16xf32> to vector<16xf32>
          %parallel_loop3A_672 = vector.shape_cast %parallel_loop3A_668 : vector<16xf32> to vector<16xf32>
          tpu.vector_store %arg7[%parallel_loop3A_669], %parallel_loop3A_672 {strides = array<i32>} : memref<12288xf32, #tpu.memory_space<vmem>>, vector<16xf32>,
          %parallel_loop3A_673 = arith.constant 768 : i32
          %parallel_loop3A_674 = arith.muli %parallel_loop3A_277, %parallel_loop3A_673 : i32
          %parallel_loop3A_675 = arith.constant 512 : i32
          %parallel_loop3A_676 = arith.addi %parallel_loop3A_674, %parallel_loop3A_675 : i32
          %parallel_loop3A_677 = arith.index_cast %parallel_loop3A_676 : i32 to index
          %parallel_loop3A_678 = tpu.vector_load %arg7[%parallel_loop3A_677] {strides = array<i32>} : memref<12288xf32, #tpu.memory_space<vmem>>, vector<16xf32>,
          %parallel_loop3A_679 = vector.shape_cast %parallel_loop3A_678 : vector<16xf32> to vector<16xf32>
          %parallel_loop3A_680 = arith.select %parallel_loop3A_288, %get3A_104, %parallel_loop3A_679 : vector<16xi1>, vector<16xf32>
          %parallel_loop3A_681 = arith.index_cast %parallel_loop3A_676 : i32 to index
          %parallel_loop3A_682 = tpu.vector_load %arg7[%parallel_loop3A_681] {strides = array<i32>} : memref<12288xf32, #tpu.memory_space<vmem>>, vector<16xf32>,
          %parallel_loop3A_683 = vector.shape_cast %parallel_loop3A_682 : vector<16xf32> to vector<16xf32>
          %parallel_loop3A_684 = vector.shape_cast %parallel_loop3A_680 : vector<16xf32> to vector<16xf32>
          tpu.vector_store %arg7[%parallel_loop3A_681], %parallel_loop3A_684 {strides = array<i32>} : memref<12288xf32, #tpu.memory_space<vmem>>, vector<16xf32>,
          %parallel_loop3A_685 = arith.constant 768 : i32
          %parallel_loop3A_686 = arith.muli %parallel_loop3A_277, %parallel_loop3A_685 : i32
          %parallel_loop3A_687 = arith.constant 528 : i32
          %parallel_loop3A_688 = arith.addi %parallel_loop3A_686, %parallel_loop3A_687 : i32
          %parallel_loop3A_689 = arith.index_cast %parallel_loop3A_688 : i32 to index
          %parallel_loop3A_690 = tpu.vector_load %arg7[%parallel_loop3A_689] {strides = array<i32>} : memref<12288xf32, #tpu.memory_space<vmem>>, vector<16xf32>,
          %parallel_loop3A_691 = vector.shape_cast %parallel_loop3A_690 : vector<16xf32> to vector<16xf32>
          %parallel_loop3A_692 = arith.select %parallel_loop3A_288, %get3A_107, %parallel_loop3A_691 : vector<16xi1>, vector<16xf32>
          %parallel_loop3A_693 = arith.index_cast %parallel_loop3A_688 : i32 to index
          %parallel_loop3A_694 = tpu.vector_load %arg7[%parallel_loop3A_693] {strides = array<i32>} : memref<12288xf32, #tpu.memory_space<vmem>>, vector<16xf32>,
          %parallel_loop3A_695 = vector.shape_cast %parallel_loop3A_694 : vector<16xf32> to vector<16xf32>
          %parallel_loop3A_696 = vector.shape_cast %parallel_loop3A_692 : vector<16xf32> to vector<16xf32>
          tpu.vector_store %arg7[%parallel_loop3A_693], %parallel_loop3A_696 {strides = array<i32>} : memref<12288xf32, #tpu.memory_space<vmem>>, vector<16xf32>,
          %parallel_loop3A_697 = arith.constant 768 : i32
          %parallel_loop3A_698 = arith.muli %parallel_loop3A_277, %parallel_loop3A_697 : i32
          %parallel_loop3A_699 = arith.constant 544 : i32
          %parallel_loop3A_700 = arith.addi %parallel_loop3A_698, %parallel_loop3A_699 : i32
          %parallel_loop3A_701 = arith.index_cast %parallel_loop3A_700 : i32 to index
          %parallel_loop3A_702 = tpu.vector_load %arg7[%parallel_loop3A_701] {strides = array<i32>} : memref<12288xf32, #tpu.memory_space<vmem>>, vector<16xf32>,
          %parallel_loop3A_703 = vector.shape_cast %parallel_loop3A_702 : vector<16xf32> to vector<16xf32>
          %parallel_loop3A_704 = arith.select %parallel_loop3A_288, %get3A_110, %parallel_loop3A_703 : vector<16xi1>, vector<16xf32>
          %parallel_loop3A_705 = arith.index_cast %parallel_loop3A_700 : i32 to index
          %parallel_loop3A_706 = tpu.vector_load %arg7[%parallel_loop3A_705] {strides = array<i32>} : memref<12288xf32, #tpu.memory_space<vmem>>, vector<16xf32>,
          %parallel_loop3A_707 = vector.shape_cast %parallel_loop3A_706 : vector<16xf32> to vector<16xf32>
          %parallel_loop3A_708 = vector.shape_cast %parallel_loop3A_704 : vector<16xf32> to vector<16xf32>
          tpu.vector_store %arg7[%parallel_loop3A_705], %parallel_loop3A_708 {strides = array<i32>} : memref<12288xf32, #tpu.memory_space<vmem>>, vector<16xf32>,
          %parallel_loop3A_709 = arith.constant 768 : i32
          %parallel_loop3A_710 = arith.muli %parallel_loop3A_277, %parallel_loop3A_709 : i32
          %parallel_loop3A_711 = arith.constant 560 : i32
          %parallel_loop3A_712 = arith.addi %parallel_loop3A_710, %parallel_loop3A_711 : i32
          %parallel_loop3A_713 = arith.index_cast %parallel_loop3A_712 : i32 to index
          %parallel_loop3A_714 = tpu.vector_load %arg7[%parallel_loop3A_713] {strides = array<i32>} : memref<12288xf32, #tpu.memory_space<vmem>>, vector<16xf32>,
          %parallel_loop3A_715 = vector.shape_cast %parallel_loop3A_714 : vector<16xf32> to vector<16xf32>
          %parallel_loop3A_716 = arith.select %parallel_loop3A_288, %get3A_113, %parallel_loop3A_715 : vector<16xi1>, vector<16xf32>
          %parallel_loop3A_717 = arith.index_cast %parallel_loop3A_712 : i32 to index
          %parallel_loop3A_718 = tpu.vector_load %arg7[%parallel_loop3A_717] {strides = array<i32>} : memref<12288xf32, #tpu.memory_space<vmem>>, vector<16xf32>,
          %parallel_loop3A_719 = vector.shape_cast %parallel_loop3A_718 : vector<16xf32> to vector<16xf32>
          %parallel_loop3A_720 = vector.shape_cast %parallel_loop3A_716 : vector<16xf32> to vector<16xf32>
          tpu.vector_store %arg7[%parallel_loop3A_717], %parallel_loop3A_720 {strides = array<i32>} : memref<12288xf32, #tpu.memory_space<vmem>>, vector<16xf32>,
          %parallel_loop3A_721 = arith.constant 768 : i32
          %parallel_loop3A_722 = arith.muli %parallel_loop3A_277, %parallel_loop3A_721 : i32
          %parallel_loop3A_723 = arith.constant 576 : i32
          %parallel_loop3A_724 = arith.addi %parallel_loop3A_722, %parallel_loop3A_723 : i32
          %parallel_loop3A_725 = arith.index_cast %parallel_loop3A_724 : i32 to index
          %parallel_loop3A_726 = tpu.vector_load %arg7[%parallel_loop3A_725] {strides = array<i32>} : memref<12288xf32, #tpu.memory_space<vmem>>, vector<16xf32>,
          %parallel_loop3A_727 = vector.shape_cast %parallel_loop3A_726 : vector<16xf32> to vector<16xf32>
          %parallel_loop3A_728 = arith.select %parallel_loop3A_288, %get3A_116, %parallel_loop3A_727 : vector<16xi1>, vector<16xf32>
          %parallel_loop3A_729 = arith.index_cast %parallel_loop3A_724 : i32 to index
          %parallel_loop3A_730 = tpu.vector_load %arg7[%parallel_loop3A_729] {strides = array<i32>} : memref<12288xf32, #tpu.memory_space<vmem>>, vector<16xf32>,
          %parallel_loop3A_731 = vector.shape_cast %parallel_loop3A_730 : vector<16xf32> to vector<16xf32>
          %parallel_loop3A_732 = vector.shape_cast %parallel_loop3A_728 : vector<16xf32> to vector<16xf32>
          tpu.vector_store %arg7[%parallel_loop3A_729], %parallel_loop3A_732 {strides = array<i32>} : memref<12288xf32, #tpu.memory_space<vmem>>, vector<16xf32>,
          %parallel_loop3A_733 = arith.constant 768 : i32
          %parallel_loop3A_734 = arith.muli %parallel_loop3A_277, %parallel_loop3A_733 : i32
          %parallel_loop3A_735 = arith.constant 592 : i32
          %parallel_loop3A_736 = arith.addi %parallel_loop3A_734, %parallel_loop3A_735 : i32
          %parallel_loop3A_737 = arith.index_cast %parallel_loop3A_736 : i32 to index
          %parallel_loop3A_738 = tpu.vector_load %arg7[%parallel_loop3A_737] {strides = array<i32>} : memref<12288xf32, #tpu.memory_space<vmem>>, vector<16xf32>,
          %parallel_loop3A_739 = vector.shape_cast %parallel_loop3A_738 : vector<16xf32> to vector<16xf32>
          %parallel_loop3A_740 = arith.select %parallel_loop3A_288, %get3A_119, %parallel_loop3A_739 : vector<16xi1>, vector<16xf32>
          %parallel_loop3A_741 = arith.index_cast %parallel_loop3A_736 : i32 to index
          %parallel_loop3A_742 = tpu.vector_load %arg7[%parallel_loop3A_741] {strides = array<i32>} : memref<12288xf32, #tpu.memory_space<vmem>>, vector<16xf32>,
          %parallel_loop3A_743 = vector.shape_cast %parallel_loop3A_742 : vector<16xf32> to vector<16xf32>
          %parallel_loop3A_744 = vector.shape_cast %parallel_loop3A_740 : vector<16xf32> to vector<16xf32>
          tpu.vector_store %arg7[%parallel_loop3A_741], %parallel_loop3A_744 {strides = array<i32>} : memref<12288xf32, #tpu.memory_space<vmem>>, vector<16xf32>,
          %parallel_loop3A_745 = arith.constant 768 : i32
          %parallel_loop3A_746 = arith.muli %parallel_loop3A_277, %parallel_loop3A_745 : i32
          %parallel_loop3A_747 = arith.constant 608 : i32
          %parallel_loop3A_748 = arith.addi %parallel_loop3A_746, %parallel_loop3A_747 : i32
          %parallel_loop3A_749 = arith.index_cast %parallel_loop3A_748 : i32 to index
          %parallel_loop3A_750 = tpu.vector_load %arg7[%parallel_loop3A_749] {strides = array<i32>} : memref<12288xf32, #tpu.memory_space<vmem>>, vector<16xf32>,
          %parallel_loop3A_751 = vector.shape_cast %parallel_loop3A_750 : vector<16xf32> to vector<16xf32>
          %parallel_loop3A_752 = arith.select %parallel_loop3A_288, %get3A_122, %parallel_loop3A_751 : vector<16xi1>, vector<16xf32>
          %parallel_loop3A_753 = arith.index_cast %parallel_loop3A_748 : i32 to index
          %parallel_loop3A_754 = tpu.vector_load %arg7[%parallel_loop3A_753] {strides = array<i32>} : memref<12288xf32, #tpu.memory_space<vmem>>, vector<16xf32>,
          %parallel_loop3A_755 = vector.shape_cast %parallel_loop3A_754 : vector<16xf32> to vector<16xf32>
          %parallel_loop3A_756 = vector.shape_cast %parallel_loop3A_752 : vector<16xf32> to vector<16xf32>
          tpu.vector_store %arg7[%parallel_loop3A_753], %parallel_loop3A_756 {strides = array<i32>} : memref<12288xf32, #tpu.memory_space<vmem>>, vector<16xf32>,
          %parallel_loop3A_757 = arith.constant 768 : i32
          %parallel_loop3A_758 = arith.muli %parallel_loop3A_277, %parallel_loop3A_757 : i32
          %parallel_loop3A_759 = arith.constant 624 : i32
          %parallel_loop3A_760 = arith.addi %parallel_loop3A_758, %parallel_loop3A_759 : i32
          %parallel_loop3A_761 = arith.index_cast %parallel_loop3A_760 : i32 to index
          %parallel_loop3A_762 = tpu.vector_load %arg7[%parallel_loop3A_761] {strides = array<i32>} : memref<12288xf32, #tpu.memory_space<vmem>>, vector<16xf32>,
          %parallel_loop3A_763 = vector.shape_cast %parallel_loop3A_762 : vector<16xf32> to vector<16xf32>
          %parallel_loop3A_764 = arith.select %parallel_loop3A_288, %get3A_125, %parallel_loop3A_763 : vector<16xi1>, vector<16xf32>
          %parallel_loop3A_765 = arith.index_cast %parallel_loop3A_760 : i32 to index
          %parallel_loop3A_766 = tpu.vector_load %arg7[%parallel_loop3A_765] {strides = array<i32>} : memref<12288xf32, #tpu.memory_space<vmem>>, vector<16xf32>,
          %parallel_loop3A_767 = vector.shape_cast %parallel_loop3A_766 : vector<16xf32> to vector<16xf32>
          %parallel_loop3A_768 = vector.shape_cast %parallel_loop3A_764 : vector<16xf32> to vector<16xf32>
          tpu.vector_store %arg7[%parallel_loop3A_765], %parallel_loop3A_768 {strides = array<i32>} : memref<12288xf32, #tpu.memory_space<vmem>>, vector<16xf32>,
          %parallel_loop3A_769 = arith.constant 768 : i32
          %parallel_loop3A_770 = arith.muli %parallel_loop3A_277, %parallel_loop3A_769 : i32
          %parallel_loop3A_771 = arith.constant 640 : i32
          %parallel_loop3A_772 = arith.addi %parallel_loop3A_770, %parallel_loop3A_771 : i32
          %parallel_loop3A_773 = arith.index_cast %parallel_loop3A_772 : i32 to index
          %parallel_loop3A_774 = tpu.vector_load %arg7[%parallel_loop3A_773] {strides = array<i32>} : memref<12288xf32, #tpu.memory_space<vmem>>, vector<16xf32>,
          %parallel_loop3A_775 = vector.shape_cast %parallel_loop3A_774 : vector<16xf32> to vector<16xf32>
          %parallel_loop3A_776 = arith.select %parallel_loop3A_288, %get3A_128, %parallel_loop3A_775 : vector<16xi1>, vector<16xf32>
          %parallel_loop3A_777 = arith.index_cast %parallel_loop3A_772 : i32 to index
          %parallel_loop3A_778 = tpu.vector_load %arg7[%parallel_loop3A_777] {strides = array<i32>} : memref<12288xf32, #tpu.memory_space<vmem>>, vector<16xf32>,
          %parallel_loop3A_779 = vector.shape_cast %parallel_loop3A_778 : vector<16xf32> to vector<16xf32>
          %parallel_loop3A_780 = vector.shape_cast %parallel_loop3A_776 : vector<16xf32> to vector<16xf32>
          tpu.vector_store %arg7[%parallel_loop3A_777], %parallel_loop3A_780 {strides = array<i32>} : memref<12288xf32, #tpu.memory_space<vmem>>, vector<16xf32>,
          %parallel_loop3A_781 = arith.constant 768 : i32
          %parallel_loop3A_782 = arith.muli %parallel_loop3A_277, %parallel_loop3A_781 : i32
          %parallel_loop3A_783 = arith.constant 656 : i32
          %parallel_loop3A_784 = arith.addi %parallel_loop3A_782, %parallel_loop3A_783 : i32
          %parallel_loop3A_785 = arith.index_cast %parallel_loop3A_784 : i32 to index
          %parallel_loop3A_786 = tpu.vector_load %arg7[%parallel_loop3A_785] {strides = array<i32>} : memref<12288xf32, #tpu.memory_space<vmem>>, vector<16xf32>,
          %parallel_loop3A_787 = vector.shape_cast %parallel_loop3A_786 : vector<16xf32> to vector<16xf32>
          %parallel_loop3A_788 = arith.select %parallel_loop3A_288, %get3A_131, %parallel_loop3A_787 : vector<16xi1>, vector<16xf32>
          %parallel_loop3A_789 = arith.index_cast %parallel_loop3A_784 : i32 to index
          %parallel_loop3A_790 = tpu.vector_load %arg7[%parallel_loop3A_789] {strides = array<i32>} : memref<12288xf32, #tpu.memory_space<vmem>>, vector<16xf32>,
          %parallel_loop3A_791 = vector.shape_cast %parallel_loop3A_790 : vector<16xf32> to vector<16xf32>
          %parallel_loop3A_792 = vector.shape_cast %parallel_loop3A_788 : vector<16xf32> to vector<16xf32>
          tpu.vector_store %arg7[%parallel_loop3A_789], %parallel_loop3A_792 {strides = array<i32>} : memref<12288xf32, #tpu.memory_space<vmem>>, vector<16xf32>,
          %parallel_loop3A_793 = arith.constant 768 : i32
          %parallel_loop3A_794 = arith.muli %parallel_loop3A_277, %parallel_loop3A_793 : i32
          %parallel_loop3A_795 = arith.constant 672 : i32
          %parallel_loop3A_796 = arith.addi %parallel_loop3A_794, %parallel_loop3A_795 : i32
          %parallel_loop3A_797 = arith.index_cast %parallel_loop3A_796 : i32 to index
          %parallel_loop3A_798 = tpu.vector_load %arg7[%parallel_loop3A_797] {strides = array<i32>} : memref<12288xf32, #tpu.memory_space<vmem>>, vector<16xf32>,
          %parallel_loop3A_799 = vector.shape_cast %parallel_loop3A_798 : vector<16xf32> to vector<16xf32>
          %parallel_loop3A_800 = arith.select %parallel_loop3A_288, %get3A_134, %parallel_loop3A_799 : vector<16xi1>, vector<16xf32>
          %parallel_loop3A_801 = arith.index_cast %parallel_loop3A_796 : i32 to index
          %parallel_loop3A_802 = tpu.vector_load %arg7[%parallel_loop3A_801] {strides = array<i32>} : memref<12288xf32, #tpu.memory_space<vmem>>, vector<16xf32>,
          %parallel_loop3A_803 = vector.shape_cast %parallel_loop3A_802 : vector<16xf32> to vector<16xf32>
          %parallel_loop3A_804 = vector.shape_cast %parallel_loop3A_800 : vector<16xf32> to vector<16xf32>
          tpu.vector_store %arg7[%parallel_loop3A_801], %parallel_loop3A_804 {strides = array<i32>} : memref<12288xf32, #tpu.memory_space<vmem>>, vector<16xf32>,
          %parallel_loop3A_805 = arith.constant 768 : i32
          %parallel_loop3A_806 = arith.muli %parallel_loop3A_277, %parallel_loop3A_805 : i32
          %parallel_loop3A_807 = arith.constant 688 : i32
          %parallel_loop3A_808 = arith.addi %parallel_loop3A_806, %parallel_loop3A_807 : i32
          %parallel_loop3A_809 = arith.index_cast %parallel_loop3A_808 : i32 to index
          %parallel_loop3A_810 = tpu.vector_load %arg7[%parallel_loop3A_809] {strides = array<i32>} : memref<12288xf32, #tpu.memory_space<vmem>>, vector<16xf32>,
          %parallel_loop3A_811 = vector.shape_cast %parallel_loop3A_810 : vector<16xf32> to vector<16xf32>
          %parallel_loop3A_812 = arith.select %parallel_loop3A_288, %get3A_137, %parallel_loop3A_811 : vector<16xi1>, vector<16xf32>
          %parallel_loop3A_813 = arith.index_cast %parallel_loop3A_808 : i32 to index
          %parallel_loop3A_814 = tpu.vector_load %arg7[%parallel_loop3A_813] {strides = array<i32>} : memref<12288xf32, #tpu.memory_space<vmem>>, vector<16xf32>,
          %parallel_loop3A_815 = vector.shape_cast %parallel_loop3A_814 : vector<16xf32> to vector<16xf32>
          %parallel_loop3A_816 = vector.shape_cast %parallel_loop3A_812 : vector<16xf32> to vector<16xf32>
          tpu.vector_store %arg7[%parallel_loop3A_813], %parallel_loop3A_816 {strides = array<i32>} : memref<12288xf32, #tpu.memory_space<vmem>>, vector<16xf32>,
          %parallel_loop3A_817 = arith.constant 768 : i32
          %parallel_loop3A_818 = arith.muli %parallel_loop3A_277, %parallel_loop3A_817 : i32
          %parallel_loop3A_819 = arith.constant 704 : i32
          %parallel_loop3A_820 = arith.addi %parallel_loop3A_818, %parallel_loop3A_819 : i32
          %parallel_loop3A_821 = arith.index_cast %parallel_loop3A_820 : i32 to index
          %parallel_loop3A_822 = tpu.vector_load %arg7[%parallel_loop3A_821] {strides = array<i32>} : memref<12288xf32, #tpu.memory_space<vmem>>, vector<16xf32>,
          %parallel_loop3A_823 = vector.shape_cast %parallel_loop3A_822 : vector<16xf32> to vector<16xf32>
          %parallel_loop3A_824 = arith.select %parallel_loop3A_288, %get3A_140, %parallel_loop3A_823 : vector<16xi1>, vector<16xf32>
          %parallel_loop3A_825 = arith.index_cast %parallel_loop3A_820 : i32 to index
          %parallel_loop3A_826 = tpu.vector_load %arg7[%parallel_loop3A_825] {strides = array<i32>} : memref<12288xf32, #tpu.memory_space<vmem>>, vector<16xf32>,
          %parallel_loop3A_827 = vector.shape_cast %parallel_loop3A_826 : vector<16xf32> to vector<16xf32>
          %parallel_loop3A_828 = vector.shape_cast %parallel_loop3A_824 : vector<16xf32> to vector<16xf32>
          tpu.vector_store %arg7[%parallel_loop3A_825], %parallel_loop3A_828 {strides = array<i32>} : memref<12288xf32, #tpu.memory_space<vmem>>, vector<16xf32>,
          %parallel_loop3A_829 = arith.constant 768 : i32
          %parallel_loop3A_830 = arith.muli %parallel_loop3A_277, %parallel_loop3A_829 : i32
          %parallel_loop3A_831 = arith.constant 720 : i32
          %parallel_loop3A_832 = arith.addi %parallel_loop3A_830, %parallel_loop3A_831 : i32
          %parallel_loop3A_833 = arith.index_cast %parallel_loop3A_832 : i32 to index
          %parallel_loop3A_834 = tpu.vector_load %arg7[%parallel_loop3A_833] {strides = array<i32>} : memref<12288xf32, #tpu.memory_space<vmem>>, vector<16xf32>,
          %parallel_loop3A_835 = vector.shape_cast %parallel_loop3A_834 : vector<16xf32> to vector<16xf32>
          %parallel_loop3A_836 = arith.select %parallel_loop3A_288, %get3A_143, %parallel_loop3A_835 : vector<16xi1>, vector<16xf32>
          %parallel_loop3A_837 = arith.index_cast %parallel_loop3A_832 : i32 to index
          %parallel_loop3A_838 = tpu.vector_load %arg7[%parallel_loop3A_837] {strides = array<i32>} : memref<12288xf32, #tpu.memory_space<vmem>>, vector<16xf32>,
          %parallel_loop3A_839 = vector.shape_cast %parallel_loop3A_838 : vector<16xf32> to vector<16xf32>
          %parallel_loop3A_840 = vector.shape_cast %parallel_loop3A_836 : vector<16xf32> to vector<16xf32>
          tpu.vector_store %arg7[%parallel_loop3A_837], %parallel_loop3A_840 {strides = array<i32>} : memref<12288xf32, #tpu.memory_space<vmem>>, vector<16xf32>,
          %parallel_loop3A_841 = arith.constant 768 : i32
          %parallel_loop3A_842 = arith.muli %parallel_loop3A_277, %parallel_loop3A_841 : i32
          %parallel_loop3A_843 = arith.constant 736 : i32
          %parallel_loop3A_844 = arith.addi %parallel_loop3A_842, %parallel_loop3A_843 : i32
          %parallel_loop3A_845 = arith.index_cast %parallel_loop3A_844 : i32 to index
          %parallel_loop3A_846 = tpu.vector_load %arg7[%parallel_loop3A_845] {strides = array<i32>} : memref<12288xf32, #tpu.memory_space<vmem>>, vector<16xf32>,
          %parallel_loop3A_847 = vector.shape_cast %parallel_loop3A_846 : vector<16xf32> to vector<16xf32>
          %parallel_loop3A_848 = arith.select %parallel_loop3A_288, %get3A_146, %parallel_loop3A_847 : vector<16xi1>, vector<16xf32>
          %parallel_loop3A_849 = arith.index_cast %parallel_loop3A_844 : i32 to index
          %parallel_loop3A_850 = tpu.vector_load %arg7[%parallel_loop3A_849] {strides = array<i32>} : memref<12288xf32, #tpu.memory_space<vmem>>, vector<16xf32>,
          %parallel_loop3A_851 = vector.shape_cast %parallel_loop3A_850 : vector<16xf32> to vector<16xf32>
          %parallel_loop3A_852 = vector.shape_cast %parallel_loop3A_848 : vector<16xf32> to vector<16xf32>
          tpu.vector_store %arg7[%parallel_loop3A_849], %parallel_loop3A_852 {strides = array<i32>} : memref<12288xf32, #tpu.memory_space<vmem>>, vector<16xf32>,
          %parallel_loop3A_853 = arith.constant 768 : i32
          %parallel_loop3A_854 = arith.muli %parallel_loop3A_277, %parallel_loop3A_853 : i32
          %parallel_loop3A_855 = arith.constant 752 : i32
          %parallel_loop3A_856 = arith.addi %parallel_loop3A_854, %parallel_loop3A_855 : i32
          %parallel_loop3A_857 = arith.index_cast %parallel_loop3A_856 : i32 to index
          %parallel_loop3A_858 = tpu.vector_load %arg7[%parallel_loop3A_857] {strides = array<i32>} : memref<12288xf32, #tpu.memory_space<vmem>>, vector<16xf32>,
          %parallel_loop3A_859 = vector.shape_cast %parallel_loop3A_858 : vector<16xf32> to vector<16xf32>
          %parallel_loop3A_860 = arith.select %parallel_loop3A_288, %get3A_149, %parallel_loop3A_859 : vector<16xi1>, vector<16xf32>
          %parallel_loop3A_861 = arith.index_cast %parallel_loop3A_856 : i32 to index
          %parallel_loop3A_862 = tpu.vector_load %arg7[%parallel_loop3A_861] {strides = array<i32>} : memref<12288xf32, #tpu.memory_space<vmem>>, vector<16xf32>,
          %parallel_loop3A_863 = vector.shape_cast %parallel_loop3A_862 : vector<16xf32> to vector<16xf32>
          %parallel_loop3A_864 = vector.shape_cast %parallel_loop3A_860 : vector<16xf32> to vector<16xf32>
          tpu.vector_store %arg7[%parallel_loop3A_861], %parallel_loop3A_864 {strides = array<i32>} : memref<12288xf32, #tpu.memory_space<vmem>>, vector<16xf32>,
        } {sc.loop_unroll_factor = 4 : i64, sc.parallel_access}
        %mul3A_272 = arith.constant 12288 : i32
        %mul3A_273 = arith.muli %scan3A_181, %mul3A_272 : i32
        %add3A_274 = arith.addi %mul3A_4, %mul3A_273 : i32
        %dma_start3A_275 = tpu.memref_slice %arg5[%add3A_274] : memref<60555264xf32, #tpu.memory_space<hbm>> -> memref<12288xf32, #tpu.memory_space<hbm>>
        %dma_start3A_276 = tpu.memref_slice %arg5[%add3A_274] : memref<60555264xf32, #tpu.memory_space<hbm>> -> memref<12288xf32, #tpu.memory_space<hbm>>
        tpu.enqueue_dma source(%arg7 : memref<12288xf32, #tpu.memory_space<vmem>>) target(%dma_start3A_276 : memref<12288xf32, #tpu.memory_space<hbm>>) target_semaphore(%arg17 : memref<!tpu.dma_semaphore, #tpu.memory_space<semaphore_mem>>)
      } else {
      }
      %jit3A_215 = arith.constant 4 : i32
      %eq3A_216 = arith.constant 0 : i32
      %eq3A_217 = arith.cmpi eq, %jit3A_215, %eq3A_216 : i32
      %jit3A_218 = arith.constant 1 : i32
      %select_n3A_219 = arith.select %eq3A_217, %jit3A_218, %jit3A_215 : i32
      %rem3A_220 = arith.remsi %scan3A_181, %select_n3A_219 : i32
      %ne3A_221 = arith.constant 0 : i32
      %ne3A_222 = arith.cmpi ne, %rem3A_220, %ne3A_221 : i32
      %lt3A_223 = arith.constant 0 : i32
      %lt3A_224 = arith.cmpi slt, %rem3A_220, %lt3A_223 : i32
      %lt3A_225 = arith.constant 0 : i32
      %lt3A_226 = arith.cmpi slt, %select_n3A_219, %lt3A_225 : i32
      %ne3A_227 = arith.xori %lt3A_224, %lt3A_226 : i1
      %and3A_228 = arith.andi %ne3A_227, %ne3A_222 : i1
      %add3A_229 = arith.addi %rem3A_220, %select_n3A_219 : i32
      %select_n3A_230 = arith.select %and3A_228, %add3A_229, %rem3A_220 : i32
      %eq3A_231 = arith.constant 2 : i32
      %eq3A_232 = arith.cmpi eq, %select_n3A_230, %eq3A_231 : i32
      %convert_element_type3A_233 = arith.extui %eq3A_232 : i1 to i32
      %cond3A_234 = arith.constant 0 : i32
      %cond3A_235 = arith.cmpi ne, %convert_element_type3A_233, %cond3A_234 : i32
      scf.if %cond3A_235 {
        %mul3A_257 = arith.constant 12288 : i32
        %mul3A_258 = arith.muli %scan3A_181, %mul3A_257 : i32
        %add3A_259 = arith.addi %mul3A_4, %mul3A_258 : i32
        %dma_wait3A_260 = tpu.memref_slice %arg2[%add3A_259] : memref<60555264xf32, #tpu.memory_space<hbm>> -> memref<12288xf32, #tpu.memory_space<hbm>>
        %dma_wait3A_261 = tpu.memref_slice %arg2[%add3A_259] : memref<60555264xf32, #tpu.memory_space<hbm>> -> memref<12288xf32, #tpu.memory_space<hbm>>
        tpu.wait_dma2 semaphore(%arg14 : memref<!tpu.dma_semaphore, #tpu.memory_space<semaphore_mem>>) src(%dma_wait3A_261 : memref<12288xf32, #tpu.memory_space<hbm>>) dst(%arg8 : memref<12288xf32, #tpu.memory_space<vmem>>)
        %add3A_262 = arith.constant 4 : i32
        %add3A_263 = arith.addi %scan3A_181, %add3A_262 : i32
        %sub3A = arith.constant 1 : i32
        %sub3A_264 = arith.subi %add3A_263, %sub3A : i32
        %lt3A_265 = arith.constant 154 : i32
        %lt3A_266 = arith.cmpi slt, %sub3A_264, %lt3A_265 : i32
        %convert_element_type3A_267 = arith.extui %lt3A_266 : i1 to i32
        %cond3A_268 = arith.constant 0 : i32
        %cond3A_269 = arith.cmpi ne, %convert_element_type3A_267, %cond3A_268 : i32
        scf.if %cond3A_269 {
          %ge3A = arith.constant 1 : i32
          %ge3A_277 = arith.cmpi sge, %scan3A_181, %ge3A : i32
          %convert_element_type3A_278 = arith.extui %ge3A_277 : i1 to i32
          %cond3A_279 = arith.constant 0 : i32
          %cond3A_280 = arith.cmpi ne, %convert_element_type3A_278, %cond3A_279 : i32
          scf.if %cond3A_280 {
            %sub3A_290 = arith.constant 1 : i32
            %sub3A_291 = arith.subi %scan3A_181, %sub3A_290 : i32
            %mul3A_292 = arith.constant 12288 : i32
            %mul3A_293 = arith.muli %sub3A_291, %mul3A_292 : i32
            %add3A_294 = arith.addi %mul3A_4, %mul3A_293 : i32
            %dma_wait3A_295 = tpu.memref_slice %arg5[%add3A_294] : memref<60555264xf32, #tpu.memory_space<hbm>> -> memref<12288xf32, #tpu.memory_space<hbm>>
            %dma_wait3A_296 = tpu.memref_slice %arg5[%add3A_294] : memref<60555264xf32, #tpu.memory_space<hbm>> -> memref<12288xf32, #tpu.memory_space<hbm>>
            tpu.wait_dma2 semaphore(%arg17 : memref<!tpu.dma_semaphore, #tpu.memory_space<semaphore_mem>>) src(%arg7 : memref<12288xf32, #tpu.memory_space<vmem>>) dst(%dma_wait3A_296 : memref<12288xf32, #tpu.memory_space<hbm>>)
          } else {
          }
          %add3A_281 = arith.constant 4 : i32
          %add3A_282 = arith.addi %scan3A_181, %add3A_281 : i32
          %sub3A_283 = arith.constant 1 : i32
          %sub3A_284 = arith.subi %add3A_282, %sub3A_283 : i32
          %mul3A_285 = arith.constant 12288 : i32
          %mul3A_286 = arith.muli %sub3A_284, %mul3A_285 : i32
          %add3A_287 = arith.addi %mul3A_4, %mul3A_286 : i32
          %dma_start3A_288 = tpu.memref_slice %arg2[%add3A_287] : memref<60555264xf32, #tpu.memory_space<hbm>> -> memref<12288xf32, #tpu.memory_space<hbm>>
          %dma_start3A_289 = tpu.memref_slice %arg2[%add3A_287] : memref<60555264xf32, #tpu.memory_space<hbm>> -> memref<12288xf32, #tpu.memory_space<hbm>>
          tpu.enqueue_dma source(%dma_start3A_289 : memref<12288xf32, #tpu.memory_space<hbm>>) target(%arg7 : memref<12288xf32, #tpu.memory_space<vmem>>) target_semaphore(%arg13 : memref<!tpu.dma_semaphore, #tpu.memory_space<semaphore_mem>>)
        } else {
        }
        %parallel_loop3A = arith.constant 0 : i32
        %parallel_loop3A_270 = arith.constant 16 : i32
        %parallel_loop3A_271 = arith.constant 1 : i32
        scf.for %parallel_loop3A_277 = %parallel_loop3A to %parallel_loop3A_270 step %parallel_loop3A_271  : i32 {
          %parallel_loop3A_278 = arith.constant 16 : i32
          %parallel_loop3A_279 = arith.muli %scan3A_181, %parallel_loop3A_278 : i32
          %parallel_loop3A_280 = arith.addi %parallel_loop3A_279, %parallel_loop3A_277 : i32
          %parallel_loop3A_281 = arith.constant 16 : i32
          %parallel_loop3A_282 = arith.muli %parallel_loop3A_280, %parallel_loop3A_281 : i32
          %parallel_loop3A_283 = arith.index_cast %parallel_loop3A_282 : i32 to index
          %parallel_loop3A_284 = tpu.vector_load %arg10[%parallel_loop3A_283] {strides = array<i32>} : memref<39424xi32, #tpu.memory_space<vmem>>, vector<16xi32>,
          %parallel_loop3A_285 = vector.shape_cast %parallel_loop3A_284 : vector<16xi32> to vector<16xi32>
          %parallel_loop3A_286 = arith.constant 100 : i32
          %parallel_loop3A_287 = vector.broadcast %parallel_loop3A_286 : i32 to vector<16xi32>
          %parallel_loop3A_288 = arith.cmpi eq, %parallel_loop3A_285, %parallel_loop3A_287 : vector<16xi32>
          %parallel_loop3A_289 = arith.constant 768 : i32
          %parallel_loop3A_290 = arith.muli %parallel_loop3A_277, %parallel_loop3A_289 : i32
          %parallel_loop3A_291 = arith.constant 0 : i32
          %parallel_loop3A_292 = arith.addi %parallel_loop3A_290, %parallel_loop3A_291 : i32
          %parallel_loop3A_293 = arith.index_cast %parallel_loop3A_292 : i32 to index
          %parallel_loop3A_294 = tpu.vector_load %arg8[%parallel_loop3A_293] {strides = array<i32>} : memref<12288xf32, #tpu.memory_space<vmem>>, vector<16xf32>,
          %parallel_loop3A_295 = vector.shape_cast %parallel_loop3A_294 : vector<16xf32> to vector<16xf32>
          %parallel_loop3A_296 = arith.select %parallel_loop3A_288, %get3A_8, %parallel_loop3A_295 : vector<16xi1>, vector<16xf32>
          %parallel_loop3A_297 = arith.index_cast %parallel_loop3A_292 : i32 to index
          %parallel_loop3A_298 = tpu.vector_load %arg8[%parallel_loop3A_297] {strides = array<i32>} : memref<12288xf32, #tpu.memory_space<vmem>>, vector<16xf32>,
          %parallel_loop3A_299 = vector.shape_cast %parallel_loop3A_298 : vector<16xf32> to vector<16xf32>
          %parallel_loop3A_300 = vector.shape_cast %parallel_loop3A_296 : vector<16xf32> to vector<16xf32>
          tpu.vector_store %arg8[%parallel_loop3A_297], %parallel_loop3A_300 {strides = array<i32>} : memref<12288xf32, #tpu.memory_space<vmem>>, vector<16xf32>,
          %parallel_loop3A_301 = arith.constant 768 : i32
          %parallel_loop3A_302 = arith.muli %parallel_loop3A_277, %parallel_loop3A_301 : i32
          %parallel_loop3A_303 = arith.constant 16 : i32
          %parallel_loop3A_304 = arith.addi %parallel_loop3A_302, %parallel_loop3A_303 : i32
          %parallel_loop3A_305 = arith.index_cast %parallel_loop3A_304 : i32 to index
          %parallel_loop3A_306 = tpu.vector_load %arg8[%parallel_loop3A_305] {strides = array<i32>} : memref<12288xf32, #tpu.memory_space<vmem>>, vector<16xf32>,
          %parallel_loop3A_307 = vector.shape_cast %parallel_loop3A_306 : vector<16xf32> to vector<16xf32>
          %parallel_loop3A_308 = arith.select %parallel_loop3A_288, %get3A_11, %parallel_loop3A_307 : vector<16xi1>, vector<16xf32>
          %parallel_loop3A_309 = arith.index_cast %parallel_loop3A_304 : i32 to index
          %parallel_loop3A_310 = tpu.vector_load %arg8[%parallel_loop3A_309] {strides = array<i32>} : memref<12288xf32, #tpu.memory_space<vmem>>, vector<16xf32>,
          %parallel_loop3A_311 = vector.shape_cast %parallel_loop3A_310 : vector<16xf32> to vector<16xf32>
          %parallel_loop3A_312 = vector.shape_cast %parallel_loop3A_308 : vector<16xf32> to vector<16xf32>
          tpu.vector_store %arg8[%parallel_loop3A_309], %parallel_loop3A_312 {strides = array<i32>} : memref<12288xf32, #tpu.memory_space<vmem>>, vector<16xf32>,
          %parallel_loop3A_313 = arith.constant 768 : i32
          %parallel_loop3A_314 = arith.muli %parallel_loop3A_277, %parallel_loop3A_313 : i32
          %parallel_loop3A_315 = arith.constant 32 : i32
          %parallel_loop3A_316 = arith.addi %parallel_loop3A_314, %parallel_loop3A_315 : i32
          %parallel_loop3A_317 = arith.index_cast %parallel_loop3A_316 : i32 to index
          %parallel_loop3A_318 = tpu.vector_load %arg8[%parallel_loop3A_317] {strides = array<i32>} : memref<12288xf32, #tpu.memory_space<vmem>>, vector<16xf32>,
          %parallel_loop3A_319 = vector.shape_cast %parallel_loop3A_318 : vector<16xf32> to vector<16xf32>
          %parallel_loop3A_320 = arith.select %parallel_loop3A_288, %get3A_14, %parallel_loop3A_319 : vector<16xi1>, vector<16xf32>
          %parallel_loop3A_321 = arith.index_cast %parallel_loop3A_316 : i32 to index
          %parallel_loop3A_322 = tpu.vector_load %arg8[%parallel_loop3A_321] {strides = array<i32>} : memref<12288xf32, #tpu.memory_space<vmem>>, vector<16xf32>,
          %parallel_loop3A_323 = vector.shape_cast %parallel_loop3A_322 : vector<16xf32> to vector<16xf32>
          %parallel_loop3A_324 = vector.shape_cast %parallel_loop3A_320 : vector<16xf32> to vector<16xf32>
          tpu.vector_store %arg8[%parallel_loop3A_321], %parallel_loop3A_324 {strides = array<i32>} : memref<12288xf32, #tpu.memory_space<vmem>>, vector<16xf32>,
          %parallel_loop3A_325 = arith.constant 768 : i32
          %parallel_loop3A_326 = arith.muli %parallel_loop3A_277, %parallel_loop3A_325 : i32
          %parallel_loop3A_327 = arith.constant 48 : i32
          %parallel_loop3A_328 = arith.addi %parallel_loop3A_326, %parallel_loop3A_327 : i32
          %parallel_loop3A_329 = arith.index_cast %parallel_loop3A_328 : i32 to index
          %parallel_loop3A_330 = tpu.vector_load %arg8[%parallel_loop3A_329] {strides = array<i32>} : memref<12288xf32, #tpu.memory_space<vmem>>, vector<16xf32>,
          %parallel_loop3A_331 = vector.shape_cast %parallel_loop3A_330 : vector<16xf32> to vector<16xf32>
          %parallel_loop3A_332 = arith.select %parallel_loop3A_288, %get3A_17, %parallel_loop3A_331 : vector<16xi1>, vector<16xf32>
          %parallel_loop3A_333 = arith.index_cast %parallel_loop3A_328 : i32 to index
          %parallel_loop3A_334 = tpu.vector_load %arg8[%parallel_loop3A_333] {strides = array<i32>} : memref<12288xf32, #tpu.memory_space<vmem>>, vector<16xf32>,
          %parallel_loop3A_335 = vector.shape_cast %parallel_loop3A_334 : vector<16xf32> to vector<16xf32>
          %parallel_loop3A_336 = vector.shape_cast %parallel_loop3A_332 : vector<16xf32> to vector<16xf32>
          tpu.vector_store %arg8[%parallel_loop3A_333], %parallel_loop3A_336 {strides = array<i32>} : memref<12288xf32, #tpu.memory_space<vmem>>, vector<16xf32>,
          %parallel_loop3A_337 = arith.constant 768 : i32
          %parallel_loop3A_338 = arith.muli %parallel_loop3A_277, %parallel_loop3A_337 : i32
          %parallel_loop3A_339 = arith.constant 64 : i32
          %parallel_loop3A_340 = arith.addi %parallel_loop3A_338, %parallel_loop3A_339 : i32
          %parallel_loop3A_341 = arith.index_cast %parallel_loop3A_340 : i32 to index
          %parallel_loop3A_342 = tpu.vector_load %arg8[%parallel_loop3A_341] {strides = array<i32>} : memref<12288xf32, #tpu.memory_space<vmem>>, vector<16xf32>,
          %parallel_loop3A_343 = vector.shape_cast %parallel_loop3A_342 : vector<16xf32> to vector<16xf32>
          %parallel_loop3A_344 = arith.select %parallel_loop3A_288, %get3A_20, %parallel_loop3A_343 : vector<16xi1>, vector<16xf32>
          %parallel_loop3A_345 = arith.index_cast %parallel_loop3A_340 : i32 to index
          %parallel_loop3A_346 = tpu.vector_load %arg8[%parallel_loop3A_345] {strides = array<i32>} : memref<12288xf32, #tpu.memory_space<vmem>>, vector<16xf32>,
          %parallel_loop3A_347 = vector.shape_cast %parallel_loop3A_346 : vector<16xf32> to vector<16xf32>
          %parallel_loop3A_348 = vector.shape_cast %parallel_loop3A_344 : vector<16xf32> to vector<16xf32>
          tpu.vector_store %arg8[%parallel_loop3A_345], %parallel_loop3A_348 {strides = array<i32>} : memref<12288xf32, #tpu.memory_space<vmem>>, vector<16xf32>,
          %parallel_loop3A_349 = arith.constant 768 : i32
          %parallel_loop3A_350 = arith.muli %parallel_loop3A_277, %parallel_loop3A_349 : i32
          %parallel_loop3A_351 = arith.constant 80 : i32
          %parallel_loop3A_352 = arith.addi %parallel_loop3A_350, %parallel_loop3A_351 : i32
          %parallel_loop3A_353 = arith.index_cast %parallel_loop3A_352 : i32 to index
          %parallel_loop3A_354 = tpu.vector_load %arg8[%parallel_loop3A_353] {strides = array<i32>} : memref<12288xf32, #tpu.memory_space<vmem>>, vector<16xf32>,
          %parallel_loop3A_355 = vector.shape_cast %parallel_loop3A_354 : vector<16xf32> to vector<16xf32>
          %parallel_loop3A_356 = arith.select %parallel_loop3A_288, %get3A_23, %parallel_loop3A_355 : vector<16xi1>, vector<16xf32>
          %parallel_loop3A_357 = arith.index_cast %parallel_loop3A_352 : i32 to index
          %parallel_loop3A_358 = tpu.vector_load %arg8[%parallel_loop3A_357] {strides = array<i32>} : memref<12288xf32, #tpu.memory_space<vmem>>, vector<16xf32>,
          %parallel_loop3A_359 = vector.shape_cast %parallel_loop3A_358 : vector<16xf32> to vector<16xf32>
          %parallel_loop3A_360 = vector.shape_cast %parallel_loop3A_356 : vector<16xf32> to vector<16xf32>
          tpu.vector_store %arg8[%parallel_loop3A_357], %parallel_loop3A_360 {strides = array<i32>} : memref<12288xf32, #tpu.memory_space<vmem>>, vector<16xf32>,
          %parallel_loop3A_361 = arith.constant 768 : i32
          %parallel_loop3A_362 = arith.muli %parallel_loop3A_277, %parallel_loop3A_361 : i32
          %parallel_loop3A_363 = arith.constant 96 : i32
          %parallel_loop3A_364 = arith.addi %parallel_loop3A_362, %parallel_loop3A_363 : i32
          %parallel_loop3A_365 = arith.index_cast %parallel_loop3A_364 : i32 to index
          %parallel_loop3A_366 = tpu.vector_load %arg8[%parallel_loop3A_365] {strides = array<i32>} : memref<12288xf32, #tpu.memory_space<vmem>>, vector<16xf32>,
          %parallel_loop3A_367 = vector.shape_cast %parallel_loop3A_366 : vector<16xf32> to vector<16xf32>
          %parallel_loop3A_368 = arith.select %parallel_loop3A_288, %get3A_26, %parallel_loop3A_367 : vector<16xi1>, vector<16xf32>
          %parallel_loop3A_369 = arith.index_cast %parallel_loop3A_364 : i32 to index
          %parallel_loop3A_370 = tpu.vector_load %arg8[%parallel_loop3A_369] {strides = array<i32>} : memref<12288xf32, #tpu.memory_space<vmem>>, vector<16xf32>,
          %parallel_loop3A_371 = vector.shape_cast %parallel_loop3A_370 : vector<16xf32> to vector<16xf32>
          %parallel_loop3A_372 = vector.shape_cast %parallel_loop3A_368 : vector<16xf32> to vector<16xf32>
          tpu.vector_store %arg8[%parallel_loop3A_369], %parallel_loop3A_372 {strides = array<i32>} : memref<12288xf32, #tpu.memory_space<vmem>>, vector<16xf32>,
          %parallel_loop3A_373 = arith.constant 768 : i32
          %parallel_loop3A_374 = arith.muli %parallel_loop3A_277, %parallel_loop3A_373 : i32
          %parallel_loop3A_375 = arith.constant 112 : i32
          %parallel_loop3A_376 = arith.addi %parallel_loop3A_374, %parallel_loop3A_375 : i32
          %parallel_loop3A_377 = arith.index_cast %parallel_loop3A_376 : i32 to index
          %parallel_loop3A_378 = tpu.vector_load %arg8[%parallel_loop3A_377] {strides = array<i32>} : memref<12288xf32, #tpu.memory_space<vmem>>, vector<16xf32>,
          %parallel_loop3A_379 = vector.shape_cast %parallel_loop3A_378 : vector<16xf32> to vector<16xf32>
          %parallel_loop3A_380 = arith.select %parallel_loop3A_288, %get3A_29, %parallel_loop3A_379 : vector<16xi1>, vector<16xf32>
          %parallel_loop3A_381 = arith.index_cast %parallel_loop3A_376 : i32 to index
          %parallel_loop3A_382 = tpu.vector_load %arg8[%parallel_loop3A_381] {strides = array<i32>} : memref<12288xf32, #tpu.memory_space<vmem>>, vector<16xf32>,
          %parallel_loop3A_383 = vector.shape_cast %parallel_loop3A_382 : vector<16xf32> to vector<16xf32>
          %parallel_loop3A_384 = vector.shape_cast %parallel_loop3A_380 : vector<16xf32> to vector<16xf32>
          tpu.vector_store %arg8[%parallel_loop3A_381], %parallel_loop3A_384 {strides = array<i32>} : memref<12288xf32, #tpu.memory_space<vmem>>, vector<16xf32>,
          %parallel_loop3A_385 = arith.constant 768 : i32
          %parallel_loop3A_386 = arith.muli %parallel_loop3A_277, %parallel_loop3A_385 : i32
          %parallel_loop3A_387 = arith.constant 128 : i32
          %parallel_loop3A_388 = arith.addi %parallel_loop3A_386, %parallel_loop3A_387 : i32
          %parallel_loop3A_389 = arith.index_cast %parallel_loop3A_388 : i32 to index
          %parallel_loop3A_390 = tpu.vector_load %arg8[%parallel_loop3A_389] {strides = array<i32>} : memref<12288xf32, #tpu.memory_space<vmem>>, vector<16xf32>,
          %parallel_loop3A_391 = vector.shape_cast %parallel_loop3A_390 : vector<16xf32> to vector<16xf32>
          %parallel_loop3A_392 = arith.select %parallel_loop3A_288, %get3A_32, %parallel_loop3A_391 : vector<16xi1>, vector<16xf32>
          %parallel_loop3A_393 = arith.index_cast %parallel_loop3A_388 : i32 to index
          %parallel_loop3A_394 = tpu.vector_load %arg8[%parallel_loop3A_393] {strides = array<i32>} : memref<12288xf32, #tpu.memory_space<vmem>>, vector<16xf32>,
          %parallel_loop3A_395 = vector.shape_cast %parallel_loop3A_394 : vector<16xf32> to vector<16xf32>
          %parallel_loop3A_396 = vector.shape_cast %parallel_loop3A_392 : vector<16xf32> to vector<16xf32>
          tpu.vector_store %arg8[%parallel_loop3A_393], %parallel_loop3A_396 {strides = array<i32>} : memref<12288xf32, #tpu.memory_space<vmem>>, vector<16xf32>,
          %parallel_loop3A_397 = arith.constant 768 : i32
          %parallel_loop3A_398 = arith.muli %parallel_loop3A_277, %parallel_loop3A_397 : i32
          %parallel_loop3A_399 = arith.constant 144 : i32
          %parallel_loop3A_400 = arith.addi %parallel_loop3A_398, %parallel_loop3A_399 : i32
          %parallel_loop3A_401 = arith.index_cast %parallel_loop3A_400 : i32 to index
          %parallel_loop3A_402 = tpu.vector_load %arg8[%parallel_loop3A_401] {strides = array<i32>} : memref<12288xf32, #tpu.memory_space<vmem>>, vector<16xf32>,
          %parallel_loop3A_403 = vector.shape_cast %parallel_loop3A_402 : vector<16xf32> to vector<16xf32>
          %parallel_loop3A_404 = arith.select %parallel_loop3A_288, %get3A_35, %parallel_loop3A_403 : vector<16xi1>, vector<16xf32>
          %parallel_loop3A_405 = arith.index_cast %parallel_loop3A_400 : i32 to index
          %parallel_loop3A_406 = tpu.vector_load %arg8[%parallel_loop3A_405] {strides = array<i32>} : memref<12288xf32, #tpu.memory_space<vmem>>, vector<16xf32>,
          %parallel_loop3A_407 = vector.shape_cast %parallel_loop3A_406 : vector<16xf32> to vector<16xf32>
          %parallel_loop3A_408 = vector.shape_cast %parallel_loop3A_404 : vector<16xf32> to vector<16xf32>
          tpu.vector_store %arg8[%parallel_loop3A_405], %parallel_loop3A_408 {strides = array<i32>} : memref<12288xf32, #tpu.memory_space<vmem>>, vector<16xf32>,
          %parallel_loop3A_409 = arith.constant 768 : i32
          %parallel_loop3A_410 = arith.muli %parallel_loop3A_277, %parallel_loop3A_409 : i32
          %parallel_loop3A_411 = arith.constant 160 : i32
          %parallel_loop3A_412 = arith.addi %parallel_loop3A_410, %parallel_loop3A_411 : i32
          %parallel_loop3A_413 = arith.index_cast %parallel_loop3A_412 : i32 to index
          %parallel_loop3A_414 = tpu.vector_load %arg8[%parallel_loop3A_413] {strides = array<i32>} : memref<12288xf32, #tpu.memory_space<vmem>>, vector<16xf32>,
          %parallel_loop3A_415 = vector.shape_cast %parallel_loop3A_414 : vector<16xf32> to vector<16xf32>
          %parallel_loop3A_416 = arith.select %parallel_loop3A_288, %get3A_38, %parallel_loop3A_415 : vector<16xi1>, vector<16xf32>
          %parallel_loop3A_417 = arith.index_cast %parallel_loop3A_412 : i32 to index
          %parallel_loop3A_418 = tpu.vector_load %arg8[%parallel_loop3A_417] {strides = array<i32>} : memref<12288xf32, #tpu.memory_space<vmem>>, vector<16xf32>,
          %parallel_loop3A_419 = vector.shape_cast %parallel_loop3A_418 : vector<16xf32> to vector<16xf32>
          %parallel_loop3A_420 = vector.shape_cast %parallel_loop3A_416 : vector<16xf32> to vector<16xf32>
          tpu.vector_store %arg8[%parallel_loop3A_417], %parallel_loop3A_420 {strides = array<i32>} : memref<12288xf32, #tpu.memory_space<vmem>>, vector<16xf32>,
          %parallel_loop3A_421 = arith.constant 768 : i32
          %parallel_loop3A_422 = arith.muli %parallel_loop3A_277, %parallel_loop3A_421 : i32
          %parallel_loop3A_423 = arith.constant 176 : i32
          %parallel_loop3A_424 = arith.addi %parallel_loop3A_422, %parallel_loop3A_423 : i32
          %parallel_loop3A_425 = arith.index_cast %parallel_loop3A_424 : i32 to index
          %parallel_loop3A_426 = tpu.vector_load %arg8[%parallel_loop3A_425] {strides = array<i32>} : memref<12288xf32, #tpu.memory_space<vmem>>, vector<16xf32>,
          %parallel_loop3A_427 = vector.shape_cast %parallel_loop3A_426 : vector<16xf32> to vector<16xf32>
          %parallel_loop3A_428 = arith.select %parallel_loop3A_288, %get3A_41, %parallel_loop3A_427 : vector<16xi1>, vector<16xf32>
          %parallel_loop3A_429 = arith.index_cast %parallel_loop3A_424 : i32 to index
          %parallel_loop3A_430 = tpu.vector_load %arg8[%parallel_loop3A_429] {strides = array<i32>} : memref<12288xf32, #tpu.memory_space<vmem>>, vector<16xf32>,
          %parallel_loop3A_431 = vector.shape_cast %parallel_loop3A_430 : vector<16xf32> to vector<16xf32>
          %parallel_loop3A_432 = vector.shape_cast %parallel_loop3A_428 : vector<16xf32> to vector<16xf32>
          tpu.vector_store %arg8[%parallel_loop3A_429], %parallel_loop3A_432 {strides = array<i32>} : memref<12288xf32, #tpu.memory_space<vmem>>, vector<16xf32>,
          %parallel_loop3A_433 = arith.constant 768 : i32
          %parallel_loop3A_434 = arith.muli %parallel_loop3A_277, %parallel_loop3A_433 : i32
          %parallel_loop3A_435 = arith.constant 192 : i32
          %parallel_loop3A_436 = arith.addi %parallel_loop3A_434, %parallel_loop3A_435 : i32
          %parallel_loop3A_437 = arith.index_cast %parallel_loop3A_436 : i32 to index
          %parallel_loop3A_438 = tpu.vector_load %arg8[%parallel_loop3A_437] {strides = array<i32>} : memref<12288xf32, #tpu.memory_space<vmem>>, vector<16xf32>,
          %parallel_loop3A_439 = vector.shape_cast %parallel_loop3A_438 : vector<16xf32> to vector<16xf32>
          %parallel_loop3A_440 = arith.select %parallel_loop3A_288, %get3A_44, %parallel_loop3A_439 : vector<16xi1>, vector<16xf32>
          %parallel_loop3A_441 = arith.index_cast %parallel_loop3A_436 : i32 to index
          %parallel_loop3A_442 = tpu.vector_load %arg8[%parallel_loop3A_441] {strides = array<i32>} : memref<12288xf32, #tpu.memory_space<vmem>>, vector<16xf32>,
          %parallel_loop3A_443 = vector.shape_cast %parallel_loop3A_442 : vector<16xf32> to vector<16xf32>
          %parallel_loop3A_444 = vector.shape_cast %parallel_loop3A_440 : vector<16xf32> to vector<16xf32>
          tpu.vector_store %arg8[%parallel_loop3A_441], %parallel_loop3A_444 {strides = array<i32>} : memref<12288xf32, #tpu.memory_space<vmem>>, vector<16xf32>,
          %parallel_loop3A_445 = arith.constant 768 : i32
          %parallel_loop3A_446 = arith.muli %parallel_loop3A_277, %parallel_loop3A_445 : i32
          %parallel_loop3A_447 = arith.constant 208 : i32
          %parallel_loop3A_448 = arith.addi %parallel_loop3A_446, %parallel_loop3A_447 : i32
          %parallel_loop3A_449 = arith.index_cast %parallel_loop3A_448 : i32 to index
          %parallel_loop3A_450 = tpu.vector_load %arg8[%parallel_loop3A_449] {strides = array<i32>} : memref<12288xf32, #tpu.memory_space<vmem>>, vector<16xf32>,
          %parallel_loop3A_451 = vector.shape_cast %parallel_loop3A_450 : vector<16xf32> to vector<16xf32>
          %parallel_loop3A_452 = arith.select %parallel_loop3A_288, %get3A_47, %parallel_loop3A_451 : vector<16xi1>, vector<16xf32>
          %parallel_loop3A_453 = arith.index_cast %parallel_loop3A_448 : i32 to index
          %parallel_loop3A_454 = tpu.vector_load %arg8[%parallel_loop3A_453] {strides = array<i32>} : memref<12288xf32, #tpu.memory_space<vmem>>, vector<16xf32>,
          %parallel_loop3A_455 = vector.shape_cast %parallel_loop3A_454 : vector<16xf32> to vector<16xf32>
          %parallel_loop3A_456 = vector.shape_cast %parallel_loop3A_452 : vector<16xf32> to vector<16xf32>
          tpu.vector_store %arg8[%parallel_loop3A_453], %parallel_loop3A_456 {strides = array<i32>} : memref<12288xf32, #tpu.memory_space<vmem>>, vector<16xf32>,
          %parallel_loop3A_457 = arith.constant 768 : i32
          %parallel_loop3A_458 = arith.muli %parallel_loop3A_277, %parallel_loop3A_457 : i32
          %parallel_loop3A_459 = arith.constant 224 : i32
          %parallel_loop3A_460 = arith.addi %parallel_loop3A_458, %parallel_loop3A_459 : i32
          %parallel_loop3A_461 = arith.index_cast %parallel_loop3A_460 : i32 to index
          %parallel_loop3A_462 = tpu.vector_load %arg8[%parallel_loop3A_461] {strides = array<i32>} : memref<12288xf32, #tpu.memory_space<vmem>>, vector<16xf32>,
          %parallel_loop3A_463 = vector.shape_cast %parallel_loop3A_462 : vector<16xf32> to vector<16xf32>
          %parallel_loop3A_464 = arith.select %parallel_loop3A_288, %get3A_50, %parallel_loop3A_463 : vector<16xi1>, vector<16xf32>
          %parallel_loop3A_465 = arith.index_cast %parallel_loop3A_460 : i32 to index
          %parallel_loop3A_466 = tpu.vector_load %arg8[%parallel_loop3A_465] {strides = array<i32>} : memref<12288xf32, #tpu.memory_space<vmem>>, vector<16xf32>,
          %parallel_loop3A_467 = vector.shape_cast %parallel_loop3A_466 : vector<16xf32> to vector<16xf32>
          %parallel_loop3A_468 = vector.shape_cast %parallel_loop3A_464 : vector<16xf32> to vector<16xf32>
          tpu.vector_store %arg8[%parallel_loop3A_465], %parallel_loop3A_468 {strides = array<i32>} : memref<12288xf32, #tpu.memory_space<vmem>>, vector<16xf32>,
          %parallel_loop3A_469 = arith.constant 768 : i32
          %parallel_loop3A_470 = arith.muli %parallel_loop3A_277, %parallel_loop3A_469 : i32
          %parallel_loop3A_471 = arith.constant 240 : i32
          %parallel_loop3A_472 = arith.addi %parallel_loop3A_470, %parallel_loop3A_471 : i32
          %parallel_loop3A_473 = arith.index_cast %parallel_loop3A_472 : i32 to index
          %parallel_loop3A_474 = tpu.vector_load %arg8[%parallel_loop3A_473] {strides = array<i32>} : memref<12288xf32, #tpu.memory_space<vmem>>, vector<16xf32>,
          %parallel_loop3A_475 = vector.shape_cast %parallel_loop3A_474 : vector<16xf32> to vector<16xf32>
          %parallel_loop3A_476 = arith.select %parallel_loop3A_288, %get3A_53, %parallel_loop3A_475 : vector<16xi1>, vector<16xf32>
          %parallel_loop3A_477 = arith.index_cast %parallel_loop3A_472 : i32 to index
          %parallel_loop3A_478 = tpu.vector_load %arg8[%parallel_loop3A_477] {strides = array<i32>} : memref<12288xf32, #tpu.memory_space<vmem>>, vector<16xf32>,
          %parallel_loop3A_479 = vector.shape_cast %parallel_loop3A_478 : vector<16xf32> to vector<16xf32>
          %parallel_loop3A_480 = vector.shape_cast %parallel_loop3A_476 : vector<16xf32> to vector<16xf32>
          tpu.vector_store %arg8[%parallel_loop3A_477], %parallel_loop3A_480 {strides = array<i32>} : memref<12288xf32, #tpu.memory_space<vmem>>, vector<16xf32>,
          %parallel_loop3A_481 = arith.constant 768 : i32
          %parallel_loop3A_482 = arith.muli %parallel_loop3A_277, %parallel_loop3A_481 : i32
          %parallel_loop3A_483 = arith.constant 256 : i32
          %parallel_loop3A_484 = arith.addi %parallel_loop3A_482, %parallel_loop3A_483 : i32
          %parallel_loop3A_485 = arith.index_cast %parallel_loop3A_484 : i32 to index
          %parallel_loop3A_486 = tpu.vector_load %arg8[%parallel_loop3A_485] {strides = array<i32>} : memref<12288xf32, #tpu.memory_space<vmem>>, vector<16xf32>,
          %parallel_loop3A_487 = vector.shape_cast %parallel_loop3A_486 : vector<16xf32> to vector<16xf32>
          %parallel_loop3A_488 = arith.select %parallel_loop3A_288, %get3A_56, %parallel_loop3A_487 : vector<16xi1>, vector<16xf32>
          %parallel_loop3A_489 = arith.index_cast %parallel_loop3A_484 : i32 to index
          %parallel_loop3A_490 = tpu.vector_load %arg8[%parallel_loop3A_489] {strides = array<i32>} : memref<12288xf32, #tpu.memory_space<vmem>>, vector<16xf32>,
          %parallel_loop3A_491 = vector.shape_cast %parallel_loop3A_490 : vector<16xf32> to vector<16xf32>
          %parallel_loop3A_492 = vector.shape_cast %parallel_loop3A_488 : vector<16xf32> to vector<16xf32>
          tpu.vector_store %arg8[%parallel_loop3A_489], %parallel_loop3A_492 {strides = array<i32>} : memref<12288xf32, #tpu.memory_space<vmem>>, vector<16xf32>,
          %parallel_loop3A_493 = arith.constant 768 : i32
          %parallel_loop3A_494 = arith.muli %parallel_loop3A_277, %parallel_loop3A_493 : i32
          %parallel_loop3A_495 = arith.constant 272 : i32
          %parallel_loop3A_496 = arith.addi %parallel_loop3A_494, %parallel_loop3A_495 : i32
          %parallel_loop3A_497 = arith.index_cast %parallel_loop3A_496 : i32 to index
          %parallel_loop3A_498 = tpu.vector_load %arg8[%parallel_loop3A_497] {strides = array<i32>} : memref<12288xf32, #tpu.memory_space<vmem>>, vector<16xf32>,
          %parallel_loop3A_499 = vector.shape_cast %parallel_loop3A_498 : vector<16xf32> to vector<16xf32>
          %parallel_loop3A_500 = arith.select %parallel_loop3A_288, %get3A_59, %parallel_loop3A_499 : vector<16xi1>, vector<16xf32>
          %parallel_loop3A_501 = arith.index_cast %parallel_loop3A_496 : i32 to index
          %parallel_loop3A_502 = tpu.vector_load %arg8[%parallel_loop3A_501] {strides = array<i32>} : memref<12288xf32, #tpu.memory_space<vmem>>, vector<16xf32>,
          %parallel_loop3A_503 = vector.shape_cast %parallel_loop3A_502 : vector<16xf32> to vector<16xf32>
          %parallel_loop3A_504 = vector.shape_cast %parallel_loop3A_500 : vector<16xf32> to vector<16xf32>
          tpu.vector_store %arg8[%parallel_loop3A_501], %parallel_loop3A_504 {strides = array<i32>} : memref<12288xf32, #tpu.memory_space<vmem>>, vector<16xf32>,
          %parallel_loop3A_505 = arith.constant 768 : i32
          %parallel_loop3A_506 = arith.muli %parallel_loop3A_277, %parallel_loop3A_505 : i32
          %parallel_loop3A_507 = arith.constant 288 : i32
          %parallel_loop3A_508 = arith.addi %parallel_loop3A_506, %parallel_loop3A_507 : i32
          %parallel_loop3A_509 = arith.index_cast %parallel_loop3A_508 : i32 to index
          %parallel_loop3A_510 = tpu.vector_load %arg8[%parallel_loop3A_509] {strides = array<i32>} : memref<12288xf32, #tpu.memory_space<vmem>>, vector<16xf32>,
          %parallel_loop3A_511 = vector.shape_cast %parallel_loop3A_510 : vector<16xf32> to vector<16xf32>
          %parallel_loop3A_512 = arith.select %parallel_loop3A_288, %get3A_62, %parallel_loop3A_511 : vector<16xi1>, vector<16xf32>
          %parallel_loop3A_513 = arith.index_cast %parallel_loop3A_508 : i32 to index
          %parallel_loop3A_514 = tpu.vector_load %arg8[%parallel_loop3A_513] {strides = array<i32>} : memref<12288xf32, #tpu.memory_space<vmem>>, vector<16xf32>,
          %parallel_loop3A_515 = vector.shape_cast %parallel_loop3A_514 : vector<16xf32> to vector<16xf32>
          %parallel_loop3A_516 = vector.shape_cast %parallel_loop3A_512 : vector<16xf32> to vector<16xf32>
          tpu.vector_store %arg8[%parallel_loop3A_513], %parallel_loop3A_516 {strides = array<i32>} : memref<12288xf32, #tpu.memory_space<vmem>>, vector<16xf32>,
          %parallel_loop3A_517 = arith.constant 768 : i32
          %parallel_loop3A_518 = arith.muli %parallel_loop3A_277, %parallel_loop3A_517 : i32
          %parallel_loop3A_519 = arith.constant 304 : i32
          %parallel_loop3A_520 = arith.addi %parallel_loop3A_518, %parallel_loop3A_519 : i32
          %parallel_loop3A_521 = arith.index_cast %parallel_loop3A_520 : i32 to index
          %parallel_loop3A_522 = tpu.vector_load %arg8[%parallel_loop3A_521] {strides = array<i32>} : memref<12288xf32, #tpu.memory_space<vmem>>, vector<16xf32>,
          %parallel_loop3A_523 = vector.shape_cast %parallel_loop3A_522 : vector<16xf32> to vector<16xf32>
          %parallel_loop3A_524 = arith.select %parallel_loop3A_288, %get3A_65, %parallel_loop3A_523 : vector<16xi1>, vector<16xf32>
          %parallel_loop3A_525 = arith.index_cast %parallel_loop3A_520 : i32 to index
          %parallel_loop3A_526 = tpu.vector_load %arg8[%parallel_loop3A_525] {strides = array<i32>} : memref<12288xf32, #tpu.memory_space<vmem>>, vector<16xf32>,
          %parallel_loop3A_527 = vector.shape_cast %parallel_loop3A_526 : vector<16xf32> to vector<16xf32>
          %parallel_loop3A_528 = vector.shape_cast %parallel_loop3A_524 : vector<16xf32> to vector<16xf32>
          tpu.vector_store %arg8[%parallel_loop3A_525], %parallel_loop3A_528 {strides = array<i32>} : memref<12288xf32, #tpu.memory_space<vmem>>, vector<16xf32>,
          %parallel_loop3A_529 = arith.constant 768 : i32
          %parallel_loop3A_530 = arith.muli %parallel_loop3A_277, %parallel_loop3A_529 : i32
          %parallel_loop3A_531 = arith.constant 320 : i32
          %parallel_loop3A_532 = arith.addi %parallel_loop3A_530, %parallel_loop3A_531 : i32
          %parallel_loop3A_533 = arith.index_cast %parallel_loop3A_532 : i32 to index
          %parallel_loop3A_534 = tpu.vector_load %arg8[%parallel_loop3A_533] {strides = array<i32>} : memref<12288xf32, #tpu.memory_space<vmem>>, vector<16xf32>,
          %parallel_loop3A_535 = vector.shape_cast %parallel_loop3A_534 : vector<16xf32> to vector<16xf32>
          %parallel_loop3A_536 = arith.select %parallel_loop3A_288, %get3A_68, %parallel_loop3A_535 : vector<16xi1>, vector<16xf32>
          %parallel_loop3A_537 = arith.index_cast %parallel_loop3A_532 : i32 to index
          %parallel_loop3A_538 = tpu.vector_load %arg8[%parallel_loop3A_537] {strides = array<i32>} : memref<12288xf32, #tpu.memory_space<vmem>>, vector<16xf32>,
          %parallel_loop3A_539 = vector.shape_cast %parallel_loop3A_538 : vector<16xf32> to vector<16xf32>
          %parallel_loop3A_540 = vector.shape_cast %parallel_loop3A_536 : vector<16xf32> to vector<16xf32>
          tpu.vector_store %arg8[%parallel_loop3A_537], %parallel_loop3A_540 {strides = array<i32>} : memref<12288xf32, #tpu.memory_space<vmem>>, vector<16xf32>,
          %parallel_loop3A_541 = arith.constant 768 : i32
          %parallel_loop3A_542 = arith.muli %parallel_loop3A_277, %parallel_loop3A_541 : i32
          %parallel_loop3A_543 = arith.constant 336 : i32
          %parallel_loop3A_544 = arith.addi %parallel_loop3A_542, %parallel_loop3A_543 : i32
          %parallel_loop3A_545 = arith.index_cast %parallel_loop3A_544 : i32 to index
          %parallel_loop3A_546 = tpu.vector_load %arg8[%parallel_loop3A_545] {strides = array<i32>} : memref<12288xf32, #tpu.memory_space<vmem>>, vector<16xf32>,
          %parallel_loop3A_547 = vector.shape_cast %parallel_loop3A_546 : vector<16xf32> to vector<16xf32>
          %parallel_loop3A_548 = arith.select %parallel_loop3A_288, %get3A_71, %parallel_loop3A_547 : vector<16xi1>, vector<16xf32>
          %parallel_loop3A_549 = arith.index_cast %parallel_loop3A_544 : i32 to index
          %parallel_loop3A_550 = tpu.vector_load %arg8[%parallel_loop3A_549] {strides = array<i32>} : memref<12288xf32, #tpu.memory_space<vmem>>, vector<16xf32>,
          %parallel_loop3A_551 = vector.shape_cast %parallel_loop3A_550 : vector<16xf32> to vector<16xf32>
          %parallel_loop3A_552 = vector.shape_cast %parallel_loop3A_548 : vector<16xf32> to vector<16xf32>
          tpu.vector_store %arg8[%parallel_loop3A_549], %parallel_loop3A_552 {strides = array<i32>} : memref<12288xf32, #tpu.memory_space<vmem>>, vector<16xf32>,
          %parallel_loop3A_553 = arith.constant 768 : i32
          %parallel_loop3A_554 = arith.muli %parallel_loop3A_277, %parallel_loop3A_553 : i32
          %parallel_loop3A_555 = arith.constant 352 : i32
          %parallel_loop3A_556 = arith.addi %parallel_loop3A_554, %parallel_loop3A_555 : i32
          %parallel_loop3A_557 = arith.index_cast %parallel_loop3A_556 : i32 to index
          %parallel_loop3A_558 = tpu.vector_load %arg8[%parallel_loop3A_557] {strides = array<i32>} : memref<12288xf32, #tpu.memory_space<vmem>>, vector<16xf32>,
          %parallel_loop3A_559 = vector.shape_cast %parallel_loop3A_558 : vector<16xf32> to vector<16xf32>
          %parallel_loop3A_560 = arith.select %parallel_loop3A_288, %get3A_74, %parallel_loop3A_559 : vector<16xi1>, vector<16xf32>
          %parallel_loop3A_561 = arith.index_cast %parallel_loop3A_556 : i32 to index
          %parallel_loop3A_562 = tpu.vector_load %arg8[%parallel_loop3A_561] {strides = array<i32>} : memref<12288xf32, #tpu.memory_space<vmem>>, vector<16xf32>,
          %parallel_loop3A_563 = vector.shape_cast %parallel_loop3A_562 : vector<16xf32> to vector<16xf32>
          %parallel_loop3A_564 = vector.shape_cast %parallel_loop3A_560 : vector<16xf32> to vector<16xf32>
          tpu.vector_store %arg8[%parallel_loop3A_561], %parallel_loop3A_564 {strides = array<i32>} : memref<12288xf32, #tpu.memory_space<vmem>>, vector<16xf32>,
          %parallel_loop3A_565 = arith.constant 768 : i32
          %parallel_loop3A_566 = arith.muli %parallel_loop3A_277, %parallel_loop3A_565 : i32
          %parallel_loop3A_567 = arith.constant 368 : i32
          %parallel_loop3A_568 = arith.addi %parallel_loop3A_566, %parallel_loop3A_567 : i32
          %parallel_loop3A_569 = arith.index_cast %parallel_loop3A_568 : i32 to index
          %parallel_loop3A_570 = tpu.vector_load %arg8[%parallel_loop3A_569] {strides = array<i32>} : memref<12288xf32, #tpu.memory_space<vmem>>, vector<16xf32>,
          %parallel_loop3A_571 = vector.shape_cast %parallel_loop3A_570 : vector<16xf32> to vector<16xf32>
          %parallel_loop3A_572 = arith.select %parallel_loop3A_288, %get3A_77, %parallel_loop3A_571 : vector<16xi1>, vector<16xf32>
          %parallel_loop3A_573 = arith.index_cast %parallel_loop3A_568 : i32 to index
          %parallel_loop3A_574 = tpu.vector_load %arg8[%parallel_loop3A_573] {strides = array<i32>} : memref<12288xf32, #tpu.memory_space<vmem>>, vector<16xf32>,
          %parallel_loop3A_575 = vector.shape_cast %parallel_loop3A_574 : vector<16xf32> to vector<16xf32>
          %parallel_loop3A_576 = vector.shape_cast %parallel_loop3A_572 : vector<16xf32> to vector<16xf32>
          tpu.vector_store %arg8[%parallel_loop3A_573], %parallel_loop3A_576 {strides = array<i32>} : memref<12288xf32, #tpu.memory_space<vmem>>, vector<16xf32>,
          %parallel_loop3A_577 = arith.constant 768 : i32
          %parallel_loop3A_578 = arith.muli %parallel_loop3A_277, %parallel_loop3A_577 : i32
          %parallel_loop3A_579 = arith.constant 384 : i32
          %parallel_loop3A_580 = arith.addi %parallel_loop3A_578, %parallel_loop3A_579 : i32
          %parallel_loop3A_581 = arith.index_cast %parallel_loop3A_580 : i32 to index
          %parallel_loop3A_582 = tpu.vector_load %arg8[%parallel_loop3A_581] {strides = array<i32>} : memref<12288xf32, #tpu.memory_space<vmem>>, vector<16xf32>,
          %parallel_loop3A_583 = vector.shape_cast %parallel_loop3A_582 : vector<16xf32> to vector<16xf32>
          %parallel_loop3A_584 = arith.select %parallel_loop3A_288, %get3A_80, %parallel_loop3A_583 : vector<16xi1>, vector<16xf32>
          %parallel_loop3A_585 = arith.index_cast %parallel_loop3A_580 : i32 to index
          %parallel_loop3A_586 = tpu.vector_load %arg8[%parallel_loop3A_585] {strides = array<i32>} : memref<12288xf32, #tpu.memory_space<vmem>>, vector<16xf32>,
          %parallel_loop3A_587 = vector.shape_cast %parallel_loop3A_586 : vector<16xf32> to vector<16xf32>
          %parallel_loop3A_588 = vector.shape_cast %parallel_loop3A_584 : vector<16xf32> to vector<16xf32>
          tpu.vector_store %arg8[%parallel_loop3A_585], %parallel_loop3A_588 {strides = array<i32>} : memref<12288xf32, #tpu.memory_space<vmem>>, vector<16xf32>,
          %parallel_loop3A_589 = arith.constant 768 : i32
          %parallel_loop3A_590 = arith.muli %parallel_loop3A_277, %parallel_loop3A_589 : i32
          %parallel_loop3A_591 = arith.constant 400 : i32
          %parallel_loop3A_592 = arith.addi %parallel_loop3A_590, %parallel_loop3A_591 : i32
          %parallel_loop3A_593 = arith.index_cast %parallel_loop3A_592 : i32 to index
          %parallel_loop3A_594 = tpu.vector_load %arg8[%parallel_loop3A_593] {strides = array<i32>} : memref<12288xf32, #tpu.memory_space<vmem>>, vector<16xf32>,
          %parallel_loop3A_595 = vector.shape_cast %parallel_loop3A_594 : vector<16xf32> to vector<16xf32>
          %parallel_loop3A_596 = arith.select %parallel_loop3A_288, %get3A_83, %parallel_loop3A_595 : vector<16xi1>, vector<16xf32>
          %parallel_loop3A_597 = arith.index_cast %parallel_loop3A_592 : i32 to index
          %parallel_loop3A_598 = tpu.vector_load %arg8[%parallel_loop3A_597] {strides = array<i32>} : memref<12288xf32, #tpu.memory_space<vmem>>, vector<16xf32>,
          %parallel_loop3A_599 = vector.shape_cast %parallel_loop3A_598 : vector<16xf32> to vector<16xf32>
          %parallel_loop3A_600 = vector.shape_cast %parallel_loop3A_596 : vector<16xf32> to vector<16xf32>
          tpu.vector_store %arg8[%parallel_loop3A_597], %parallel_loop3A_600 {strides = array<i32>} : memref<12288xf32, #tpu.memory_space<vmem>>, vector<16xf32>,
          %parallel_loop3A_601 = arith.constant 768 : i32
          %parallel_loop3A_602 = arith.muli %parallel_loop3A_277, %parallel_loop3A_601 : i32
          %parallel_loop3A_603 = arith.constant 416 : i32
          %parallel_loop3A_604 = arith.addi %parallel_loop3A_602, %parallel_loop3A_603 : i32
          %parallel_loop3A_605 = arith.index_cast %parallel_loop3A_604 : i32 to index
          %parallel_loop3A_606 = tpu.vector_load %arg8[%parallel_loop3A_605] {strides = array<i32>} : memref<12288xf32, #tpu.memory_space<vmem>>, vector<16xf32>,
          %parallel_loop3A_607 = vector.shape_cast %parallel_loop3A_606 : vector<16xf32> to vector<16xf32>
          %parallel_loop3A_608 = arith.select %parallel_loop3A_288, %get3A_86, %parallel_loop3A_607 : vector<16xi1>, vector<16xf32>
          %parallel_loop3A_609 = arith.index_cast %parallel_loop3A_604 : i32 to index
          %parallel_loop3A_610 = tpu.vector_load %arg8[%parallel_loop3A_609] {strides = array<i32>} : memref<12288xf32, #tpu.memory_space<vmem>>, vector<16xf32>,
          %parallel_loop3A_611 = vector.shape_cast %parallel_loop3A_610 : vector<16xf32> to vector<16xf32>
          %parallel_loop3A_612 = vector.shape_cast %parallel_loop3A_608 : vector<16xf32> to vector<16xf32>
          tpu.vector_store %arg8[%parallel_loop3A_609], %parallel_loop3A_612 {strides = array<i32>} : memref<12288xf32, #tpu.memory_space<vmem>>, vector<16xf32>,
          %parallel_loop3A_613 = arith.constant 768 : i32
          %parallel_loop3A_614 = arith.muli %parallel_loop3A_277, %parallel_loop3A_613 : i32
          %parallel_loop3A_615 = arith.constant 432 : i32
          %parallel_loop3A_616 = arith.addi %parallel_loop3A_614, %parallel_loop3A_615 : i32
          %parallel_loop3A_617 = arith.index_cast %parallel_loop3A_616 : i32 to index
          %parallel_loop3A_618 = tpu.vector_load %arg8[%parallel_loop3A_617] {strides = array<i32>} : memref<12288xf32, #tpu.memory_space<vmem>>, vector<16xf32>,
          %parallel_loop3A_619 = vector.shape_cast %parallel_loop3A_618 : vector<16xf32> to vector<16xf32>
          %parallel_loop3A_620 = arith.select %parallel_loop3A_288, %get3A_89, %parallel_loop3A_619 : vector<16xi1>, vector<16xf32>
          %parallel_loop3A_621 = arith.index_cast %parallel_loop3A_616 : i32 to index
          %parallel_loop3A_622 = tpu.vector_load %arg8[%parallel_loop3A_621] {strides = array<i32>} : memref<12288xf32, #tpu.memory_space<vmem>>, vector<16xf32>,
          %parallel_loop3A_623 = vector.shape_cast %parallel_loop3A_622 : vector<16xf32> to vector<16xf32>
          %parallel_loop3A_624 = vector.shape_cast %parallel_loop3A_620 : vector<16xf32> to vector<16xf32>
          tpu.vector_store %arg8[%parallel_loop3A_621], %parallel_loop3A_624 {strides = array<i32>} : memref<12288xf32, #tpu.memory_space<vmem>>, vector<16xf32>,
          %parallel_loop3A_625 = arith.constant 768 : i32
          %parallel_loop3A_626 = arith.muli %parallel_loop3A_277, %parallel_loop3A_625 : i32
          %parallel_loop3A_627 = arith.constant 448 : i32
          %parallel_loop3A_628 = arith.addi %parallel_loop3A_626, %parallel_loop3A_627 : i32
          %parallel_loop3A_629 = arith.index_cast %parallel_loop3A_628 : i32 to index
          %parallel_loop3A_630 = tpu.vector_load %arg8[%parallel_loop3A_629] {strides = array<i32>} : memref<12288xf32, #tpu.memory_space<vmem>>, vector<16xf32>,
          %parallel_loop3A_631 = vector.shape_cast %parallel_loop3A_630 : vector<16xf32> to vector<16xf32>
          %parallel_loop3A_632 = arith.select %parallel_loop3A_288, %get3A_92, %parallel_loop3A_631 : vector<16xi1>, vector<16xf32>
          %parallel_loop3A_633 = arith.index_cast %parallel_loop3A_628 : i32 to index
          %parallel_loop3A_634 = tpu.vector_load %arg8[%parallel_loop3A_633] {strides = array<i32>} : memref<12288xf32, #tpu.memory_space<vmem>>, vector<16xf32>,
          %parallel_loop3A_635 = vector.shape_cast %parallel_loop3A_634 : vector<16xf32> to vector<16xf32>
          %parallel_loop3A_636 = vector.shape_cast %parallel_loop3A_632 : vector<16xf32> to vector<16xf32>
          tpu.vector_store %arg8[%parallel_loop3A_633], %parallel_loop3A_636 {strides = array<i32>} : memref<12288xf32, #tpu.memory_space<vmem>>, vector<16xf32>,
          %parallel_loop3A_637 = arith.constant 768 : i32
          %parallel_loop3A_638 = arith.muli %parallel_loop3A_277, %parallel_loop3A_637 : i32
          %parallel_loop3A_639 = arith.constant 464 : i32
          %parallel_loop3A_640 = arith.addi %parallel_loop3A_638, %parallel_loop3A_639 : i32
          %parallel_loop3A_641 = arith.index_cast %parallel_loop3A_640 : i32 to index
          %parallel_loop3A_642 = tpu.vector_load %arg8[%parallel_loop3A_641] {strides = array<i32>} : memref<12288xf32, #tpu.memory_space<vmem>>, vector<16xf32>,
          %parallel_loop3A_643 = vector.shape_cast %parallel_loop3A_642 : vector<16xf32> to vector<16xf32>
          %parallel_loop3A_644 = arith.select %parallel_loop3A_288, %get3A_95, %parallel_loop3A_643 : vector<16xi1>, vector<16xf32>
          %parallel_loop3A_645 = arith.index_cast %parallel_loop3A_640 : i32 to index
          %parallel_loop3A_646 = tpu.vector_load %arg8[%parallel_loop3A_645] {strides = array<i32>} : memref<12288xf32, #tpu.memory_space<vmem>>, vector<16xf32>,
          %parallel_loop3A_647 = vector.shape_cast %parallel_loop3A_646 : vector<16xf32> to vector<16xf32>
          %parallel_loop3A_648 = vector.shape_cast %parallel_loop3A_644 : vector<16xf32> to vector<16xf32>
          tpu.vector_store %arg8[%parallel_loop3A_645], %parallel_loop3A_648 {strides = array<i32>} : memref<12288xf32, #tpu.memory_space<vmem>>, vector<16xf32>,
          %parallel_loop3A_649 = arith.constant 768 : i32
          %parallel_loop3A_650 = arith.muli %parallel_loop3A_277, %parallel_loop3A_649 : i32
          %parallel_loop3A_651 = arith.constant 480 : i32
          %parallel_loop3A_652 = arith.addi %parallel_loop3A_650, %parallel_loop3A_651 : i32
          %parallel_loop3A_653 = arith.index_cast %parallel_loop3A_652 : i32 to index
          %parallel_loop3A_654 = tpu.vector_load %arg8[%parallel_loop3A_653] {strides = array<i32>} : memref<12288xf32, #tpu.memory_space<vmem>>, vector<16xf32>,
          %parallel_loop3A_655 = vector.shape_cast %parallel_loop3A_654 : vector<16xf32> to vector<16xf32>
          %parallel_loop3A_656 = arith.select %parallel_loop3A_288, %get3A_98, %parallel_loop3A_655 : vector<16xi1>, vector<16xf32>
          %parallel_loop3A_657 = arith.index_cast %parallel_loop3A_652 : i32 to index
          %parallel_loop3A_658 = tpu.vector_load %arg8[%parallel_loop3A_657] {strides = array<i32>} : memref<12288xf32, #tpu.memory_space<vmem>>, vector<16xf32>,
          %parallel_loop3A_659 = vector.shape_cast %parallel_loop3A_658 : vector<16xf32> to vector<16xf32>
          %parallel_loop3A_660 = vector.shape_cast %parallel_loop3A_656 : vector<16xf32> to vector<16xf32>
          tpu.vector_store %arg8[%parallel_loop3A_657], %parallel_loop3A_660 {strides = array<i32>} : memref<12288xf32, #tpu.memory_space<vmem>>, vector<16xf32>,
          %parallel_loop3A_661 = arith.constant 768 : i32
          %parallel_loop3A_662 = arith.muli %parallel_loop3A_277, %parallel_loop3A_661 : i32
          %parallel_loop3A_663 = arith.constant 496 : i32
          %parallel_loop3A_664 = arith.addi %parallel_loop3A_662, %parallel_loop3A_663 : i32
          %parallel_loop3A_665 = arith.index_cast %parallel_loop3A_664 : i32 to index
          %parallel_loop3A_666 = tpu.vector_load %arg8[%parallel_loop3A_665] {strides = array<i32>} : memref<12288xf32, #tpu.memory_space<vmem>>, vector<16xf32>,
          %parallel_loop3A_667 = vector.shape_cast %parallel_loop3A_666 : vector<16xf32> to vector<16xf32>
          %parallel_loop3A_668 = arith.select %parallel_loop3A_288, %get3A_101, %parallel_loop3A_667 : vector<16xi1>, vector<16xf32>
          %parallel_loop3A_669 = arith.index_cast %parallel_loop3A_664 : i32 to index
          %parallel_loop3A_670 = tpu.vector_load %arg8[%parallel_loop3A_669] {strides = array<i32>} : memref<12288xf32, #tpu.memory_space<vmem>>, vector<16xf32>,
          %parallel_loop3A_671 = vector.shape_cast %parallel_loop3A_670 : vector<16xf32> to vector<16xf32>
          %parallel_loop3A_672 = vector.shape_cast %parallel_loop3A_668 : vector<16xf32> to vector<16xf32>
          tpu.vector_store %arg8[%parallel_loop3A_669], %parallel_loop3A_672 {strides = array<i32>} : memref<12288xf32, #tpu.memory_space<vmem>>, vector<16xf32>,
          %parallel_loop3A_673 = arith.constant 768 : i32
          %parallel_loop3A_674 = arith.muli %parallel_loop3A_277, %parallel_loop3A_673 : i32
          %parallel_loop3A_675 = arith.constant 512 : i32
          %parallel_loop3A_676 = arith.addi %parallel_loop3A_674, %parallel_loop3A_675 : i32
          %parallel_loop3A_677 = arith.index_cast %parallel_loop3A_676 : i32 to index
          %parallel_loop3A_678 = tpu.vector_load %arg8[%parallel_loop3A_677] {strides = array<i32>} : memref<12288xf32, #tpu.memory_space<vmem>>, vector<16xf32>,
          %parallel_loop3A_679 = vector.shape_cast %parallel_loop3A_678 : vector<16xf32> to vector<16xf32>
          %parallel_loop3A_680 = arith.select %parallel_loop3A_288, %get3A_104, %parallel_loop3A_679 : vector<16xi1>, vector<16xf32>
          %parallel_loop3A_681 = arith.index_cast %parallel_loop3A_676 : i32 to index
          %parallel_loop3A_682 = tpu.vector_load %arg8[%parallel_loop3A_681] {strides = array<i32>} : memref<12288xf32, #tpu.memory_space<vmem>>, vector<16xf32>,
          %parallel_loop3A_683 = vector.shape_cast %parallel_loop3A_682 : vector<16xf32> to vector<16xf32>
          %parallel_loop3A_684 = vector.shape_cast %parallel_loop3A_680 : vector<16xf32> to vector<16xf32>
          tpu.vector_store %arg8[%parallel_loop3A_681], %parallel_loop3A_684 {strides = array<i32>} : memref<12288xf32, #tpu.memory_space<vmem>>, vector<16xf32>,
          %parallel_loop3A_685 = arith.constant 768 : i32
          %parallel_loop3A_686 = arith.muli %parallel_loop3A_277, %parallel_loop3A_685 : i32
          %parallel_loop3A_687 = arith.constant 528 : i32
          %parallel_loop3A_688 = arith.addi %parallel_loop3A_686, %parallel_loop3A_687 : i32
          %parallel_loop3A_689 = arith.index_cast %parallel_loop3A_688 : i32 to index
          %parallel_loop3A_690 = tpu.vector_load %arg8[%parallel_loop3A_689] {strides = array<i32>} : memref<12288xf32, #tpu.memory_space<vmem>>, vector<16xf32>,
          %parallel_loop3A_691 = vector.shape_cast %parallel_loop3A_690 : vector<16xf32> to vector<16xf32>
          %parallel_loop3A_692 = arith.select %parallel_loop3A_288, %get3A_107, %parallel_loop3A_691 : vector<16xi1>, vector<16xf32>
          %parallel_loop3A_693 = arith.index_cast %parallel_loop3A_688 : i32 to index
          %parallel_loop3A_694 = tpu.vector_load %arg8[%parallel_loop3A_693] {strides = array<i32>} : memref<12288xf32, #tpu.memory_space<vmem>>, vector<16xf32>,
          %parallel_loop3A_695 = vector.shape_cast %parallel_loop3A_694 : vector<16xf32> to vector<16xf32>
          %parallel_loop3A_696 = vector.shape_cast %parallel_loop3A_692 : vector<16xf32> to vector<16xf32>
          tpu.vector_store %arg8[%parallel_loop3A_693], %parallel_loop3A_696 {strides = array<i32>} : memref<12288xf32, #tpu.memory_space<vmem>>, vector<16xf32>,
          %parallel_loop3A_697 = arith.constant 768 : i32
          %parallel_loop3A_698 = arith.muli %parallel_loop3A_277, %parallel_loop3A_697 : i32
          %parallel_loop3A_699 = arith.constant 544 : i32
          %parallel_loop3A_700 = arith.addi %parallel_loop3A_698, %parallel_loop3A_699 : i32
          %parallel_loop3A_701 = arith.index_cast %parallel_loop3A_700 : i32 to index
          %parallel_loop3A_702 = tpu.vector_load %arg8[%parallel_loop3A_701] {strides = array<i32>} : memref<12288xf32, #tpu.memory_space<vmem>>, vector<16xf32>,
          %parallel_loop3A_703 = vector.shape_cast %parallel_loop3A_702 : vector<16xf32> to vector<16xf32>
          %parallel_loop3A_704 = arith.select %parallel_loop3A_288, %get3A_110, %parallel_loop3A_703 : vector<16xi1>, vector<16xf32>
          %parallel_loop3A_705 = arith.index_cast %parallel_loop3A_700 : i32 to index
          %parallel_loop3A_706 = tpu.vector_load %arg8[%parallel_loop3A_705] {strides = array<i32>} : memref<12288xf32, #tpu.memory_space<vmem>>, vector<16xf32>,
          %parallel_loop3A_707 = vector.shape_cast %parallel_loop3A_706 : vector<16xf32> to vector<16xf32>
          %parallel_loop3A_708 = vector.shape_cast %parallel_loop3A_704 : vector<16xf32> to vector<16xf32>
          tpu.vector_store %arg8[%parallel_loop3A_705], %parallel_loop3A_708 {strides = array<i32>} : memref<12288xf32, #tpu.memory_space<vmem>>, vector<16xf32>,
          %parallel_loop3A_709 = arith.constant 768 : i32
          %parallel_loop3A_710 = arith.muli %parallel_loop3A_277, %parallel_loop3A_709 : i32
          %parallel_loop3A_711 = arith.constant 560 : i32
          %parallel_loop3A_712 = arith.addi %parallel_loop3A_710, %parallel_loop3A_711 : i32
          %parallel_loop3A_713 = arith.index_cast %parallel_loop3A_712 : i32 to index
          %parallel_loop3A_714 = tpu.vector_load %arg8[%parallel_loop3A_713] {strides = array<i32>} : memref<12288xf32, #tpu.memory_space<vmem>>, vector<16xf32>,
          %parallel_loop3A_715 = vector.shape_cast %parallel_loop3A_714 : vector<16xf32> to vector<16xf32>
          %parallel_loop3A_716 = arith.select %parallel_loop3A_288, %get3A_113, %parallel_loop3A_715 : vector<16xi1>, vector<16xf32>
          %parallel_loop3A_717 = arith.index_cast %parallel_loop3A_712 : i32 to index
          %parallel_loop3A_718 = tpu.vector_load %arg8[%parallel_loop3A_717] {strides = array<i32>} : memref<12288xf32, #tpu.memory_space<vmem>>, vector<16xf32>,
          %parallel_loop3A_719 = vector.shape_cast %parallel_loop3A_718 : vector<16xf32> to vector<16xf32>
          %parallel_loop3A_720 = vector.shape_cast %parallel_loop3A_716 : vector<16xf32> to vector<16xf32>
          tpu.vector_store %arg8[%parallel_loop3A_717], %parallel_loop3A_720 {strides = array<i32>} : memref<12288xf32, #tpu.memory_space<vmem>>, vector<16xf32>,
          %parallel_loop3A_721 = arith.constant 768 : i32
          %parallel_loop3A_722 = arith.muli %parallel_loop3A_277, %parallel_loop3A_721 : i32
          %parallel_loop3A_723 = arith.constant 576 : i32
          %parallel_loop3A_724 = arith.addi %parallel_loop3A_722, %parallel_loop3A_723 : i32
          %parallel_loop3A_725 = arith.index_cast %parallel_loop3A_724 : i32 to index
          %parallel_loop3A_726 = tpu.vector_load %arg8[%parallel_loop3A_725] {strides = array<i32>} : memref<12288xf32, #tpu.memory_space<vmem>>, vector<16xf32>,
          %parallel_loop3A_727 = vector.shape_cast %parallel_loop3A_726 : vector<16xf32> to vector<16xf32>
          %parallel_loop3A_728 = arith.select %parallel_loop3A_288, %get3A_116, %parallel_loop3A_727 : vector<16xi1>, vector<16xf32>
          %parallel_loop3A_729 = arith.index_cast %parallel_loop3A_724 : i32 to index
          %parallel_loop3A_730 = tpu.vector_load %arg8[%parallel_loop3A_729] {strides = array<i32>} : memref<12288xf32, #tpu.memory_space<vmem>>, vector<16xf32>,
          %parallel_loop3A_731 = vector.shape_cast %parallel_loop3A_730 : vector<16xf32> to vector<16xf32>
          %parallel_loop3A_732 = vector.shape_cast %parallel_loop3A_728 : vector<16xf32> to vector<16xf32>
          tpu.vector_store %arg8[%parallel_loop3A_729], %parallel_loop3A_732 {strides = array<i32>} : memref<12288xf32, #tpu.memory_space<vmem>>, vector<16xf32>,
          %parallel_loop3A_733 = arith.constant 768 : i32
          %parallel_loop3A_734 = arith.muli %parallel_loop3A_277, %parallel_loop3A_733 : i32
          %parallel_loop3A_735 = arith.constant 592 : i32
          %parallel_loop3A_736 = arith.addi %parallel_loop3A_734, %parallel_loop3A_735 : i32
          %parallel_loop3A_737 = arith.index_cast %parallel_loop3A_736 : i32 to index
          %parallel_loop3A_738 = tpu.vector_load %arg8[%parallel_loop3A_737] {strides = array<i32>} : memref<12288xf32, #tpu.memory_space<vmem>>, vector<16xf32>,
          %parallel_loop3A_739 = vector.shape_cast %parallel_loop3A_738 : vector<16xf32> to vector<16xf32>
          %parallel_loop3A_740 = arith.select %parallel_loop3A_288, %get3A_119, %parallel_loop3A_739 : vector<16xi1>, vector<16xf32>
          %parallel_loop3A_741 = arith.index_cast %parallel_loop3A_736 : i32 to index
          %parallel_loop3A_742 = tpu.vector_load %arg8[%parallel_loop3A_741] {strides = array<i32>} : memref<12288xf32, #tpu.memory_space<vmem>>, vector<16xf32>,
          %parallel_loop3A_743 = vector.shape_cast %parallel_loop3A_742 : vector<16xf32> to vector<16xf32>
          %parallel_loop3A_744 = vector.shape_cast %parallel_loop3A_740 : vector<16xf32> to vector<16xf32>
          tpu.vector_store %arg8[%parallel_loop3A_741], %parallel_loop3A_744 {strides = array<i32>} : memref<12288xf32, #tpu.memory_space<vmem>>, vector<16xf32>,
          %parallel_loop3A_745 = arith.constant 768 : i32
          %parallel_loop3A_746 = arith.muli %parallel_loop3A_277, %parallel_loop3A_745 : i32
          %parallel_loop3A_747 = arith.constant 608 : i32
          %parallel_loop3A_748 = arith.addi %parallel_loop3A_746, %parallel_loop3A_747 : i32
          %parallel_loop3A_749 = arith.index_cast %parallel_loop3A_748 : i32 to index
          %parallel_loop3A_750 = tpu.vector_load %arg8[%parallel_loop3A_749] {strides = array<i32>} : memref<12288xf32, #tpu.memory_space<vmem>>, vector<16xf32>,
          %parallel_loop3A_751 = vector.shape_cast %parallel_loop3A_750 : vector<16xf32> to vector<16xf32>
          %parallel_loop3A_752 = arith.select %parallel_loop3A_288, %get3A_122, %parallel_loop3A_751 : vector<16xi1>, vector<16xf32>
          %parallel_loop3A_753 = arith.index_cast %parallel_loop3A_748 : i32 to index
          %parallel_loop3A_754 = tpu.vector_load %arg8[%parallel_loop3A_753] {strides = array<i32>} : memref<12288xf32, #tpu.memory_space<vmem>>, vector<16xf32>,
          %parallel_loop3A_755 = vector.shape_cast %parallel_loop3A_754 : vector<16xf32> to vector<16xf32>
          %parallel_loop3A_756 = vector.shape_cast %parallel_loop3A_752 : vector<16xf32> to vector<16xf32>
          tpu.vector_store %arg8[%parallel_loop3A_753], %parallel_loop3A_756 {strides = array<i32>} : memref<12288xf32, #tpu.memory_space<vmem>>, vector<16xf32>,
          %parallel_loop3A_757 = arith.constant 768 : i32
          %parallel_loop3A_758 = arith.muli %parallel_loop3A_277, %parallel_loop3A_757 : i32
          %parallel_loop3A_759 = arith.constant 624 : i32
          %parallel_loop3A_760 = arith.addi %parallel_loop3A_758, %parallel_loop3A_759 : i32
          %parallel_loop3A_761 = arith.index_cast %parallel_loop3A_760 : i32 to index
          %parallel_loop3A_762 = tpu.vector_load %arg8[%parallel_loop3A_761] {strides = array<i32>} : memref<12288xf32, #tpu.memory_space<vmem>>, vector<16xf32>,
          %parallel_loop3A_763 = vector.shape_cast %parallel_loop3A_762 : vector<16xf32> to vector<16xf32>
          %parallel_loop3A_764 = arith.select %parallel_loop3A_288, %get3A_125, %parallel_loop3A_763 : vector<16xi1>, vector<16xf32>
          %parallel_loop3A_765 = arith.index_cast %parallel_loop3A_760 : i32 to index
          %parallel_loop3A_766 = tpu.vector_load %arg8[%parallel_loop3A_765] {strides = array<i32>} : memref<12288xf32, #tpu.memory_space<vmem>>, vector<16xf32>,
          %parallel_loop3A_767 = vector.shape_cast %parallel_loop3A_766 : vector<16xf32> to vector<16xf32>
          %parallel_loop3A_768 = vector.shape_cast %parallel_loop3A_764 : vector<16xf32> to vector<16xf32>
          tpu.vector_store %arg8[%parallel_loop3A_765], %parallel_loop3A_768 {strides = array<i32>} : memref<12288xf32, #tpu.memory_space<vmem>>, vector<16xf32>,
          %parallel_loop3A_769 = arith.constant 768 : i32
          %parallel_loop3A_770 = arith.muli %parallel_loop3A_277, %parallel_loop3A_769 : i32
          %parallel_loop3A_771 = arith.constant 640 : i32
          %parallel_loop3A_772 = arith.addi %parallel_loop3A_770, %parallel_loop3A_771 : i32
          %parallel_loop3A_773 = arith.index_cast %parallel_loop3A_772 : i32 to index
          %parallel_loop3A_774 = tpu.vector_load %arg8[%parallel_loop3A_773] {strides = array<i32>} : memref<12288xf32, #tpu.memory_space<vmem>>, vector<16xf32>,
          %parallel_loop3A_775 = vector.shape_cast %parallel_loop3A_774 : vector<16xf32> to vector<16xf32>
          %parallel_loop3A_776 = arith.select %parallel_loop3A_288, %get3A_128, %parallel_loop3A_775 : vector<16xi1>, vector<16xf32>
          %parallel_loop3A_777 = arith.index_cast %parallel_loop3A_772 : i32 to index
          %parallel_loop3A_778 = tpu.vector_load %arg8[%parallel_loop3A_777] {strides = array<i32>} : memref<12288xf32, #tpu.memory_space<vmem>>, vector<16xf32>,
          %parallel_loop3A_779 = vector.shape_cast %parallel_loop3A_778 : vector<16xf32> to vector<16xf32>
          %parallel_loop3A_780 = vector.shape_cast %parallel_loop3A_776 : vector<16xf32> to vector<16xf32>
          tpu.vector_store %arg8[%parallel_loop3A_777], %parallel_loop3A_780 {strides = array<i32>} : memref<12288xf32, #tpu.memory_space<vmem>>, vector<16xf32>,
          %parallel_loop3A_781 = arith.constant 768 : i32
          %parallel_loop3A_782 = arith.muli %parallel_loop3A_277, %parallel_loop3A_781 : i32
          %parallel_loop3A_783 = arith.constant 656 : i32
          %parallel_loop3A_784 = arith.addi %parallel_loop3A_782, %parallel_loop3A_783 : i32
          %parallel_loop3A_785 = arith.index_cast %parallel_loop3A_784 : i32 to index
          %parallel_loop3A_786 = tpu.vector_load %arg8[%parallel_loop3A_785] {strides = array<i32>} : memref<12288xf32, #tpu.memory_space<vmem>>, vector<16xf32>,
          %parallel_loop3A_787 = vector.shape_cast %parallel_loop3A_786 : vector<16xf32> to vector<16xf32>
          %parallel_loop3A_788 = arith.select %parallel_loop3A_288, %get3A_131, %parallel_loop3A_787 : vector<16xi1>, vector<16xf32>
          %parallel_loop3A_789 = arith.index_cast %parallel_loop3A_784 : i32 to index
          %parallel_loop3A_790 = tpu.vector_load %arg8[%parallel_loop3A_789] {strides = array<i32>} : memref<12288xf32, #tpu.memory_space<vmem>>, vector<16xf32>,
          %parallel_loop3A_791 = vector.shape_cast %parallel_loop3A_790 : vector<16xf32> to vector<16xf32>
          %parallel_loop3A_792 = vector.shape_cast %parallel_loop3A_788 : vector<16xf32> to vector<16xf32>
          tpu.vector_store %arg8[%parallel_loop3A_789], %parallel_loop3A_792 {strides = array<i32>} : memref<12288xf32, #tpu.memory_space<vmem>>, vector<16xf32>,
          %parallel_loop3A_793 = arith.constant 768 : i32
          %parallel_loop3A_794 = arith.muli %parallel_loop3A_277, %parallel_loop3A_793 : i32
          %parallel_loop3A_795 = arith.constant 672 : i32
          %parallel_loop3A_796 = arith.addi %parallel_loop3A_794, %parallel_loop3A_795 : i32
          %parallel_loop3A_797 = arith.index_cast %parallel_loop3A_796 : i32 to index
          %parallel_loop3A_798 = tpu.vector_load %arg8[%parallel_loop3A_797] {strides = array<i32>} : memref<12288xf32, #tpu.memory_space<vmem>>, vector<16xf32>,
          %parallel_loop3A_799 = vector.shape_cast %parallel_loop3A_798 : vector<16xf32> to vector<16xf32>
          %parallel_loop3A_800 = arith.select %parallel_loop3A_288, %get3A_134, %parallel_loop3A_799 : vector<16xi1>, vector<16xf32>
          %parallel_loop3A_801 = arith.index_cast %parallel_loop3A_796 : i32 to index
          %parallel_loop3A_802 = tpu.vector_load %arg8[%parallel_loop3A_801] {strides = array<i32>} : memref<12288xf32, #tpu.memory_space<vmem>>, vector<16xf32>,
          %parallel_loop3A_803 = vector.shape_cast %parallel_loop3A_802 : vector<16xf32> to vector<16xf32>
          %parallel_loop3A_804 = vector.shape_cast %parallel_loop3A_800 : vector<16xf32> to vector<16xf32>
          tpu.vector_store %arg8[%parallel_loop3A_801], %parallel_loop3A_804 {strides = array<i32>} : memref<12288xf32, #tpu.memory_space<vmem>>, vector<16xf32>,
          %parallel_loop3A_805 = arith.constant 768 : i32
          %parallel_loop3A_806 = arith.muli %parallel_loop3A_277, %parallel_loop3A_805 : i32
          %parallel_loop3A_807 = arith.constant 688 : i32
          %parallel_loop3A_808 = arith.addi %parallel_loop3A_806, %parallel_loop3A_807 : i32
          %parallel_loop3A_809 = arith.index_cast %parallel_loop3A_808 : i32 to index
          %parallel_loop3A_810 = tpu.vector_load %arg8[%parallel_loop3A_809] {strides = array<i32>} : memref<12288xf32, #tpu.memory_space<vmem>>, vector<16xf32>,
          %parallel_loop3A_811 = vector.shape_cast %parallel_loop3A_810 : vector<16xf32> to vector<16xf32>
          %parallel_loop3A_812 = arith.select %parallel_loop3A_288, %get3A_137, %parallel_loop3A_811 : vector<16xi1>, vector<16xf32>
          %parallel_loop3A_813 = arith.index_cast %parallel_loop3A_808 : i32 to index
          %parallel_loop3A_814 = tpu.vector_load %arg8[%parallel_loop3A_813] {strides = array<i32>} : memref<12288xf32, #tpu.memory_space<vmem>>, vector<16xf32>,
          %parallel_loop3A_815 = vector.shape_cast %parallel_loop3A_814 : vector<16xf32> to vector<16xf32>
          %parallel_loop3A_816 = vector.shape_cast %parallel_loop3A_812 : vector<16xf32> to vector<16xf32>
          tpu.vector_store %arg8[%parallel_loop3A_813], %parallel_loop3A_816 {strides = array<i32>} : memref<12288xf32, #tpu.memory_space<vmem>>, vector<16xf32>,
          %parallel_loop3A_817 = arith.constant 768 : i32
          %parallel_loop3A_818 = arith.muli %parallel_loop3A_277, %parallel_loop3A_817 : i32
          %parallel_loop3A_819 = arith.constant 704 : i32
          %parallel_loop3A_820 = arith.addi %parallel_loop3A_818, %parallel_loop3A_819 : i32
          %parallel_loop3A_821 = arith.index_cast %parallel_loop3A_820 : i32 to index
          %parallel_loop3A_822 = tpu.vector_load %arg8[%parallel_loop3A_821] {strides = array<i32>} : memref<12288xf32, #tpu.memory_space<vmem>>, vector<16xf32>,
          %parallel_loop3A_823 = vector.shape_cast %parallel_loop3A_822 : vector<16xf32> to vector<16xf32>
          %parallel_loop3A_824 = arith.select %parallel_loop3A_288, %get3A_140, %parallel_loop3A_823 : vector<16xi1>, vector<16xf32>
          %parallel_loop3A_825 = arith.index_cast %parallel_loop3A_820 : i32 to index
          %parallel_loop3A_826 = tpu.vector_load %arg8[%parallel_loop3A_825] {strides = array<i32>} : memref<12288xf32, #tpu.memory_space<vmem>>, vector<16xf32>,
          %parallel_loop3A_827 = vector.shape_cast %parallel_loop3A_826 : vector<16xf32> to vector<16xf32>
          %parallel_loop3A_828 = vector.shape_cast %parallel_loop3A_824 : vector<16xf32> to vector<16xf32>
          tpu.vector_store %arg8[%parallel_loop3A_825], %parallel_loop3A_828 {strides = array<i32>} : memref<12288xf32, #tpu.memory_space<vmem>>, vector<16xf32>,
          %parallel_loop3A_829 = arith.constant 768 : i32
          %parallel_loop3A_830 = arith.muli %parallel_loop3A_277, %parallel_loop3A_829 : i32
          %parallel_loop3A_831 = arith.constant 720 : i32
          %parallel_loop3A_832 = arith.addi %parallel_loop3A_830, %parallel_loop3A_831 : i32
          %parallel_loop3A_833 = arith.index_cast %parallel_loop3A_832 : i32 to index
          %parallel_loop3A_834 = tpu.vector_load %arg8[%parallel_loop3A_833] {strides = array<i32>} : memref<12288xf32, #tpu.memory_space<vmem>>, vector<16xf32>,
          %parallel_loop3A_835 = vector.shape_cast %parallel_loop3A_834 : vector<16xf32> to vector<16xf32>
          %parallel_loop3A_836 = arith.select %parallel_loop3A_288, %get3A_143, %parallel_loop3A_835 : vector<16xi1>, vector<16xf32>
          %parallel_loop3A_837 = arith.index_cast %parallel_loop3A_832 : i32 to index
          %parallel_loop3A_838 = tpu.vector_load %arg8[%parallel_loop3A_837] {strides = array<i32>} : memref<12288xf32, #tpu.memory_space<vmem>>, vector<16xf32>,
          %parallel_loop3A_839 = vector.shape_cast %parallel_loop3A_838 : vector<16xf32> to vector<16xf32>
          %parallel_loop3A_840 = vector.shape_cast %parallel_loop3A_836 : vector<16xf32> to vector<16xf32>
          tpu.vector_store %arg8[%parallel_loop3A_837], %parallel_loop3A_840 {strides = array<i32>} : memref<12288xf32, #tpu.memory_space<vmem>>, vector<16xf32>,
          %parallel_loop3A_841 = arith.constant 768 : i32
          %parallel_loop3A_842 = arith.muli %parallel_loop3A_277, %parallel_loop3A_841 : i32
          %parallel_loop3A_843 = arith.constant 736 : i32
          %parallel_loop3A_844 = arith.addi %parallel_loop3A_842, %parallel_loop3A_843 : i32
          %parallel_loop3A_845 = arith.index_cast %parallel_loop3A_844 : i32 to index
          %parallel_loop3A_846 = tpu.vector_load %arg8[%parallel_loop3A_845] {strides = array<i32>} : memref<12288xf32, #tpu.memory_space<vmem>>, vector<16xf32>,
          %parallel_loop3A_847 = vector.shape_cast %parallel_loop3A_846 : vector<16xf32> to vector<16xf32>
          %parallel_loop3A_848 = arith.select %parallel_loop3A_288, %get3A_146, %parallel_loop3A_847 : vector<16xi1>, vector<16xf32>
          %parallel_loop3A_849 = arith.index_cast %parallel_loop3A_844 : i32 to index
          %parallel_loop3A_850 = tpu.vector_load %arg8[%parallel_loop3A_849] {strides = array<i32>} : memref<12288xf32, #tpu.memory_space<vmem>>, vector<16xf32>,
          %parallel_loop3A_851 = vector.shape_cast %parallel_loop3A_850 : vector<16xf32> to vector<16xf32>
          %parallel_loop3A_852 = vector.shape_cast %parallel_loop3A_848 : vector<16xf32> to vector<16xf32>
          tpu.vector_store %arg8[%parallel_loop3A_849], %parallel_loop3A_852 {strides = array<i32>} : memref<12288xf32, #tpu.memory_space<vmem>>, vector<16xf32>,
          %parallel_loop3A_853 = arith.constant 768 : i32
          %parallel_loop3A_854 = arith.muli %parallel_loop3A_277, %parallel_loop3A_853 : i32
          %parallel_loop3A_855 = arith.constant 752 : i32
          %parallel_loop3A_856 = arith.addi %parallel_loop3A_854, %parallel_loop3A_855 : i32
          %parallel_loop3A_857 = arith.index_cast %parallel_loop3A_856 : i32 to index
          %parallel_loop3A_858 = tpu.vector_load %arg8[%parallel_loop3A_857] {strides = array<i32>} : memref<12288xf32, #tpu.memory_space<vmem>>, vector<16xf32>,
          %parallel_loop3A_859 = vector.shape_cast %parallel_loop3A_858 : vector<16xf32> to vector<16xf32>
          %parallel_loop3A_860 = arith.select %parallel_loop3A_288, %get3A_149, %parallel_loop3A_859 : vector<16xi1>, vector<16xf32>
          %parallel_loop3A_861 = arith.index_cast %parallel_loop3A_856 : i32 to index
          %parallel_loop3A_862 = tpu.vector_load %arg8[%parallel_loop3A_861] {strides = array<i32>} : memref<12288xf32, #tpu.memory_space<vmem>>, vector<16xf32>,
          %parallel_loop3A_863 = vector.shape_cast %parallel_loop3A_862 : vector<16xf32> to vector<16xf32>
          %parallel_loop3A_864 = vector.shape_cast %parallel_loop3A_860 : vector<16xf32> to vector<16xf32>
          tpu.vector_store %arg8[%parallel_loop3A_861], %parallel_loop3A_864 {strides = array<i32>} : memref<12288xf32, #tpu.memory_space<vmem>>, vector<16xf32>,
        } {sc.loop_unroll_factor = 4 : i64, sc.parallel_access}
        %mul3A_272 = arith.constant 12288 : i32
        %mul3A_273 = arith.muli %scan3A_181, %mul3A_272 : i32
        %add3A_274 = arith.addi %mul3A_4, %mul3A_273 : i32
        %dma_start3A_275 = tpu.memref_slice %arg5[%add3A_274] : memref<60555264xf32, #tpu.memory_space<hbm>> -> memref<12288xf32, #tpu.memory_space<hbm>>
        %dma_start3A_276 = tpu.memref_slice %arg5[%add3A_274] : memref<60555264xf32, #tpu.memory_space<hbm>> -> memref<12288xf32, #tpu.memory_space<hbm>>
        tpu.enqueue_dma source(%arg8 : memref<12288xf32, #tpu.memory_space<vmem>>) target(%dma_start3A_276 : memref<12288xf32, #tpu.memory_space<hbm>>) target_semaphore(%arg18 : memref<!tpu.dma_semaphore, #tpu.memory_space<semaphore_mem>>)
      } else {
      }
      %jit3A_236 = arith.constant 4 : i32
      %eq3A_237 = arith.constant 0 : i32
      %eq3A_238 = arith.cmpi eq, %jit3A_236, %eq3A_237 : i32
      %jit3A_239 = arith.constant 1 : i32
      %select_n3A_240 = arith.select %eq3A_238, %jit3A_239, %jit3A_236 : i32
      %rem3A_241 = arith.remsi %scan3A_181, %select_n3A_240 : i32
      %ne3A_242 = arith.constant 0 : i32
      %ne3A_243 = arith.cmpi ne, %rem3A_241, %ne3A_242 : i32
      %lt3A_244 = arith.constant 0 : i32
      %lt3A_245 = arith.cmpi slt, %rem3A_241, %lt3A_244 : i32
      %lt3A_246 = arith.constant 0 : i32
      %lt3A_247 = arith.cmpi slt, %select_n3A_240, %lt3A_246 : i32
      %ne3A_248 = arith.xori %lt3A_245, %lt3A_247 : i1
      %and3A_249 = arith.andi %ne3A_248, %ne3A_243 : i1
      %add3A_250 = arith.addi %rem3A_241, %select_n3A_240 : i32
      %select_n3A_251 = arith.select %and3A_249, %add3A_250, %rem3A_241 : i32
      %eq3A_252 = arith.constant 3 : i32
      %eq3A_253 = arith.cmpi eq, %select_n3A_251, %eq3A_252 : i32
      %convert_element_type3A_254 = arith.extui %eq3A_253 : i1 to i32
      %cond3A_255 = arith.constant 0 : i32
      %cond3A_256 = arith.cmpi ne, %convert_element_type3A_254, %cond3A_255 : i32
      scf.if %cond3A_256 {
        %mul3A_257 = arith.constant 12288 : i32
        %mul3A_258 = arith.muli %scan3A_181, %mul3A_257 : i32
        %add3A_259 = arith.addi %mul3A_4, %mul3A_258 : i32
        %dma_wait3A_260 = tpu.memref_slice %arg2[%add3A_259] : memref<60555264xf32, #tpu.memory_space<hbm>> -> memref<12288xf32, #tpu.memory_space<hbm>>
        %dma_wait3A_261 = tpu.memref_slice %arg2[%add3A_259] : memref<60555264xf32, #tpu.memory_space<hbm>> -> memref<12288xf32, #tpu.memory_space<hbm>>
        tpu.wait_dma2 semaphore(%arg15 : memref<!tpu.dma_semaphore, #tpu.memory_space<semaphore_mem>>) src(%dma_wait3A_261 : memref<12288xf32, #tpu.memory_space<hbm>>) dst(%arg9 : memref<12288xf32, #tpu.memory_space<vmem>>)
        %add3A_262 = arith.constant 4 : i32
        %add3A_263 = arith.addi %scan3A_181, %add3A_262 : i32
        %sub3A = arith.constant 1 : i32
        %sub3A_264 = arith.subi %add3A_263, %sub3A : i32
        %lt3A_265 = arith.constant 154 : i32
        %lt3A_266 = arith.cmpi slt, %sub3A_264, %lt3A_265 : i32
        %convert_element_type3A_267 = arith.extui %lt3A_266 : i1 to i32
        %cond3A_268 = arith.constant 0 : i32
        %cond3A_269 = arith.cmpi ne, %convert_element_type3A_267, %cond3A_268 : i32
        scf.if %cond3A_269 {
          %ge3A = arith.constant 1 : i32
          %ge3A_277 = arith.cmpi sge, %scan3A_181, %ge3A : i32
          %convert_element_type3A_278 = arith.extui %ge3A_277 : i1 to i32
          %cond3A_279 = arith.constant 0 : i32
          %cond3A_280 = arith.cmpi ne, %convert_element_type3A_278, %cond3A_279 : i32
          scf.if %cond3A_280 {
            %sub3A_290 = arith.constant 1 : i32
            %sub3A_291 = arith.subi %scan3A_181, %sub3A_290 : i32
            %mul3A_292 = arith.constant 12288 : i32
            %mul3A_293 = arith.muli %sub3A_291, %mul3A_292 : i32
            %add3A_294 = arith.addi %mul3A_4, %mul3A_293 : i32
            %dma_wait3A_295 = tpu.memref_slice %arg5[%add3A_294] : memref<60555264xf32, #tpu.memory_space<hbm>> -> memref<12288xf32, #tpu.memory_space<hbm>>
            %dma_wait3A_296 = tpu.memref_slice %arg5[%add3A_294] : memref<60555264xf32, #tpu.memory_space<hbm>> -> memref<12288xf32, #tpu.memory_space<hbm>>
            tpu.wait_dma2 semaphore(%arg18 : memref<!tpu.dma_semaphore, #tpu.memory_space<semaphore_mem>>) src(%arg8 : memref<12288xf32, #tpu.memory_space<vmem>>) dst(%dma_wait3A_296 : memref<12288xf32, #tpu.memory_space<hbm>>)
          } else {
          }
          %add3A_281 = arith.constant 4 : i32
          %add3A_282 = arith.addi %scan3A_181, %add3A_281 : i32
          %sub3A_283 = arith.constant 1 : i32
          %sub3A_284 = arith.subi %add3A_282, %sub3A_283 : i32
          %mul3A_285 = arith.constant 12288 : i32
          %mul3A_286 = arith.muli %sub3A_284, %mul3A_285 : i32
          %add3A_287 = arith.addi %mul3A_4, %mul3A_286 : i32
          %dma_start3A_288 = tpu.memref_slice %arg2[%add3A_287] : memref<60555264xf32, #tpu.memory_space<hbm>> -> memref<12288xf32, #tpu.memory_space<hbm>>
          %dma_start3A_289 = tpu.memref_slice %arg2[%add3A_287] : memref<60555264xf32, #tpu.memory_space<hbm>> -> memref<12288xf32, #tpu.memory_space<hbm>>
          tpu.enqueue_dma source(%dma_start3A_289 : memref<12288xf32, #tpu.memory_space<hbm>>) target(%arg8 : memref<12288xf32, #tpu.memory_space<vmem>>) target_semaphore(%arg14 : memref<!tpu.dma_semaphore, #tpu.memory_space<semaphore_mem>>)
        } else {
        }
        %parallel_loop3A = arith.constant 0 : i32
        %parallel_loop3A_270 = arith.constant 16 : i32
        %parallel_loop3A_271 = arith.constant 1 : i32
        scf.for %parallel_loop3A_277 = %parallel_loop3A to %parallel_loop3A_270 step %parallel_loop3A_271  : i32 {
          %parallel_loop3A_278 = arith.constant 16 : i32
          %parallel_loop3A_279 = arith.muli %scan3A_181, %parallel_loop3A_278 : i32
          %parallel_loop3A_280 = arith.addi %parallel_loop3A_279, %parallel_loop3A_277 : i32
          %parallel_loop3A_281 = arith.constant 16 : i32
          %parallel_loop3A_282 = arith.muli %parallel_loop3A_280, %parallel_loop3A_281 : i32
          %parallel_loop3A_283 = arith.index_cast %parallel_loop3A_282 : i32 to index
          %parallel_loop3A_284 = tpu.vector_load %arg10[%parallel_loop3A_283] {strides = array<i32>} : memref<39424xi32, #tpu.memory_space<vmem>>, vector<16xi32>,
          %parallel_loop3A_285 = vector.shape_cast %parallel_loop3A_284 : vector<16xi32> to vector<16xi32>
          %parallel_loop3A_286 = arith.constant 100 : i32
          %parallel_loop3A_287 = vector.broadcast %parallel_loop3A_286 : i32 to vector<16xi32>
          %parallel_loop3A_288 = arith.cmpi eq, %parallel_loop3A_285, %parallel_loop3A_287 : vector<16xi32>
          %parallel_loop3A_289 = arith.constant 768 : i32
          %parallel_loop3A_290 = arith.muli %parallel_loop3A_277, %parallel_loop3A_289 : i32
          %parallel_loop3A_291 = arith.constant 0 : i32
          %parallel_loop3A_292 = arith.addi %parallel_loop3A_290, %parallel_loop3A_291 : i32
          %parallel_loop3A_293 = arith.index_cast %parallel_loop3A_292 : i32 to index
          %parallel_loop3A_294 = tpu.vector_load %arg9[%parallel_loop3A_293] {strides = array<i32>} : memref<12288xf32, #tpu.memory_space<vmem>>, vector<16xf32>,
          %parallel_loop3A_295 = vector.shape_cast %parallel_loop3A_294 : vector<16xf32> to vector<16xf32>
          %parallel_loop3A_296 = arith.select %parallel_loop3A_288, %get3A_8, %parallel_loop3A_295 : vector<16xi1>, vector<16xf32>
          %parallel_loop3A_297 = arith.index_cast %parallel_loop3A_292 : i32 to index
          %parallel_loop3A_298 = tpu.vector_load %arg9[%parallel_loop3A_297] {strides = array<i32>} : memref<12288xf32, #tpu.memory_space<vmem>>, vector<16xf32>,
          %parallel_loop3A_299 = vector.shape_cast %parallel_loop3A_298 : vector<16xf32> to vector<16xf32>
          %parallel_loop3A_300 = vector.shape_cast %parallel_loop3A_296 : vector<16xf32> to vector<16xf32>
          tpu.vector_store %arg9[%parallel_loop3A_297], %parallel_loop3A_300 {strides = array<i32>} : memref<12288xf32, #tpu.memory_space<vmem>>, vector<16xf32>,
          %parallel_loop3A_301 = arith.constant 768 : i32
          %parallel_loop3A_302 = arith.muli %parallel_loop3A_277, %parallel_loop3A_301 : i32
          %parallel_loop3A_303 = arith.constant 16 : i32
          %parallel_loop3A_304 = arith.addi %parallel_loop3A_302, %parallel_loop3A_303 : i32
          %parallel_loop3A_305 = arith.index_cast %parallel_loop3A_304 : i32 to index
          %parallel_loop3A_306 = tpu.vector_load %arg9[%parallel_loop3A_305] {strides = array<i32>} : memref<12288xf32, #tpu.memory_space<vmem>>, vector<16xf32>,
          %parallel_loop3A_307 = vector.shape_cast %parallel_loop3A_306 : vector<16xf32> to vector<16xf32>
          %parallel_loop3A_308 = arith.select %parallel_loop3A_288, %get3A_11, %parallel_loop3A_307 : vector<16xi1>, vector<16xf32>
          %parallel_loop3A_309 = arith.index_cast %parallel_loop3A_304 : i32 to index
          %parallel_loop3A_310 = tpu.vector_load %arg9[%parallel_loop3A_309] {strides = array<i32>} : memref<12288xf32, #tpu.memory_space<vmem>>, vector<16xf32>,
          %parallel_loop3A_311 = vector.shape_cast %parallel_loop3A_310 : vector<16xf32> to vector<16xf32>
          %parallel_loop3A_312 = vector.shape_cast %parallel_loop3A_308 : vector<16xf32> to vector<16xf32>
          tpu.vector_store %arg9[%parallel_loop3A_309], %parallel_loop3A_312 {strides = array<i32>} : memref<12288xf32, #tpu.memory_space<vmem>>, vector<16xf32>,
          %parallel_loop3A_313 = arith.constant 768 : i32
          %parallel_loop3A_314 = arith.muli %parallel_loop3A_277, %parallel_loop3A_313 : i32
          %parallel_loop3A_315 = arith.constant 32 : i32
          %parallel_loop3A_316 = arith.addi %parallel_loop3A_314, %parallel_loop3A_315 : i32
          %parallel_loop3A_317 = arith.index_cast %parallel_loop3A_316 : i32 to index
          %parallel_loop3A_318 = tpu.vector_load %arg9[%parallel_loop3A_317] {strides = array<i32>} : memref<12288xf32, #tpu.memory_space<vmem>>, vector<16xf32>,
          %parallel_loop3A_319 = vector.shape_cast %parallel_loop3A_318 : vector<16xf32> to vector<16xf32>
          %parallel_loop3A_320 = arith.select %parallel_loop3A_288, %get3A_14, %parallel_loop3A_319 : vector<16xi1>, vector<16xf32>
          %parallel_loop3A_321 = arith.index_cast %parallel_loop3A_316 : i32 to index
          %parallel_loop3A_322 = tpu.vector_load %arg9[%parallel_loop3A_321] {strides = array<i32>} : memref<12288xf32, #tpu.memory_space<vmem>>, vector<16xf32>,
          %parallel_loop3A_323 = vector.shape_cast %parallel_loop3A_322 : vector<16xf32> to vector<16xf32>
          %parallel_loop3A_324 = vector.shape_cast %parallel_loop3A_320 : vector<16xf32> to vector<16xf32>
          tpu.vector_store %arg9[%parallel_loop3A_321], %parallel_loop3A_324 {strides = array<i32>} : memref<12288xf32, #tpu.memory_space<vmem>>, vector<16xf32>,
          %parallel_loop3A_325 = arith.constant 768 : i32
          %parallel_loop3A_326 = arith.muli %parallel_loop3A_277, %parallel_loop3A_325 : i32
          %parallel_loop3A_327 = arith.constant 48 : i32
          %parallel_loop3A_328 = arith.addi %parallel_loop3A_326, %parallel_loop3A_327 : i32
          %parallel_loop3A_329 = arith.index_cast %parallel_loop3A_328 : i32 to index
          %parallel_loop3A_330 = tpu.vector_load %arg9[%parallel_loop3A_329] {strides = array<i32>} : memref<12288xf32, #tpu.memory_space<vmem>>, vector<16xf32>,
          %parallel_loop3A_331 = vector.shape_cast %parallel_loop3A_330 : vector<16xf32> to vector<16xf32>
          %parallel_loop3A_332 = arith.select %parallel_loop3A_288, %get3A_17, %parallel_loop3A_331 : vector<16xi1>, vector<16xf32>
          %parallel_loop3A_333 = arith.index_cast %parallel_loop3A_328 : i32 to index
          %parallel_loop3A_334 = tpu.vector_load %arg9[%parallel_loop3A_333] {strides = array<i32>} : memref<12288xf32, #tpu.memory_space<vmem>>, vector<16xf32>,
          %parallel_loop3A_335 = vector.shape_cast %parallel_loop3A_334 : vector<16xf32> to vector<16xf32>
          %parallel_loop3A_336 = vector.shape_cast %parallel_loop3A_332 : vector<16xf32> to vector<16xf32>
          tpu.vector_store %arg9[%parallel_loop3A_333], %parallel_loop3A_336 {strides = array<i32>} : memref<12288xf32, #tpu.memory_space<vmem>>, vector<16xf32>,
          %parallel_loop3A_337 = arith.constant 768 : i32
          %parallel_loop3A_338 = arith.muli %parallel_loop3A_277, %parallel_loop3A_337 : i32
          %parallel_loop3A_339 = arith.constant 64 : i32
          %parallel_loop3A_340 = arith.addi %parallel_loop3A_338, %parallel_loop3A_339 : i32
          %parallel_loop3A_341 = arith.index_cast %parallel_loop3A_340 : i32 to index
          %parallel_loop3A_342 = tpu.vector_load %arg9[%parallel_loop3A_341] {strides = array<i32>} : memref<12288xf32, #tpu.memory_space<vmem>>, vector<16xf32>,
          %parallel_loop3A_343 = vector.shape_cast %parallel_loop3A_342 : vector<16xf32> to vector<16xf32>
          %parallel_loop3A_344 = arith.select %parallel_loop3A_288, %get3A_20, %parallel_loop3A_343 : vector<16xi1>, vector<16xf32>
          %parallel_loop3A_345 = arith.index_cast %parallel_loop3A_340 : i32 to index
          %parallel_loop3A_346 = tpu.vector_load %arg9[%parallel_loop3A_345] {strides = array<i32>} : memref<12288xf32, #tpu.memory_space<vmem>>, vector<16xf32>,
          %parallel_loop3A_347 = vector.shape_cast %parallel_loop3A_346 : vector<16xf32> to vector<16xf32>
          %parallel_loop3A_348 = vector.shape_cast %parallel_loop3A_344 : vector<16xf32> to vector<16xf32>
          tpu.vector_store %arg9[%parallel_loop3A_345], %parallel_loop3A_348 {strides = array<i32>} : memref<12288xf32, #tpu.memory_space<vmem>>, vector<16xf32>,
          %parallel_loop3A_349 = arith.constant 768 : i32
          %parallel_loop3A_350 = arith.muli %parallel_loop3A_277, %parallel_loop3A_349 : i32
          %parallel_loop3A_351 = arith.constant 80 : i32
          %parallel_loop3A_352 = arith.addi %parallel_loop3A_350, %parallel_loop3A_351 : i32
          %parallel_loop3A_353 = arith.index_cast %parallel_loop3A_352 : i32 to index
          %parallel_loop3A_354 = tpu.vector_load %arg9[%parallel_loop3A_353] {strides = array<i32>} : memref<12288xf32, #tpu.memory_space<vmem>>, vector<16xf32>,
          %parallel_loop3A_355 = vector.shape_cast %parallel_loop3A_354 : vector<16xf32> to vector<16xf32>
          %parallel_loop3A_356 = arith.select %parallel_loop3A_288, %get3A_23, %parallel_loop3A_355 : vector<16xi1>, vector<16xf32>
          %parallel_loop3A_357 = arith.index_cast %parallel_loop3A_352 : i32 to index
          %parallel_loop3A_358 = tpu.vector_load %arg9[%parallel_loop3A_357] {strides = array<i32>} : memref<12288xf32, #tpu.memory_space<vmem>>, vector<16xf32>,
          %parallel_loop3A_359 = vector.shape_cast %parallel_loop3A_358 : vector<16xf32> to vector<16xf32>
          %parallel_loop3A_360 = vector.shape_cast %parallel_loop3A_356 : vector<16xf32> to vector<16xf32>
          tpu.vector_store %arg9[%parallel_loop3A_357], %parallel_loop3A_360 {strides = array<i32>} : memref<12288xf32, #tpu.memory_space<vmem>>, vector<16xf32>,
          %parallel_loop3A_361 = arith.constant 768 : i32
          %parallel_loop3A_362 = arith.muli %parallel_loop3A_277, %parallel_loop3A_361 : i32
          %parallel_loop3A_363 = arith.constant 96 : i32
          %parallel_loop3A_364 = arith.addi %parallel_loop3A_362, %parallel_loop3A_363 : i32
          %parallel_loop3A_365 = arith.index_cast %parallel_loop3A_364 : i32 to index
          %parallel_loop3A_366 = tpu.vector_load %arg9[%parallel_loop3A_365] {strides = array<i32>} : memref<12288xf32, #tpu.memory_space<vmem>>, vector<16xf32>,
          %parallel_loop3A_367 = vector.shape_cast %parallel_loop3A_366 : vector<16xf32> to vector<16xf32>
          %parallel_loop3A_368 = arith.select %parallel_loop3A_288, %get3A_26, %parallel_loop3A_367 : vector<16xi1>, vector<16xf32>
          %parallel_loop3A_369 = arith.index_cast %parallel_loop3A_364 : i32 to index
          %parallel_loop3A_370 = tpu.vector_load %arg9[%parallel_loop3A_369] {strides = array<i32>} : memref<12288xf32, #tpu.memory_space<vmem>>, vector<16xf32>,
          %parallel_loop3A_371 = vector.shape_cast %parallel_loop3A_370 : vector<16xf32> to vector<16xf32>
          %parallel_loop3A_372 = vector.shape_cast %parallel_loop3A_368 : vector<16xf32> to vector<16xf32>
          tpu.vector_store %arg9[%parallel_loop3A_369], %parallel_loop3A_372 {strides = array<i32>} : memref<12288xf32, #tpu.memory_space<vmem>>, vector<16xf32>,
          %parallel_loop3A_373 = arith.constant 768 : i32
          %parallel_loop3A_374 = arith.muli %parallel_loop3A_277, %parallel_loop3A_373 : i32
          %parallel_loop3A_375 = arith.constant 112 : i32
          %parallel_loop3A_376 = arith.addi %parallel_loop3A_374, %parallel_loop3A_375 : i32
          %parallel_loop3A_377 = arith.index_cast %parallel_loop3A_376 : i32 to index
          %parallel_loop3A_378 = tpu.vector_load %arg9[%parallel_loop3A_377] {strides = array<i32>} : memref<12288xf32, #tpu.memory_space<vmem>>, vector<16xf32>,
          %parallel_loop3A_379 = vector.shape_cast %parallel_loop3A_378 : vector<16xf32> to vector<16xf32>
          %parallel_loop3A_380 = arith.select %parallel_loop3A_288, %get3A_29, %parallel_loop3A_379 : vector<16xi1>, vector<16xf32>
          %parallel_loop3A_381 = arith.index_cast %parallel_loop3A_376 : i32 to index
          %parallel_loop3A_382 = tpu.vector_load %arg9[%parallel_loop3A_381] {strides = array<i32>} : memref<12288xf32, #tpu.memory_space<vmem>>, vector<16xf32>,
          %parallel_loop3A_383 = vector.shape_cast %parallel_loop3A_382 : vector<16xf32> to vector<16xf32>
          %parallel_loop3A_384 = vector.shape_cast %parallel_loop3A_380 : vector<16xf32> to vector<16xf32>
          tpu.vector_store %arg9[%parallel_loop3A_381], %parallel_loop3A_384 {strides = array<i32>} : memref<12288xf32, #tpu.memory_space<vmem>>, vector<16xf32>,
          %parallel_loop3A_385 = arith.constant 768 : i32
          %parallel_loop3A_386 = arith.muli %parallel_loop3A_277, %parallel_loop3A_385 : i32
          %parallel_loop3A_387 = arith.constant 128 : i32
          %parallel_loop3A_388 = arith.addi %parallel_loop3A_386, %parallel_loop3A_387 : i32
          %parallel_loop3A_389 = arith.index_cast %parallel_loop3A_388 : i32 to index
          %parallel_loop3A_390 = tpu.vector_load %arg9[%parallel_loop3A_389] {strides = array<i32>} : memref<12288xf32, #tpu.memory_space<vmem>>, vector<16xf32>,
          %parallel_loop3A_391 = vector.shape_cast %parallel_loop3A_390 : vector<16xf32> to vector<16xf32>
          %parallel_loop3A_392 = arith.select %parallel_loop3A_288, %get3A_32, %parallel_loop3A_391 : vector<16xi1>, vector<16xf32>
          %parallel_loop3A_393 = arith.index_cast %parallel_loop3A_388 : i32 to index
          %parallel_loop3A_394 = tpu.vector_load %arg9[%parallel_loop3A_393] {strides = array<i32>} : memref<12288xf32, #tpu.memory_space<vmem>>, vector<16xf32>,
          %parallel_loop3A_395 = vector.shape_cast %parallel_loop3A_394 : vector<16xf32> to vector<16xf32>
          %parallel_loop3A_396 = vector.shape_cast %parallel_loop3A_392 : vector<16xf32> to vector<16xf32>
          tpu.vector_store %arg9[%parallel_loop3A_393], %parallel_loop3A_396 {strides = array<i32>} : memref<12288xf32, #tpu.memory_space<vmem>>, vector<16xf32>,
          %parallel_loop3A_397 = arith.constant 768 : i32
          %parallel_loop3A_398 = arith.muli %parallel_loop3A_277, %parallel_loop3A_397 : i32
          %parallel_loop3A_399 = arith.constant 144 : i32
          %parallel_loop3A_400 = arith.addi %parallel_loop3A_398, %parallel_loop3A_399 : i32
          %parallel_loop3A_401 = arith.index_cast %parallel_loop3A_400 : i32 to index
          %parallel_loop3A_402 = tpu.vector_load %arg9[%parallel_loop3A_401] {strides = array<i32>} : memref<12288xf32, #tpu.memory_space<vmem>>, vector<16xf32>,
          %parallel_loop3A_403 = vector.shape_cast %parallel_loop3A_402 : vector<16xf32> to vector<16xf32>
          %parallel_loop3A_404 = arith.select %parallel_loop3A_288, %get3A_35, %parallel_loop3A_403 : vector<16xi1>, vector<16xf32>
          %parallel_loop3A_405 = arith.index_cast %parallel_loop3A_400 : i32 to index
          %parallel_loop3A_406 = tpu.vector_load %arg9[%parallel_loop3A_405] {strides = array<i32>} : memref<12288xf32, #tpu.memory_space<vmem>>, vector<16xf32>,
          %parallel_loop3A_407 = vector.shape_cast %parallel_loop3A_406 : vector<16xf32> to vector<16xf32>
          %parallel_loop3A_408 = vector.shape_cast %parallel_loop3A_404 : vector<16xf32> to vector<16xf32>
          tpu.vector_store %arg9[%parallel_loop3A_405], %parallel_loop3A_408 {strides = array<i32>} : memref<12288xf32, #tpu.memory_space<vmem>>, vector<16xf32>,
          %parallel_loop3A_409 = arith.constant 768 : i32
          %parallel_loop3A_410 = arith.muli %parallel_loop3A_277, %parallel_loop3A_409 : i32
          %parallel_loop3A_411 = arith.constant 160 : i32
          %parallel_loop3A_412 = arith.addi %parallel_loop3A_410, %parallel_loop3A_411 : i32
          %parallel_loop3A_413 = arith.index_cast %parallel_loop3A_412 : i32 to index
          %parallel_loop3A_414 = tpu.vector_load %arg9[%parallel_loop3A_413] {strides = array<i32>} : memref<12288xf32, #tpu.memory_space<vmem>>, vector<16xf32>,
          %parallel_loop3A_415 = vector.shape_cast %parallel_loop3A_414 : vector<16xf32> to vector<16xf32>
          %parallel_loop3A_416 = arith.select %parallel_loop3A_288, %get3A_38, %parallel_loop3A_415 : vector<16xi1>, vector<16xf32>
          %parallel_loop3A_417 = arith.index_cast %parallel_loop3A_412 : i32 to index
          %parallel_loop3A_418 = tpu.vector_load %arg9[%parallel_loop3A_417] {strides = array<i32>} : memref<12288xf32, #tpu.memory_space<vmem>>, vector<16xf32>,
          %parallel_loop3A_419 = vector.shape_cast %parallel_loop3A_418 : vector<16xf32> to vector<16xf32>
          %parallel_loop3A_420 = vector.shape_cast %parallel_loop3A_416 : vector<16xf32> to vector<16xf32>
          tpu.vector_store %arg9[%parallel_loop3A_417], %parallel_loop3A_420 {strides = array<i32>} : memref<12288xf32, #tpu.memory_space<vmem>>, vector<16xf32>,
          %parallel_loop3A_421 = arith.constant 768 : i32
          %parallel_loop3A_422 = arith.muli %parallel_loop3A_277, %parallel_loop3A_421 : i32
          %parallel_loop3A_423 = arith.constant 176 : i32
          %parallel_loop3A_424 = arith.addi %parallel_loop3A_422, %parallel_loop3A_423 : i32
          %parallel_loop3A_425 = arith.index_cast %parallel_loop3A_424 : i32 to index
          %parallel_loop3A_426 = tpu.vector_load %arg9[%parallel_loop3A_425] {strides = array<i32>} : memref<12288xf32, #tpu.memory_space<vmem>>, vector<16xf32>,
          %parallel_loop3A_427 = vector.shape_cast %parallel_loop3A_426 : vector<16xf32> to vector<16xf32>
          %parallel_loop3A_428 = arith.select %parallel_loop3A_288, %get3A_41, %parallel_loop3A_427 : vector<16xi1>, vector<16xf32>
          %parallel_loop3A_429 = arith.index_cast %parallel_loop3A_424 : i32 to index
          %parallel_loop3A_430 = tpu.vector_load %arg9[%parallel_loop3A_429] {strides = array<i32>} : memref<12288xf32, #tpu.memory_space<vmem>>, vector<16xf32>,
          %parallel_loop3A_431 = vector.shape_cast %parallel_loop3A_430 : vector<16xf32> to vector<16xf32>
          %parallel_loop3A_432 = vector.shape_cast %parallel_loop3A_428 : vector<16xf32> to vector<16xf32>
          tpu.vector_store %arg9[%parallel_loop3A_429], %parallel_loop3A_432 {strides = array<i32>} : memref<12288xf32, #tpu.memory_space<vmem>>, vector<16xf32>,
          %parallel_loop3A_433 = arith.constant 768 : i32
          %parallel_loop3A_434 = arith.muli %parallel_loop3A_277, %parallel_loop3A_433 : i32
          %parallel_loop3A_435 = arith.constant 192 : i32
          %parallel_loop3A_436 = arith.addi %parallel_loop3A_434, %parallel_loop3A_435 : i32
          %parallel_loop3A_437 = arith.index_cast %parallel_loop3A_436 : i32 to index
          %parallel_loop3A_438 = tpu.vector_load %arg9[%parallel_loop3A_437] {strides = array<i32>} : memref<12288xf32, #tpu.memory_space<vmem>>, vector<16xf32>,
          %parallel_loop3A_439 = vector.shape_cast %parallel_loop3A_438 : vector<16xf32> to vector<16xf32>
          %parallel_loop3A_440 = arith.select %parallel_loop3A_288, %get3A_44, %parallel_loop3A_439 : vector<16xi1>, vector<16xf32>
          %parallel_loop3A_441 = arith.index_cast %parallel_loop3A_436 : i32 to index
          %parallel_loop3A_442 = tpu.vector_load %arg9[%parallel_loop3A_441] {strides = array<i32>} : memref<12288xf32, #tpu.memory_space<vmem>>, vector<16xf32>,
          %parallel_loop3A_443 = vector.shape_cast %parallel_loop3A_442 : vector<16xf32> to vector<16xf32>
          %parallel_loop3A_444 = vector.shape_cast %parallel_loop3A_440 : vector<16xf32> to vector<16xf32>
          tpu.vector_store %arg9[%parallel_loop3A_441], %parallel_loop3A_444 {strides = array<i32>} : memref<12288xf32, #tpu.memory_space<vmem>>, vector<16xf32>,
          %parallel_loop3A_445 = arith.constant 768 : i32
          %parallel_loop3A_446 = arith.muli %parallel_loop3A_277, %parallel_loop3A_445 : i32
          %parallel_loop3A_447 = arith.constant 208 : i32
          %parallel_loop3A_448 = arith.addi %parallel_loop3A_446, %parallel_loop3A_447 : i32
          %parallel_loop3A_449 = arith.index_cast %parallel_loop3A_448 : i32 to index
          %parallel_loop3A_450 = tpu.vector_load %arg9[%parallel_loop3A_449] {strides = array<i32>} : memref<12288xf32, #tpu.memory_space<vmem>>, vector<16xf32>,
          %parallel_loop3A_451 = vector.shape_cast %parallel_loop3A_450 : vector<16xf32> to vector<16xf32>
          %parallel_loop3A_452 = arith.select %parallel_loop3A_288, %get3A_47, %parallel_loop3A_451 : vector<16xi1>, vector<16xf32>
          %parallel_loop3A_453 = arith.index_cast %parallel_loop3A_448 : i32 to index
          %parallel_loop3A_454 = tpu.vector_load %arg9[%parallel_loop3A_453] {strides = array<i32>} : memref<12288xf32, #tpu.memory_space<vmem>>, vector<16xf32>,
          %parallel_loop3A_455 = vector.shape_cast %parallel_loop3A_454 : vector<16xf32> to vector<16xf32>
          %parallel_loop3A_456 = vector.shape_cast %parallel_loop3A_452 : vector<16xf32> to vector<16xf32>
          tpu.vector_store %arg9[%parallel_loop3A_453], %parallel_loop3A_456 {strides = array<i32>} : memref<12288xf32, #tpu.memory_space<vmem>>, vector<16xf32>,
          %parallel_loop3A_457 = arith.constant 768 : i32
          %parallel_loop3A_458 = arith.muli %parallel_loop3A_277, %parallel_loop3A_457 : i32
          %parallel_loop3A_459 = arith.constant 224 : i32
          %parallel_loop3A_460 = arith.addi %parallel_loop3A_458, %parallel_loop3A_459 : i32
          %parallel_loop3A_461 = arith.index_cast %parallel_loop3A_460 : i32 to index
          %parallel_loop3A_462 = tpu.vector_load %arg9[%parallel_loop3A_461] {strides = array<i32>} : memref<12288xf32, #tpu.memory_space<vmem>>, vector<16xf32>,
          %parallel_loop3A_463 = vector.shape_cast %parallel_loop3A_462 : vector<16xf32> to vector<16xf32>
          %parallel_loop3A_464 = arith.select %parallel_loop3A_288, %get3A_50, %parallel_loop3A_463 : vector<16xi1>, vector<16xf32>
          %parallel_loop3A_465 = arith.index_cast %parallel_loop3A_460 : i32 to index
          %parallel_loop3A_466 = tpu.vector_load %arg9[%parallel_loop3A_465] {strides = array<i32>} : memref<12288xf32, #tpu.memory_space<vmem>>, vector<16xf32>,
          %parallel_loop3A_467 = vector.shape_cast %parallel_loop3A_466 : vector<16xf32> to vector<16xf32>
          %parallel_loop3A_468 = vector.shape_cast %parallel_loop3A_464 : vector<16xf32> to vector<16xf32>
          tpu.vector_store %arg9[%parallel_loop3A_465], %parallel_loop3A_468 {strides = array<i32>} : memref<12288xf32, #tpu.memory_space<vmem>>, vector<16xf32>,
          %parallel_loop3A_469 = arith.constant 768 : i32
          %parallel_loop3A_470 = arith.muli %parallel_loop3A_277, %parallel_loop3A_469 : i32
          %parallel_loop3A_471 = arith.constant 240 : i32
          %parallel_loop3A_472 = arith.addi %parallel_loop3A_470, %parallel_loop3A_471 : i32
          %parallel_loop3A_473 = arith.index_cast %parallel_loop3A_472 : i32 to index
          %parallel_loop3A_474 = tpu.vector_load %arg9[%parallel_loop3A_473] {strides = array<i32>} : memref<12288xf32, #tpu.memory_space<vmem>>, vector<16xf32>,
          %parallel_loop3A_475 = vector.shape_cast %parallel_loop3A_474 : vector<16xf32> to vector<16xf32>
          %parallel_loop3A_476 = arith.select %parallel_loop3A_288, %get3A_53, %parallel_loop3A_475 : vector<16xi1>, vector<16xf32>
          %parallel_loop3A_477 = arith.index_cast %parallel_loop3A_472 : i32 to index
          %parallel_loop3A_478 = tpu.vector_load %arg9[%parallel_loop3A_477] {strides = array<i32>} : memref<12288xf32, #tpu.memory_space<vmem>>, vector<16xf32>,
          %parallel_loop3A_479 = vector.shape_cast %parallel_loop3A_478 : vector<16xf32> to vector<16xf32>
          %parallel_loop3A_480 = vector.shape_cast %parallel_loop3A_476 : vector<16xf32> to vector<16xf32>
          tpu.vector_store %arg9[%parallel_loop3A_477], %parallel_loop3A_480 {strides = array<i32>} : memref<12288xf32, #tpu.memory_space<vmem>>, vector<16xf32>,
          %parallel_loop3A_481 = arith.constant 768 : i32
          %parallel_loop3A_482 = arith.muli %parallel_loop3A_277, %parallel_loop3A_481 : i32
          %parallel_loop3A_483 = arith.constant 256 : i32
          %parallel_loop3A_484 = arith.addi %parallel_loop3A_482, %parallel_loop3A_483 : i32
          %parallel_loop3A_485 = arith.index_cast %parallel_loop3A_484 : i32 to index
          %parallel_loop3A_486 = tpu.vector_load %arg9[%parallel_loop3A_485] {strides = array<i32>} : memref<12288xf32, #tpu.memory_space<vmem>>, vector<16xf32>,
          %parallel_loop3A_487 = vector.shape_cast %parallel_loop3A_486 : vector<16xf32> to vector<16xf32>
          %parallel_loop3A_488 = arith.select %parallel_loop3A_288, %get3A_56, %parallel_loop3A_487 : vector<16xi1>, vector<16xf32>
          %parallel_loop3A_489 = arith.index_cast %parallel_loop3A_484 : i32 to index
          %parallel_loop3A_490 = tpu.vector_load %arg9[%parallel_loop3A_489] {strides = array<i32>} : memref<12288xf32, #tpu.memory_space<vmem>>, vector<16xf32>,
          %parallel_loop3A_491 = vector.shape_cast %parallel_loop3A_490 : vector<16xf32> to vector<16xf32>
          %parallel_loop3A_492 = vector.shape_cast %parallel_loop3A_488 : vector<16xf32> to vector<16xf32>
          tpu.vector_store %arg9[%parallel_loop3A_489], %parallel_loop3A_492 {strides = array<i32>} : memref<12288xf32, #tpu.memory_space<vmem>>, vector<16xf32>,
          %parallel_loop3A_493 = arith.constant 768 : i32
          %parallel_loop3A_494 = arith.muli %parallel_loop3A_277, %parallel_loop3A_493 : i32
          %parallel_loop3A_495 = arith.constant 272 : i32
          %parallel_loop3A_496 = arith.addi %parallel_loop3A_494, %parallel_loop3A_495 : i32
          %parallel_loop3A_497 = arith.index_cast %parallel_loop3A_496 : i32 to index
          %parallel_loop3A_498 = tpu.vector_load %arg9[%parallel_loop3A_497] {strides = array<i32>} : memref<12288xf32, #tpu.memory_space<vmem>>, vector<16xf32>,
          %parallel_loop3A_499 = vector.shape_cast %parallel_loop3A_498 : vector<16xf32> to vector<16xf32>
          %parallel_loop3A_500 = arith.select %parallel_loop3A_288, %get3A_59, %parallel_loop3A_499 : vector<16xi1>, vector<16xf32>
          %parallel_loop3A_501 = arith.index_cast %parallel_loop3A_496 : i32 to index
          %parallel_loop3A_502 = tpu.vector_load %arg9[%parallel_loop3A_501] {strides = array<i32>} : memref<12288xf32, #tpu.memory_space<vmem>>, vector<16xf32>,
          %parallel_loop3A_503 = vector.shape_cast %parallel_loop3A_502 : vector<16xf32> to vector<16xf32>
          %parallel_loop3A_504 = vector.shape_cast %parallel_loop3A_500 : vector<16xf32> to vector<16xf32>
          tpu.vector_store %arg9[%parallel_loop3A_501], %parallel_loop3A_504 {strides = array<i32>} : memref<12288xf32, #tpu.memory_space<vmem>>, vector<16xf32>,
          %parallel_loop3A_505 = arith.constant 768 : i32
          %parallel_loop3A_506 = arith.muli %parallel_loop3A_277, %parallel_loop3A_505 : i32
          %parallel_loop3A_507 = arith.constant 288 : i32
          %parallel_loop3A_508 = arith.addi %parallel_loop3A_506, %parallel_loop3A_507 : i32
          %parallel_loop3A_509 = arith.index_cast %parallel_loop3A_508 : i32 to index
          %parallel_loop3A_510 = tpu.vector_load %arg9[%parallel_loop3A_509] {strides = array<i32>} : memref<12288xf32, #tpu.memory_space<vmem>>, vector<16xf32>,
          %parallel_loop3A_511 = vector.shape_cast %parallel_loop3A_510 : vector<16xf32> to vector<16xf32>
          %parallel_loop3A_512 = arith.select %parallel_loop3A_288, %get3A_62, %parallel_loop3A_511 : vector<16xi1>, vector<16xf32>
          %parallel_loop3A_513 = arith.index_cast %parallel_loop3A_508 : i32 to index
          %parallel_loop3A_514 = tpu.vector_load %arg9[%parallel_loop3A_513] {strides = array<i32>} : memref<12288xf32, #tpu.memory_space<vmem>>, vector<16xf32>,
          %parallel_loop3A_515 = vector.shape_cast %parallel_loop3A_514 : vector<16xf32> to vector<16xf32>
          %parallel_loop3A_516 = vector.shape_cast %parallel_loop3A_512 : vector<16xf32> to vector<16xf32>
          tpu.vector_store %arg9[%parallel_loop3A_513], %parallel_loop3A_516 {strides = array<i32>} : memref<12288xf32, #tpu.memory_space<vmem>>, vector<16xf32>,
          %parallel_loop3A_517 = arith.constant 768 : i32
          %parallel_loop3A_518 = arith.muli %parallel_loop3A_277, %parallel_loop3A_517 : i32
          %parallel_loop3A_519 = arith.constant 304 : i32
          %parallel_loop3A_520 = arith.addi %parallel_loop3A_518, %parallel_loop3A_519 : i32
          %parallel_loop3A_521 = arith.index_cast %parallel_loop3A_520 : i32 to index
          %parallel_loop3A_522 = tpu.vector_load %arg9[%parallel_loop3A_521] {strides = array<i32>} : memref<12288xf32, #tpu.memory_space<vmem>>, vector<16xf32>,
          %parallel_loop3A_523 = vector.shape_cast %parallel_loop3A_522 : vector<16xf32> to vector<16xf32>
          %parallel_loop3A_524 = arith.select %parallel_loop3A_288, %get3A_65, %parallel_loop3A_523 : vector<16xi1>, vector<16xf32>
          %parallel_loop3A_525 = arith.index_cast %parallel_loop3A_520 : i32 to index
          %parallel_loop3A_526 = tpu.vector_load %arg9[%parallel_loop3A_525] {strides = array<i32>} : memref<12288xf32, #tpu.memory_space<vmem>>, vector<16xf32>,
          %parallel_loop3A_527 = vector.shape_cast %parallel_loop3A_526 : vector<16xf32> to vector<16xf32>
          %parallel_loop3A_528 = vector.shape_cast %parallel_loop3A_524 : vector<16xf32> to vector<16xf32>
          tpu.vector_store %arg9[%parallel_loop3A_525], %parallel_loop3A_528 {strides = array<i32>} : memref<12288xf32, #tpu.memory_space<vmem>>, vector<16xf32>,
          %parallel_loop3A_529 = arith.constant 768 : i32
          %parallel_loop3A_530 = arith.muli %parallel_loop3A_277, %parallel_loop3A_529 : i32
          %parallel_loop3A_531 = arith.constant 320 : i32
          %parallel_loop3A_532 = arith.addi %parallel_loop3A_530, %parallel_loop3A_531 : i32
          %parallel_loop3A_533 = arith.index_cast %parallel_loop3A_532 : i32 to index
          %parallel_loop3A_534 = tpu.vector_load %arg9[%parallel_loop3A_533] {strides = array<i32>} : memref<12288xf32, #tpu.memory_space<vmem>>, vector<16xf32>,
          %parallel_loop3A_535 = vector.shape_cast %parallel_loop3A_534 : vector<16xf32> to vector<16xf32>
          %parallel_loop3A_536 = arith.select %parallel_loop3A_288, %get3A_68, %parallel_loop3A_535 : vector<16xi1>, vector<16xf32>
          %parallel_loop3A_537 = arith.index_cast %parallel_loop3A_532 : i32 to index
          %parallel_loop3A_538 = tpu.vector_load %arg9[%parallel_loop3A_537] {strides = array<i32>} : memref<12288xf32, #tpu.memory_space<vmem>>, vector<16xf32>,
          %parallel_loop3A_539 = vector.shape_cast %parallel_loop3A_538 : vector<16xf32> to vector<16xf32>
          %parallel_loop3A_540 = vector.shape_cast %parallel_loop3A_536 : vector<16xf32> to vector<16xf32>
          tpu.vector_store %arg9[%parallel_loop3A_537], %parallel_loop3A_540 {strides = array<i32>} : memref<12288xf32, #tpu.memory_space<vmem>>, vector<16xf32>,
          %parallel_loop3A_541 = arith.constant 768 : i32
          %parallel_loop3A_542 = arith.muli %parallel_loop3A_277, %parallel_loop3A_541 : i32
          %parallel_loop3A_543 = arith.constant 336 : i32
          %parallel_loop3A_544 = arith.addi %parallel_loop3A_542, %parallel_loop3A_543 : i32
          %parallel_loop3A_545 = arith.index_cast %parallel_loop3A_544 : i32 to index
          %parallel_loop3A_546 = tpu.vector_load %arg9[%parallel_loop3A_545] {strides = array<i32>} : memref<12288xf32, #tpu.memory_space<vmem>>, vector<16xf32>,
          %parallel_loop3A_547 = vector.shape_cast %parallel_loop3A_546 : vector<16xf32> to vector<16xf32>
          %parallel_loop3A_548 = arith.select %parallel_loop3A_288, %get3A_71, %parallel_loop3A_547 : vector<16xi1>, vector<16xf32>
          %parallel_loop3A_549 = arith.index_cast %parallel_loop3A_544 : i32 to index
          %parallel_loop3A_550 = tpu.vector_load %arg9[%parallel_loop3A_549] {strides = array<i32>} : memref<12288xf32, #tpu.memory_space<vmem>>, vector<16xf32>,
          %parallel_loop3A_551 = vector.shape_cast %parallel_loop3A_550 : vector<16xf32> to vector<16xf32>
          %parallel_loop3A_552 = vector.shape_cast %parallel_loop3A_548 : vector<16xf32> to vector<16xf32>
          tpu.vector_store %arg9[%parallel_loop3A_549], %parallel_loop3A_552 {strides = array<i32>} : memref<12288xf32, #tpu.memory_space<vmem>>, vector<16xf32>,
          %parallel_loop3A_553 = arith.constant 768 : i32
          %parallel_loop3A_554 = arith.muli %parallel_loop3A_277, %parallel_loop3A_553 : i32
          %parallel_loop3A_555 = arith.constant 352 : i32
          %parallel_loop3A_556 = arith.addi %parallel_loop3A_554, %parallel_loop3A_555 : i32
          %parallel_loop3A_557 = arith.index_cast %parallel_loop3A_556 : i32 to index
          %parallel_loop3A_558 = tpu.vector_load %arg9[%parallel_loop3A_557] {strides = array<i32>} : memref<12288xf32, #tpu.memory_space<vmem>>, vector<16xf32>,
          %parallel_loop3A_559 = vector.shape_cast %parallel_loop3A_558 : vector<16xf32> to vector<16xf32>
          %parallel_loop3A_560 = arith.select %parallel_loop3A_288, %get3A_74, %parallel_loop3A_559 : vector<16xi1>, vector<16xf32>
          %parallel_loop3A_561 = arith.index_cast %parallel_loop3A_556 : i32 to index
          %parallel_loop3A_562 = tpu.vector_load %arg9[%parallel_loop3A_561] {strides = array<i32>} : memref<12288xf32, #tpu.memory_space<vmem>>, vector<16xf32>,
          %parallel_loop3A_563 = vector.shape_cast %parallel_loop3A_562 : vector<16xf32> to vector<16xf32>
          %parallel_loop3A_564 = vector.shape_cast %parallel_loop3A_560 : vector<16xf32> to vector<16xf32>
          tpu.vector_store %arg9[%parallel_loop3A_561], %parallel_loop3A_564 {strides = array<i32>} : memref<12288xf32, #tpu.memory_space<vmem>>, vector<16xf32>,
          %parallel_loop3A_565 = arith.constant 768 : i32
          %parallel_loop3A_566 = arith.muli %parallel_loop3A_277, %parallel_loop3A_565 : i32
          %parallel_loop3A_567 = arith.constant 368 : i32
          %parallel_loop3A_568 = arith.addi %parallel_loop3A_566, %parallel_loop3A_567 : i32
          %parallel_loop3A_569 = arith.index_cast %parallel_loop3A_568 : i32 to index
          %parallel_loop3A_570 = tpu.vector_load %arg9[%parallel_loop3A_569] {strides = array<i32>} : memref<12288xf32, #tpu.memory_space<vmem>>, vector<16xf32>,
          %parallel_loop3A_571 = vector.shape_cast %parallel_loop3A_570 : vector<16xf32> to vector<16xf32>
          %parallel_loop3A_572 = arith.select %parallel_loop3A_288, %get3A_77, %parallel_loop3A_571 : vector<16xi1>, vector<16xf32>
          %parallel_loop3A_573 = arith.index_cast %parallel_loop3A_568 : i32 to index
          %parallel_loop3A_574 = tpu.vector_load %arg9[%parallel_loop3A_573] {strides = array<i32>} : memref<12288xf32, #tpu.memory_space<vmem>>, vector<16xf32>,
          %parallel_loop3A_575 = vector.shape_cast %parallel_loop3A_574 : vector<16xf32> to vector<16xf32>
          %parallel_loop3A_576 = vector.shape_cast %parallel_loop3A_572 : vector<16xf32> to vector<16xf32>
          tpu.vector_store %arg9[%parallel_loop3A_573], %parallel_loop3A_576 {strides = array<i32>} : memref<12288xf32, #tpu.memory_space<vmem>>, vector<16xf32>,
          %parallel_loop3A_577 = arith.constant 768 : i32
          %parallel_loop3A_578 = arith.muli %parallel_loop3A_277, %parallel_loop3A_577 : i32
          %parallel_loop3A_579 = arith.constant 384 : i32
          %parallel_loop3A_580 = arith.addi %parallel_loop3A_578, %parallel_loop3A_579 : i32
          %parallel_loop3A_581 = arith.index_cast %parallel_loop3A_580 : i32 to index
          %parallel_loop3A_582 = tpu.vector_load %arg9[%parallel_loop3A_581] {strides = array<i32>} : memref<12288xf32, #tpu.memory_space<vmem>>, vector<16xf32>,
          %parallel_loop3A_583 = vector.shape_cast %parallel_loop3A_582 : vector<16xf32> to vector<16xf32>
          %parallel_loop3A_584 = arith.select %parallel_loop3A_288, %get3A_80, %parallel_loop3A_583 : vector<16xi1>, vector<16xf32>
          %parallel_loop3A_585 = arith.index_cast %parallel_loop3A_580 : i32 to index
          %parallel_loop3A_586 = tpu.vector_load %arg9[%parallel_loop3A_585] {strides = array<i32>} : memref<12288xf32, #tpu.memory_space<vmem>>, vector<16xf32>,
          %parallel_loop3A_587 = vector.shape_cast %parallel_loop3A_586 : vector<16xf32> to vector<16xf32>
          %parallel_loop3A_588 = vector.shape_cast %parallel_loop3A_584 : vector<16xf32> to vector<16xf32>
          tpu.vector_store %arg9[%parallel_loop3A_585], %parallel_loop3A_588 {strides = array<i32>} : memref<12288xf32, #tpu.memory_space<vmem>>, vector<16xf32>,
          %parallel_loop3A_589 = arith.constant 768 : i32
          %parallel_loop3A_590 = arith.muli %parallel_loop3A_277, %parallel_loop3A_589 : i32
          %parallel_loop3A_591 = arith.constant 400 : i32
          %parallel_loop3A_592 = arith.addi %parallel_loop3A_590, %parallel_loop3A_591 : i32
          %parallel_loop3A_593 = arith.index_cast %parallel_loop3A_592 : i32 to index
          %parallel_loop3A_594 = tpu.vector_load %arg9[%parallel_loop3A_593] {strides = array<i32>} : memref<12288xf32, #tpu.memory_space<vmem>>, vector<16xf32>,
          %parallel_loop3A_595 = vector.shape_cast %parallel_loop3A_594 : vector<16xf32> to vector<16xf32>
          %parallel_loop3A_596 = arith.select %parallel_loop3A_288, %get3A_83, %parallel_loop3A_595 : vector<16xi1>, vector<16xf32>
          %parallel_loop3A_597 = arith.index_cast %parallel_loop3A_592 : i32 to index
          %parallel_loop3A_598 = tpu.vector_load %arg9[%parallel_loop3A_597] {strides = array<i32>} : memref<12288xf32, #tpu.memory_space<vmem>>, vector<16xf32>,
          %parallel_loop3A_599 = vector.shape_cast %parallel_loop3A_598 : vector<16xf32> to vector<16xf32>
          %parallel_loop3A_600 = vector.shape_cast %parallel_loop3A_596 : vector<16xf32> to vector<16xf32>
          tpu.vector_store %arg9[%parallel_loop3A_597], %parallel_loop3A_600 {strides = array<i32>} : memref<12288xf32, #tpu.memory_space<vmem>>, vector<16xf32>,
          %parallel_loop3A_601 = arith.constant 768 : i32
          %parallel_loop3A_602 = arith.muli %parallel_loop3A_277, %parallel_loop3A_601 : i32
          %parallel_loop3A_603 = arith.constant 416 : i32
          %parallel_loop3A_604 = arith.addi %parallel_loop3A_602, %parallel_loop3A_603 : i32
          %parallel_loop3A_605 = arith.index_cast %parallel_loop3A_604 : i32 to index
          %parallel_loop3A_606 = tpu.vector_load %arg9[%parallel_loop3A_605] {strides = array<i32>} : memref<12288xf32, #tpu.memory_space<vmem>>, vector<16xf32>,
          %parallel_loop3A_607 = vector.shape_cast %parallel_loop3A_606 : vector<16xf32> to vector<16xf32>
          %parallel_loop3A_608 = arith.select %parallel_loop3A_288, %get3A_86, %parallel_loop3A_607 : vector<16xi1>, vector<16xf32>
          %parallel_loop3A_609 = arith.index_cast %parallel_loop3A_604 : i32 to index
          %parallel_loop3A_610 = tpu.vector_load %arg9[%parallel_loop3A_609] {strides = array<i32>} : memref<12288xf32, #tpu.memory_space<vmem>>, vector<16xf32>,
          %parallel_loop3A_611 = vector.shape_cast %parallel_loop3A_610 : vector<16xf32> to vector<16xf32>
          %parallel_loop3A_612 = vector.shape_cast %parallel_loop3A_608 : vector<16xf32> to vector<16xf32>
          tpu.vector_store %arg9[%parallel_loop3A_609], %parallel_loop3A_612 {strides = array<i32>} : memref<12288xf32, #tpu.memory_space<vmem>>, vector<16xf32>,
          %parallel_loop3A_613 = arith.constant 768 : i32
          %parallel_loop3A_614 = arith.muli %parallel_loop3A_277, %parallel_loop3A_613 : i32
          %parallel_loop3A_615 = arith.constant 432 : i32
          %parallel_loop3A_616 = arith.addi %parallel_loop3A_614, %parallel_loop3A_615 : i32
          %parallel_loop3A_617 = arith.index_cast %parallel_loop3A_616 : i32 to index
          %parallel_loop3A_618 = tpu.vector_load %arg9[%parallel_loop3A_617] {strides = array<i32>} : memref<12288xf32, #tpu.memory_space<vmem>>, vector<16xf32>,
          %parallel_loop3A_619 = vector.shape_cast %parallel_loop3A_618 : vector<16xf32> to vector<16xf32>
          %parallel_loop3A_620 = arith.select %parallel_loop3A_288, %get3A_89, %parallel_loop3A_619 : vector<16xi1>, vector<16xf32>
          %parallel_loop3A_621 = arith.index_cast %parallel_loop3A_616 : i32 to index
          %parallel_loop3A_622 = tpu.vector_load %arg9[%parallel_loop3A_621] {strides = array<i32>} : memref<12288xf32, #tpu.memory_space<vmem>>, vector<16xf32>,
          %parallel_loop3A_623 = vector.shape_cast %parallel_loop3A_622 : vector<16xf32> to vector<16xf32>
          %parallel_loop3A_624 = vector.shape_cast %parallel_loop3A_620 : vector<16xf32> to vector<16xf32>
          tpu.vector_store %arg9[%parallel_loop3A_621], %parallel_loop3A_624 {strides = array<i32>} : memref<12288xf32, #tpu.memory_space<vmem>>, vector<16xf32>,
          %parallel_loop3A_625 = arith.constant 768 : i32
          %parallel_loop3A_626 = arith.muli %parallel_loop3A_277, %parallel_loop3A_625 : i32
          %parallel_loop3A_627 = arith.constant 448 : i32
          %parallel_loop3A_628 = arith.addi %parallel_loop3A_626, %parallel_loop3A_627 : i32
          %parallel_loop3A_629 = arith.index_cast %parallel_loop3A_628 : i32 to index
          %parallel_loop3A_630 = tpu.vector_load %arg9[%parallel_loop3A_629] {strides = array<i32>} : memref<12288xf32, #tpu.memory_space<vmem>>, vector<16xf32>,
          %parallel_loop3A_631 = vector.shape_cast %parallel_loop3A_630 : vector<16xf32> to vector<16xf32>
          %parallel_loop3A_632 = arith.select %parallel_loop3A_288, %get3A_92, %parallel_loop3A_631 : vector<16xi1>, vector<16xf32>
          %parallel_loop3A_633 = arith.index_cast %parallel_loop3A_628 : i32 to index
          %parallel_loop3A_634 = tpu.vector_load %arg9[%parallel_loop3A_633] {strides = array<i32>} : memref<12288xf32, #tpu.memory_space<vmem>>, vector<16xf32>,
          %parallel_loop3A_635 = vector.shape_cast %parallel_loop3A_634 : vector<16xf32> to vector<16xf32>
          %parallel_loop3A_636 = vector.shape_cast %parallel_loop3A_632 : vector<16xf32> to vector<16xf32>
          tpu.vector_store %arg9[%parallel_loop3A_633], %parallel_loop3A_636 {strides = array<i32>} : memref<12288xf32, #tpu.memory_space<vmem>>, vector<16xf32>,
          %parallel_loop3A_637 = arith.constant 768 : i32
          %parallel_loop3A_638 = arith.muli %parallel_loop3A_277, %parallel_loop3A_637 : i32
          %parallel_loop3A_639 = arith.constant 464 : i32
          %parallel_loop3A_640 = arith.addi %parallel_loop3A_638, %parallel_loop3A_639 : i32
          %parallel_loop3A_641 = arith.index_cast %parallel_loop3A_640 : i32 to index
          %parallel_loop3A_642 = tpu.vector_load %arg9[%parallel_loop3A_641] {strides = array<i32>} : memref<12288xf32, #tpu.memory_space<vmem>>, vector<16xf32>,
          %parallel_loop3A_643 = vector.shape_cast %parallel_loop3A_642 : vector<16xf32> to vector<16xf32>
          %parallel_loop3A_644 = arith.select %parallel_loop3A_288, %get3A_95, %parallel_loop3A_643 : vector<16xi1>, vector<16xf32>
          %parallel_loop3A_645 = arith.index_cast %parallel_loop3A_640 : i32 to index
          %parallel_loop3A_646 = tpu.vector_load %arg9[%parallel_loop3A_645] {strides = array<i32>} : memref<12288xf32, #tpu.memory_space<vmem>>, vector<16xf32>,
          %parallel_loop3A_647 = vector.shape_cast %parallel_loop3A_646 : vector<16xf32> to vector<16xf32>
          %parallel_loop3A_648 = vector.shape_cast %parallel_loop3A_644 : vector<16xf32> to vector<16xf32>
          tpu.vector_store %arg9[%parallel_loop3A_645], %parallel_loop3A_648 {strides = array<i32>} : memref<12288xf32, #tpu.memory_space<vmem>>, vector<16xf32>,
          %parallel_loop3A_649 = arith.constant 768 : i32
          %parallel_loop3A_650 = arith.muli %parallel_loop3A_277, %parallel_loop3A_649 : i32
          %parallel_loop3A_651 = arith.constant 480 : i32
          %parallel_loop3A_652 = arith.addi %parallel_loop3A_650, %parallel_loop3A_651 : i32
          %parallel_loop3A_653 = arith.index_cast %parallel_loop3A_652 : i32 to index
          %parallel_loop3A_654 = tpu.vector_load %arg9[%parallel_loop3A_653] {strides = array<i32>} : memref<12288xf32, #tpu.memory_space<vmem>>, vector<16xf32>,
          %parallel_loop3A_655 = vector.shape_cast %parallel_loop3A_654 : vector<16xf32> to vector<16xf32>
          %parallel_loop3A_656 = arith.select %parallel_loop3A_288, %get3A_98, %parallel_loop3A_655 : vector<16xi1>, vector<16xf32>
          %parallel_loop3A_657 = arith.index_cast %parallel_loop3A_652 : i32 to index
          %parallel_loop3A_658 = tpu.vector_load %arg9[%parallel_loop3A_657] {strides = array<i32>} : memref<12288xf32, #tpu.memory_space<vmem>>, vector<16xf32>,
          %parallel_loop3A_659 = vector.shape_cast %parallel_loop3A_658 : vector<16xf32> to vector<16xf32>
          %parallel_loop3A_660 = vector.shape_cast %parallel_loop3A_656 : vector<16xf32> to vector<16xf32>
          tpu.vector_store %arg9[%parallel_loop3A_657], %parallel_loop3A_660 {strides = array<i32>} : memref<12288xf32, #tpu.memory_space<vmem>>, vector<16xf32>,
          %parallel_loop3A_661 = arith.constant 768 : i32
          %parallel_loop3A_662 = arith.muli %parallel_loop3A_277, %parallel_loop3A_661 : i32
          %parallel_loop3A_663 = arith.constant 496 : i32
          %parallel_loop3A_664 = arith.addi %parallel_loop3A_662, %parallel_loop3A_663 : i32
          %parallel_loop3A_665 = arith.index_cast %parallel_loop3A_664 : i32 to index
          %parallel_loop3A_666 = tpu.vector_load %arg9[%parallel_loop3A_665] {strides = array<i32>} : memref<12288xf32, #tpu.memory_space<vmem>>, vector<16xf32>,
          %parallel_loop3A_667 = vector.shape_cast %parallel_loop3A_666 : vector<16xf32> to vector<16xf32>
          %parallel_loop3A_668 = arith.select %parallel_loop3A_288, %get3A_101, %parallel_loop3A_667 : vector<16xi1>, vector<16xf32>
          %parallel_loop3A_669 = arith.index_cast %parallel_loop3A_664 : i32 to index
          %parallel_loop3A_670 = tpu.vector_load %arg9[%parallel_loop3A_669] {strides = array<i32>} : memref<12288xf32, #tpu.memory_space<vmem>>, vector<16xf32>,
          %parallel_loop3A_671 = vector.shape_cast %parallel_loop3A_670 : vector<16xf32> to vector<16xf32>
          %parallel_loop3A_672 = vector.shape_cast %parallel_loop3A_668 : vector<16xf32> to vector<16xf32>
          tpu.vector_store %arg9[%parallel_loop3A_669], %parallel_loop3A_672 {strides = array<i32>} : memref<12288xf32, #tpu.memory_space<vmem>>, vector<16xf32>,
          %parallel_loop3A_673 = arith.constant 768 : i32
          %parallel_loop3A_674 = arith.muli %parallel_loop3A_277, %parallel_loop3A_673 : i32
          %parallel_loop3A_675 = arith.constant 512 : i32
          %parallel_loop3A_676 = arith.addi %parallel_loop3A_674, %parallel_loop3A_675 : i32
          %parallel_loop3A_677 = arith.index_cast %parallel_loop3A_676 : i32 to index
          %parallel_loop3A_678 = tpu.vector_load %arg9[%parallel_loop3A_677] {strides = array<i32>} : memref<12288xf32, #tpu.memory_space<vmem>>, vector<16xf32>,
          %parallel_loop3A_679 = vector.shape_cast %parallel_loop3A_678 : vector<16xf32> to vector<16xf32>
          %parallel_loop3A_680 = arith.select %parallel_loop3A_288, %get3A_104, %parallel_loop3A_679 : vector<16xi1>, vector<16xf32>
          %parallel_loop3A_681 = arith.index_cast %parallel_loop3A_676 : i32 to index
          %parallel_loop3A_682 = tpu.vector_load %arg9[%parallel_loop3A_681] {strides = array<i32>} : memref<12288xf32, #tpu.memory_space<vmem>>, vector<16xf32>,
          %parallel_loop3A_683 = vector.shape_cast %parallel_loop3A_682 : vector<16xf32> to vector<16xf32>
          %parallel_loop3A_684 = vector.shape_cast %parallel_loop3A_680 : vector<16xf32> to vector<16xf32>
          tpu.vector_store %arg9[%parallel_loop3A_681], %parallel_loop3A_684 {strides = array<i32>} : memref<12288xf32, #tpu.memory_space<vmem>>, vector<16xf32>,
          %parallel_loop3A_685 = arith.constant 768 : i32
          %parallel_loop3A_686 = arith.muli %parallel_loop3A_277, %parallel_loop3A_685 : i32
          %parallel_loop3A_687 = arith.constant 528 : i32
          %parallel_loop3A_688 = arith.addi %parallel_loop3A_686, %parallel_loop3A_687 : i32
          %parallel_loop3A_689 = arith.index_cast %parallel_loop3A_688 : i32 to index
          %parallel_loop3A_690 = tpu.vector_load %arg9[%parallel_loop3A_689] {strides = array<i32>} : memref<12288xf32, #tpu.memory_space<vmem>>, vector<16xf32>,
          %parallel_loop3A_691 = vector.shape_cast %parallel_loop3A_690 : vector<16xf32> to vector<16xf32>
          %parallel_loop3A_692 = arith.select %parallel_loop3A_288, %get3A_107, %parallel_loop3A_691 : vector<16xi1>, vector<16xf32>
          %parallel_loop3A_693 = arith.index_cast %parallel_loop3A_688 : i32 to index
          %parallel_loop3A_694 = tpu.vector_load %arg9[%parallel_loop3A_693] {strides = array<i32>} : memref<12288xf32, #tpu.memory_space<vmem>>, vector<16xf32>,
          %parallel_loop3A_695 = vector.shape_cast %parallel_loop3A_694 : vector<16xf32> to vector<16xf32>
          %parallel_loop3A_696 = vector.shape_cast %parallel_loop3A_692 : vector<16xf32> to vector<16xf32>
          tpu.vector_store %arg9[%parallel_loop3A_693], %parallel_loop3A_696 {strides = array<i32>} : memref<12288xf32, #tpu.memory_space<vmem>>, vector<16xf32>,
          %parallel_loop3A_697 = arith.constant 768 : i32
          %parallel_loop3A_698 = arith.muli %parallel_loop3A_277, %parallel_loop3A_697 : i32
          %parallel_loop3A_699 = arith.constant 544 : i32
          %parallel_loop3A_700 = arith.addi %parallel_loop3A_698, %parallel_loop3A_699 : i32
          %parallel_loop3A_701 = arith.index_cast %parallel_loop3A_700 : i32 to index
          %parallel_loop3A_702 = tpu.vector_load %arg9[%parallel_loop3A_701] {strides = array<i32>} : memref<12288xf32, #tpu.memory_space<vmem>>, vector<16xf32>,
          %parallel_loop3A_703 = vector.shape_cast %parallel_loop3A_702 : vector<16xf32> to vector<16xf32>
          %parallel_loop3A_704 = arith.select %parallel_loop3A_288, %get3A_110, %parallel_loop3A_703 : vector<16xi1>, vector<16xf32>
          %parallel_loop3A_705 = arith.index_cast %parallel_loop3A_700 : i32 to index
          %parallel_loop3A_706 = tpu.vector_load %arg9[%parallel_loop3A_705] {strides = array<i32>} : memref<12288xf32, #tpu.memory_space<vmem>>, vector<16xf32>,
          %parallel_loop3A_707 = vector.shape_cast %parallel_loop3A_706 : vector<16xf32> to vector<16xf32>
          %parallel_loop3A_708 = vector.shape_cast %parallel_loop3A_704 : vector<16xf32> to vector<16xf32>
          tpu.vector_store %arg9[%parallel_loop3A_705], %parallel_loop3A_708 {strides = array<i32>} : memref<12288xf32, #tpu.memory_space<vmem>>, vector<16xf32>,
          %parallel_loop3A_709 = arith.constant 768 : i32
          %parallel_loop3A_710 = arith.muli %parallel_loop3A_277, %parallel_loop3A_709 : i32
          %parallel_loop3A_711 = arith.constant 560 : i32
          %parallel_loop3A_712 = arith.addi %parallel_loop3A_710, %parallel_loop3A_711 : i32
          %parallel_loop3A_713 = arith.index_cast %parallel_loop3A_712 : i32 to index
          %parallel_loop3A_714 = tpu.vector_load %arg9[%parallel_loop3A_713] {strides = array<i32>} : memref<12288xf32, #tpu.memory_space<vmem>>, vector<16xf32>,
          %parallel_loop3A_715 = vector.shape_cast %parallel_loop3A_714 : vector<16xf32> to vector<16xf32>
          %parallel_loop3A_716 = arith.select %parallel_loop3A_288, %get3A_113, %parallel_loop3A_715 : vector<16xi1>, vector<16xf32>
          %parallel_loop3A_717 = arith.index_cast %parallel_loop3A_712 : i32 to index
          %parallel_loop3A_718 = tpu.vector_load %arg9[%parallel_loop3A_717] {strides = array<i32>} : memref<12288xf32, #tpu.memory_space<vmem>>, vector<16xf32>,
          %parallel_loop3A_719 = vector.shape_cast %parallel_loop3A_718 : vector<16xf32> to vector<16xf32>
          %parallel_loop3A_720 = vector.shape_cast %parallel_loop3A_716 : vector<16xf32> to vector<16xf32>
          tpu.vector_store %arg9[%parallel_loop3A_717], %parallel_loop3A_720 {strides = array<i32>} : memref<12288xf32, #tpu.memory_space<vmem>>, vector<16xf32>,
          %parallel_loop3A_721 = arith.constant 768 : i32
          %parallel_loop3A_722 = arith.muli %parallel_loop3A_277, %parallel_loop3A_721 : i32
          %parallel_loop3A_723 = arith.constant 576 : i32
          %parallel_loop3A_724 = arith.addi %parallel_loop3A_722, %parallel_loop3A_723 : i32
          %parallel_loop3A_725 = arith.index_cast %parallel_loop3A_724 : i32 to index
          %parallel_loop3A_726 = tpu.vector_load %arg9[%parallel_loop3A_725] {strides = array<i32>} : memref<12288xf32, #tpu.memory_space<vmem>>, vector<16xf32>,
          %parallel_loop3A_727 = vector.shape_cast %parallel_loop3A_726 : vector<16xf32> to vector<16xf32>
          %parallel_loop3A_728 = arith.select %parallel_loop3A_288, %get3A_116, %parallel_loop3A_727 : vector<16xi1>, vector<16xf32>
          %parallel_loop3A_729 = arith.index_cast %parallel_loop3A_724 : i32 to index
          %parallel_loop3A_730 = tpu.vector_load %arg9[%parallel_loop3A_729] {strides = array<i32>} : memref<12288xf32, #tpu.memory_space<vmem>>, vector<16xf32>,
          %parallel_loop3A_731 = vector.shape_cast %parallel_loop3A_730 : vector<16xf32> to vector<16xf32>
          %parallel_loop3A_732 = vector.shape_cast %parallel_loop3A_728 : vector<16xf32> to vector<16xf32>
          tpu.vector_store %arg9[%parallel_loop3A_729], %parallel_loop3A_732 {strides = array<i32>} : memref<12288xf32, #tpu.memory_space<vmem>>, vector<16xf32>,
          %parallel_loop3A_733 = arith.constant 768 : i32
          %parallel_loop3A_734 = arith.muli %parallel_loop3A_277, %parallel_loop3A_733 : i32
          %parallel_loop3A_735 = arith.constant 592 : i32
          %parallel_loop3A_736 = arith.addi %parallel_loop3A_734, %parallel_loop3A_735 : i32
          %parallel_loop3A_737 = arith.index_cast %parallel_loop3A_736 : i32 to index
          %parallel_loop3A_738 = tpu.vector_load %arg9[%parallel_loop3A_737] {strides = array<i32>} : memref<12288xf32, #tpu.memory_space<vmem>>, vector<16xf32>,
          %parallel_loop3A_739 = vector.shape_cast %parallel_loop3A_738 : vector<16xf32> to vector<16xf32>
          %parallel_loop3A_740 = arith.select %parallel_loop3A_288, %get3A_119, %parallel_loop3A_739 : vector<16xi1>, vector<16xf32>
          %parallel_loop3A_741 = arith.index_cast %parallel_loop3A_736 : i32 to index
          %parallel_loop3A_742 = tpu.vector_load %arg9[%parallel_loop3A_741] {strides = array<i32>} : memref<12288xf32, #tpu.memory_space<vmem>>, vector<16xf32>,
          %parallel_loop3A_743 = vector.shape_cast %parallel_loop3A_742 : vector<16xf32> to vector<16xf32>
          %parallel_loop3A_744 = vector.shape_cast %parallel_loop3A_740 : vector<16xf32> to vector<16xf32>
          tpu.vector_store %arg9[%parallel_loop3A_741], %parallel_loop3A_744 {strides = array<i32>} : memref<12288xf32, #tpu.memory_space<vmem>>, vector<16xf32>,
          %parallel_loop3A_745 = arith.constant 768 : i32
          %parallel_loop3A_746 = arith.muli %parallel_loop3A_277, %parallel_loop3A_745 : i32
          %parallel_loop3A_747 = arith.constant 608 : i32
          %parallel_loop3A_748 = arith.addi %parallel_loop3A_746, %parallel_loop3A_747 : i32
          %parallel_loop3A_749 = arith.index_cast %parallel_loop3A_748 : i32 to index
          %parallel_loop3A_750 = tpu.vector_load %arg9[%parallel_loop3A_749] {strides = array<i32>} : memref<12288xf32, #tpu.memory_space<vmem>>, vector<16xf32>,
          %parallel_loop3A_751 = vector.shape_cast %parallel_loop3A_750 : vector<16xf32> to vector<16xf32>
          %parallel_loop3A_752 = arith.select %parallel_loop3A_288, %get3A_122, %parallel_loop3A_751 : vector<16xi1>, vector<16xf32>
          %parallel_loop3A_753 = arith.index_cast %parallel_loop3A_748 : i32 to index
          %parallel_loop3A_754 = tpu.vector_load %arg9[%parallel_loop3A_753] {strides = array<i32>} : memref<12288xf32, #tpu.memory_space<vmem>>, vector<16xf32>,
          %parallel_loop3A_755 = vector.shape_cast %parallel_loop3A_754 : vector<16xf32> to vector<16xf32>
          %parallel_loop3A_756 = vector.shape_cast %parallel_loop3A_752 : vector<16xf32> to vector<16xf32>
          tpu.vector_store %arg9[%parallel_loop3A_753], %parallel_loop3A_756 {strides = array<i32>} : memref<12288xf32, #tpu.memory_space<vmem>>, vector<16xf32>,
          %parallel_loop3A_757 = arith.constant 768 : i32
          %parallel_loop3A_758 = arith.muli %parallel_loop3A_277, %parallel_loop3A_757 : i32
          %parallel_loop3A_759 = arith.constant 624 : i32
          %parallel_loop3A_760 = arith.addi %parallel_loop3A_758, %parallel_loop3A_759 : i32
          %parallel_loop3A_761 = arith.index_cast %parallel_loop3A_760 : i32 to index
          %parallel_loop3A_762 = tpu.vector_load %arg9[%parallel_loop3A_761] {strides = array<i32>} : memref<12288xf32, #tpu.memory_space<vmem>>, vector<16xf32>,
          %parallel_loop3A_763 = vector.shape_cast %parallel_loop3A_762 : vector<16xf32> to vector<16xf32>
          %parallel_loop3A_764 = arith.select %parallel_loop3A_288, %get3A_125, %parallel_loop3A_763 : vector<16xi1>, vector<16xf32>
          %parallel_loop3A_765 = arith.index_cast %parallel_loop3A_760 : i32 to index
          %parallel_loop3A_766 = tpu.vector_load %arg9[%parallel_loop3A_765] {strides = array<i32>} : memref<12288xf32, #tpu.memory_space<vmem>>, vector<16xf32>,
          %parallel_loop3A_767 = vector.shape_cast %parallel_loop3A_766 : vector<16xf32> to vector<16xf32>
          %parallel_loop3A_768 = vector.shape_cast %parallel_loop3A_764 : vector<16xf32> to vector<16xf32>
          tpu.vector_store %arg9[%parallel_loop3A_765], %parallel_loop3A_768 {strides = array<i32>} : memref<12288xf32, #tpu.memory_space<vmem>>, vector<16xf32>,
          %parallel_loop3A_769 = arith.constant 768 : i32
          %parallel_loop3A_770 = arith.muli %parallel_loop3A_277, %parallel_loop3A_769 : i32
          %parallel_loop3A_771 = arith.constant 640 : i32
          %parallel_loop3A_772 = arith.addi %parallel_loop3A_770, %parallel_loop3A_771 : i32
          %parallel_loop3A_773 = arith.index_cast %parallel_loop3A_772 : i32 to index
          %parallel_loop3A_774 = tpu.vector_load %arg9[%parallel_loop3A_773] {strides = array<i32>} : memref<12288xf32, #tpu.memory_space<vmem>>, vector<16xf32>,
          %parallel_loop3A_775 = vector.shape_cast %parallel_loop3A_774 : vector<16xf32> to vector<16xf32>
          %parallel_loop3A_776 = arith.select %parallel_loop3A_288, %get3A_128, %parallel_loop3A_775 : vector<16xi1>, vector<16xf32>
          %parallel_loop3A_777 = arith.index_cast %parallel_loop3A_772 : i32 to index
          %parallel_loop3A_778 = tpu.vector_load %arg9[%parallel_loop3A_777] {strides = array<i32>} : memref<12288xf32, #tpu.memory_space<vmem>>, vector<16xf32>,
          %parallel_loop3A_779 = vector.shape_cast %parallel_loop3A_778 : vector<16xf32> to vector<16xf32>
          %parallel_loop3A_780 = vector.shape_cast %parallel_loop3A_776 : vector<16xf32> to vector<16xf32>
          tpu.vector_store %arg9[%parallel_loop3A_777], %parallel_loop3A_780 {strides = array<i32>} : memref<12288xf32, #tpu.memory_space<vmem>>, vector<16xf32>,
          %parallel_loop3A_781 = arith.constant 768 : i32
          %parallel_loop3A_782 = arith.muli %parallel_loop3A_277, %parallel_loop3A_781 : i32
          %parallel_loop3A_783 = arith.constant 656 : i32
          %parallel_loop3A_784 = arith.addi %parallel_loop3A_782, %parallel_loop3A_783 : i32
          %parallel_loop3A_785 = arith.index_cast %parallel_loop3A_784 : i32 to index
          %parallel_loop3A_786 = tpu.vector_load %arg9[%parallel_loop3A_785] {strides = array<i32>} : memref<12288xf32, #tpu.memory_space<vmem>>, vector<16xf32>,
          %parallel_loop3A_787 = vector.shape_cast %parallel_loop3A_786 : vector<16xf32> to vector<16xf32>
          %parallel_loop3A_788 = arith.select %parallel_loop3A_288, %get3A_131, %parallel_loop3A_787 : vector<16xi1>, vector<16xf32>
          %parallel_loop3A_789 = arith.index_cast %parallel_loop3A_784 : i32 to index
          %parallel_loop3A_790 = tpu.vector_load %arg9[%parallel_loop3A_789] {strides = array<i32>} : memref<12288xf32, #tpu.memory_space<vmem>>, vector<16xf32>,
          %parallel_loop3A_791 = vector.shape_cast %parallel_loop3A_790 : vector<16xf32> to vector<16xf32>
          %parallel_loop3A_792 = vector.shape_cast %parallel_loop3A_788 : vector<16xf32> to vector<16xf32>
          tpu.vector_store %arg9[%parallel_loop3A_789], %parallel_loop3A_792 {strides = array<i32>} : memref<12288xf32, #tpu.memory_space<vmem>>, vector<16xf32>,
          %parallel_loop3A_793 = arith.constant 768 : i32
          %parallel_loop3A_794 = arith.muli %parallel_loop3A_277, %parallel_loop3A_793 : i32
          %parallel_loop3A_795 = arith.constant 672 : i32
          %parallel_loop3A_796 = arith.addi %parallel_loop3A_794, %parallel_loop3A_795 : i32
          %parallel_loop3A_797 = arith.index_cast %parallel_loop3A_796 : i32 to index
          %parallel_loop3A_798 = tpu.vector_load %arg9[%parallel_loop3A_797] {strides = array<i32>} : memref<12288xf32, #tpu.memory_space<vmem>>, vector<16xf32>,
          %parallel_loop3A_799 = vector.shape_cast %parallel_loop3A_798 : vector<16xf32> to vector<16xf32>
          %parallel_loop3A_800 = arith.select %parallel_loop3A_288, %get3A_134, %parallel_loop3A_799 : vector<16xi1>, vector<16xf32>
          %parallel_loop3A_801 = arith.index_cast %parallel_loop3A_796 : i32 to index
          %parallel_loop3A_802 = tpu.vector_load %arg9[%parallel_loop3A_801] {strides = array<i32>} : memref<12288xf32, #tpu.memory_space<vmem>>, vector<16xf32>,
          %parallel_loop3A_803 = vector.shape_cast %parallel_loop3A_802 : vector<16xf32> to vector<16xf32>
          %parallel_loop3A_804 = vector.shape_cast %parallel_loop3A_800 : vector<16xf32> to vector<16xf32>
          tpu.vector_store %arg9[%parallel_loop3A_801], %parallel_loop3A_804 {strides = array<i32>} : memref<12288xf32, #tpu.memory_space<vmem>>, vector<16xf32>,
          %parallel_loop3A_805 = arith.constant 768 : i32
          %parallel_loop3A_806 = arith.muli %parallel_loop3A_277, %parallel_loop3A_805 : i32
          %parallel_loop3A_807 = arith.constant 688 : i32
          %parallel_loop3A_808 = arith.addi %parallel_loop3A_806, %parallel_loop3A_807 : i32
          %parallel_loop3A_809 = arith.index_cast %parallel_loop3A_808 : i32 to index
          %parallel_loop3A_810 = tpu.vector_load %arg9[%parallel_loop3A_809] {strides = array<i32>} : memref<12288xf32, #tpu.memory_space<vmem>>, vector<16xf32>,
          %parallel_loop3A_811 = vector.shape_cast %parallel_loop3A_810 : vector<16xf32> to vector<16xf32>
          %parallel_loop3A_812 = arith.select %parallel_loop3A_288, %get3A_137, %parallel_loop3A_811 : vector<16xi1>, vector<16xf32>
          %parallel_loop3A_813 = arith.index_cast %parallel_loop3A_808 : i32 to index
          %parallel_loop3A_814 = tpu.vector_load %arg9[%parallel_loop3A_813] {strides = array<i32>} : memref<12288xf32, #tpu.memory_space<vmem>>, vector<16xf32>,
          %parallel_loop3A_815 = vector.shape_cast %parallel_loop3A_814 : vector<16xf32> to vector<16xf32>
          %parallel_loop3A_816 = vector.shape_cast %parallel_loop3A_812 : vector<16xf32> to vector<16xf32>
          tpu.vector_store %arg9[%parallel_loop3A_813], %parallel_loop3A_816 {strides = array<i32>} : memref<12288xf32, #tpu.memory_space<vmem>>, vector<16xf32>,
          %parallel_loop3A_817 = arith.constant 768 : i32
          %parallel_loop3A_818 = arith.muli %parallel_loop3A_277, %parallel_loop3A_817 : i32
          %parallel_loop3A_819 = arith.constant 704 : i32
          %parallel_loop3A_820 = arith.addi %parallel_loop3A_818, %parallel_loop3A_819 : i32
          %parallel_loop3A_821 = arith.index_cast %parallel_loop3A_820 : i32 to index
          %parallel_loop3A_822 = tpu.vector_load %arg9[%parallel_loop3A_821] {strides = array<i32>} : memref<12288xf32, #tpu.memory_space<vmem>>, vector<16xf32>,
          %parallel_loop3A_823 = vector.shape_cast %parallel_loop3A_822 : vector<16xf32> to vector<16xf32>
          %parallel_loop3A_824 = arith.select %parallel_loop3A_288, %get3A_140, %parallel_loop3A_823 : vector<16xi1>, vector<16xf32>
          %parallel_loop3A_825 = arith.index_cast %parallel_loop3A_820 : i32 to index
          %parallel_loop3A_826 = tpu.vector_load %arg9[%parallel_loop3A_825] {strides = array<i32>} : memref<12288xf32, #tpu.memory_space<vmem>>, vector<16xf32>,
          %parallel_loop3A_827 = vector.shape_cast %parallel_loop3A_826 : vector<16xf32> to vector<16xf32>
          %parallel_loop3A_828 = vector.shape_cast %parallel_loop3A_824 : vector<16xf32> to vector<16xf32>
          tpu.vector_store %arg9[%parallel_loop3A_825], %parallel_loop3A_828 {strides = array<i32>} : memref<12288xf32, #tpu.memory_space<vmem>>, vector<16xf32>,
          %parallel_loop3A_829 = arith.constant 768 : i32
          %parallel_loop3A_830 = arith.muli %parallel_loop3A_277, %parallel_loop3A_829 : i32
          %parallel_loop3A_831 = arith.constant 720 : i32
          %parallel_loop3A_832 = arith.addi %parallel_loop3A_830, %parallel_loop3A_831 : i32
          %parallel_loop3A_833 = arith.index_cast %parallel_loop3A_832 : i32 to index
          %parallel_loop3A_834 = tpu.vector_load %arg9[%parallel_loop3A_833] {strides = array<i32>} : memref<12288xf32, #tpu.memory_space<vmem>>, vector<16xf32>,
          %parallel_loop3A_835 = vector.shape_cast %parallel_loop3A_834 : vector<16xf32> to vector<16xf32>
          %parallel_loop3A_836 = arith.select %parallel_loop3A_288, %get3A_143, %parallel_loop3A_835 : vector<16xi1>, vector<16xf32>
          %parallel_loop3A_837 = arith.index_cast %parallel_loop3A_832 : i32 to index
          %parallel_loop3A_838 = tpu.vector_load %arg9[%parallel_loop3A_837] {strides = array<i32>} : memref<12288xf32, #tpu.memory_space<vmem>>, vector<16xf32>,
          %parallel_loop3A_839 = vector.shape_cast %parallel_loop3A_838 : vector<16xf32> to vector<16xf32>
          %parallel_loop3A_840 = vector.shape_cast %parallel_loop3A_836 : vector<16xf32> to vector<16xf32>
          tpu.vector_store %arg9[%parallel_loop3A_837], %parallel_loop3A_840 {strides = array<i32>} : memref<12288xf32, #tpu.memory_space<vmem>>, vector<16xf32>,
          %parallel_loop3A_841 = arith.constant 768 : i32
          %parallel_loop3A_842 = arith.muli %parallel_loop3A_277, %parallel_loop3A_841 : i32
          %parallel_loop3A_843 = arith.constant 736 : i32
          %parallel_loop3A_844 = arith.addi %parallel_loop3A_842, %parallel_loop3A_843 : i32
          %parallel_loop3A_845 = arith.index_cast %parallel_loop3A_844 : i32 to index
          %parallel_loop3A_846 = tpu.vector_load %arg9[%parallel_loop3A_845] {strides = array<i32>} : memref<12288xf32, #tpu.memory_space<vmem>>, vector<16xf32>,
          %parallel_loop3A_847 = vector.shape_cast %parallel_loop3A_846 : vector<16xf32> to vector<16xf32>
          %parallel_loop3A_848 = arith.select %parallel_loop3A_288, %get3A_146, %parallel_loop3A_847 : vector<16xi1>, vector<16xf32>
          %parallel_loop3A_849 = arith.index_cast %parallel_loop3A_844 : i32 to index
          %parallel_loop3A_850 = tpu.vector_load %arg9[%parallel_loop3A_849] {strides = array<i32>} : memref<12288xf32, #tpu.memory_space<vmem>>, vector<16xf32>,
          %parallel_loop3A_851 = vector.shape_cast %parallel_loop3A_850 : vector<16xf32> to vector<16xf32>
          %parallel_loop3A_852 = vector.shape_cast %parallel_loop3A_848 : vector<16xf32> to vector<16xf32>
          tpu.vector_store %arg9[%parallel_loop3A_849], %parallel_loop3A_852 {strides = array<i32>} : memref<12288xf32, #tpu.memory_space<vmem>>, vector<16xf32>,
          %parallel_loop3A_853 = arith.constant 768 : i32
          %parallel_loop3A_854 = arith.muli %parallel_loop3A_277, %parallel_loop3A_853 : i32
          %parallel_loop3A_855 = arith.constant 752 : i32
          %parallel_loop3A_856 = arith.addi %parallel_loop3A_854, %parallel_loop3A_855 : i32
          %parallel_loop3A_857 = arith.index_cast %parallel_loop3A_856 : i32 to index
          %parallel_loop3A_858 = tpu.vector_load %arg9[%parallel_loop3A_857] {strides = array<i32>} : memref<12288xf32, #tpu.memory_space<vmem>>, vector<16xf32>,
          %parallel_loop3A_859 = vector.shape_cast %parallel_loop3A_858 : vector<16xf32> to vector<16xf32>
          %parallel_loop3A_860 = arith.select %parallel_loop3A_288, %get3A_149, %parallel_loop3A_859 : vector<16xi1>, vector<16xf32>
          %parallel_loop3A_861 = arith.index_cast %parallel_loop3A_856 : i32 to index
          %parallel_loop3A_862 = tpu.vector_load %arg9[%parallel_loop3A_861] {strides = array<i32>} : memref<12288xf32, #tpu.memory_space<vmem>>, vector<16xf32>,
          %parallel_loop3A_863 = vector.shape_cast %parallel_loop3A_862 : vector<16xf32> to vector<16xf32>
          %parallel_loop3A_864 = vector.shape_cast %parallel_loop3A_860 : vector<16xf32> to vector<16xf32>
          tpu.vector_store %arg9[%parallel_loop3A_861], %parallel_loop3A_864 {strides = array<i32>} : memref<12288xf32, #tpu.memory_space<vmem>>, vector<16xf32>,
        } {sc.loop_unroll_factor = 4 : i64, sc.parallel_access}
        %mul3A_272 = arith.constant 12288 : i32
        %mul3A_273 = arith.muli %scan3A_181, %mul3A_272 : i32
        %add3A_274 = arith.addi %mul3A_4, %mul3A_273 : i32
        %dma_start3A_275 = tpu.memref_slice %arg5[%add3A_274] : memref<60555264xf32, #tpu.memory_space<hbm>> -> memref<12288xf32, #tpu.memory_space<hbm>>
        %dma_start3A_276 = tpu.memref_slice %arg5[%add3A_274] : memref<60555264xf32, #tpu.memory_space<hbm>> -> memref<12288xf32, #tpu.memory_space<hbm>>
        tpu.enqueue_dma source(%arg9 : memref<12288xf32, #tpu.memory_space<vmem>>) target(%dma_start3A_276 : memref<12288xf32, #tpu.memory_space<hbm>>) target_semaphore(%arg19 : memref<!tpu.dma_semaphore, #tpu.memory_space<semaphore_mem>>)
      } else {
      }
    }
    %scan3A_165 = arith.constant 154 : i32
    %add3A_166 = arith.constant 1843200 : i32
    %add3A_167 = arith.addi %mul3A_4, %add3A_166 : i32
    %dma_wait3A = tpu.memref_slice %arg5[%add3A_167] : memref<60555264xf32, #tpu.memory_space<hbm>> -> memref<12288xf32, #tpu.memory_space<hbm>>
    %dma_wait3A_168 = tpu.memref_slice %arg5[%add3A_167] : memref<60555264xf32, #tpu.memory_space<hbm>> -> memref<12288xf32, #tpu.memory_space<hbm>>
    tpu.wait_dma2 semaphore(%arg18 : memref<!tpu.dma_semaphore, #tpu.memory_space<semaphore_mem>>) src(%arg8 : memref<12288xf32, #tpu.memory_space<vmem>>) dst(%dma_wait3A_168 : memref<12288xf32, #tpu.memory_space<hbm>>)
    %add3A_169 = arith.constant 1855488 : i32
    %add3A_170 = arith.addi %mul3A_4, %add3A_169 : i32
    %dma_wait3A_171 = tpu.memref_slice %arg5[%add3A_170] : memref<60555264xf32, #tpu.memory_space<hbm>> -> memref<12288xf32, #tpu.memory_space<hbm>>
    %dma_wait3A_172 = tpu.memref_slice %arg5[%add3A_170] : memref<60555264xf32, #tpu.memory_space<hbm>> -> memref<12288xf32, #tpu.memory_space<hbm>>
    tpu.wait_dma2 semaphore(%arg19 : memref<!tpu.dma_semaphore, #tpu.memory_space<semaphore_mem>>) src(%arg9 : memref<12288xf32, #tpu.memory_space<vmem>>) dst(%dma_wait3A_172 : memref<12288xf32, #tpu.memory_space<hbm>>)
    %add3A_173 = arith.constant 1867776 : i32
    %add3A_174 = arith.addi %mul3A_4, %add3A_173 : i32
    %dma_wait3A_175 = tpu.memref_slice %arg5[%add3A_174] : memref<60555264xf32, #tpu.memory_space<hbm>> -> memref<12288xf32, #tpu.memory_space<hbm>>
    %dma_wait3A_176 = tpu.memref_slice %arg5[%add3A_174] : memref<60555264xf32, #tpu.memory_space<hbm>> -> memref<12288xf32, #tpu.memory_space<hbm>>
    tpu.wait_dma2 semaphore(%arg16 : memref<!tpu.dma_semaphore, #tpu.memory_space<semaphore_mem>>) src(%arg6 : memref<12288xf32, #tpu.memory_space<vmem>>) dst(%dma_wait3A_176 : memref<12288xf32, #tpu.memory_space<hbm>>)
    %add3A_177 = arith.constant 1880064 : i32
    %add3A_178 = arith.addi %mul3A_4, %add3A_177 : i32
    %dma_wait3A_179 = tpu.memref_slice %arg5[%add3A_178] : memref<60555264xf32, #tpu.memory_space<hbm>> -> memref<12288xf32, #tpu.memory_space<hbm>>
    %dma_wait3A_180 = tpu.memref_slice %arg5[%add3A_178] : memref<60555264xf32, #tpu.memory_space<hbm>> -> memref<12288xf32, #tpu.memory_space<hbm>>
    tpu.wait_dma2 semaphore(%arg17 : memref<!tpu.dma_semaphore, #tpu.memory_space<semaphore_mem>>) src(%arg7 : memref<12288xf32, #tpu.memory_space<vmem>>) dst(%dma_wait3A_180 : memref<12288xf32, #tpu.memory_space<hbm>>)
    return
  }
}

module attributes {stable_mosaic.version = 14 : i64} {
  func.func @_subj_body(%arg0: i32, %arg1: memref<8x768xf32, #tpu.memory_space<vmem>>, %arg2: memref<768x768xf32, #tpu.memory_space<vmem>>, %arg3: memref<1x768xf32, #tpu.memory_space<vmem>>) attributes {dimension_semantics = [#tpu.dimension_semantics<arbitrary>], iteration_bounds = array<i64: 1>, scalar_prefetch = 0 : i64, scratch_operands = 0 : i64, tpu.core_type = #tpu.core_type<tc>, window_params = [{transform_indices = @transform_0, window_bounds = array<i64: 8, 768>}, {pipeline_mode = #tpu.pipeline_mode<synchronous>, transform_indices = @transform_1, window_bounds = array<i64: 768, 768>}, {pipeline_mode = #tpu.pipeline_mode<synchronous>, transform_indices = @transform_2, window_bounds = array<i64: 1, 768>}]} {
    %get3A = arith.constant 4 : index
    %get3A_0 = arith.constant 0 : index
    %get3A_1 = vector.load %arg1[%get3A, %get3A_0] : memref<8x768xf32, #tpu.memory_space<vmem>>, vector<1x768xf32>
    %get3A_2 = arith.constant 0 : index
    %get3A_3 = arith.constant 0 : index
    %get3A_4 = vector.load %arg2[%get3A_2, %get3A_3] : memref<768x768xf32, #tpu.memory_space<vmem>>, vector<768x768xf32>
    %dot_general3A = arith.constant dense<0.000000e+00> : vector<1x768xf32>
    %dot_general3A_5 = tpu.matmul %get3A_1, %get3A_4, %dot_general3A {dimension_numbers = #tpu.dot_dimension_numbers<[1], [0], [0], [1], [0, 0, 1, 1], [], []>, transpose_lhs_hint = false} : vector<1x768xf32>, vector<768x768xf32>, vector<1x768xf32> -> vector<1x768xf32>
    %swap3A = arith.constant 0 : index
    %swap3A_6 = arith.constant 0 : index
    %swap3A_7 = vector.load %arg3[%swap3A, %swap3A_6] : memref<1x768xf32, #tpu.memory_space<vmem>>, vector<1x768xf32>
    tpu.vector_store %arg3[%swap3A, %swap3A_6], %dot_general3A_5 {strides = array<i32>} : memref<1x768xf32, #tpu.memory_space<vmem>>, vector<1x768xf32>,
    return
  }
  func.func @transform_0(%arg0: i32) -> (i32, i32) {
    %c12_i32 = arith.constant 12 : i32
    %c0_i32 = arith.constant 0 : i32
    %c0_i32_0 = arith.constant 0 : i32
    return %c12_i32, %c0_i32 : i32, i32
  }
  func.func @transform_1(%arg0: i32) -> (i32, i32) {
    %c0_i32 = arith.constant 0 : i32
    %c0_i32_0 = arith.constant 0 : i32
    %c0_i32_1 = arith.constant 0 : i32
    return %c0_i32, %c0_i32_0 : i32, i32
  }
  func.func @transform_2(%arg0: i32) -> (i32, i32) {
    %c0_i32 = arith.constant 0 : i32
    %c0_i32_0 = arith.constant 0 : i32
    %c0_i32_1 = arith.constant 0 : i32
    return %c0_i32, %c0_i32_0 : i32, i32
  }
}

</mosaic_0001>

<sc_bundles>
// kernel: kernel.4.cloned.1.call-start
scs
__scs_entry_jumppad:
0x0: {  	(pc) =	sbr.rel $0x88, $3  }
0x1: {  	(tag) =	ssettag $0x0;
	lr =	simm.s32 $0x1  }
0x2: {  	[smem:$0x3F9D] =	sst lr;
	_ =	strace $0xD0000000  }
0x3: {  	_ = 	snop  }
0x4: {  	_ = 	snop  }
0x5: {  	_ = 	snop  }
0x6: {  	_ = 	snop  }
0x7: {  	_ = 	snop  }
__scs_overlays_trampoline_lowered:
0x8: {  	[smem:$0x3FAC] =	sst s0  }
0x9: {  	[smem:$0x3FAD] =	sst s1  }
0xa: {  	[smem:$0x3FAE] =	sst s2  }
0xb: {  	[smem:$0x3FAF] =	sst s3  }
0xc: {  	[smem:$0x3FB0] =	sst s4  }
0xd: {  	[smem:$0x3FB1] =	sst s5  }
0xe: {  	[smem:$0x3FB2] =	sst s6  }
0xf: {  	[smem:$0x3FB3] =	sst s7  }
0x10: {  	[smem:$0x3FB4] =	sst s8  }
0x11: {  	[smem:$0x3FB5] =	sst s9;
	s0 =	simm.s32 @!p0 $0x0  }
0x12: {  	s1 =	sld [smem:$0x3F9B];
	s0 =	simm.s32 @p0 $0x1  }
0x13: {  	[smem:$0x3FB6] =	sst s0;
	s0 =	simm.s32 @!p1 $0x0  }
0x14: {  	s2 =	sld [smem:$0x3F9A];
	s0 =	simm.s32 @p1 $0x1  }
0x15: {  	[smem:$0x3FB7] =	sst s0;
	s0 =	simm.s32 @!p2 $0x0  }
0x16: {  	s3 =	sld [smem:$0x3FDB];
	s0 =	simm.s32 @p2 $0x1  }
0x17: {  	s4 =	simm.s32 $0x1BF5;
	[smem:$0x3FB9] =	sst s0  }
0x18: {  	s0 =	sld [smem:$0x3F9C];
	_ =	swait.ge [sflag:s4], $0x0  }
0x19: {  	s7 =	sld [smem:$0x3F9D]  }
0x1a: {  	s8 =	sadd.s32 $0xFFFFE003, lr  }
0x1b: {  	s9 =	sadd.s32 $0xFFFFFEF7, lr;
	s5 =	simm.s32 $0xFFFFFFFF;
	p2 =	slt.u32 s8, $0xFFFFF086  }
0x1c: {  	p1 =	slt.u32 s9, $0xF7A;
	s5 =	simm.s32 @!p2 $0x0  }
0x1d: {  	s5 =	simm.s32 @p1 $0x1;
	p0 =	seq.s32 s7, s2  }
0x1e: {  	s7 =	smul.u32 @!p0 $0xF7A, s2;
	p2 =	seq.s32 @!p0 s5, $0x0  }
0x1f: {  	s9 =	smul.u32 $0xF7A, s1;
	s8 =	simm.s32 @!p0 $0x1BF5;
	p2 =	por !p2, p0  }
0x20: {  	[sflag:s8] =	ssyncset.s32 @!p0 $0xFFFFF086;
	s6 =	sadd.s32 @!p0 s3, s7;
	s7 =	simm.s32 @!p0 $0x108  }
0x21: {  	s3 =	sadd.s32 s3, s9;
	s6 =	sadd.s32 @!p0 $0x88, s6;
	s7 =	simm.s32 @p2 $0x1082  }
0x22: {  	[simem:s7], [sflag:s8] =	dma.local @!p0 [hbm:s6], $0xF7A  }
0x23: {  	s9 =	sor.u32 $0xD0000000, s2;
	s6 =	simm.s32 $0x108;
	_ =	swait.ge @!p0 [sflag:s8], $0x0  }
0x24: {  	s3 =	sadd.s32 $0x88, s3;
	s6 =	simm.s32 @!p1 $0x1082;
	[sflag:s4] =	ssyncset.s32 $0xFFFFF086  }
0x25: {  	[simem:s6], [sflag:s4] =	dma.local [hbm:s3], $0xF7A  }
0x26: {  	[smem:$0x3F9D] =	sst s1;
	(tag) =	ssettag s2;
	_ =	strace s9  }
0x27: {  	s1 =	sld [smem:$0x3FAD]  }
0x28: {  	s2 =	sld [smem:$0x3FAE]  }
0x29: {  	s4 =	sld [smem:$0x3FB0]  }
0x2a: {  	p0 =	seq.s32 s5, $0x0;
	s5 =	sld [smem:$0x3FB1]  }
0x2b: {  	s6 =	sld [smem:$0x3FB2]  }
0x2c: {  	s7 =	sld [smem:$0x3FB3]  }
0x2d: {  	s3 =	simm.s32 $0x108;
	s8 =	sld [smem:$0x3FB4]  }
0x2e: {  	s3 =	simm.s32 @!p0 $0x1082;
	s9 =	sld [smem:$0x3FB5]  }
0x2f: {  	lr =	sadd.s32 s0, s3;
	s0 =	sld [smem:$0x3FAC]  }
0x30: {  	s3 =	sld [smem:$0x3FAF]  }
0x31: {  	[smem:$0x3FB8] =	sst s10  }
0x32: {  	s10 =	sld [smem:$0x3FB6];
	_ =	sdelay $0x3  }
0x33: {  	p0 =	seq.s32 s10, $0x1;
	s10 =	sld [smem:$0x3FB8];
	_ =	sdelay $0x3  }
0x34: {  	[smem:$0x3FB8] =	sst s10  }
0x35: {  	s10 =	sld [smem:$0x3FB7];
	_ =	sdelay $0x3  }
0x36: {  	p1 =	seq.s32 s10, $0x1;
	s10 =	sld [smem:$0x3FB8];
	_ =	sdelay $0x3  }
0x37: {  	[smem:$0x3FB8] =	sst s10  }
0x38: {  	s10 =	sld [smem:$0x3FB9]  }
0x39: {  	_ = 	snop;
	(pc) =	sbr.ind lr, $3  }
0x3a: {  	_ = 	snop  }
0x3b: {  	_ = 	snop  }
0x3c: {  	p2 =	seq.s32 s10, $0x1;
	s10 =	sld [smem:$0x3FB8]  }
0x3d: {  	_ =	shalt  }
0x3e: {  	_ =	shalt  }
0x3f: {  	_ =	shalt  }
0x40: {  	_ =	shalt  }
0x41: {  	_ =	shalt  }
0x42: {  	_ =	shalt  }
0x43: {  	_ =	shalt  }
0x44: {  	_ =	shalt  }
0x45: {  	_ =	shalt  }
0x46: {  	_ =	shalt  }
0x47: {  	_ =	shalt  }
0x48: {  	_ =	shalt  }
0x49: {  	_ =	shalt  }
0x4a: {  	_ =	shalt  }
0x4b: {  	_ =	shalt  }
0x4c: {  	_ =	shalt  }
0x4d: {  	_ =	shalt  }
0x4e: {  	_ =	shalt  }
0x4f: {  	_ =	shalt  }
0x50: {  	_ =	shalt  }
0x51: {  	_ =	shalt  }
0x52: {  	_ =	shalt  }
0x53: {  	_ =	shalt  }
0x54: {  	_ =	shalt  }
0x55: {  	_ =	shalt  }
0x56: {  	_ =	shalt  }
0x57: {  	_ =	shalt  }
0x58: {  	_ =	shalt  }
0x59: {  	_ =	shalt  }
0x5a: {  	_ =	shalt  }
0x5b: {  	_ =	shalt  }
0x5c: {  	_ =	shalt  }
0x5d: {  	_ =	shalt  }
0x5e: {  	_ =	shalt  }
0x5f: {  	_ =	shalt  }
0x60: {  	_ =	shalt  }
0x61: {  	_ =	shalt  }
0x62: {  	_ =	shalt  }
0x63: {  	_ =	shalt  }
0x64: {  	_ =	shalt  }
0x65: {  	_ =	shalt  }
0x66: {  	_ =	shalt  }
0x67: {  	_ =	shalt  }
0x68: {  	_ =	shalt  }
0x69: {  	_ =	shalt  }
0x6a: {  	_ =	shalt  }
0x6b: {  	_ =	shalt  }
0x6c: {  	_ =	shalt  }
0x6d: {  	_ =	shalt  }
0x6e: {  	_ =	shalt  }
0x6f: {  	_ =	shalt  }
0x70: {  	_ =	shalt  }
0x71: {  	_ =	shalt  }
0x72: {  	_ =	shalt  }
0x73: {  	_ =	shalt  }
0x74: {  	_ =	shalt  }
0x75: {  	_ =	shalt  }
0x76: {  	_ =	shalt  }
0x77: {  	_ =	shalt  }
0x78: {  	_ =	shalt  }
0x79: {  	_ =	shalt  }
0x7a: {  	_ =	shalt  }
0x7b: {  	_ =	shalt  }
0x7c: {  	_ =	shalt  }
0x7d: {  	_ =	shalt  }
0x7e: {  	_ =	shalt  }
0x7f: {  	_ =	shalt  }
0x80: {  	_ =	shalt  }
0x81: {  	_ =	shalt  }
0x82: {  	_ =	shalt  }
0x83: {  	_ =	shalt  }
0x84: {  	_ =	shalt  }
0x85: {  	_ =	shalt  }
0x86: {  	_ =	shalt  }
0x87: {  	_ =	shalt  }
.Lfunc_end0:
.L_simem_size_0:
called_computation.1_lowered:
.L_overlay_start_0:
0x88: {  	s2 =	sld [smem:$0x3FD9]  }
0x89: {  	s3 =	sld [smem:$0x3FFE];
	_ =	sdelay $0x1  }
0x8a: {  	s1 =	srdreg.scid  }
0x8b: {  	s0 =	sand.u32 $0x1, s1  }
0x8c: {  	s17 =	sshll.u32 s0, $0xA;
	s2 =	sadd.s32 s3, s2  }
0x8d: {  	s2 =	sadd.s32 s2, s17  }
0x8e: {  	[smem:$0x3FC4] =	sst s2  }
0x8f: {  	_ = 	snop  }
0x90: {  	s2 =	sld [smem:$0x3FD0];
	(tm) =	ssettm $0x1  }
0x91: {  	s18 =	sld [smem:$0x3FFB];
	_ =	sdelay $0x3  }
0x92: {  	_ =	strace s18  }
0x93: {  	s3 =	sld [smem:$0x3FFC];
	_ =	sdelay $0x3  }
0x94: {  	_ =	strace s3  }
0x95: {  	s3 =	sld [smem:$0x3FFD];
	_ =	sdelay $0x3  }
0x96: {  	_ =	strace s3  }
0x97: {  	_ =	strace $0x8FFFFFFF  }
0x98: {  	s19 =	sld [smem:$0x3FDB];
	_ =	sdelay $0x1  }
0x99: {  	s4 =	simm.s32 $_scs_section_size  }
0x9a: {  	s5 =	simm.s32 $_size__tile_overlayer_lowered;
	s6 =	simm.s32 $_tile_overlayer_lowered  }
0x9b: {  	s22 =	simm.s32 $0x1BFF;
	s21 =	sshll.u32 s6, $0x1;
	s3 =	sadd.s32 s4, s19  }
0x9c: {  	s7 =	simm.s32 $0x0;
	s20 =	sshll.u32 s5, $0x1;
	s5 =	sadd.s32 s21, s3  }
0x9d: {  	[timem:s7], [sflag:s22] =	dma.local [hbm:s5], s20  }
0x9e: {  	_ =	swait.ge [sflag:s22], s20  }
0x9f: {  	s4 =	ssub.s32 $0x0, s20;
	[sflag:s22] =	ssyncset.done $0x0  }
0xa0: {  	[sflag:s22] =	ssyncadd.s32 s4;
	_ =	sdelay $0x1  }
0xa1: {  	s23 =	simm.s32 $0x1B8B  }
0xa2: {  	_ =	swait.ge [sflag:s23], $0x1  }
0xa3: {  	[sflag:s23] =	ssyncset.done $0x0  }
0xa4: {  	s25 =	simm.s32 $0x1B8E;
	s24 =	sld [smem:$0x3FFE];
	[sflag:s23] =	ssyncadd.s32 $0xFFFFFFFF  }
0xa5: {  	s26 =	simm.s32 $execute0_lowered;
	[smem:$0x3FD2] =	sst s25  }
0xa6: {  	s5 =	sshll.u32 s26, $0x1;
	_ =	strace $0x80000046;
	[dreg:$0x1] =	wrdreg $0xFFFFFFFF  }
0xa7: {  	s28 =	simm.s32 $_size_execute0_lowered;
	s3 =	sadd.s32 s3, s5;
	[dreg:$0x0] =	wrdreg $0x0  }
0xa8: {  	s5 =	sshll.u32 s28, $0x1;
	[dreg:$0x2] =	wrdreg s3  }
0xa9: {  	[dreg:$0x3] =	wrdreg s5  }
0xaa: {  	[dreg:$0x4] =	wrdreg $0xC0  }
0xab: {  	_ =	task [dreg:s7], $0x5FFFF  }
0xac: {  	[dreg:$0x1] =	wrdreg $0xFFFFFFFF  }
0xad: {  	[dreg:$0x0] =	wrdreg $0x60  }
0xae: {  	[dreg:$0x2] =	wrdreg s2  }
0xaf: {  	[dreg:$0x3] =	wrdreg s24  }
0xb0: {  	[dreg:$0x4] =	wrdreg $0x9  }
0xb1: {  	_ =	task.clear_ibuf [dreg:s7], $0x5FFFF;
	_ =	strace $0x90000046  }
0xb2: {  	s29 =	simm.s32 $0x9;
	_ =	strace $0x80000048  }
0xb3: {  	_ =	swait.ge [sflag:s29], $0x1  }
0xb4: {  	[sflag:s29] =	ssyncadd.s32 $0xFFFFFFFF  }
0xb5: {  	_ =	strace $0x90000048  }
0xb6: {  	_ =	sfence  }
0xb7: {  	s30 =	sld [smem:$0x0];
	_ =	sdelay $0x2  }
0xb8: {  	s31 =	sshll.u32 s1, $0xD;
	s1 =	sshrl.u32 s1, $0x2  }
0xb9: {  	s3 =	sand.u32 $0x4000, s31;
	s1 =	sadd.s32 s1, s30  }
0xba: {  	s0 =	sor.u32 s3, s0;
	s1 =	sshll.u32 s1, $0x11  }
0xbb: {  	s0 =	sor.u32 s1, s0  }
0xbc: {  	s0 =	sadd.s32 $0x8F2B, s0  }
0xbd: {  	[sflag:s0] =	ssyncadd.remote.s32 $0x1  }
0xbe: {  	_ =	sfence.sel $0xFFFF  }
0xbf: {  	[dreg:$0x0] =	wrdreg $0xFFFFFFFF;
	(pc) =	sbr.abs _section_cstart, $3  }
0xc0: {  	[dreg:$0x1] =	wrdreg $0xFFFFFFFF  }
0xc1: {  	_ =	task.clear_ibuf [dreg:s7], $0x2FFFF;
	_ =	strace $0x9FFFFFFF  }
0xc2: {  	(tm) =	ssettm $0x7FFFFFFF  }
0xc3: {  	_ =	shalt  }
tec
execute0_lowered:
.L_overlay_start_1:
0x0: {  	(tag) =	ssettag $0x1  }
0x1: {  	s0 =	srdreg.scid  }
0x2: {  	s2 =	rddreg [dreg:$0x0];
	s3 =	stileid.u32  }
0x3: {  	s5 =	rddreg [dreg:$0x1];
	s14 =	simm.s32 $0x9;
	s16 =	simm.s32 $0x3000  }
0x4: {  	s17 =	simm.s32 $0x6000;
	s18 =	simm.s32 $0x1;
	s19 =	simm.s32 $0x2  }
0x5: {  	s20 =	simm.s32 $0x7;
	s21 =	simm.s32 $0x8;
	s22 =	simm.s32 $0x5  }
0x6: {  	s23 =	simm.s32 $0x6;
	s24 =	simm.s32 $0x3;
	s0 =	sand.u32 $0x1, s0  }
0x7: {  	s25 =	simm.s32 $0x4;
	s28 =	simm.s32 $0x0;
	s1 =	sshll.u32 s0, $0x4  }
0x8: {  	s29 =	sadd.s32 $0x800, s5;
	s0 =	ssub.s32 $0x2, s0;
	s1 =	sor.u32 s3, s1  }
0x9: {  	s3 =	simm.s32 $0x0;
	s30 =	sshrl.u32 s0, $0x1;
	s6 =	smul.u32 $0x1340, s1  }
0xa: {  	[smem:$0x7FF] =	sst s3;
	s4 =	smul.u32 $0x1CE000, s1;
	s0 =	ssub.s32 s0, s30  }
.Ltmp0:
0xb: {  	_ =	strace $0x80000047;
	[dreg:$0x3] =	wrdreg s29;
	(pc) =	sbr.rel .LBB2_1-.Ltmp0, $4  }
0xc: {  	s12 =	smax.u32 s0, $0x1;
	s26 =	sadd.s32 s6, s5;
	s7 =	sshrl.u32 s4, $0x3  }
0xd: {  	s6 =	sadd.s32 $0x15B000, s5;
	s7 =	sadd.s32 s2, s7;
	s1 =	sadd.s32 $0x134800, s26  }
0xe: {  	s11 =	sadd.s32 $0x9000, s4;
	[dreg:$0x4] =	wrdreg s1;
	s31 =	sadd.s32 $0x600, s7  }
0xf: {  	s26 =	simm.s32 $0x9000;
	s10 =	sadd.s32 $0xC00, s7;
	[dreg:$0x5] =	wrdreg s31  }
.LBB2_18:
0x10: {  	_ =	swait.ge [sflag:s20], $0x3000  }
0x11: {  	[sflag:s20] =	ssyncset.done $0x0  }
0x12: {  	[sflag:s20] =	ssyncadd.s32 $0xFFFFD000  }
0x13: {  	_ =	swait.ge [sflag:s21], $0x3000  }
0x14: {  	[sflag:s21] =	ssyncset.done $0x0  }
0x15: {  	s28 =	sadd.s32 $0x1, s28;
	[sflag:s21] =	ssyncadd.s32 $0xFFFFD000  }
0x16: {  	p0 =	sne.s32 s28, s12;
	_ =	swait.ge [sflag:s22], $0x3000  }
.Ltmp1:
0x17: {  	[sflag:s22] =	ssyncset.done $0x0;
	(pc) =	sbr.rel @!p0 .LBB2_19-.Ltmp1, $4  }
0x18: {  	[sflag:s22] =	ssyncadd.s32 $0xFFFFD000  }
0x19: {  	_ =	swait.ge [sflag:s23], $0x3000  }
0x1a: {  	[sflag:s23] =	ssyncset.done $0x0  }
0x1b: {  	[sflag:s23] =	ssyncadd.s32 $0xFFFFD000  }
.LBB2_1:
0x1c: {  	s0 =	rddreg [dreg:$0x4];
	s1 =	simm.s32 $0xC000  }
0x1d: {  	[tilespmem:s1], [sflag:$0x9] =	stream.linear.gather [hbm4b:s0+s3], $0x9A00, $0x38;
	[tilespmem:$0x15D00] =	vst v63  }
0x1e: {  	_ =	swait.ge [sflag:s14], $0x9A00  }
0x1f: {  	[sflag:s14] =	ssyncset.done $0x0  }
0x20: {  	s30 =	simm.s32 $0x15A00;
	s15 =	rddreg [dreg:$0x3];
	[sflag:s14] =	ssyncadd.s32 $0xFFFF6600  }
0x21: {  	[tilespmem:s30], [sflag:$0x9] =	stream.linear.gather [hbm4b:s15+s3], $0x300, $0x38;
	[tilespmem:$0x15D00] =	vst v63  }
0x22: {  	_ =	swait.ge [sflag:s14], $0x300  }
0x23: {  	[sflag:s14] =	ssyncset.done $0x0  }
0x24: {  	[sflag:s14] =	ssyncadd.s32 $0xFFFFFD00  }
0x25: {  	v0 =	vld [tilespmem:$0x15A00]  }
0x26: {  	v1 =	vld [tilespmem:$0x15A10]  }
0x27: {  	v2 =	vld [tilespmem:$0x15A20]  }
0x28: {  	v3 =	vld [tilespmem:$0x15A30]  }
0x29: {  	v4 =	vld [tilespmem:$0x15A40]  }
0x2a: {  	v5 =	vld [tilespmem:$0x15A50]  }
0x2b: {  	v6 =	vld [tilespmem:$0x15A60]  }
0x2c: {  	v7 =	vld [tilespmem:$0x15A70]  }
0x2d: {  	v8 =	vld [tilespmem:$0x15A80]  }
0x2e: {  	v9 =	vld [tilespmem:$0x15A90]  }
0x2f: {  	v10 =	vld [tilespmem:$0x15AA0]  }
0x30: {  	v11 =	vld [tilespmem:$0x15AB0]  }
0x31: {  	v12 =	vld [tilespmem:$0x15AC0]  }
0x32: {  	v13 =	vld [tilespmem:$0x15AD0]  }
0x33: {  	v14 =	vld [tilespmem:$0x15AE0]  }
0x34: {  	v15 =	vld [tilespmem:$0x15AF0]  }
0x35: {  	v16 =	vld [tilespmem:$0x15B00]  }
0x36: {  	v17 =	vld [tilespmem:$0x15B10]  }
0x37: {  	v18 =	vld [tilespmem:$0x15B20]  }
0x38: {  	v19 =	vld [tilespmem:$0x15B30]  }
0x39: {  	v20 =	vld [tilespmem:$0x15B40]  }
0x3a: {  	v21 =	vld [tilespmem:$0x15B50]  }
0x3b: {  	v22 =	vld [tilespmem:$0x15B60]  }
0x3c: {  	v23 =	vld [tilespmem:$0x15B70]  }
0x3d: {  	v24 =	vld [tilespmem:$0x15B80]  }
0x3e: {  	v25 =	vld [tilespmem:$0x15B90]  }
0x3f: {  	v26 =	vld [tilespmem:$0x15BA0]  }
0x40: {  	v27 =	vld [tilespmem:$0x15BB0]  }
0x41: {  	v28 =	vld [tilespmem:$0x15BC0]  }
0x42: {  	v29 =	vld [tilespmem:$0x15BD0]  }
0x43: {  	v30 =	vld [tilespmem:$0x15BE0]  }
0x44: {  	v31 =	vld [tilespmem:$0x15BF0]  }
0x45: {  	v32 =	vld [tilespmem:$0x15C00]  }
0x46: {  	v33 =	vld [tilespmem:$0x15C10]  }
0x47: {  	v34 =	vld [tilespmem:$0x15C20]  }
0x48: {  	v35 =	vld [tilespmem:$0x15C30]  }
0x49: {  	v36 =	vld [tilespmem:$0x15C40]  }
0x4a: {  	v37 =	vld [tilespmem:$0x15C50]  }
0x4b: {  	v38 =	vld [tilespmem:$0x15C60]  }
0x4c: {  	v39 =	vld [tilespmem:$0x15C70]  }
0x4d: {  	v40 =	vld [tilespmem:$0x15C80]  }
0x4e: {  	v41 =	vld [tilespmem:$0x15C90]  }
0x4f: {  	v42 =	vld [tilespmem:$0x15CA0]  }
0x50: {  	v43 =	vld [tilespmem:$0x15CB0]  }
0x51: {  	v44 =	vld [tilespmem:$0x15CC0]  }
0x52: {  	v45 =	vld [tilespmem:$0x15CD0]  }
0x53: {  	v46 =	vld [tilespmem:$0x15CE0]  }
0x54: {  	v47 =	vld [tilespmem:$0x15CF0];
	[tilespmem:s3], [sflag:$0x1] =	stream.linear.gather [hbm4b:s7+s3], $0x3000, $0x38  }
.Ltmp2:
0x55: {  	_ = 	snop;
	(pc) =	sbr.rel .LBB2_2-.Ltmp2, $4  }
0x56: {  	s31 =	rddreg [dreg:$0x5]  }
0x57: {  	[tilespmem:s16], [sflag:$0x2] =	stream.linear.gather [hbm4b:s31+s3], $0x3000, $0x38;
	[tilespmem:$0x15D00] =	vst v63  }
0x58: {  	s29 =	simm.s32 $0x0  }
0x59: {  	[tilespmem:s17], [sflag:$0x3] =	stream.linear.gather [hbm4b:s10+s3], $0x3000, $0x38;
	[tilespmem:$0x15D00] =	vst v63  }
.LBB2_16:
0x5a: {  	s0 =	sshrl.u32 s30, $0x3  }
0x5b: {  	s0 =	sadd.s32 s6, s0  }
0x5c: {  	[hbm4b:s0+s3] =	stream.linear.scatter [tilespmem:s26], [sflag:$0x8], $0x3000, $0x38;
	[tilespmem:$0x15D00] =	vst v63  }
.LBB2_17:
0x5d: {  	s29 =	sadd.s32 $0x1, s29  }
0x5e: {  	p0 =	sne.s32 s29, $0x9A  }
.Ltmp3:
0x5f: {  	_ = 	snop;
	(pc) =	sbr.rel @!p0 .LBB2_18-.Ltmp3, $1  }
0x60: {  	_ =	sdelay $0x3  }
.LBB2_2:
0x61: {  	s1 =	sand.u32 $0x3, s29  }
0x62: {  	p0 =	sgt.s32 s1, $0x1  }
.Ltmp4:
0x63: {  	_ = 	snop;
	(pc) =	sbr.rel @p0 .LBB2_13-.Ltmp4, $3  }
0x64: {  	_ = 	snop  }
0x65: {  	s0 =	smul.u32 $0x3000, s29;
	_ =	sdelay $0x1  }
0x66: {  	s30 =	sadd.s32 s4, s0  }
0x67: {  	p0 =	seq.s32 s1, $0x0  }
.Ltmp5:
0x68: {  	_ = 	snop;
	(pc) =	sbr.rel @!p0 .LBB2_7-.Ltmp5, $1  }
0x69: {  	_ =	sdelay $0x3  }
0x6a: {  	p0 =	sgt.u32 s29, $0x96  }
0x6b: {  	_ =	swait.ge [sflag:s18], $0x3000;
	p1 =	seq.s32 @!p0 s29, $0x0  }
0x6c: {  	[sflag:s18] =	ssyncset.done $0x0;
	p1 =	por p1, p0  }
0x6d: {  	[sflag:s18] =	ssyncadd.s32 $0xFFFFD000;
	s1 =	simm.s32 @!p1 $0x8  }
0x6e: {  	s0 =	sadd.s32 @!p0 s0, s11;
	_ =	swait.ge @!p1 [sflag:s1], $0x3000  }
0x6f: {  	s5 =	simm.s32 @!p0 $0x9000;
	s0 =	sshrl.u32 @!p0 s0, $0x3;
	[sflag:s1] =	ssyncset.done @!p1 $0x0  }
0x70: {  	s0 =	sadd.s32 @!p0 s2, s0;
	[sflag:s1] =	ssyncadd.s32 @!p1 $0xFFFFD000;
	s1 =	simm.s32 @!p0 $0x0  }
0x71: {  	[tilespmem:s5], [sflag:$0x4] =	stream.linear.gather @!p0 [hbm4b:s0+s1], $0x3000, $0x38;
	[tilespmem:$0x15D00] =	vst v63  }
0x72: {  	s31 =	sshll.u32 s29, $0x4;
	s1 =	simm.s32 $0x0  }
.LBB2_5:
0x73: {  	s0 =	sadd.s32 s31, s1;
	s15 =	sor.u32 $0x1, s1;
	s13 =	sor.u32 $0x2, s1  }
0x74: {  	s0 =	sshll.u32 s0, $0x4;
	s8 =	sadd.s32 s31, s15;
	s9 =	sadd.s32 s31, s13  }
0x75: {  	s5 =	sand.u32 $0x3FFFFFF0, s0;
	s8 =	sshll.u32 s8, $0x4;
	s0 =	sor.u32 $0x3, s1  }
0x76: {  	v51 =	vld [tilespmem:s5+$0xC000];
	s5 =	sand.u32 $0x3FFFFFF0, s8;
	s8 =	sshll.u32 s9, $0x4;
	s9 =	sadd.s32 s31, s0  }
0x77: {  	v50 =	vld [tilespmem:s5+$0xC000];
	s5 =	smul.u32 $0xC00, s1;
	s8 =	sand.u32 $0x3FFFFFF0, s8;
	s9 =	sshll.u32 s9, $0x4  }
0x78: {  	v49 =	vld [tilespmem:s8+$0xC000];
	s9 =	sand.u32 $0x3FFFFFF0, s9  }
0x79: {  	v48 =	vld [tilespmem:s9+$0xC000];
	s5 =	sshra.s32 s5, $0x2  }
0x7a: {  	v52 =	vld [tilespmem:s5+$0x0]  }
0x7b: {  	v53 =	vld [tilespmem:s5+$0x10]  }
0x7c: {  	v54 =	vld [tilespmem:s5+$0x20]  }
0x7d: {  	v55 =	vld [tilespmem:s5+$0x30]  }
0x7e: {  	v63 =	vld [tilespmem:s5+$0x40]  }
0x7f: {  	s9 =	smul.u32 $0xC00, s15;
	v56 =	vld [tilespmem:s5+$0x50]  }
0x80: {  	s13 =	smul.u32 $0xC00, s13;
	v60 =	vld [tilespmem:s5+$0x80]  }
0x81: {  	v61 =	vld [tilespmem:s5+$0x90];
	s15 =	sshra.s32 s9, $0x2  }
0x82: {  	s13 =	sshra.s32 s13, $0x2;
	vm0 =	veq.s32 v51, $0x64;
	vm13 =	veq.s32 v50, $0x64;
	v50 =	vld [tilespmem:s15+$0x40]  }
0x83: {  	vm14 =	veq.s32 v49, $0x64;
	v49 =	vld [tilespmem:s13+$0x40];
	v52 =	vsel vm0, v0, v52  }
0x84: {  	v57 =	vsel vm0, v1, v53;
	v53 =	vld [tilespmem:s5+$0x60];
	[tilespmem:s5+$0x0] =	vst v52  }
0x85: {  	v58 =	vsel vm0, v2, v54;
	v54 =	vld [tilespmem:s5+$0x70];
	[tilespmem:s5+$0x10] =	vst v57  }
0x86: {  	v59 =	vsel vm0, v3, v55;
	v51 =	vsel vm0, v4, v63;
	v63 =	vld [tilespmem:s5+$0xA0];
	[tilespmem:s5+$0x20] =	vst v58  }
0x87: {  	v55 =	vld [tilespmem:s5+$0xD0];
	[tilespmem:s5+$0x30] =	vst v59  }
0x88: {  	v62 =	vsel vm0, v5, v56;
	[tilespmem:s5+$0x40] =	vst v51;
	v59 =	vsel vm0, v8, v60;
	v60 =	vsel vm0, v9, v61;
	v61 =	vld [tilespmem:s5+$0xE0]  }
0x89: {  	[tilespmem:s5+$0x50] =	vst v62;
	v52 =	vld [tilespmem:s15+$0xB0]  }
0x8a: {  	v51 =	vld [tilespmem:s15+$0x180];
	[tilespmem:s5+$0x80] =	vst v59;
	v50 =	vsel vm13, v4, v50  }
0x8b: {  	[tilespmem:s15+$0x40] =	vst v50;
	v50 =	vld [tilespmem:s13+$0x90]  }
0x8c: {  	[tilespmem:s5+$0x90] =	vst v60;
	v49 =	vsel vm14, v4, v49;
	v57 =	vsel vm0, v6, v53;
	v53 =	vld [tilespmem:s5+$0xB0]  }
0x8d: {  	[tilespmem:s13+$0x40] =	vst v49;
	v58 =	vsel vm0, v7, v54;
	v54 =	vld [tilespmem:s5+$0xC0]  }
0x8e: {  	v62 =	vsel vm0, v10, v63;
	v63 =	vld [tilespmem:s5+$0xF0];
	[tilespmem:s5+$0x60] =	vst v57  }
0x8f: {  	v59 =	vsel vm0, v13, v55;
	v55 =	vld [tilespmem:s5+$0x120];
	[tilespmem:s5+$0x70] =	vst v58  }
0x90: {  	[tilespmem:s5+$0xA0] =	vst v62;
	v60 =	vsel vm0, v14, v61;
	v61 =	vld [tilespmem:s5+$0x130]  }
0x91: {  	[tilespmem:s5+$0xD0] =	vst v59;
	v56 =	vsel vm13, v11, v52;
	v52 =	vld [tilespmem:s15+$0x100]  }
0x92: {  	[tilespmem:s5+$0xE0] =	vst v60;
	v57 =	vsel vm0, v11, v53;
	v53 =	vld [tilespmem:s5+$0x100]  }
0x93: {  	[tilespmem:s15+$0xB0] =	vst v56;
	v58 =	vsel vm0, v12, v54;
	v54 =	vld [tilespmem:s5+$0x110]  }
0x94: {  	v62 =	vsel vm0, v15, v63;
	v63 =	vld [tilespmem:s5+$0x140];
	[tilespmem:s5+$0xB0] =	vst v57  }
0x95: {  	v59 =	vsel vm0, v18, v55;
	v55 =	vld [tilespmem:s5+$0x170];
	[tilespmem:s5+$0xC0] =	vst v58  }
0x96: {  	[tilespmem:s5+$0xF0] =	vst v62;
	v60 =	vsel vm0, v19, v61;
	v61 =	vld [tilespmem:s5+$0x180]  }
0x97: {  	[tilespmem:s5+$0x120] =	vst v59;
	v57 =	vsel vm0, v16, v53;
	v53 =	vld [tilespmem:s5+$0x150]  }
0x98: {  	v56 =	vsel vm13, v16, v52;
	[tilespmem:s5+$0x130] =	vst v60;
	v58 =	vsel vm0, v17, v54;
	v54 =	vld [tilespmem:s5+$0x160]  }
0x99: {  	[tilespmem:s15+$0x100] =	vst v56;
	v62 =	vsel vm0, v20, v63;
	v63 =	vld [tilespmem:s5+$0x190]  }
0x9a: {  	v59 =	vsel vm0, v23, v55;
	v55 =	vld [tilespmem:s5+$0x1C0];
	[tilespmem:s5+$0x100] =	vst v57  }
0x9b: {  	[tilespmem:s5+$0x110] =	vst v58;
	v60 =	vsel vm0, v24, v61;
	v61 =	vld [tilespmem:s5+$0x1D0]  }
0x9c: {  	[tilespmem:s5+$0x140] =	vst v62;
	v57 =	vsel vm0, v21, v53;
	v53 =	vld [tilespmem:s5+$0x1A0]  }
0x9d: {  	[tilespmem:s5+$0x170] =	vst v59;
	v58 =	vsel vm0, v22, v54;
	v54 =	vld [tilespmem:s5+$0x1B0]  }
0x9e: {  	[tilespmem:s5+$0x180] =	vst v60;
	v62 =	vsel vm0, v25, v63;
	v63 =	vld [tilespmem:s5+$0x1E0]  }
0x9f: {  	v59 =	vsel vm0, v28, v55;
	v55 =	vld [tilespmem:s5+$0x210];
	[tilespmem:s5+$0x150] =	vst v57  }
0xa0: {  	[tilespmem:s5+$0x160] =	vst v58;
	v60 =	vsel vm0, v29, v61;
	v61 =	vld [tilespmem:s5+$0x220]  }
0xa1: {  	[tilespmem:s5+$0x190] =	vst v62;
	v57 =	vsel vm0, v26, v53;
	v53 =	vld [tilespmem:s5+$0x1F0]  }
0xa2: {  	[tilespmem:s5+$0x1C0] =	vst v59;
	v58 =	vsel vm0, v27, v54;
	v54 =	vld [tilespmem:s5+$0x200]  }
0xa3: {  	[tilespmem:s5+$0x1D0] =	vst v60;
	v62 =	vsel vm0, v30, v63;
	v63 =	vld [tilespmem:s5+$0x230]  }
0xa4: {  	v59 =	vsel vm0, v33, v55;
	v55 =	vld [tilespmem:s5+$0x260];
	[tilespmem:s5+$0x1A0] =	vst v57  }
0xa5: {  	[tilespmem:s5+$0x1B0] =	vst v58;
	v60 =	vsel vm0, v34, v61;
	v61 =	vld [tilespmem:s5+$0x270]  }
0xa6: {  	[tilespmem:s5+$0x1E0] =	vst v62;
	v57 =	vsel vm0, v31, v53;
	v53 =	vld [tilespmem:s5+$0x240]  }
0xa7: {  	[tilespmem:s5+$0x210] =	vst v59;
	v58 =	vsel vm0, v32, v54;
	v54 =	vld [tilespmem:s5+$0x250]  }
0xa8: {  	[tilespmem:s5+$0x220] =	vst v60;
	v62 =	vsel vm0, v35, v63;
	v63 =	vld [tilespmem:s5+$0x280]  }
0xa9: {  	v59 =	vsel vm0, v38, v55;
	v55 =	vld [tilespmem:s5+$0x2B0];
	[tilespmem:s5+$0x1F0] =	vst v57  }
0xaa: {  	[tilespmem:s5+$0x200] =	vst v58;
	v60 =	vsel vm0, v39, v61;
	v61 =	vld [tilespmem:s5+$0x2C0]  }
0xab: {  	[tilespmem:s5+$0x230] =	vst v62;
	v57 =	vsel vm0, v36, v53;
	v53 =	vld [tilespmem:s5+$0x290]  }
0xac: {  	[tilespmem:s5+$0x260] =	vst v59;
	v58 =	vsel vm0, v37, v54;
	v54 =	vld [tilespmem:s5+$0x2A0]  }
0xad: {  	[tilespmem:s5+$0x270] =	vst v60;
	v62 =	vsel vm0, v40, v63;
	v63 =	vld [tilespmem:s5+$0x2D0]  }
0xae: {  	v59 =	vsel vm0, v43, v55;
	v55 =	vld [tilespmem:s15+$0x0];
	[tilespmem:s5+$0x240] =	vst v57  }
0xaf: {  	[tilespmem:s5+$0x250] =	vst v58;
	v60 =	vsel vm0, v44, v61;
	v61 =	vld [tilespmem:s15+$0x10]  }
0xb0: {  	[tilespmem:s5+$0x280] =	vst v62;
	v57 =	vsel vm0, v41, v53;
	v53 =	vld [tilespmem:s5+$0x2E0]  }
0xb1: {  	[tilespmem:s5+$0x2B0] =	vst v59;
	v58 =	vsel vm0, v42, v54;
	v54 =	vld [tilespmem:s5+$0x2F0]  }
0xb2: {  	[tilespmem:s5+$0x2C0] =	vst v60;
	v62 =	vsel vm0, v45, v63;
	v63 =	vld [tilespmem:s15+$0x20]  }
0xb3: {  	v60 =	vsel vm13, v0, v55;
	v55 =	vld [tilespmem:s15+$0x2F0];
	[tilespmem:s5+$0x290] =	vst v57  }
0xb4: {  	[tilespmem:s5+$0x2A0] =	vst v58;
	v58 =	vld [tilespmem:s15+$0x30]  }
0xb5: {  	[tilespmem:s5+$0x2D0] =	vst v62;
	v62 =	vld [tilespmem:s15+$0x60]  }
0xb6: {  	[tilespmem:s15+$0x0] =	vst v60;
	v57 =	vsel vm0, v46, v53;
	v59 =	vsel vm0, v47, v54;
	v54 =	vld [tilespmem:s15+$0x50]  }
0xb7: {  	[tilespmem:s5+$0x2E0] =	vst v57;
	v57 =	vld [tilespmem:s15+$0x70]  }
0xb8: {  	v61 =	vsel vm13, v1, v61;
	[tilespmem:s5+$0x2F0] =	vst v59;
	v59 =	vld [tilespmem:s15+$0x80]  }
0xb9: {  	v60 =	vld [tilespmem:s15+$0x90];
	[tilespmem:s15+$0x10] =	vst v61;
	v55 =	vsel vm13, v47, v55  }
0xba: {  	v63 =	vsel vm13, v2, v63;
	[tilespmem:s15+$0x2F0] =	vst v55;
	v55 =	vsel vm14, v9, v50;
	v50 =	vld [tilespmem:s13+$0xE0]  }
0xbb: {  	[tilespmem:s15+$0x20] =	vst v63;
	v58 =	vsel vm13, v3, v58;
	v61 =	vsel vm13, v5, v54;
	v54 =	vld [tilespmem:s15+$0xA0]  }
0xbc: {  	v62 =	vsel vm13, v6, v62;
	[tilespmem:s15+$0x30] =	vst v58;
	v63 =	vsel vm13, v7, v57;
	v57 =	vld [tilespmem:s15+$0xC0]  }
0xbd: {  	[tilespmem:s15+$0x60] =	vst v62;
	v58 =	vsel vm13, v8, v59;
	v59 =	vld [tilespmem:s15+$0xD0]  }
0xbe: {  	[tilespmem:s15+$0x50] =	vst v61;
	v61 =	vld [tilespmem:s15+$0xE0]  }
0xbf: {  	v60 =	vsel vm13, v9, v60;
	[tilespmem:s15+$0x70] =	vst v63;
	v63 =	vld [tilespmem:s15+$0xF0]  }
0xc0: {  	v53 =	vld [tilespmem:s15+$0x120];
	[tilespmem:s15+$0x90] =	vst v60  }
0xc1: {  	[tilespmem:s13+$0x90] =	vst v55;
	v55 =	vsel vm14, v14, v50;
	v50 =	vld [tilespmem:s13+$0x130]  }
0xc2: {  	[tilespmem:s15+$0x80] =	vst v58;
	v58 =	vld [tilespmem:s15+$0x110];
	v62 =	vsel vm13, v10, v54  }
0xc3: {  	[tilespmem:s15+$0xA0] =	vst v62;
	v57 =	vsel vm13, v12, v57;
	v60 =	vsel vm13, v14, v61;
	v61 =	vld [tilespmem:s15+$0x130]  }
0xc4: {  	v59 =	vsel vm13, v13, v59;
	[tilespmem:s15+$0xC0] =	vst v57;
	v62 =	vsel vm13, v15, v63;
	v63 =	vld [tilespmem:s15+$0x140]  }
0xc5: {  	[tilespmem:s15+$0xD0] =	vst v59;
	v57 =	vld [tilespmem:s15+$0x150]  }
0xc6: {  	[tilespmem:s15+$0xE0] =	vst v60;
	v60 =	vsel vm13, v18, v53;
	v53 =	vld [tilespmem:s15+$0x170]  }
0xc7: {  	v58 =	vsel vm13, v17, v58;
	v59 =	vld [tilespmem:s15+$0x160];
	[tilespmem:s15+$0xF0] =	vst v62  }
0xc8: {  	[tilespmem:s15+$0x110] =	vst v58;
	v58 =	vld [tilespmem:s15+$0x1A0]  }
0xc9: {  	[tilespmem:s15+$0x120] =	vst v60;
	v60 =	vld [tilespmem:s15+$0x1B0];
	v61 =	vsel vm13, v19, v61  }
0xca: {  	[tilespmem:s15+$0x130] =	vst v61;
	v62 =	vsel vm13, v20, v63;
	v63 =	vld [tilespmem:s15+$0x190]  }
0xcb: {  	v57 =	vsel vm13, v21, v57;
	v61 =	vsel vm13, v23, v53;
	v53 =	vld [tilespmem:s15+$0x1C0];
	[tilespmem:s15+$0x140] =	vst v62  }
0xcc: {  	v59 =	vsel vm13, v22, v59;
	[tilespmem:s15+$0x150] =	vst v57;
	v62 =	vsel vm13, v24, v51;
	v51 =	vld [tilespmem:s15+$0x1D0]  }
0xcd: {  	[tilespmem:s15+$0x160] =	vst v59;
	v57 =	vld [tilespmem:s15+$0x1E0]  }
0xce: {  	[tilespmem:s15+$0x170] =	vst v61;
	v59 =	vld [tilespmem:s15+$0x1F0]  }
0xcf: {  	v58 =	vsel vm13, v26, v58;
	v61 =	vld [tilespmem:s15+$0x200];
	[tilespmem:s15+$0x180] =	vst v62  }
0xd0: {  	v60 =	vsel vm13, v27, v60;
	[tilespmem:s15+$0x1A0] =	vst v58;
	v58 =	vld [tilespmem:s15+$0x230]  }
0xd1: {  	[tilespmem:s15+$0x1B0] =	vst v60;
	v60 =	vld [tilespmem:s15+$0x240];
	v63 =	vsel vm13, v25, v63  }
0xd2: {  	v62 =	vsel vm13, v28, v53;
	v53 =	vld [tilespmem:s15+$0x260];
	[tilespmem:s15+$0x190] =	vst v63  }
0xd3: {  	v63 =	vld [tilespmem:s15+$0x210];
	[tilespmem:s15+$0x1C0] =	vst v62;
	v56 =	vsel vm13, v29, v51  }
0xd4: {  	v51 =	vld [tilespmem:s15+$0x220];
	v57 =	vsel vm13, v30, v57;
	[tilespmem:s15+$0x1D0] =	vst v56  }
0xd5: {  	v59 =	vsel vm13, v31, v59;
	v62 =	vld [tilespmem:s15+$0x250];
	[tilespmem:s15+$0x1E0] =	vst v57  }
0xd6: {  	v61 =	vsel vm13, v32, v61;
	[tilespmem:s15+$0x1F0] =	vst v59;
	v57 =	vld [tilespmem:s15+$0x270]  }
0xd7: {  	[tilespmem:s15+$0x200] =	vst v61;
	v58 =	vsel vm13, v35, v58;
	v59 =	vld [tilespmem:s15+$0x280]  }
0xd8: {  	v60 =	vsel vm13, v36, v60;
	v61 =	vld [tilespmem:s15+$0x290];
	[tilespmem:s15+$0x230] =	vst v58  }
0xd9: {  	[tilespmem:s15+$0x240] =	vst v60;
	v58 =	vld [tilespmem:s15+$0x2C0];
	v63 =	vsel vm13, v33, v63  }
0xda: {  	v60 =	vld [tilespmem:s15+$0x2D0];
	v56 =	vsel vm13, v34, v51;
	[tilespmem:s15+$0x210] =	vst v63  }
0xdb: {  	v62 =	vsel vm13, v37, v62;
	[tilespmem:s15+$0x220] =	vst v56;
	v63 =	vld [tilespmem:s15+$0x2A0]  }
0xdc: {  	[tilespmem:s15+$0x250] =	vst v62;
	v56 =	vsel vm13, v38, v53;
	v53 =	vld [tilespmem:s15+$0x2B0];
	v57 =	vsel vm13, v39, v57  }
0xdd: {  	v59 =	vsel vm13, v40, v59;
	[tilespmem:s15+$0x270] =	vst v57;
	v57 =	vld [tilespmem:s13+$0x0]  }
0xde: {  	v61 =	vsel vm13, v41, v61;
	[tilespmem:s15+$0x280] =	vst v59;
	v59 =	vld [tilespmem:s13+$0x10]  }
0xdf: {  	[tilespmem:s15+$0x290] =	vst v61;
	v61 =	vld [tilespmem:s13+$0x20]  }
0xe0: {  	v62 =	vld [tilespmem:s15+$0x2E0];
	[tilespmem:s15+$0x260] =	vst v56;
	v63 =	vsel vm13, v42, v63  }
0xe1: {  	v56 =	vsel vm13, v43, v53;
	[tilespmem:s15+$0x2A0] =	vst v63;
	v63 =	vld [tilespmem:s13+$0x30]  }
0xe2: {  	v58 =	vsel vm13, v44, v58;
	[tilespmem:s15+$0x2B0] =	vst v56;
	v56 =	vsel vm14, v0, v57;
	v57 =	vld [tilespmem:s13+$0x50]  }
0xe3: {  	v60 =	vsel vm13, v45, v60;
	[tilespmem:s15+$0x2C0] =	vst v58;
	v58 =	vsel vm14, v1, v59;
	v59 =	vld [tilespmem:s13+$0x60]  }
0xe4: {  	[tilespmem:s15+$0x2D0] =	vst v60;
	v60 =	vsel vm14, v2, v61;
	v61 =	vld [tilespmem:s13+$0x70]  }
0xe5: {  	[tilespmem:s13+$0xE0] =	vst v55;
	v55 =	vsel vm14, v19, v50;
	v50 =	vld [tilespmem:s13+$0x180];
	v62 =	vsel vm13, v46, v62  }
0xe6: {  	[tilespmem:s15+$0x2E0] =	vst v62;
	v62 =	vsel vm14, v3, v63;
	v63 =	vld [tilespmem:s13+$0x80]  }
0xe7: {  	[tilespmem:s13+$0x0] =	vst v56;
	v56 =	vsel vm14, v5, v57;
	v57 =	vld [tilespmem:s13+$0xA0]  }
0xe8: {  	[tilespmem:s13+$0x10] =	vst v58;
	v58 =	vsel vm14, v6, v59;
	v59 =	vld [tilespmem:s13+$0xB0]  }
0xe9: {  	[tilespmem:s13+$0x20] =	vst v60;
	v60 =	vsel vm14, v7, v61;
	v61 =	vld [tilespmem:s13+$0xC0]  }
0xea: {  	[tilespmem:s13+$0x130] =	vst v55;
	v55 =	vsel vm14, v24, v50;
	v50 =	vld [tilespmem:s13+$0x1D0]  }
0xeb: {  	[tilespmem:s13+$0x30] =	vst v62;
	v62 =	vsel vm14, v8, v63;
	v63 =	vld [tilespmem:s13+$0xD0]  }
0xec: {  	[tilespmem:s13+$0x50] =	vst v56;
	v56 =	vsel vm14, v10, v57;
	v57 =	vld [tilespmem:s13+$0xF0]  }
0xed: {  	[tilespmem:s13+$0x60] =	vst v58;
	v58 =	vsel vm14, v11, v59;
	v59 =	vld [tilespmem:s13+$0x100]  }
0xee: {  	[tilespmem:s13+$0x70] =	vst v60;
	v60 =	vsel vm14, v12, v61;
	v61 =	vld [tilespmem:s13+$0x110]  }
0xef: {  	[tilespmem:s13+$0x180] =	vst v55;
	v55 =	vsel vm14, v29, v50;
	v50 =	vld [tilespmem:s13+$0x220]  }
0xf0: {  	[tilespmem:s13+$0x80] =	vst v62;
	v62 =	vsel vm14, v13, v63;
	v63 =	vld [tilespmem:s13+$0x120]  }
0xf1: {  	[tilespmem:s13+$0xA0] =	vst v56;
	v56 =	vsel vm14, v15, v57;
	v57 =	vld [tilespmem:s13+$0x140]  }
0xf2: {  	[tilespmem:s13+$0xB0] =	vst v58;
	v58 =	vsel vm14, v16, v59;
	v59 =	vld [tilespmem:s13+$0x150]  }
0xf3: {  	[tilespmem:s13+$0xC0] =	vst v60;
	v60 =	vsel vm14, v17, v61;
	v61 =	vld [tilespmem:s13+$0x160]  }
0xf4: {  	[tilespmem:s13+$0x1D0] =	vst v55;
	v55 =	vsel vm14, v34, v50;
	v50 =	vld [tilespmem:s13+$0x270]  }
0xf5: {  	[tilespmem:s13+$0xD0] =	vst v62;
	v62 =	vsel vm14, v18, v63;
	v63 =	vld [tilespmem:s13+$0x170]  }
0xf6: {  	[tilespmem:s13+$0xF0] =	vst v56;
	v56 =	vsel vm14, v20, v57;
	v57 =	vld [tilespmem:s13+$0x190]  }
0xf7: {  	[tilespmem:s13+$0x100] =	vst v58;
	v58 =	vsel vm14, v21, v59;
	v59 =	vld [tilespmem:s13+$0x1A0]  }
0xf8: {  	[tilespmem:s13+$0x110] =	vst v60;
	v60 =	vsel vm14, v22, v61;
	v61 =	vld [tilespmem:s13+$0x1B0]  }
0xf9: {  	[tilespmem:s13+$0x220] =	vst v55;
	v55 =	vsel vm14, v39, v50;
	v50 =	vld [tilespmem:s13+$0x2C0]  }
0xfa: {  	[tilespmem:s13+$0x120] =	vst v62;
	v62 =	vsel vm14, v23, v63;
	v63 =	vld [tilespmem:s13+$0x1C0]  }
0xfb: {  	s0 =	smul.u32 $0xC00, s0;
	[tilespmem:s13+$0x140] =	vst v56;
	v56 =	vsel vm14, v25, v57;
	v57 =	vld [tilespmem:s13+$0x1E0]  }
0xfc: {  	[tilespmem:s13+$0x150] =	vst v58;
	v58 =	vsel vm14, v26, v59;
	v59 =	vld [tilespmem:s13+$0x1F0]  }
0xfd: {  	s0 =	sshra.s32 s0, $0x2;
	[tilespmem:s13+$0x160] =	vst v60;
	v60 =	vsel vm14, v27, v61;
	v61 =	vld [tilespmem:s13+$0x200]  }
0xfe: {  	[tilespmem:s13+$0x270] =	vst v55;
	v55 =	vsel vm14, v44, v50;
	v50 =	vld [tilespmem:s0+$0x10]  }
0xff: {  	[tilespmem:s13+$0x170] =	vst v62;
	v62 =	vsel vm14, v28, v63;
	v63 =	vld [tilespmem:s13+$0x210]  }
0x100: {  	[tilespmem:s13+$0x190] =	vst v56;
	v56 =	vsel vm14, v30, v57;
	v57 =	vld [tilespmem:s13+$0x230]  }
0x101: {  	[tilespmem:s13+$0x1A0] =	vst v58;
	v58 =	vsel vm14, v31, v59;
	v59 =	vld [tilespmem:s13+$0x240]  }
0x102: {  	[tilespmem:s13+$0x1B0] =	vst v60;
	v60 =	vsel vm14, v32, v61;
	v61 =	vld [tilespmem:s13+$0x250]  }
0x103: {  	[tilespmem:s13+$0x2C0] =	vst v55  }
0x104: {  	[tilespmem:s13+$0x1C0] =	vst v62;
	v62 =	vsel vm14, v33, v63;
	v63 =	vld [tilespmem:s13+$0x260]  }
0x105: {  	[tilespmem:s13+$0x1E0] =	vst v56;
	v56 =	vsel vm14, v35, v57;
	v57 =	vld [tilespmem:s13+$0x280]  }
0x106: {  	vm15 =	veq.s32 v48, $0x64;
	[tilespmem:s13+$0x1F0] =	vst v58;
	v58 =	vsel vm14, v36, v59;
	v59 =	vld [tilespmem:s13+$0x290]  }
0x107: {  	v55 =	vsel vm15, v1, v50;
	[tilespmem:s13+$0x200] =	vst v60;
	v60 =	vsel vm14, v37, v61;
	v61 =	vld [tilespmem:s13+$0x2A0]  }
0x108: {  	[tilespmem:s0+$0x10] =	vst v55  }
0x109: {  	[tilespmem:s13+$0x210] =	vst v62;
	v62 =	vsel vm14, v38, v63;
	v63 =	vld [tilespmem:s13+$0x2B0]  }
0x10a: {  	[tilespmem:s13+$0x230] =	vst v56;
	v56 =	vsel vm14, v40, v57;
	v57 =	vld [tilespmem:s13+$0x2D0]  }
0x10b: {  	[tilespmem:s13+$0x240] =	vst v58;
	v58 =	vsel vm14, v41, v59;
	v59 =	vld [tilespmem:s13+$0x2E0]  }
0x10c: {  	[tilespmem:s13+$0x250] =	vst v60;
	v60 =	vsel vm14, v42, v61;
	v61 =	vld [tilespmem:s13+$0x2F0]  }
0x10d: {  	[tilespmem:s13+$0x260] =	vst v62  }
0x10e: {  	[tilespmem:s13+$0x280] =	vst v56;
	v62 =	vsel vm14, v43, v63;
	v63 =	vld [tilespmem:s0+$0x0]  }
0x10f: {  	[tilespmem:s13+$0x290] =	vst v58;
	v56 =	vsel vm14, v45, v57;
	v57 =	vld [tilespmem:s0+$0x20]  }
0x110: {  	[tilespmem:s13+$0x2A0] =	vst v60;
	v58 =	vsel vm14, v46, v59;
	v59 =	vld [tilespmem:s0+$0x30]  }
0x111: {  	v60 =	vsel vm14, v47, v61;
	v61 =	vld [tilespmem:s0+$0x40];
	[tilespmem:s13+$0x2B0] =	vst v62  }
0x112: {  	[tilespmem:s13+$0x2D0] =	vst v56;
	v56 =	vld [tilespmem:s0+$0x60]  }
0x113: {  	[tilespmem:s13+$0x2E0] =	vst v58;
	v58 =	vld [tilespmem:s0+$0x70]  }
0x114: {  	[tilespmem:s13+$0x2F0] =	vst v60;
	v62 =	vsel vm15, v0, v63;
	v63 =	vld [tilespmem:s0+$0x50]  }
0x115: {  	v60 =	vld [tilespmem:s0+$0x80];
	v57 =	vsel vm15, v2, v57;
	[tilespmem:s0+$0x0] =	vst v62  }
0x116: {  	v50 =	vld [tilespmem:s0+$0xB0];
	v59 =	vsel vm15, v3, v59;
	[tilespmem:s0+$0x20] =	vst v57  }
0x117: {  	v48 =	vsel vm15, v4, v61;
	v61 =	vld [tilespmem:s0+$0x90];
	[tilespmem:s0+$0x30] =	vst v59  }
0x118: {  	[tilespmem:s0+$0x40] =	vst v48;
	v55 =	vsel vm15, v6, v56;
	v57 =	vld [tilespmem:s0+$0xC0]  }
0x119: {  	v56 =	vsel vm15, v7, v58;
	[tilespmem:s0+$0x60] =	vst v55;
	v62 =	vsel vm15, v5, v63;
	v63 =	vld [tilespmem:s0+$0xA0]  }
0x11a: {  	v58 =	vsel vm15, v8, v60;
	v59 =	vld [tilespmem:s0+$0xD0];
	[tilespmem:s0+$0x70] =	vst v56  }
0x11b: {  	[tilespmem:s0+$0x80] =	vst v58;
	v55 =	vsel vm15, v11, v50;
	v50 =	vld [tilespmem:s0+$0x100]  }
0x11c: {  	[tilespmem:s0+$0xB0] =	vst v55;
	v60 =	vsel vm15, v9, v61;
	v61 =	vld [tilespmem:s0+$0xE0]  }
0x11d: {  	[tilespmem:s0+$0x50] =	vst v62;
	v56 =	vsel vm15, v12, v57;
	v57 =	vld [tilespmem:s0+$0x110]  }
0x11e: {  	[tilespmem:s0+$0x90] =	vst v60;
	v62 =	vsel vm15, v10, v63;
	v63 =	vld [tilespmem:s0+$0xF0]  }
0x11f: {  	v58 =	vsel vm15, v13, v59;
	v59 =	vld [tilespmem:s0+$0x120];
	[tilespmem:s0+$0xC0] =	vst v56  }
0x120: {  	[tilespmem:s0+$0xD0] =	vst v58;
	v55 =	vsel vm15, v16, v50;
	v50 =	vld [tilespmem:s0+$0x150]  }
0x121: {  	[tilespmem:s0+$0x100] =	vst v55;
	v60 =	vsel vm15, v14, v61;
	v61 =	vld [tilespmem:s0+$0x130]  }
0x122: {  	[tilespmem:s0+$0xA0] =	vst v62;
	v56 =	vsel vm15, v17, v57;
	v57 =	vld [tilespmem:s0+$0x160]  }
0x123: {  	[tilespmem:s0+$0xE0] =	vst v60;
	v62 =	vsel vm15, v15, v63;
	v63 =	vld [tilespmem:s0+$0x140]  }
0x124: {  	v58 =	vsel vm15, v18, v59;
	v59 =	vld [tilespmem:s0+$0x170];
	[tilespmem:s0+$0x110] =	vst v56  }
0x125: {  	[tilespmem:s0+$0x120] =	vst v58;
	v55 =	vsel vm15, v21, v50;
	v50 =	vld [tilespmem:s0+$0x1A0]  }
0x126: {  	[tilespmem:s0+$0x150] =	vst v55;
	v60 =	vsel vm15, v19, v61;
	v61 =	vld [tilespmem:s0+$0x180]  }
0x127: {  	[tilespmem:s0+$0xF0] =	vst v62;
	v56 =	vsel vm15, v22, v57;
	v57 =	vld [tilespmem:s0+$0x1B0]  }
0x128: {  	[tilespmem:s0+$0x130] =	vst v60;
	v62 =	vsel vm15, v20, v63;
	v63 =	vld [tilespmem:s0+$0x190]  }
0x129: {  	v58 =	vsel vm15, v23, v59;
	v59 =	vld [tilespmem:s0+$0x1C0];
	[tilespmem:s0+$0x160] =	vst v56  }
0x12a: {  	[tilespmem:s0+$0x170] =	vst v58;
	v55 =	vsel vm15, v26, v50;
	v50 =	vld [tilespmem:s0+$0x1F0]  }
0x12b: {  	[tilespmem:s0+$0x1A0] =	vst v55;
	v60 =	vsel vm15, v24, v61;
	v61 =	vld [tilespmem:s0+$0x1D0]  }
0x12c: {  	[tilespmem:s0+$0x140] =	vst v62;
	v56 =	vsel vm15, v27, v57;
	v57 =	vld [tilespmem:s0+$0x200]  }
0x12d: {  	[tilespmem:s0+$0x180] =	vst v60;
	v62 =	vsel vm15, v25, v63;
	v63 =	vld [tilespmem:s0+$0x1E0]  }
0x12e: {  	v58 =	vsel vm15, v28, v59;
	v59 =	vld [tilespmem:s0+$0x210];
	[tilespmem:s0+$0x1B0] =	vst v56  }
0x12f: {  	[tilespmem:s0+$0x1C0] =	vst v58;
	v55 =	vsel vm15, v31, v50;
	v50 =	vld [tilespmem:s0+$0x240]  }
0x130: {  	[tilespmem:s0+$0x1F0] =	vst v55;
	v60 =	vsel vm15, v29, v61;
	v61 =	vld [tilespmem:s0+$0x220]  }
0x131: {  	[tilespmem:s0+$0x190] =	vst v62;
	v56 =	vsel vm15, v32, v57;
	v57 =	vld [tilespmem:s0+$0x250]  }
0x132: {  	[tilespmem:s0+$0x1D0] =	vst v60;
	v62 =	vsel vm15, v30, v63;
	v63 =	vld [tilespmem:s0+$0x230]  }
0x133: {  	v58 =	vsel vm15, v33, v59;
	v59 =	vld [tilespmem:s0+$0x260];
	[tilespmem:s0+$0x200] =	vst v56  }
0x134: {  	[tilespmem:s0+$0x210] =	vst v58;
	v55 =	vsel vm15, v36, v50;
	v50 =	vld [tilespmem:s0+$0x290]  }
0x135: {  	[tilespmem:s0+$0x240] =	vst v55;
	v60 =	vsel vm15, v34, v61;
	v61 =	vld [tilespmem:s0+$0x270]  }
0x136: {  	[tilespmem:s0+$0x1E0] =	vst v62;
	v56 =	vsel vm15, v37, v57;
	v57 =	vld [tilespmem:s0+$0x2A0]  }
0x137: {  	[tilespmem:s0+$0x220] =	vst v60;
	v62 =	vsel vm15, v35, v63;
	v63 =	vld [tilespmem:s0+$0x280]  }
0x138: {  	v58 =	vsel vm15, v38, v59;
	v59 =	vld [tilespmem:s0+$0x2B0];
	[tilespmem:s0+$0x250] =	vst v56  }
0x139: {  	[tilespmem:s0+$0x260] =	vst v58;
	v55 =	vsel vm15, v41, v50  }
0x13a: {  	[tilespmem:s0+$0x290] =	vst v55;
	v60 =	vsel vm15, v39, v61;
	v61 =	vld [tilespmem:s0+$0x2C0]  }
0x13b: {  	v56 =	vld [tilespmem:s0+$0x2E0];
	[tilespmem:s0+$0x230] =	vst v62  }
0x13c: {  	[tilespmem:s0+$0x270] =	vst v60;
	v57 =	vsel vm15, v42, v57;
	v62 =	vsel vm15, v40, v63;
	v63 =	vld [tilespmem:s0+$0x2D0]  }
0x13d: {  	v58 =	vld [tilespmem:s0+$0x2F0];
	v59 =	vsel vm15, v43, v59;
	[tilespmem:s0+$0x2A0] =	vst v57  }
0x13e: {  	p0 =	slt.u32 s1, $0xC;
	[tilespmem:s0+$0x2B0] =	vst v59  }
.Ltmp6:
0x13f: {  	v60 =	vsel vm15, v44, v61;
	[tilespmem:s0+$0x280] =	vst v62;
	(pc) =	sbr.rel @p0 .LBB2_5-.Ltmp6, $4  }
0x140: {  	[tilespmem:s0+$0x2C0] =	vst v60;
	v62 =	vsel vm15, v46, v56  }
0x141: {  	[tilespmem:s0+$0x2E0] =	vst v62;
	v61 =	vsel vm15, v45, v63  }
0x142: {  	s15 =	sadd.s32 $0x4, s1;
	v63 =	vsel vm15, v47, v58;
	[tilespmem:s0+$0x2D0] =	vst v61  }
0x143: {  	s1 =	smov.u32 s15;
	[tilespmem:s0+$0x2F0] =	vst v63  }
.Ltmp7:
0x144: {  	(pc) =	sbr.rel .LBB2_17-.Ltmp7, $4  }
0x145: {  	_ = 	snop  }
0x146: {  	s0 =	sshrl.u32 s30, $0x3  }
0x147: {  	s0 =	sadd.s32 s6, s0  }
0x148: {  	[hbm4b:s0+s3] =	stream.linear.scatter [tilespmem:s3], [sflag:$0x5], $0x3000, $0x38;
	[tilespmem:$0x15D00] =	vst v63  }
.LBB2_13:
0x149: {  	p2 =	seq.s32 s1, $0x2  }
.Ltmp8:
0x14a: {  	_ = 	snop;
	(pc) =	sbr.rel @!p2 .LBB2_14-.Ltmp8, $3  }
0x14b: {  	_ =	sdelay $0x1  }
0x14c: {  	p0 =	sgt.u32 s29, $0x96  }
0x14d: {  	p1 =	seq.s32 @!p0 s29, $0x0;
	s0 =	sadd.s32 @!p0 s0, s11  }
0x14e: {  	_ =	swait.ge [sflag:s24], $0x3000  }
0x14f: {  	p1 =	por p1, p0;
	[sflag:s24] =	ssyncset.done $0x0  }
0x150: {  	s1 =	simm.s32 @!p1 $0x6;
	[sflag:s24] =	ssyncadd.s32 $0xFFFFD000  }
0x151: {  	_ =	swait.ge @!p1 [sflag:s1], $0x3000  }
0x152: {  	s0 =	sshrl.u32 @!p0 s0, $0x3;
	s5 =	simm.s32 @!p0 $0x3000;
	[sflag:s1] =	ssyncset.done @!p1 $0x0  }
0x153: {  	s0 =	sadd.s32 @!p0 s2, s0;
	[sflag:s1] =	ssyncadd.s32 @!p1 $0xFFFFD000;
	s1 =	simm.s32 @!p0 $0x0  }
0x154: {  	[tilespmem:s5], [sflag:$0x2] =	stream.linear.gather @!p0 [hbm4b:s0+s1], $0x3000, $0x38;
	[tilespmem:$0x15D00] =	vst v63  }
0x155: {  	s31 =	sshll.u32 s29, $0x4;
	s1 =	simm.s32 $0x0  }
.LBB2_11:
0x156: {  	s0 =	sadd.s32 s31, s1;
	s15 =	sor.u32 $0x1, s1;
	s13 =	sor.u32 $0x2, s1  }
0x157: {  	s0 =	sshll.u32 s0, $0x4;
	s8 =	sadd.s32 s31, s15;
	s9 =	sadd.s32 s31, s13  }
0x158: {  	s5 =	sand.u32 $0x3FFFFFF0, s0;
	s8 =	sshll.u32 s8, $0x4;
	s0 =	sor.u32 $0x3, s1  }
0x159: {  	v51 =	vld [tilespmem:s5+$0xC000];
	s5 =	sand.u32 $0x3FFFFFF0, s8;
	s8 =	sshll.u32 s9, $0x4;
	s9 =	sadd.s32 s31, s0  }
0x15a: {  	v50 =	vld [tilespmem:s5+$0xC000];
	s5 =	smul.u32 $0xC00, s1;
	s8 =	sand.u32 $0x3FFFFFF0, s8;
	s9 =	sshll.u32 s9, $0x4  }
0x15b: {  	v49 =	vld [tilespmem:s8+$0xC000];
	s9 =	sand.u32 $0x3FFFFFF0, s9  }
0x15c: {  	v48 =	vld [tilespmem:s9+$0xC000];
	s5 =	sshra.s32 s5, $0x2  }
0x15d: {  	v52 =	vld [tilespmem:s5+$0x6000]  }
0x15e: {  	v53 =	vld [tilespmem:s5+$0x6010]  }
0x15f: {  	v54 =	vld [tilespmem:s5+$0x6020]  }
0x160: {  	v55 =	vld [tilespmem:s5+$0x6030]  }
0x161: {  	v63 =	vld [tilespmem:s5+$0x6040]  }
0x162: {  	s9 =	smul.u32 $0xC00, s15;
	v56 =	vld [tilespmem:s5+$0x6050]  }
0x163: {  	s13 =	smul.u32 $0xC00, s13;
	v60 =	vld [tilespmem:s5+$0x6080]  }
0x164: {  	v61 =	vld [tilespmem:s5+$0x6090];
	s15 =	sshra.s32 s9, $0x2  }
0x165: {  	s13 =	sshra.s32 s13, $0x2;
	vm0 =	veq.s32 v51, $0x64;
	vm13 =	veq.s32 v50, $0x64;
	v50 =	vld [tilespmem:s15+$0x6040]  }
0x166: {  	vm14 =	veq.s32 v49, $0x64;
	v49 =	vld [tilespmem:s13+$0x6040];
	v52 =	vsel vm0, v0, v52  }
0x167: {  	v57 =	vsel vm0, v1, v53;
	v53 =	vld [tilespmem:s5+$0x6060];
	[tilespmem:s5+$0x6000] =	vst v52  }
0x168: {  	v58 =	vsel vm0, v2, v54;
	v54 =	vld [tilespmem:s5+$0x6070];
	[tilespmem:s5+$0x6010] =	vst v57  }
0x169: {  	v59 =	vsel vm0, v3, v55;
	v51 =	vsel vm0, v4, v63;
	v63 =	vld [tilespmem:s5+$0x60A0];
	[tilespmem:s5+$0x6020] =	vst v58  }
0x16a: {  	v55 =	vld [tilespmem:s5+$0x60D0];
	[tilespmem:s5+$0x6030] =	vst v59  }
0x16b: {  	v62 =	vsel vm0, v5, v56;
	[tilespmem:s5+$0x6040] =	vst v51;
	v59 =	vsel vm0, v8, v60;
	v60 =	vsel vm0, v9, v61;
	v61 =	vld [tilespmem:s5+$0x60E0]  }
0x16c: {  	[tilespmem:s5+$0x6050] =	vst v62;
	v52 =	vld [tilespmem:s15+$0x60B0]  }
0x16d: {  	v51 =	vld [tilespmem:s15+$0x6180];
	[tilespmem:s5+$0x6080] =	vst v59;
	v50 =	vsel vm13, v4, v50  }
0x16e: {  	[tilespmem:s15+$0x6040] =	vst v50;
	v50 =	vld [tilespmem:s13+$0x6090]  }
0x16f: {  	[tilespmem:s5+$0x6090] =	vst v60;
	v49 =	vsel vm14, v4, v49;
	v57 =	vsel vm0, v6, v53;
	v53 =	vld [tilespmem:s5+$0x60B0]  }
0x170: {  	[tilespmem:s13+$0x6040] =	vst v49;
	v58 =	vsel vm0, v7, v54;
	v54 =	vld [tilespmem:s5+$0x60C0]  }
0x171: {  	v62 =	vsel vm0, v10, v63;
	v63 =	vld [tilespmem:s5+$0x60F0];
	[tilespmem:s5+$0x6060] =	vst v57  }
0x172: {  	v59 =	vsel vm0, v13, v55;
	v55 =	vld [tilespmem:s5+$0x6120];
	[tilespmem:s5+$0x6070] =	vst v58  }
0x173: {  	[tilespmem:s5+$0x60A0] =	vst v62;
	v60 =	vsel vm0, v14, v61;
	v61 =	vld [tilespmem:s5+$0x6130]  }
0x174: {  	[tilespmem:s5+$0x60D0] =	vst v59;
	v56 =	vsel vm13, v11, v52;
	v52 =	vld [tilespmem:s15+$0x6100]  }
0x175: {  	[tilespmem:s5+$0x60E0] =	vst v60;
	v57 =	vsel vm0, v11, v53;
	v53 =	vld [tilespmem:s5+$0x6100]  }
0x176: {  	[tilespmem:s15+$0x60B0] =	vst v56;
	v58 =	vsel vm0, v12, v54;
	v54 =	vld [tilespmem:s5+$0x6110]  }
0x177: {  	v62 =	vsel vm0, v15, v63;
	v63 =	vld [tilespmem:s5+$0x6140];
	[tilespmem:s5+$0x60B0] =	vst v57  }
0x178: {  	v59 =	vsel vm0, v18, v55;
	v55 =	vld [tilespmem:s5+$0x6170];
	[tilespmem:s5+$0x60C0] =	vst v58  }
0x179: {  	[tilespmem:s5+$0x60F0] =	vst v62;
	v60 =	vsel vm0, v19, v61;
	v61 =	vld [tilespmem:s5+$0x6180]  }
0x17a: {  	[tilespmem:s5+$0x6120] =	vst v59;
	v57 =	vsel vm0, v16, v53;
	v53 =	vld [tilespmem:s5+$0x6150]  }
0x17b: {  	v56 =	vsel vm13, v16, v52;
	[tilespmem:s5+$0x6130] =	vst v60;
	v58 =	vsel vm0, v17, v54;
	v54 =	vld [tilespmem:s5+$0x6160]  }
0x17c: {  	[tilespmem:s15+$0x6100] =	vst v56;
	v62 =	vsel vm0, v20, v63;
	v63 =	vld [tilespmem:s5+$0x6190]  }
0x17d: {  	v59 =	vsel vm0, v23, v55;
	v55 =	vld [tilespmem:s5+$0x61C0];
	[tilespmem:s5+$0x6100] =	vst v57  }
0x17e: {  	[tilespmem:s5+$0x6110] =	vst v58;
	v60 =	vsel vm0, v24, v61;
	v61 =	vld [tilespmem:s5+$0x61D0]  }
0x17f: {  	[tilespmem:s5+$0x6140] =	vst v62;
	v57 =	vsel vm0, v21, v53;
	v53 =	vld [tilespmem:s5+$0x61A0]  }
0x180: {  	[tilespmem:s5+$0x6170] =	vst v59;
	v58 =	vsel vm0, v22, v54;
	v54 =	vld [tilespmem:s5+$0x61B0]  }
0x181: {  	[tilespmem:s5+$0x6180] =	vst v60;
	v62 =	vsel vm0, v25, v63;
	v63 =	vld [tilespmem:s5+$0x61E0]  }
0x182: {  	v59 =	vsel vm0, v28, v55;
	v55 =	vld [tilespmem:s5+$0x6210];
	[tilespmem:s5+$0x6150] =	vst v57  }
0x183: {  	[tilespmem:s5+$0x6160] =	vst v58;
	v60 =	vsel vm0, v29, v61;
	v61 =	vld [tilespmem:s5+$0x6220]  }
0x184: {  	[tilespmem:s5+$0x6190] =	vst v62;
	v57 =	vsel vm0, v26, v53;
	v53 =	vld [tilespmem:s5+$0x61F0]  }
0x185: {  	[tilespmem:s5+$0x61C0] =	vst v59;
	v58 =	vsel vm0, v27, v54;
	v54 =	vld [tilespmem:s5+$0x6200]  }
0x186: {  	[tilespmem:s5+$0x61D0] =	vst v60;
	v62 =	vsel vm0, v30, v63;
	v63 =	vld [tilespmem:s5+$0x6230]  }
0x187: {  	v59 =	vsel vm0, v33, v55;
	v55 =	vld [tilespmem:s5+$0x6260];
	[tilespmem:s5+$0x61A0] =	vst v57  }
0x188: {  	[tilespmem:s5+$0x61B0] =	vst v58;
	v60 =	vsel vm0, v34, v61;
	v61 =	vld [tilespmem:s5+$0x6270]  }
0x189: {  	[tilespmem:s5+$0x61E0] =	vst v62;
	v57 =	vsel vm0, v31, v53;
	v53 =	vld [tilespmem:s5+$0x6240]  }
0x18a: {  	[tilespmem:s5+$0x6210] =	vst v59;
	v58 =	vsel vm0, v32, v54;
	v54 =	vld [tilespmem:s5+$0x6250]  }
0x18b: {  	[tilespmem:s5+$0x6220] =	vst v60;
	v62 =	vsel vm0, v35, v63;
	v63 =	vld [tilespmem:s5+$0x6280]  }
0x18c: {  	v59 =	vsel vm0, v38, v55;
	v55 =	vld [tilespmem:s5+$0x62B0];
	[tilespmem:s5+$0x61F0] =	vst v57  }
0x18d: {  	[tilespmem:s5+$0x6200] =	vst v58;
	v60 =	vsel vm0, v39, v61;
	v61 =	vld [tilespmem:s5+$0x62C0]  }
0x18e: {  	[tilespmem:s5+$0x6230] =	vst v62;
	v57 =	vsel vm0, v36, v53;
	v53 =	vld [tilespmem:s5+$0x6290]  }
0x18f: {  	[tilespmem:s5+$0x6260] =	vst v59;
	v58 =	vsel vm0, v37, v54;
	v54 =	vld [tilespmem:s5+$0x62A0]  }
0x190: {  	[tilespmem:s5+$0x6270] =	vst v60;
	v62 =	vsel vm0, v40, v63;
	v63 =	vld [tilespmem:s5+$0x62D0]  }
0x191: {  	v59 =	vsel vm0, v43, v55;
	v55 =	vld [tilespmem:s15+$0x6000];
	[tilespmem:s5+$0x6240] =	vst v57  }
0x192: {  	[tilespmem:s5+$0x6250] =	vst v58;
	v60 =	vsel vm0, v44, v61;
	v61 =	vld [tilespmem:s15+$0x6010]  }
0x193: {  	[tilespmem:s5+$0x6280] =	vst v62;
	v57 =	vsel vm0, v41, v53;
	v53 =	vld [tilespmem:s5+$0x62E0]  }
0x194: {  	[tilespmem:s5+$0x62B0] =	vst v59;
	v58 =	vsel vm0, v42, v54;
	v54 =	vld [tilespmem:s5+$0x62F0]  }
0x195: {  	[tilespmem:s5+$0x62C0] =	vst v60;
	v62 =	vsel vm0, v45, v63;
	v63 =	vld [tilespmem:s15+$0x6020]  }
0x196: {  	v60 =	vsel vm13, v0, v55;
	v55 =	vld [tilespmem:s15+$0x62F0];
	[tilespmem:s5+$0x6290] =	vst v57  }
0x197: {  	[tilespmem:s5+$0x62A0] =	vst v58;
	v58 =	vld [tilespmem:s15+$0x6030]  }
0x198: {  	[tilespmem:s5+$0x62D0] =	vst v62;
	v62 =	vld [tilespmem:s15+$0x6060]  }
0x199: {  	[tilespmem:s15+$0x6000] =	vst v60;
	v57 =	vsel vm0, v46, v53;
	v59 =	vsel vm0, v47, v54;
	v54 =	vld [tilespmem:s15+$0x6050]  }
0x19a: {  	[tilespmem:s5+$0x62E0] =	vst v57;
	v57 =	vld [tilespmem:s15+$0x6070]  }
0x19b: {  	v61 =	vsel vm13, v1, v61;
	[tilespmem:s5+$0x62F0] =	vst v59;
	v59 =	vld [tilespmem:s15+$0x6080]  }
0x19c: {  	v60 =	vld [tilespmem:s15+$0x6090];
	[tilespmem:s15+$0x6010] =	vst v61;
	v55 =	vsel vm13, v47, v55  }
0x19d: {  	v63 =	vsel vm13, v2, v63;
	[tilespmem:s15+$0x62F0] =	vst v55;
	v55 =	vsel vm14, v9, v50;
	v50 =	vld [tilespmem:s13+$0x60E0]  }
0x19e: {  	[tilespmem:s15+$0x6020] =	vst v63;
	v58 =	vsel vm13, v3, v58;
	v61 =	vsel vm13, v5, v54;
	v54 =	vld [tilespmem:s15+$0x60A0]  }
0x19f: {  	v62 =	vsel vm13, v6, v62;
	[tilespmem:s15+$0x6030] =	vst v58;
	v63 =	vsel vm13, v7, v57;
	v57 =	vld [tilespmem:s15+$0x60C0]  }
0x1a0: {  	[tilespmem:s15+$0x6060] =	vst v62;
	v58 =	vsel vm13, v8, v59;
	v59 =	vld [tilespmem:s15+$0x60D0]  }
0x1a1: {  	[tilespmem:s15+$0x6050] =	vst v61;
	v61 =	vld [tilespmem:s15+$0x60E0]  }
0x1a2: {  	v60 =	vsel vm13, v9, v60;
	[tilespmem:s15+$0x6070] =	vst v63;
	v63 =	vld [tilespmem:s15+$0x60F0]  }
0x1a3: {  	v53 =	vld [tilespmem:s15+$0x6120];
	[tilespmem:s15+$0x6090] =	vst v60  }
0x1a4: {  	[tilespmem:s13+$0x6090] =	vst v55;
	v55 =	vsel vm14, v14, v50;
	v50 =	vld [tilespmem:s13+$0x6130]  }
0x1a5: {  	[tilespmem:s15+$0x6080] =	vst v58;
	v58 =	vld [tilespmem:s15+$0x6110];
	v62 =	vsel vm13, v10, v54  }
0x1a6: {  	[tilespmem:s15+$0x60A0] =	vst v62;
	v57 =	vsel vm13, v12, v57;
	v60 =	vsel vm13, v14, v61;
	v61 =	vld [tilespmem:s15+$0x6130]  }
0x1a7: {  	v59 =	vsel vm13, v13, v59;
	[tilespmem:s15+$0x60C0] =	vst v57;
	v62 =	vsel vm13, v15, v63;
	v63 =	vld [tilespmem:s15+$0x6140]  }
0x1a8: {  	[tilespmem:s15+$0x60D0] =	vst v59;
	v57 =	vld [tilespmem:s15+$0x6150]  }
0x1a9: {  	[tilespmem:s15+$0x60E0] =	vst v60;
	v60 =	vsel vm13, v18, v53;
	v53 =	vld [tilespmem:s15+$0x6170]  }
0x1aa: {  	v58 =	vsel vm13, v17, v58;
	v59 =	vld [tilespmem:s15+$0x6160];
	[tilespmem:s15+$0x60F0] =	vst v62  }
0x1ab: {  	[tilespmem:s15+$0x6110] =	vst v58;
	v58 =	vld [tilespmem:s15+$0x61A0]  }
0x1ac: {  	[tilespmem:s15+$0x6120] =	vst v60;
	v60 =	vld [tilespmem:s15+$0x61B0];
	v61 =	vsel vm13, v19, v61  }
0x1ad: {  	[tilespmem:s15+$0x6130] =	vst v61;
	v62 =	vsel vm13, v20, v63;
	v63 =	vld [tilespmem:s15+$0x6190]  }
0x1ae: {  	v57 =	vsel vm13, v21, v57;
	v61 =	vsel vm13, v23, v53;
	v53 =	vld [tilespmem:s15+$0x61C0];
	[tilespmem:s15+$0x6140] =	vst v62  }
0x1af: {  	v59 =	vsel vm13, v22, v59;
	[tilespmem:s15+$0x6150] =	vst v57;
	v62 =	vsel vm13, v24, v51;
	v51 =	vld [tilespmem:s15+$0x61D0]  }
0x1b0: {  	[tilespmem:s15+$0x6160] =	vst v59;
	v57 =	vld [tilespmem:s15+$0x61E0]  }
0x1b1: {  	[tilespmem:s15+$0x6170] =	vst v61;
	v59 =	vld [tilespmem:s15+$0x61F0]  }
0x1b2: {  	v58 =	vsel vm13, v26, v58;
	v61 =	vld [tilespmem:s15+$0x6200];
	[tilespmem:s15+$0x6180] =	vst v62  }
0x1b3: {  	v60 =	vsel vm13, v27, v60;
	[tilespmem:s15+$0x61A0] =	vst v58;
	v58 =	vld [tilespmem:s15+$0x6230]  }
0x1b4: {  	[tilespmem:s15+$0x61B0] =	vst v60;
	v60 =	vld [tilespmem:s15+$0x6240];
	v63 =	vsel vm13, v25, v63  }
0x1b5: {  	v62 =	vsel vm13, v28, v53;
	v53 =	vld [tilespmem:s15+$0x6260];
	[tilespmem:s15+$0x6190] =	vst v63  }
0x1b6: {  	v63 =	vld [tilespmem:s15+$0x6210];
	[tilespmem:s15+$0x61C0] =	vst v62;
	v56 =	vsel vm13, v29, v51  }
0x1b7: {  	v51 =	vld [tilespmem:s15+$0x6220];
	v57 =	vsel vm13, v30, v57;
	[tilespmem:s15+$0x61D0] =	vst v56  }
0x1b8: {  	v59 =	vsel vm13, v31, v59;
	v62 =	vld [tilespmem:s15+$0x6250];
	[tilespmem:s15+$0x61E0] =	vst v57  }
0x1b9: {  	v61 =	vsel vm13, v32, v61;
	[tilespmem:s15+$0x61F0] =	vst v59;
	v57 =	vld [tilespmem:s15+$0x6270]  }
0x1ba: {  	[tilespmem:s15+$0x6200] =	vst v61;
	v58 =	vsel vm13, v35, v58;
	v59 =	vld [tilespmem:s15+$0x6280]  }
0x1bb: {  	v60 =	vsel vm13, v36, v60;
	v61 =	vld [tilespmem:s15+$0x6290];
	[tilespmem:s15+$0x6230] =	vst v58  }
0x1bc: {  	[tilespmem:s15+$0x6240] =	vst v60;
	v58 =	vld [tilespmem:s15+$0x62C0];
	v63 =	vsel vm13, v33, v63  }
0x1bd: {  	v60 =	vld [tilespmem:s15+$0x62D0];
	v56 =	vsel vm13, v34, v51;
	[tilespmem:s15+$0x6210] =	vst v63  }
0x1be: {  	v62 =	vsel vm13, v37, v62;
	[tilespmem:s15+$0x6220] =	vst v56;
	v63 =	vld [tilespmem:s15+$0x62A0]  }
0x1bf: {  	[tilespmem:s15+$0x6250] =	vst v62;
	v56 =	vsel vm13, v38, v53;
	v53 =	vld [tilespmem:s15+$0x62B0];
	v57 =	vsel vm13, v39, v57  }
0x1c0: {  	v59 =	vsel vm13, v40, v59;
	[tilespmem:s15+$0x6270] =	vst v57;
	v57 =	vld [tilespmem:s13+$0x6000]  }
0x1c1: {  	v61 =	vsel vm13, v41, v61;
	[tilespmem:s15+$0x6280] =	vst v59;
	v59 =	vld [tilespmem:s13+$0x6010]  }
0x1c2: {  	[tilespmem:s15+$0x6290] =	vst v61;
	v61 =	vld [tilespmem:s13+$0x6020]  }
0x1c3: {  	v62 =	vld [tilespmem:s15+$0x62E0];
	[tilespmem:s15+$0x6260] =	vst v56;
	v63 =	vsel vm13, v42, v63  }
0x1c4: {  	v56 =	vsel vm13, v43, v53;
	[tilespmem:s15+$0x62A0] =	vst v63;
	v63 =	vld [tilespmem:s13+$0x6030]  }
0x1c5: {  	v58 =	vsel vm13, v44, v58;
	[tilespmem:s15+$0x62B0] =	vst v56;
	v56 =	vsel vm14, v0, v57;
	v57 =	vld [tilespmem:s13+$0x6050]  }
0x1c6: {  	v60 =	vsel vm13, v45, v60;
	[tilespmem:s15+$0x62C0] =	vst v58;
	v58 =	vsel vm14, v1, v59;
	v59 =	vld [tilespmem:s13+$0x6060]  }
0x1c7: {  	[tilespmem:s15+$0x62D0] =	vst v60;
	v60 =	vsel vm14, v2, v61;
	v61 =	vld [tilespmem:s13+$0x6070]  }
0x1c8: {  	[tilespmem:s13+$0x60E0] =	vst v55;
	v55 =	vsel vm14, v19, v50;
	v50 =	vld [tilespmem:s13+$0x6180];
	v62 =	vsel vm13, v46, v62  }
0x1c9: {  	[tilespmem:s15+$0x62E0] =	vst v62;
	v62 =	vsel vm14, v3, v63;
	v63 =	vld [tilespmem:s13+$0x6080]  }
0x1ca: {  	[tilespmem:s13+$0x6000] =	vst v56;
	v56 =	vsel vm14, v5, v57;
	v57 =	vld [tilespmem:s13+$0x60A0]  }
0x1cb: {  	[tilespmem:s13+$0x6010] =	vst v58;
	v58 =	vsel vm14, v6, v59;
	v59 =	vld [tilespmem:s13+$0x60B0]  }
0x1cc: {  	[tilespmem:s13+$0x6020] =	vst v60;
	v60 =	vsel vm14, v7, v61;
	v61 =	vld [tilespmem:s13+$0x60C0]  }
0x1cd: {  	[tilespmem:s13+$0x6130] =	vst v55;
	v55 =	vsel vm14, v24, v50;
	v50 =	vld [tilespmem:s13+$0x61D0]  }
0x1ce: {  	[tilespmem:s13+$0x6030] =	vst v62;
	v62 =	vsel vm14, v8, v63;
	v63 =	vld [tilespmem:s13+$0x60D0]  }
0x1cf: {  	[tilespmem:s13+$0x6050] =	vst v56;
	v56 =	vsel vm14, v10, v57;
	v57 =	vld [tilespmem:s13+$0x60F0]  }
0x1d0: {  	[tilespmem:s13+$0x6060] =	vst v58;
	v58 =	vsel vm14, v11, v59;
	v59 =	vld [tilespmem:s13+$0x6100]  }
0x1d1: {  	[tilespmem:s13+$0x6070] =	vst v60;
	v60 =	vsel vm14, v12, v61;
	v61 =	vld [tilespmem:s13+$0x6110]  }
0x1d2: {  	[tilespmem:s13+$0x6180] =	vst v55;
	v55 =	vsel vm14, v29, v50;
	v50 =	vld [tilespmem:s13+$0x6220]  }
0x1d3: {  	[tilespmem:s13+$0x6080] =	vst v62;
	v62 =	vsel vm14, v13, v63;
	v63 =	vld [tilespmem:s13+$0x6120]  }
0x1d4: {  	[tilespmem:s13+$0x60A0] =	vst v56;
	v56 =	vsel vm14, v15, v57;
	v57 =	vld [tilespmem:s13+$0x6140]  }
0x1d5: {  	[tilespmem:s13+$0x60B0] =	vst v58;
	v58 =	vsel vm14, v16, v59;
	v59 =	vld [tilespmem:s13+$0x6150]  }
0x1d6: {  	[tilespmem:s13+$0x60C0] =	vst v60;
	v60 =	vsel vm14, v17, v61;
	v61 =	vld [tilespmem:s13+$0x6160]  }
0x1d7: {  	[tilespmem:s13+$0x61D0] =	vst v55;
	v55 =	vsel vm14, v34, v50;
	v50 =	vld [tilespmem:s13+$0x6270]  }
0x1d8: {  	[tilespmem:s13+$0x60D0] =	vst v62;
	v62 =	vsel vm14, v18, v63;
	v63 =	vld [tilespmem:s13+$0x6170]  }
0x1d9: {  	[tilespmem:s13+$0x60F0] =	vst v56;
	v56 =	vsel vm14, v20, v57;
	v57 =	vld [tilespmem:s13+$0x6190]  }
0x1da: {  	[tilespmem:s13+$0x6100] =	vst v58;
	v58 =	vsel vm14, v21, v59;
	v59 =	vld [tilespmem:s13+$0x61A0]  }
0x1db: {  	[tilespmem:s13+$0x6110] =	vst v60;
	v60 =	vsel vm14, v22, v61;
	v61 =	vld [tilespmem:s13+$0x61B0]  }
0x1dc: {  	[tilespmem:s13+$0x6220] =	vst v55;
	v55 =	vsel vm14, v39, v50;
	v50 =	vld [tilespmem:s13+$0x62C0]  }
0x1dd: {  	[tilespmem:s13+$0x6120] =	vst v62;
	v62 =	vsel vm14, v23, v63;
	v63 =	vld [tilespmem:s13+$0x61C0]  }
0x1de: {  	s0 =	smul.u32 $0xC00, s0;
	[tilespmem:s13+$0x6140] =	vst v56;
	v56 =	vsel vm14, v25, v57;
	v57 =	vld [tilespmem:s13+$0x61E0]  }
0x1df: {  	[tilespmem:s13+$0x6150] =	vst v58;
	v58 =	vsel vm14, v26, v59;
	v59 =	vld [tilespmem:s13+$0x61F0]  }
0x1e0: {  	s0 =	sshra.s32 s0, $0x2;
	[tilespmem:s13+$0x6160] =	vst v60;
	v60 =	vsel vm14, v27, v61;
	v61 =	vld [tilespmem:s13+$0x6200]  }
0x1e1: {  	[tilespmem:s13+$0x6270] =	vst v55;
	v55 =	vsel vm14, v44, v50;
	v50 =	vld [tilespmem:s0+$0x6010]  }
0x1e2: {  	[tilespmem:s13+$0x6170] =	vst v62;
	v62 =	vsel vm14, v28, v63;
	v63 =	vld [tilespmem:s13+$0x6210]  }
0x1e3: {  	[tilespmem:s13+$0x6190] =	vst v56;
	v56 =	vsel vm14, v30, v57;
	v57 =	vld [tilespmem:s13+$0x6230]  }
0x1e4: {  	[tilespmem:s13+$0x61A0] =	vst v58;
	v58 =	vsel vm14, v31, v59;
	v59 =	vld [tilespmem:s13+$0x6240]  }
0x1e5: {  	[tilespmem:s13+$0x61B0] =	vst v60;
	v60 =	vsel vm14, v32, v61;
	v61 =	vld [tilespmem:s13+$0x6250]  }
0x1e6: {  	[tilespmem:s13+$0x62C0] =	vst v55  }
0x1e7: {  	[tilespmem:s13+$0x61C0] =	vst v62;
	v62 =	vsel vm14, v33, v63;
	v63 =	vld [tilespmem:s13+$0x6260]  }
0x1e8: {  	[tilespmem:s13+$0x61E0] =	vst v56;
	v56 =	vsel vm14, v35, v57;
	v57 =	vld [tilespmem:s13+$0x6280]  }
0x1e9: {  	vm15 =	veq.s32 v48, $0x64;
	[tilespmem:s13+$0x61F0] =	vst v58;
	v58 =	vsel vm14, v36, v59;
	v59 =	vld [tilespmem:s13+$0x6290]  }
0x1ea: {  	v55 =	vsel vm15, v1, v50;
	[tilespmem:s13+$0x6200] =	vst v60;
	v60 =	vsel vm14, v37, v61;
	v61 =	vld [tilespmem:s13+$0x62A0]  }
0x1eb: {  	[tilespmem:s0+$0x6010] =	vst v55  }
0x1ec: {  	[tilespmem:s13+$0x6210] =	vst v62;
	v62 =	vsel vm14, v38, v63;
	v63 =	vld [tilespmem:s13+$0x62B0]  }
0x1ed: {  	[tilespmem:s13+$0x6230] =	vst v56;
	v56 =	vsel vm14, v40, v57;
	v57 =	vld [tilespmem:s13+$0x62D0]  }
0x1ee: {  	[tilespmem:s13+$0x6240] =	vst v58;
	v58 =	vsel vm14, v41, v59;
	v59 =	vld [tilespmem:s13+$0x62E0]  }
0x1ef: {  	[tilespmem:s13+$0x6250] =	vst v60;
	v60 =	vsel vm14, v42, v61;
	v61 =	vld [tilespmem:s13+$0x62F0]  }
0x1f0: {  	[tilespmem:s13+$0x6260] =	vst v62  }
0x1f1: {  	[tilespmem:s13+$0x6280] =	vst v56;
	v62 =	vsel vm14, v43, v63;
	v63 =	vld [tilespmem:s0+$0x6000]  }
0x1f2: {  	[tilespmem:s13+$0x6290] =	vst v58;
	v56 =	vsel vm14, v45, v57;
	v57 =	vld [tilespmem:s0+$0x6020]  }
0x1f3: {  	[tilespmem:s13+$0x62A0] =	vst v60;
	v58 =	vsel vm14, v46, v59;
	v59 =	vld [tilespmem:s0+$0x6030]  }
0x1f4: {  	v60 =	vsel vm14, v47, v61;
	v61 =	vld [tilespmem:s0+$0x6040];
	[tilespmem:s13+$0x62B0] =	vst v62  }
0x1f5: {  	[tilespmem:s13+$0x62D0] =	vst v56;
	v56 =	vld [tilespmem:s0+$0x6060]  }
0x1f6: {  	[tilespmem:s13+$0x62E0] =	vst v58;
	v58 =	vld [tilespmem:s0+$0x6070]  }
0x1f7: {  	[tilespmem:s13+$0x62F0] =	vst v60;
	v62 =	vsel vm15, v0, v63;
	v63 =	vld [tilespmem:s0+$0x6050]  }
0x1f8: {  	v60 =	vld [tilespmem:s0+$0x6080];
	v57 =	vsel vm15, v2, v57;
	[tilespmem:s0+$0x6000] =	vst v62  }
0x1f9: {  	v50 =	vld [tilespmem:s0+$0x60B0];
	v59 =	vsel vm15, v3, v59;
	[tilespmem:s0+$0x6020] =	vst v57  }
0x1fa: {  	v48 =	vsel vm15, v4, v61;
	v61 =	vld [tilespmem:s0+$0x6090];
	[tilespmem:s0+$0x6030] =	vst v59  }
0x1fb: {  	[tilespmem:s0+$0x6040] =	vst v48;
	v55 =	vsel vm15, v6, v56;
	v57 =	vld [tilespmem:s0+$0x60C0]  }
0x1fc: {  	v56 =	vsel vm15, v7, v58;
	[tilespmem:s0+$0x6060] =	vst v55;
	v62 =	vsel vm15, v5, v63;
	v63 =	vld [tilespmem:s0+$0x60A0]  }
0x1fd: {  	v58 =	vsel vm15, v8, v60;
	v59 =	vld [tilespmem:s0+$0x60D0];
	[tilespmem:s0+$0x6070] =	vst v56  }
0x1fe: {  	[tilespmem:s0+$0x6080] =	vst v58;
	v55 =	vsel vm15, v11, v50;
	v50 =	vld [tilespmem:s0+$0x6100]  }
0x1ff: {  	[tilespmem:s0+$0x60B0] =	vst v55;
	v60 =	vsel vm15, v9, v61;
	v61 =	vld [tilespmem:s0+$0x60E0]  }
0x200: {  	[tilespmem:s0+$0x6050] =	vst v62;
	v56 =	vsel vm15, v12, v57;
	v57 =	vld [tilespmem:s0+$0x6110]  }
0x201: {  	[tilespmem:s0+$0x6090] =	vst v60;
	v62 =	vsel vm15, v10, v63;
	v63 =	vld [tilespmem:s0+$0x60F0]  }
0x202: {  	v58 =	vsel vm15, v13, v59;
	v59 =	vld [tilespmem:s0+$0x6120];
	[tilespmem:s0+$0x60C0] =	vst v56  }
0x203: {  	[tilespmem:s0+$0x60D0] =	vst v58;
	v55 =	vsel vm15, v16, v50;
	v50 =	vld [tilespmem:s0+$0x6150]  }
0x204: {  	[tilespmem:s0+$0x6100] =	vst v55;
	v60 =	vsel vm15, v14, v61;
	v61 =	vld [tilespmem:s0+$0x6130]  }
0x205: {  	[tilespmem:s0+$0x60A0] =	vst v62;
	v56 =	vsel vm15, v17, v57;
	v57 =	vld [tilespmem:s0+$0x6160]  }
0x206: {  	[tilespmem:s0+$0x60E0] =	vst v60;
	v62 =	vsel vm15, v15, v63;
	v63 =	vld [tilespmem:s0+$0x6140]  }
0x207: {  	v58 =	vsel vm15, v18, v59;
	v59 =	vld [tilespmem:s0+$0x6170];
	[tilespmem:s0+$0x6110] =	vst v56  }
0x208: {  	[tilespmem:s0+$0x6120] =	vst v58;
	v55 =	vsel vm15, v21, v50;
	v50 =	vld [tilespmem:s0+$0x61A0]  }
0x209: {  	[tilespmem:s0+$0x6150] =	vst v55;
	v60 =	vsel vm15, v19, v61;
	v61 =	vld [tilespmem:s0+$0x6180]  }
0x20a: {  	[tilespmem:s0+$0x60F0] =	vst v62;
	v56 =	vsel vm15, v22, v57;
	v57 =	vld [tilespmem:s0+$0x61B0]  }
0x20b: {  	[tilespmem:s0+$0x6130] =	vst v60;
	v62 =	vsel vm15, v20, v63;
	v63 =	vld [tilespmem:s0+$0x6190]  }
0x20c: {  	v58 =	vsel vm15, v23, v59;
	v59 =	vld [tilespmem:s0+$0x61C0];
	[tilespmem:s0+$0x6160] =	vst v56  }
0x20d: {  	[tilespmem:s0+$0x6170] =	vst v58;
	v55 =	vsel vm15, v26, v50;
	v50 =	vld [tilespmem:s0+$0x61F0]  }
0x20e: {  	[tilespmem:s0+$0x61A0] =	vst v55;
	v60 =	vsel vm15, v24, v61;
	v61 =	vld [tilespmem:s0+$0x61D0]  }
0x20f: {  	[tilespmem:s0+$0x6140] =	vst v62;
	v56 =	vsel vm15, v27, v57;
	v57 =	vld [tilespmem:s0+$0x6200]  }
0x210: {  	[tilespmem:s0+$0x6180] =	vst v60;
	v62 =	vsel vm15, v25, v63;
	v63 =	vld [tilespmem:s0+$0x61E0]  }
0x211: {  	v58 =	vsel vm15, v28, v59;
	v59 =	vld [tilespmem:s0+$0x6210];
	[tilespmem:s0+$0x61B0] =	vst v56  }
0x212: {  	[tilespmem:s0+$0x61C0] =	vst v58;
	v55 =	vsel vm15, v31, v50;
	v50 =	vld [tilespmem:s0+$0x6240]  }
0x213: {  	[tilespmem:s0+$0x61F0] =	vst v55;
	v60 =	vsel vm15, v29, v61;
	v61 =	vld [tilespmem:s0+$0x6220]  }
0x214: {  	[tilespmem:s0+$0x6190] =	vst v62;
	v56 =	vsel vm15, v32, v57;
	v57 =	vld [tilespmem:s0+$0x6250]  }
0x215: {  	[tilespmem:s0+$0x61D0] =	vst v60;
	v62 =	vsel vm15, v30, v63;
	v63 =	vld [tilespmem:s0+$0x6230]  }
0x216: {  	v58 =	vsel vm15, v33, v59;
	v59 =	vld [tilespmem:s0+$0x6260];
	[tilespmem:s0+$0x6200] =	vst v56  }
0x217: {  	[tilespmem:s0+$0x6210] =	vst v58;
	v55 =	vsel vm15, v36, v50;
	v50 =	vld [tilespmem:s0+$0x6290]  }
0x218: {  	[tilespmem:s0+$0x6240] =	vst v55;
	v60 =	vsel vm15, v34, v61;
	v61 =	vld [tilespmem:s0+$0x6270]  }
0x219: {  	[tilespmem:s0+$0x61E0] =	vst v62;
	v56 =	vsel vm15, v37, v57;
	v57 =	vld [tilespmem:s0+$0x62A0]  }
0x21a: {  	[tilespmem:s0+$0x6220] =	vst v60;
	v62 =	vsel vm15, v35, v63;
	v63 =	vld [tilespmem:s0+$0x6280]  }
0x21b: {  	v58 =	vsel vm15, v38, v59;
	v59 =	vld [tilespmem:s0+$0x62B0];
	[tilespmem:s0+$0x6250] =	vst v56  }
0x21c: {  	[tilespmem:s0+$0x6260] =	vst v58;
	v55 =	vsel vm15, v41, v50  }
0x21d: {  	[tilespmem:s0+$0x6290] =	vst v55;
	v60 =	vsel vm15, v39, v61;
	v61 =	vld [tilespmem:s0+$0x62C0]  }
0x21e: {  	v56 =	vld [tilespmem:s0+$0x62E0];
	[tilespmem:s0+$0x6230] =	vst v62  }
0x21f: {  	[tilespmem:s0+$0x6270] =	vst v60;
	v57 =	vsel vm15, v42, v57;
	v62 =	vsel vm15, v40, v63;
	v63 =	vld [tilespmem:s0+$0x62D0]  }
0x220: {  	v58 =	vld [tilespmem:s0+$0x62F0];
	v59 =	vsel vm15, v43, v59;
	[tilespmem:s0+$0x62A0] =	vst v57  }
0x221: {  	p0 =	slt.u32 s1, $0xC;
	[tilespmem:s0+$0x62B0] =	vst v59  }
.Ltmp9:
0x222: {  	v60 =	vsel vm15, v44, v61;
	[tilespmem:s0+$0x6280] =	vst v62;
	(pc) =	sbr.rel @p0 .LBB2_11-.Ltmp9, $4  }
0x223: {  	[tilespmem:s0+$0x62C0] =	vst v60;
	v62 =	vsel vm15, v46, v56  }
0x224: {  	[tilespmem:s0+$0x62E0] =	vst v62;
	v61 =	vsel vm15, v45, v63  }
0x225: {  	s15 =	sadd.s32 $0x4, s1;
	v63 =	vsel vm15, v47, v58;
	[tilespmem:s0+$0x62D0] =	vst v61  }
0x226: {  	s1 =	smov.u32 s15;
	[tilespmem:s0+$0x62F0] =	vst v63  }
.Ltmp10:
0x227: {  	(pc) =	sbr.rel .LBB2_17-.Ltmp10, $4  }
0x228: {  	_ = 	snop  }
0x229: {  	s0 =	sshrl.u32 s30, $0x3  }
0x22a: {  	s0 =	sadd.s32 s6, s0  }
0x22b: {  	[hbm4b:s0+s3] =	stream.linear.scatter [tilespmem:s17], [sflag:$0x7], $0x3000, $0x38;
	[tilespmem:$0x15D00] =	vst v63  }
.LBB2_7:
0x22c: {  	p0 =	sgt.u32 s29, $0x96  }
0x22d: {  	_ =	swait.ge [sflag:s19], $0x3000;
	p1 =	seq.s32 @!p0 s29, $0x0  }
0x22e: {  	[sflag:s19] =	ssyncset.done $0x0;
	p1 =	por p1, p0  }
0x22f: {  	[sflag:s19] =	ssyncadd.s32 $0xFFFFD000;
	s1 =	simm.s32 @!p1 $0x5  }
0x230: {  	s0 =	sadd.s32 @!p0 s0, s11;
	_ =	swait.ge @!p1 [sflag:s1], $0x3000  }
0x231: {  	s0 =	sshrl.u32 @!p0 s0, $0x3;
	[sflag:s1] =	ssyncset.done @!p1 $0x0  }
0x232: {  	s0 =	sadd.s32 @!p0 s2, s0;
	[sflag:s1] =	ssyncadd.s32 @!p1 $0xFFFFD000;
	s1 =	simm.s32 @!p0 $0x0  }
0x233: {  	[tilespmem:s1], [sflag:$0x1] =	stream.linear.gather @!p0 [hbm4b:s0+s1], $0x3000, $0x38;
	[tilespmem:$0x15D00] =	vst v63  }
0x234: {  	s31 =	sshll.u32 s29, $0x4;
	s1 =	simm.s32 $0x0  }
.LBB2_8:
0x235: {  	s0 =	sadd.s32 s31, s1;
	s15 =	sor.u32 $0x1, s1;
	s13 =	sor.u32 $0x2, s1  }
0x236: {  	s0 =	sshll.u32 s0, $0x4;
	s8 =	sadd.s32 s31, s15;
	s9 =	sadd.s32 s31, s13  }
0x237: {  	s5 =	sand.u32 $0x3FFFFFF0, s0;
	s8 =	sshll.u32 s8, $0x4;
	s0 =	sor.u32 $0x3, s1  }
0x238: {  	v51 =	vld [tilespmem:s5+$0xC000];
	s5 =	sand.u32 $0x3FFFFFF0, s8;
	s8 =	sshll.u32 s9, $0x4;
	s9 =	sadd.s32 s31, s0  }
0x239: {  	v50 =	vld [tilespmem:s5+$0xC000];
	s5 =	smul.u32 $0xC00, s1;
	s8 =	sand.u32 $0x3FFFFFF0, s8;
	s9 =	sshll.u32 s9, $0x4  }
0x23a: {  	v49 =	vld [tilespmem:s8+$0xC000];
	s9 =	sand.u32 $0x3FFFFFF0, s9  }
0x23b: {  	v48 =	vld [tilespmem:s9+$0xC000];
	s5 =	sshra.s32 s5, $0x2  }
0x23c: {  	v52 =	vld [tilespmem:s5+$0x3000]  }
0x23d: {  	v53 =	vld [tilespmem:s5+$0x3010]  }
0x23e: {  	v54 =	vld [tilespmem:s5+$0x3020]  }
0x23f: {  	v55 =	vld [tilespmem:s5+$0x3030]  }
0x240: {  	v63 =	vld [tilespmem:s5+$0x3040]  }
0x241: {  	s9 =	smul.u32 $0xC00, s15;
	v56 =	vld [tilespmem:s5+$0x3050]  }
0x242: {  	s13 =	smul.u32 $0xC00, s13;
	v60 =	vld [tilespmem:s5+$0x3080]  }
0x243: {  	v61 =	vld [tilespmem:s5+$0x3090];
	s15 =	sshra.s32 s9, $0x2  }
0x244: {  	s13 =	sshra.s32 s13, $0x2;
	vm0 =	veq.s32 v51, $0x64;
	vm13 =	veq.s32 v50, $0x64;
	v50 =	vld [tilespmem:s15+$0x3040]  }
0x245: {  	vm14 =	veq.s32 v49, $0x64;
	v49 =	vld [tilespmem:s13+$0x3040];
	v52 =	vsel vm0, v0, v52  }
0x246: {  	v57 =	vsel vm0, v1, v53;
	v53 =	vld [tilespmem:s5+$0x3060];
	[tilespmem:s5+$0x3000] =	vst v52  }
0x247: {  	v58 =	vsel vm0, v2, v54;
	v54 =	vld [tilespmem:s5+$0x3070];
	[tilespmem:s5+$0x3010] =	vst v57  }
0x248: {  	v59 =	vsel vm0, v3, v55;
	v51 =	vsel vm0, v4, v63;
	v63 =	vld [tilespmem:s5+$0x30A0];
	[tilespmem:s5+$0x3020] =	vst v58  }
0x249: {  	v55 =	vld [tilespmem:s5+$0x30D0];
	[tilespmem:s5+$0x3030] =	vst v59  }
0x24a: {  	v62 =	vsel vm0, v5, v56;
	[tilespmem:s5+$0x3040] =	vst v51;
	v59 =	vsel vm0, v8, v60;
	v60 =	vsel vm0, v9, v61;
	v61 =	vld [tilespmem:s5+$0x30E0]  }
0x24b: {  	[tilespmem:s5+$0x3050] =	vst v62;
	v52 =	vld [tilespmem:s15+$0x30B0]  }
0x24c: {  	v51 =	vld [tilespmem:s15+$0x3180];
	[tilespmem:s5+$0x3080] =	vst v59;
	v50 =	vsel vm13, v4, v50  }
0x24d: {  	[tilespmem:s15+$0x3040] =	vst v50;
	v50 =	vld [tilespmem:s13+$0x3090]  }
0x24e: {  	[tilespmem:s5+$0x3090] =	vst v60;
	v49 =	vsel vm14, v4, v49;
	v57 =	vsel vm0, v6, v53;
	v53 =	vld [tilespmem:s5+$0x30B0]  }
0x24f: {  	[tilespmem:s13+$0x3040] =	vst v49;
	v58 =	vsel vm0, v7, v54;
	v54 =	vld [tilespmem:s5+$0x30C0]  }
0x250: {  	v62 =	vsel vm0, v10, v63;
	v63 =	vld [tilespmem:s5+$0x30F0];
	[tilespmem:s5+$0x3060] =	vst v57  }
0x251: {  	v59 =	vsel vm0, v13, v55;
	v55 =	vld [tilespmem:s5+$0x3120];
	[tilespmem:s5+$0x3070] =	vst v58  }
0x252: {  	[tilespmem:s5+$0x30A0] =	vst v62;
	v60 =	vsel vm0, v14, v61;
	v61 =	vld [tilespmem:s5+$0x3130]  }
0x253: {  	[tilespmem:s5+$0x30D0] =	vst v59;
	v56 =	vsel vm13, v11, v52;
	v52 =	vld [tilespmem:s15+$0x3100]  }
0x254: {  	[tilespmem:s5+$0x30E0] =	vst v60;
	v57 =	vsel vm0, v11, v53;
	v53 =	vld [tilespmem:s5+$0x3100]  }
0x255: {  	[tilespmem:s15+$0x30B0] =	vst v56;
	v58 =	vsel vm0, v12, v54;
	v54 =	vld [tilespmem:s5+$0x3110]  }
0x256: {  	v62 =	vsel vm0, v15, v63;
	v63 =	vld [tilespmem:s5+$0x3140];
	[tilespmem:s5+$0x30B0] =	vst v57  }
0x257: {  	v59 =	vsel vm0, v18, v55;
	v55 =	vld [tilespmem:s5+$0x3170];
	[tilespmem:s5+$0x30C0] =	vst v58  }
0x258: {  	[tilespmem:s5+$0x30F0] =	vst v62;
	v60 =	vsel vm0, v19, v61;
	v61 =	vld [tilespmem:s5+$0x3180]  }
0x259: {  	[tilespmem:s5+$0x3120] =	vst v59;
	v57 =	vsel vm0, v16, v53;
	v53 =	vld [tilespmem:s5+$0x3150]  }
0x25a: {  	v56 =	vsel vm13, v16, v52;
	[tilespmem:s5+$0x3130] =	vst v60;
	v58 =	vsel vm0, v17, v54;
	v54 =	vld [tilespmem:s5+$0x3160]  }
0x25b: {  	[tilespmem:s15+$0x3100] =	vst v56;
	v62 =	vsel vm0, v20, v63;
	v63 =	vld [tilespmem:s5+$0x3190]  }
0x25c: {  	v59 =	vsel vm0, v23, v55;
	v55 =	vld [tilespmem:s5+$0x31C0];
	[tilespmem:s5+$0x3100] =	vst v57  }
0x25d: {  	[tilespmem:s5+$0x3110] =	vst v58;
	v60 =	vsel vm0, v24, v61;
	v61 =	vld [tilespmem:s5+$0x31D0]  }
0x25e: {  	[tilespmem:s5+$0x3140] =	vst v62;
	v57 =	vsel vm0, v21, v53;
	v53 =	vld [tilespmem:s5+$0x31A0]  }
0x25f: {  	[tilespmem:s5+$0x3170] =	vst v59;
	v58 =	vsel vm0, v22, v54;
	v54 =	vld [tilespmem:s5+$0x31B0]  }
0x260: {  	[tilespmem:s5+$0x3180] =	vst v60;
	v62 =	vsel vm0, v25, v63;
	v63 =	vld [tilespmem:s5+$0x31E0]  }
0x261: {  	v59 =	vsel vm0, v28, v55;
	v55 =	vld [tilespmem:s5+$0x3210];
	[tilespmem:s5+$0x3150] =	vst v57  }
0x262: {  	[tilespmem:s5+$0x3160] =	vst v58;
	v60 =	vsel vm0, v29, v61;
	v61 =	vld [tilespmem:s5+$0x3220]  }
0x263: {  	[tilespmem:s5+$0x3190] =	vst v62;
	v57 =	vsel vm0, v26, v53;
	v53 =	vld [tilespmem:s5+$0x31F0]  }
0x264: {  	[tilespmem:s5+$0x31C0] =	vst v59;
	v58 =	vsel vm0, v27, v54;
	v54 =	vld [tilespmem:s5+$0x3200]  }
0x265: {  	[tilespmem:s5+$0x31D0] =	vst v60;
	v62 =	vsel vm0, v30, v63;
	v63 =	vld [tilespmem:s5+$0x3230]  }
0x266: {  	v59 =	vsel vm0, v33, v55;
	v55 =	vld [tilespmem:s5+$0x3260];
	[tilespmem:s5+$0x31A0] =	vst v57  }
0x267: {  	[tilespmem:s5+$0x31B0] =	vst v58;
	v60 =	vsel vm0, v34, v61;
	v61 =	vld [tilespmem:s5+$0x3270]  }
0x268: {  	[tilespmem:s5+$0x31E0] =	vst v62;
	v57 =	vsel vm0, v31, v53;
	v53 =	vld [tilespmem:s5+$0x3240]  }
0x269: {  	[tilespmem:s5+$0x3210] =	vst v59;
	v58 =	vsel vm0, v32, v54;
	v54 =	vld [tilespmem:s5+$0x3250]  }
0x26a: {  	[tilespmem:s5+$0x3220] =	vst v60;
	v62 =	vsel vm0, v35, v63;
	v63 =	vld [tilespmem:s5+$0x3280]  }
0x26b: {  	v59 =	vsel vm0, v38, v55;
	v55 =	vld [tilespmem:s5+$0x32B0];
	[tilespmem:s5+$0x31F0] =	vst v57  }
0x26c: {  	[tilespmem:s5+$0x3200] =	vst v58;
	v60 =	vsel vm0, v39, v61;
	v61 =	vld [tilespmem:s5+$0x32C0]  }
0x26d: {  	[tilespmem:s5+$0x3230] =	vst v62;
	v57 =	vsel vm0, v36, v53;
	v53 =	vld [tilespmem:s5+$0x3290]  }
0x26e: {  	[tilespmem:s5+$0x3260] =	vst v59;
	v58 =	vsel vm0, v37, v54;
	v54 =	vld [tilespmem:s5+$0x32A0]  }
0x26f: {  	[tilespmem:s5+$0x3270] =	vst v60;
	v62 =	vsel vm0, v40, v63;
	v63 =	vld [tilespmem:s5+$0x32D0]  }
0x270: {  	v59 =	vsel vm0, v43, v55;
	v55 =	vld [tilespmem:s15+$0x3000];
	[tilespmem:s5+$0x3240] =	vst v57  }
0x271: {  	[tilespmem:s5+$0x3250] =	vst v58;
	v60 =	vsel vm0, v44, v61;
	v61 =	vld [tilespmem:s15+$0x3010]  }
0x272: {  	[tilespmem:s5+$0x3280] =	vst v62;
	v57 =	vsel vm0, v41, v53;
	v53 =	vld [tilespmem:s5+$0x32E0]  }
0x273: {  	[tilespmem:s5+$0x32B0] =	vst v59;
	v58 =	vsel vm0, v42, v54;
	v54 =	vld [tilespmem:s5+$0x32F0]  }
0x274: {  	[tilespmem:s5+$0x32C0] =	vst v60;
	v62 =	vsel vm0, v45, v63;
	v63 =	vld [tilespmem:s15+$0x3020]  }
0x275: {  	v60 =	vsel vm13, v0, v55;
	v55 =	vld [tilespmem:s15+$0x32F0];
	[tilespmem:s5+$0x3290] =	vst v57  }
0x276: {  	[tilespmem:s5+$0x32A0] =	vst v58;
	v58 =	vld [tilespmem:s15+$0x3030]  }
0x277: {  	[tilespmem:s5+$0x32D0] =	vst v62;
	v62 =	vld [tilespmem:s15+$0x3060]  }
0x278: {  	[tilespmem:s15+$0x3000] =	vst v60;
	v57 =	vsel vm0, v46, v53;
	v59 =	vsel vm0, v47, v54;
	v54 =	vld [tilespmem:s15+$0x3050]  }
0x279: {  	[tilespmem:s5+$0x32E0] =	vst v57;
	v57 =	vld [tilespmem:s15+$0x3070]  }
0x27a: {  	v61 =	vsel vm13, v1, v61;
	[tilespmem:s5+$0x32F0] =	vst v59;
	v59 =	vld [tilespmem:s15+$0x3080]  }
0x27b: {  	v60 =	vld [tilespmem:s15+$0x3090];
	[tilespmem:s15+$0x3010] =	vst v61;
	v55 =	vsel vm13, v47, v55  }
0x27c: {  	v63 =	vsel vm13, v2, v63;
	[tilespmem:s15+$0x32F0] =	vst v55;
	v55 =	vsel vm14, v9, v50;
	v50 =	vld [tilespmem:s13+$0x30E0]  }
0x27d: {  	[tilespmem:s15+$0x3020] =	vst v63;
	v58 =	vsel vm13, v3, v58;
	v61 =	vsel vm13, v5, v54;
	v54 =	vld [tilespmem:s15+$0x30A0]  }
0x27e: {  	v62 =	vsel vm13, v6, v62;
	[tilespmem:s15+$0x3030] =	vst v58;
	v63 =	vsel vm13, v7, v57;
	v57 =	vld [tilespmem:s15+$0x30C0]  }
0x27f: {  	[tilespmem:s15+$0x3060] =	vst v62;
	v58 =	vsel vm13, v8, v59;
	v59 =	vld [tilespmem:s15+$0x30D0]  }
0x280: {  	[tilespmem:s15+$0x3050] =	vst v61;
	v61 =	vld [tilespmem:s15+$0x30E0]  }
0x281: {  	v60 =	vsel vm13, v9, v60;
	[tilespmem:s15+$0x3070] =	vst v63;
	v63 =	vld [tilespmem:s15+$0x30F0]  }
0x282: {  	v53 =	vld [tilespmem:s15+$0x3120];
	[tilespmem:s15+$0x3090] =	vst v60  }
0x283: {  	[tilespmem:s13+$0x3090] =	vst v55;
	v55 =	vsel vm14, v14, v50;
	v50 =	vld [tilespmem:s13+$0x3130]  }
0x284: {  	[tilespmem:s15+$0x3080] =	vst v58;
	v58 =	vld [tilespmem:s15+$0x3110];
	v62 =	vsel vm13, v10, v54  }
0x285: {  	[tilespmem:s15+$0x30A0] =	vst v62;
	v57 =	vsel vm13, v12, v57;
	v60 =	vsel vm13, v14, v61;
	v61 =	vld [tilespmem:s15+$0x3130]  }
0x286: {  	v59 =	vsel vm13, v13, v59;
	[tilespmem:s15+$0x30C0] =	vst v57;
	v62 =	vsel vm13, v15, v63;
	v63 =	vld [tilespmem:s15+$0x3140]  }
0x287: {  	[tilespmem:s15+$0x30D0] =	vst v59;
	v57 =	vld [tilespmem:s15+$0x3150]  }
0x288: {  	[tilespmem:s15+$0x30E0] =	vst v60;
	v60 =	vsel vm13, v18, v53;
	v53 =	vld [tilespmem:s15+$0x3170]  }
0x289: {  	v58 =	vsel vm13, v17, v58;
	v59 =	vld [tilespmem:s15+$0x3160];
	[tilespmem:s15+$0x30F0] =	vst v62  }
0x28a: {  	[tilespmem:s15+$0x3110] =	vst v58;
	v58 =	vld [tilespmem:s15+$0x31A0]  }
0x28b: {  	[tilespmem:s15+$0x3120] =	vst v60;
	v60 =	vld [tilespmem:s15+$0x31B0];
	v61 =	vsel vm13, v19, v61  }
0x28c: {  	[tilespmem:s15+$0x3130] =	vst v61;
	v62 =	vsel vm13, v20, v63;
	v63 =	vld [tilespmem:s15+$0x3190]  }
0x28d: {  	v57 =	vsel vm13, v21, v57;
	v61 =	vsel vm13, v23, v53;
	v53 =	vld [tilespmem:s15+$0x31C0];
	[tilespmem:s15+$0x3140] =	vst v62  }
0x28e: {  	v59 =	vsel vm13, v22, v59;
	[tilespmem:s15+$0x3150] =	vst v57;
	v62 =	vsel vm13, v24, v51;
	v51 =	vld [tilespmem:s15+$0x31D0]  }
0x28f: {  	[tilespmem:s15+$0x3160] =	vst v59;
	v57 =	vld [tilespmem:s15+$0x31E0]  }
0x290: {  	[tilespmem:s15+$0x3170] =	vst v61;
	v59 =	vld [tilespmem:s15+$0x31F0]  }
0x291: {  	v58 =	vsel vm13, v26, v58;
	v61 =	vld [tilespmem:s15+$0x3200];
	[tilespmem:s15+$0x3180] =	vst v62  }
0x292: {  	v60 =	vsel vm13, v27, v60;
	[tilespmem:s15+$0x31A0] =	vst v58;
	v58 =	vld [tilespmem:s15+$0x3230]  }
0x293: {  	[tilespmem:s15+$0x31B0] =	vst v60;
	v60 =	vld [tilespmem:s15+$0x3240];
	v63 =	vsel vm13, v25, v63  }
0x294: {  	v62 =	vsel vm13, v28, v53;
	v53 =	vld [tilespmem:s15+$0x3260];
	[tilespmem:s15+$0x3190] =	vst v63  }
0x295: {  	v63 =	vld [tilespmem:s15+$0x3210];
	[tilespmem:s15+$0x31C0] =	vst v62;
	v56 =	vsel vm13, v29, v51  }
0x296: {  	v51 =	vld [tilespmem:s15+$0x3220];
	v57 =	vsel vm13, v30, v57;
	[tilespmem:s15+$0x31D0] =	vst v56  }
0x297: {  	v59 =	vsel vm13, v31, v59;
	v62 =	vld [tilespmem:s15+$0x3250];
	[tilespmem:s15+$0x31E0] =	vst v57  }
0x298: {  	v61 =	vsel vm13, v32, v61;
	[tilespmem:s15+$0x31F0] =	vst v59;
	v57 =	vld [tilespmem:s15+$0x3270]  }
0x299: {  	[tilespmem:s15+$0x3200] =	vst v61;
	v58 =	vsel vm13, v35, v58;
	v59 =	vld [tilespmem:s15+$0x3280]  }
0x29a: {  	v60 =	vsel vm13, v36, v60;
	v61 =	vld [tilespmem:s15+$0x3290];
	[tilespmem:s15+$0x3230] =	vst v58  }
0x29b: {  	[tilespmem:s15+$0x3240] =	vst v60;
	v58 =	vld [tilespmem:s15+$0x32C0];
	v63 =	vsel vm13, v33, v63  }
0x29c: {  	v60 =	vld [tilespmem:s15+$0x32D0];
	v56 =	vsel vm13, v34, v51;
	[tilespmem:s15+$0x3210] =	vst v63  }
0x29d: {  	v62 =	vsel vm13, v37, v62;
	[tilespmem:s15+$0x3220] =	vst v56;
	v63 =	vld [tilespmem:s15+$0x32A0]  }
0x29e: {  	[tilespmem:s15+$0x3250] =	vst v62;
	v56 =	vsel vm13, v38, v53;
	v53 =	vld [tilespmem:s15+$0x32B0];
	v57 =	vsel vm13, v39, v57  }
0x29f: {  	v59 =	vsel vm13, v40, v59;
	[tilespmem:s15+$0x3270] =	vst v57;
	v57 =	vld [tilespmem:s13+$0x3000]  }
0x2a0: {  	v61 =	vsel vm13, v41, v61;
	[tilespmem:s15+$0x3280] =	vst v59;
	v59 =	vld [tilespmem:s13+$0x3010]  }
0x2a1: {  	[tilespmem:s15+$0x3290] =	vst v61;
	v61 =	vld [tilespmem:s13+$0x3020]  }
0x2a2: {  	v62 =	vld [tilespmem:s15+$0x32E0];
	[tilespmem:s15+$0x3260] =	vst v56;
	v63 =	vsel vm13, v42, v63  }
0x2a3: {  	v56 =	vsel vm13, v43, v53;
	[tilespmem:s15+$0x32A0] =	vst v63;
	v63 =	vld [tilespmem:s13+$0x3030]  }
0x2a4: {  	v58 =	vsel vm13, v44, v58;
	[tilespmem:s15+$0x32B0] =	vst v56;
	v56 =	vsel vm14, v0, v57;
	v57 =	vld [tilespmem:s13+$0x3050]  }
0x2a5: {  	v60 =	vsel vm13, v45, v60;
	[tilespmem:s15+$0x32C0] =	vst v58;
	v58 =	vsel vm14, v1, v59;
	v59 =	vld [tilespmem:s13+$0x3060]  }
0x2a6: {  	[tilespmem:s15+$0x32D0] =	vst v60;
	v60 =	vsel vm14, v2, v61;
	v61 =	vld [tilespmem:s13+$0x3070]  }
0x2a7: {  	[tilespmem:s13+$0x30E0] =	vst v55;
	v55 =	vsel vm14, v19, v50;
	v50 =	vld [tilespmem:s13+$0x3180];
	v62 =	vsel vm13, v46, v62  }
0x2a8: {  	[tilespmem:s15+$0x32E0] =	vst v62;
	v62 =	vsel vm14, v3, v63;
	v63 =	vld [tilespmem:s13+$0x3080]  }
0x2a9: {  	[tilespmem:s13+$0x3000] =	vst v56;
	v56 =	vsel vm14, v5, v57;
	v57 =	vld [tilespmem:s13+$0x30A0]  }
0x2aa: {  	[tilespmem:s13+$0x3010] =	vst v58;
	v58 =	vsel vm14, v6, v59;
	v59 =	vld [tilespmem:s13+$0x30B0]  }
0x2ab: {  	[tilespmem:s13+$0x3020] =	vst v60;
	v60 =	vsel vm14, v7, v61;
	v61 =	vld [tilespmem:s13+$0x30C0]  }
0x2ac: {  	[tilespmem:s13+$0x3130] =	vst v55;
	v55 =	vsel vm14, v24, v50;
	v50 =	vld [tilespmem:s13+$0x31D0]  }
0x2ad: {  	[tilespmem:s13+$0x3030] =	vst v62;
	v62 =	vsel vm14, v8, v63;
	v63 =	vld [tilespmem:s13+$0x30D0]  }
0x2ae: {  	[tilespmem:s13+$0x3050] =	vst v56;
	v56 =	vsel vm14, v10, v57;
	v57 =	vld [tilespmem:s13+$0x30F0]  }
0x2af: {  	[tilespmem:s13+$0x3060] =	vst v58;
	v58 =	vsel vm14, v11, v59;
	v59 =	vld [tilespmem:s13+$0x3100]  }
0x2b0: {  	[tilespmem:s13+$0x3070] =	vst v60;
	v60 =	vsel vm14, v12, v61;
	v61 =	vld [tilespmem:s13+$0x3110]  }
0x2b1: {  	[tilespmem:s13+$0x3180] =	vst v55;
	v55 =	vsel vm14, v29, v50;
	v50 =	vld [tilespmem:s13+$0x3220]  }
0x2b2: {  	[tilespmem:s13+$0x3080] =	vst v62;
	v62 =	vsel vm14, v13, v63;
	v63 =	vld [tilespmem:s13+$0x3120]  }
0x2b3: {  	[tilespmem:s13+$0x30A0] =	vst v56;
	v56 =	vsel vm14, v15, v57;
	v57 =	vld [tilespmem:s13+$0x3140]  }
0x2b4: {  	[tilespmem:s13+$0x30B0] =	vst v58;
	v58 =	vsel vm14, v16, v59;
	v59 =	vld [tilespmem:s13+$0x3150]  }
0x2b5: {  	[tilespmem:s13+$0x30C0] =	vst v60;
	v60 =	vsel vm14, v17, v61;
	v61 =	vld [tilespmem:s13+$0x3160]  }
0x2b6: {  	[tilespmem:s13+$0x31D0] =	vst v55;
	v55 =	vsel vm14, v34, v50;
	v50 =	vld [tilespmem:s13+$0x3270]  }
0x2b7: {  	[tilespmem:s13+$0x30D0] =	vst v62;
	v62 =	vsel vm14, v18, v63;
	v63 =	vld [tilespmem:s13+$0x3170]  }
0x2b8: {  	[tilespmem:s13+$0x30F0] =	vst v56;
	v56 =	vsel vm14, v20, v57;
	v57 =	vld [tilespmem:s13+$0x3190]  }
0x2b9: {  	[tilespmem:s13+$0x3100] =	vst v58;
	v58 =	vsel vm14, v21, v59;
	v59 =	vld [tilespmem:s13+$0x31A0]  }
0x2ba: {  	[tilespmem:s13+$0x3110] =	vst v60;
	v60 =	vsel vm14, v22, v61;
	v61 =	vld [tilespmem:s13+$0x31B0]  }
0x2bb: {  	[tilespmem:s13+$0x3220] =	vst v55;
	v55 =	vsel vm14, v39, v50;
	v50 =	vld [tilespmem:s13+$0x32C0]  }
0x2bc: {  	[tilespmem:s13+$0x3120] =	vst v62;
	v62 =	vsel vm14, v23, v63;
	v63 =	vld [tilespmem:s13+$0x31C0]  }
0x2bd: {  	s0 =	smul.u32 $0xC00, s0;
	[tilespmem:s13+$0x3140] =	vst v56;
	v56 =	vsel vm14, v25, v57;
	v57 =	vld [tilespmem:s13+$0x31E0]  }
0x2be: {  	[tilespmem:s13+$0x3150] =	vst v58;
	v58 =	vsel vm14, v26, v59;
	v59 =	vld [tilespmem:s13+$0x31F0]  }
0x2bf: {  	s0 =	sshra.s32 s0, $0x2;
	[tilespmem:s13+$0x3160] =	vst v60;
	v60 =	vsel vm14, v27, v61;
	v61 =	vld [tilespmem:s13+$0x3200]  }
0x2c0: {  	[tilespmem:s13+$0x3270] =	vst v55;
	v55 =	vsel vm14, v44, v50;
	v50 =	vld [tilespmem:s0+$0x3010]  }
0x2c1: {  	[tilespmem:s13+$0x3170] =	vst v62;
	v62 =	vsel vm14, v28, v63;
	v63 =	vld [tilespmem:s13+$0x3210]  }
0x2c2: {  	[tilespmem:s13+$0x3190] =	vst v56;
	v56 =	vsel vm14, v30, v57;
	v57 =	vld [tilespmem:s13+$0x3230]  }
0x2c3: {  	[tilespmem:s13+$0x31A0] =	vst v58;
	v58 =	vsel vm14, v31, v59;
	v59 =	vld [tilespmem:s13+$0x3240]  }
0x2c4: {  	[tilespmem:s13+$0x31B0] =	vst v60;
	v60 =	vsel vm14, v32, v61;
	v61 =	vld [tilespmem:s13+$0x3250]  }
0x2c5: {  	[tilespmem:s13+$0x32C0] =	vst v55  }
0x2c6: {  	[tilespmem:s13+$0x31C0] =	vst v62;
	v62 =	vsel vm14, v33, v63;
	v63 =	vld [tilespmem:s13+$0x3260]  }
0x2c7: {  	[tilespmem:s13+$0x31E0] =	vst v56;
	v56 =	vsel vm14, v35, v57;
	v57 =	vld [tilespmem:s13+$0x3280]  }
0x2c8: {  	vm15 =	veq.s32 v48, $0x64;
	[tilespmem:s13+$0x31F0] =	vst v58;
	v58 =	vsel vm14, v36, v59;
	v59 =	vld [tilespmem:s13+$0x3290]  }
0x2c9: {  	v55 =	vsel vm15, v1, v50;
	[tilespmem:s13+$0x3200] =	vst v60;
	v60 =	vsel vm14, v37, v61;
	v61 =	vld [tilespmem:s13+$0x32A0]  }
0x2ca: {  	[tilespmem:s0+$0x3010] =	vst v55  }
0x2cb: {  	[tilespmem:s13+$0x3210] =	vst v62;
	v62 =	vsel vm14, v38, v63;
	v63 =	vld [tilespmem:s13+$0x32B0]  }
0x2cc: {  	[tilespmem:s13+$0x3230] =	vst v56;
	v56 =	vsel vm14, v40, v57;
	v57 =	vld [tilespmem:s13+$0x32D0]  }
0x2cd: {  	[tilespmem:s13+$0x3240] =	vst v58;
	v58 =	vsel vm14, v41, v59;
	v59 =	vld [tilespmem:s13+$0x32E0]  }
0x2ce: {  	[tilespmem:s13+$0x3250] =	vst v60;
	v60 =	vsel vm14, v42, v61;
	v61 =	vld [tilespmem:s13+$0x32F0]  }
0x2cf: {  	[tilespmem:s13+$0x3260] =	vst v62  }
0x2d0: {  	[tilespmem:s13+$0x3280] =	vst v56;
	v62 =	vsel vm14, v43, v63;
	v63 =	vld [tilespmem:s0+$0x3000]  }
0x2d1: {  	[tilespmem:s13+$0x3290] =	vst v58;
	v56 =	vsel vm14, v45, v57;
	v57 =	vld [tilespmem:s0+$0x3020]  }
0x2d2: {  	[tilespmem:s13+$0x32A0] =	vst v60;
	v58 =	vsel vm14, v46, v59;
	v59 =	vld [tilespmem:s0+$0x3030]  }
0x2d3: {  	v60 =	vsel vm14, v47, v61;
	v61 =	vld [tilespmem:s0+$0x3040];
	[tilespmem:s13+$0x32B0] =	vst v62  }
0x2d4: {  	[tilespmem:s13+$0x32D0] =	vst v56;
	v56 =	vld [tilespmem:s0+$0x3060]  }
0x2d5: {  	[tilespmem:s13+$0x32E0] =	vst v58;
	v58 =	vld [tilespmem:s0+$0x3070]  }
0x2d6: {  	[tilespmem:s13+$0x32F0] =	vst v60;
	v62 =	vsel vm15, v0, v63;
	v63 =	vld [tilespmem:s0+$0x3050]  }
0x2d7: {  	v60 =	vld [tilespmem:s0+$0x3080];
	v57 =	vsel vm15, v2, v57;
	[tilespmem:s0+$0x3000] =	vst v62  }
0x2d8: {  	v50 =	vld [tilespmem:s0+$0x30B0];
	v59 =	vsel vm15, v3, v59;
	[tilespmem:s0+$0x3020] =	vst v57  }
0x2d9: {  	v48 =	vsel vm15, v4, v61;
	v61 =	vld [tilespmem:s0+$0x3090];
	[tilespmem:s0+$0x3030] =	vst v59  }
0x2da: {  	[tilespmem:s0+$0x3040] =	vst v48;
	v55 =	vsel vm15, v6, v56;
	v57 =	vld [tilespmem:s0+$0x30C0]  }
0x2db: {  	v56 =	vsel vm15, v7, v58;
	[tilespmem:s0+$0x3060] =	vst v55;
	v62 =	vsel vm15, v5, v63;
	v63 =	vld [tilespmem:s0+$0x30A0]  }
0x2dc: {  	v58 =	vsel vm15, v8, v60;
	v59 =	vld [tilespmem:s0+$0x30D0];
	[tilespmem:s0+$0x3070] =	vst v56  }
0x2dd: {  	[tilespmem:s0+$0x3080] =	vst v58;
	v55 =	vsel vm15, v11, v50;
	v50 =	vld [tilespmem:s0+$0x3100]  }
0x2de: {  	[tilespmem:s0+$0x30B0] =	vst v55;
	v60 =	vsel vm15, v9, v61;
	v61 =	vld [tilespmem:s0+$0x30E0]  }
0x2df: {  	[tilespmem:s0+$0x3050] =	vst v62;
	v56 =	vsel vm15, v12, v57;
	v57 =	vld [tilespmem:s0+$0x3110]  }
0x2e0: {  	[tilespmem:s0+$0x3090] =	vst v60;
	v62 =	vsel vm15, v10, v63;
	v63 =	vld [tilespmem:s0+$0x30F0]  }
0x2e1: {  	v58 =	vsel vm15, v13, v59;
	v59 =	vld [tilespmem:s0+$0x3120];
	[tilespmem:s0+$0x30C0] =	vst v56  }
0x2e2: {  	[tilespmem:s0+$0x30D0] =	vst v58;
	v55 =	vsel vm15, v16, v50;
	v50 =	vld [tilespmem:s0+$0x3150]  }
0x2e3: {  	[tilespmem:s0+$0x3100] =	vst v55;
	v60 =	vsel vm15, v14, v61;
	v61 =	vld [tilespmem:s0+$0x3130]  }
0x2e4: {  	[tilespmem:s0+$0x30A0] =	vst v62;
	v56 =	vsel vm15, v17, v57;
	v57 =	vld [tilespmem:s0+$0x3160]  }
0x2e5: {  	[tilespmem:s0+$0x30E0] =	vst v60;
	v62 =	vsel vm15, v15, v63;
	v63 =	vld [tilespmem:s0+$0x3140]  }
0x2e6: {  	v58 =	vsel vm15, v18, v59;
	v59 =	vld [tilespmem:s0+$0x3170];
	[tilespmem:s0+$0x3110] =	vst v56  }
0x2e7: {  	[tilespmem:s0+$0x3120] =	vst v58;
	v55 =	vsel vm15, v21, v50;
	v50 =	vld [tilespmem:s0+$0x31A0]  }
0x2e8: {  	[tilespmem:s0+$0x3150] =	vst v55;
	v60 =	vsel vm15, v19, v61;
	v61 =	vld [tilespmem:s0+$0x3180]  }
0x2e9: {  	[tilespmem:s0+$0x30F0] =	vst v62;
	v56 =	vsel vm15, v22, v57;
	v57 =	vld [tilespmem:s0+$0x31B0]  }
0x2ea: {  	[tilespmem:s0+$0x3130] =	vst v60;
	v62 =	vsel vm15, v20, v63;
	v63 =	vld [tilespmem:s0+$0x3190]  }
0x2eb: {  	v58 =	vsel vm15, v23, v59;
	v59 =	vld [tilespmem:s0+$0x31C0];
	[tilespmem:s0+$0x3160] =	vst v56  }
0x2ec: {  	[tilespmem:s0+$0x3170] =	vst v58;
	v55 =	vsel vm15, v26, v50;
	v50 =	vld [tilespmem:s0+$0x31F0]  }
0x2ed: {  	[tilespmem:s0+$0x31A0] =	vst v55;
	v60 =	vsel vm15, v24, v61;
	v61 =	vld [tilespmem:s0+$0x31D0]  }
0x2ee: {  	[tilespmem:s0+$0x3140] =	vst v62;
	v56 =	vsel vm15, v27, v57;
	v57 =	vld [tilespmem:s0+$0x3200]  }
0x2ef: {  	[tilespmem:s0+$0x3180] =	vst v60;
	v62 =	vsel vm15, v25, v63;
	v63 =	vld [tilespmem:s0+$0x31E0]  }
0x2f0: {  	v58 =	vsel vm15, v28, v59;
	v59 =	vld [tilespmem:s0+$0x3210];
	[tilespmem:s0+$0x31B0] =	vst v56  }
0x2f1: {  	[tilespmem:s0+$0x31C0] =	vst v58;
	v55 =	vsel vm15, v31, v50;
	v50 =	vld [tilespmem:s0+$0x3240]  }
0x2f2: {  	[tilespmem:s0+$0x31F0] =	vst v55;
	v60 =	vsel vm15, v29, v61;
	v61 =	vld [tilespmem:s0+$0x3220]  }
0x2f3: {  	[tilespmem:s0+$0x3190] =	vst v62;
	v56 =	vsel vm15, v32, v57;
	v57 =	vld [tilespmem:s0+$0x3250]  }
0x2f4: {  	[tilespmem:s0+$0x31D0] =	vst v60;
	v62 =	vsel vm15, v30, v63;
	v63 =	vld [tilespmem:s0+$0x3230]  }
0x2f5: {  	v58 =	vsel vm15, v33, v59;
	v59 =	vld [tilespmem:s0+$0x3260];
	[tilespmem:s0+$0x3200] =	vst v56  }
0x2f6: {  	[tilespmem:s0+$0x3210] =	vst v58;
	v55 =	vsel vm15, v36, v50;
	v50 =	vld [tilespmem:s0+$0x3290]  }
0x2f7: {  	[tilespmem:s0+$0x3240] =	vst v55;
	v60 =	vsel vm15, v34, v61;
	v61 =	vld [tilespmem:s0+$0x3270]  }
0x2f8: {  	[tilespmem:s0+$0x31E0] =	vst v62;
	v56 =	vsel vm15, v37, v57;
	v57 =	vld [tilespmem:s0+$0x32A0]  }
0x2f9: {  	[tilespmem:s0+$0x3220] =	vst v60;
	v62 =	vsel vm15, v35, v63;
	v63 =	vld [tilespmem:s0+$0x3280]  }
0x2fa: {  	v58 =	vsel vm15, v38, v59;
	v59 =	vld [tilespmem:s0+$0x32B0];
	[tilespmem:s0+$0x3250] =	vst v56  }
0x2fb: {  	[tilespmem:s0+$0x3260] =	vst v58;
	v55 =	vsel vm15, v41, v50  }
0x2fc: {  	[tilespmem:s0+$0x3290] =	vst v55;
	v60 =	vsel vm15, v39, v61;
	v61 =	vld [tilespmem:s0+$0x32C0]  }
0x2fd: {  	v56 =	vld [tilespmem:s0+$0x32E0];
	[tilespmem:s0+$0x3230] =	vst v62  }
0x2fe: {  	[tilespmem:s0+$0x3270] =	vst v60;
	v57 =	vsel vm15, v42, v57;
	v62 =	vsel vm15, v40, v63;
	v63 =	vld [tilespmem:s0+$0x32D0]  }
0x2ff: {  	v58 =	vld [tilespmem:s0+$0x32F0];
	v59 =	vsel vm15, v43, v59;
	[tilespmem:s0+$0x32A0] =	vst v57  }
0x300: {  	p0 =	slt.u32 s1, $0xC;
	[tilespmem:s0+$0x32B0] =	vst v59  }
.Ltmp11:
0x301: {  	v60 =	vsel vm15, v44, v61;
	[tilespmem:s0+$0x3280] =	vst v62;
	(pc) =	sbr.rel @p0 .LBB2_8-.Ltmp11, $4  }
0x302: {  	[tilespmem:s0+$0x32C0] =	vst v60;
	v62 =	vsel vm15, v46, v56  }
0x303: {  	[tilespmem:s0+$0x32E0] =	vst v62;
	v61 =	vsel vm15, v45, v63  }
0x304: {  	s15 =	sadd.s32 $0x4, s1;
	v63 =	vsel vm15, v47, v58;
	[tilespmem:s0+$0x32D0] =	vst v61  }
0x305: {  	s1 =	smov.u32 s15;
	[tilespmem:s0+$0x32F0] =	vst v63  }
.Ltmp12:
0x306: {  	(pc) =	sbr.rel .LBB2_17-.Ltmp12, $4  }
0x307: {  	_ = 	snop  }
0x308: {  	s0 =	sshrl.u32 s30, $0x3  }
0x309: {  	s0 =	sadd.s32 s6, s0  }
0x30a: {  	[hbm4b:s0+s3] =	stream.linear.scatter [tilespmem:s16], [sflag:$0x6], $0x3000, $0x38;
	[tilespmem:$0x15D00] =	vst v63  }
.LBB2_14:
0x30b: {  	_ =	swait.ge [sflag:s25], $0x3000  }
0x30c: {  	p1 =	por p1, p0;
	[sflag:s25] =	ssyncset.done $0x0  }
0x30d: {  	s1 =	simm.s32 @!p1 $0x7;
	[sflag:s25] =	ssyncadd.s32 $0xFFFFD000  }
0x30e: {  	_ =	swait.ge @!p1 [sflag:s1], $0x3000  }
0x30f: {  	s0 =	sshrl.u32 @!p0 s0, $0x3;
	s5 =	simm.s32 @!p0 $0x6000;
	[sflag:s1] =	ssyncset.done @!p1 $0x0  }
0x310: {  	s0 =	sadd.s32 @!p0 s2, s0;
	[sflag:s1] =	ssyncadd.s32 @!p1 $0xFFFFD000;
	s1 =	simm.s32 @!p0 $0x0  }
0x311: {  	[tilespmem:s5], [sflag:$0x3] =	stream.linear.gather @!p0 [hbm4b:s0+s1], $0x3000, $0x38;
	[tilespmem:$0x15D00] =	vst v63  }
0x312: {  	s31 =	sshll.u32 s29, $0x4;
	s1 =	simm.s32 $0x0  }
.LBB2_15:
0x313: {  	s0 =	sadd.s32 s31, s1;
	s15 =	sor.u32 $0x1, s1;
	s13 =	sor.u32 $0x2, s1  }
0x314: {  	s0 =	sshll.u32 s0, $0x4;
	s8 =	sadd.s32 s31, s15;
	s9 =	sadd.s32 s31, s13  }
0x315: {  	s5 =	sand.u32 $0x3FFFFFF0, s0;
	s8 =	sshll.u32 s8, $0x4;
	s0 =	sor.u32 $0x3, s1  }
0x316: {  	v51 =	vld [tilespmem:s5+$0xC000];
	s5 =	sand.u32 $0x3FFFFFF0, s8;
	s8 =	sshll.u32 s9, $0x4;
	s9 =	sadd.s32 s31, s0  }
0x317: {  	v50 =	vld [tilespmem:s5+$0xC000];
	s5 =	smul.u32 $0xC00, s1;
	s8 =	sand.u32 $0x3FFFFFF0, s8;
	s9 =	sshll.u32 s9, $0x4  }
0x318: {  	v49 =	vld [tilespmem:s8+$0xC000];
	s9 =	sand.u32 $0x3FFFFFF0, s9  }
0x319: {  	v48 =	vld [tilespmem:s9+$0xC000];
	s5 =	sshra.s32 s5, $0x2  }
0x31a: {  	v52 =	vld [tilespmem:s5+$0x9000]  }
0x31b: {  	v53 =	vld [tilespmem:s5+$0x9010]  }
0x31c: {  	v54 =	vld [tilespmem:s5+$0x9020]  }
0x31d: {  	v55 =	vld [tilespmem:s5+$0x9030]  }
0x31e: {  	v63 =	vld [tilespmem:s5+$0x9040]  }
0x31f: {  	s9 =	smul.u32 $0xC00, s15;
	v56 =	vld [tilespmem:s5+$0x9050]  }
0x320: {  	s13 =	smul.u32 $0xC00, s13;
	v60 =	vld [tilespmem:s5+$0x9080]  }
0x321: {  	v61 =	vld [tilespmem:s5+$0x9090];
	s15 =	sshra.s32 s9, $0x2  }
0x322: {  	s13 =	sshra.s32 s13, $0x2;
	vm0 =	veq.s32 v51, $0x64;
	vm13 =	veq.s32 v50, $0x64;
	v50 =	vld [tilespmem:s15+$0x9040]  }
0x323: {  	vm14 =	veq.s32 v49, $0x64;
	v49 =	vld [tilespmem:s13+$0x9040];
	v52 =	vsel vm0, v0, v52  }
0x324: {  	v57 =	vsel vm0, v1, v53;
	v53 =	vld [tilespmem:s5+$0x9060];
	[tilespmem:s5+$0x9000] =	vst v52  }
0x325: {  	v58 =	vsel vm0, v2, v54;
	v54 =	vld [tilespmem:s5+$0x9070];
	[tilespmem:s5+$0x9010] =	vst v57  }
0x326: {  	v59 =	vsel vm0, v3, v55;
	v51 =	vsel vm0, v4, v63;
	v63 =	vld [tilespmem:s5+$0x90A0];
	[tilespmem:s5+$0x9020] =	vst v58  }
0x327: {  	v55 =	vld [tilespmem:s5+$0x90D0];
	[tilespmem:s5+$0x9030] =	vst v59  }
0x328: {  	v62 =	vsel vm0, v5, v56;
	[tilespmem:s5+$0x9040] =	vst v51;
	v59 =	vsel vm0, v8, v60;
	v60 =	vsel vm0, v9, v61;
	v61 =	vld [tilespmem:s5+$0x90E0]  }
0x329: {  	[tilespmem:s5+$0x9050] =	vst v62;
	v52 =	vld [tilespmem:s15+$0x90B0]  }
0x32a: {  	v51 =	vld [tilespmem:s15+$0x9180];
	[tilespmem:s5+$0x9080] =	vst v59;
	v50 =	vsel vm13, v4, v50  }
0x32b: {  	[tilespmem:s15+$0x9040] =	vst v50;
	v50 =	vld [tilespmem:s13+$0x9090]  }
0x32c: {  	[tilespmem:s5+$0x9090] =	vst v60;
	v49 =	vsel vm14, v4, v49;
	v57 =	vsel vm0, v6, v53;
	v53 =	vld [tilespmem:s5+$0x90B0]  }
0x32d: {  	[tilespmem:s13+$0x9040] =	vst v49;
	v58 =	vsel vm0, v7, v54;
	v54 =	vld [tilespmem:s5+$0x90C0]  }
0x32e: {  	v62 =	vsel vm0, v10, v63;
	v63 =	vld [tilespmem:s5+$0x90F0];
	[tilespmem:s5+$0x9060] =	vst v57  }
0x32f: {  	v59 =	vsel vm0, v13, v55;
	v55 =	vld [tilespmem:s5+$0x9120];
	[tilespmem:s5+$0x9070] =	vst v58  }
0x330: {  	[tilespmem:s5+$0x90A0] =	vst v62;
	v60 =	vsel vm0, v14, v61;
	v61 =	vld [tilespmem:s5+$0x9130]  }
0x331: {  	[tilespmem:s5+$0x90D0] =	vst v59;
	v56 =	vsel vm13, v11, v52;
	v52 =	vld [tilespmem:s15+$0x9100]  }
0x332: {  	[tilespmem:s5+$0x90E0] =	vst v60;
	v57 =	vsel vm0, v11, v53;
	v53 =	vld [tilespmem:s5+$0x9100]  }
0x333: {  	[tilespmem:s15+$0x90B0] =	vst v56;
	v58 =	vsel vm0, v12, v54;
	v54 =	vld [tilespmem:s5+$0x9110]  }
0x334: {  	v62 =	vsel vm0, v15, v63;
	v63 =	vld [tilespmem:s5+$0x9140];
	[tilespmem:s5+$0x90B0] =	vst v57  }
0x335: {  	v59 =	vsel vm0, v18, v55;
	v55 =	vld [tilespmem:s5+$0x9170];
	[tilespmem:s5+$0x90C0] =	vst v58  }
0x336: {  	[tilespmem:s5+$0x90F0] =	vst v62;
	v60 =	vsel vm0, v19, v61;
	v61 =	vld [tilespmem:s5+$0x9180]  }
0x337: {  	[tilespmem:s5+$0x9120] =	vst v59;
	v57 =	vsel vm0, v16, v53;
	v53 =	vld [tilespmem:s5+$0x9150]  }
0x338: {  	v56 =	vsel vm13, v16, v52;
	[tilespmem:s5+$0x9130] =	vst v60;
	v58 =	vsel vm0, v17, v54;
	v54 =	vld [tilespmem:s5+$0x9160]  }
0x339: {  	[tilespmem:s15+$0x9100] =	vst v56;
	v62 =	vsel vm0, v20, v63;
	v63 =	vld [tilespmem:s5+$0x9190]  }
0x33a: {  	v59 =	vsel vm0, v23, v55;
	v55 =	vld [tilespmem:s5+$0x91C0];
	[tilespmem:s5+$0x9100] =	vst v57  }
0x33b: {  	[tilespmem:s5+$0x9110] =	vst v58;
	v60 =	vsel vm0, v24, v61;
	v61 =	vld [tilespmem:s5+$0x91D0]  }
0x33c: {  	[tilespmem:s5+$0x9140] =	vst v62;
	v57 =	vsel vm0, v21, v53;
	v53 =	vld [tilespmem:s5+$0x91A0]  }
0x33d: {  	[tilespmem:s5+$0x9170] =	vst v59;
	v58 =	vsel vm0, v22, v54;
	v54 =	vld [tilespmem:s5+$0x91B0]  }
0x33e: {  	[tilespmem:s5+$0x9180] =	vst v60;
	v62 =	vsel vm0, v25, v63;
	v63 =	vld [tilespmem:s5+$0x91E0]  }
0x33f: {  	v59 =	vsel vm0, v28, v55;
	v55 =	vld [tilespmem:s5+$0x9210];
	[tilespmem:s5+$0x9150] =	vst v57  }
0x340: {  	[tilespmem:s5+$0x9160] =	vst v58;
	v60 =	vsel vm0, v29, v61;
	v61 =	vld [tilespmem:s5+$0x9220]  }
0x341: {  	[tilespmem:s5+$0x9190] =	vst v62;
	v57 =	vsel vm0, v26, v53;
	v53 =	vld [tilespmem:s5+$0x91F0]  }
0x342: {  	[tilespmem:s5+$0x91C0] =	vst v59;
	v58 =	vsel vm0, v27, v54;
	v54 =	vld [tilespmem:s5+$0x9200]  }
0x343: {  	[tilespmem:s5+$0x91D0] =	vst v60;
	v62 =	vsel vm0, v30, v63;
	v63 =	vld [tilespmem:s5+$0x9230]  }
0x344: {  	v59 =	vsel vm0, v33, v55;
	v55 =	vld [tilespmem:s5+$0x9260];
	[tilespmem:s5+$0x91A0] =	vst v57  }
0x345: {  	[tilespmem:s5+$0x91B0] =	vst v58;
	v60 =	vsel vm0, v34, v61;
	v61 =	vld [tilespmem:s5+$0x9270]  }
0x346: {  	[tilespmem:s5+$0x91E0] =	vst v62;
	v57 =	vsel vm0, v31, v53;
	v53 =	vld [tilespmem:s5+$0x9240]  }
0x347: {  	[tilespmem:s5+$0x9210] =	vst v59;
	v58 =	vsel vm0, v32, v54;
	v54 =	vld [tilespmem:s5+$0x9250]  }
0x348: {  	[tilespmem:s5+$0x9220] =	vst v60;
	v62 =	vsel vm0, v35, v63;
	v63 =	vld [tilespmem:s5+$0x9280]  }
0x349: {  	v59 =	vsel vm0, v38, v55;
	v55 =	vld [tilespmem:s5+$0x92B0];
	[tilespmem:s5+$0x91F0] =	vst v57  }
0x34a: {  	[tilespmem:s5+$0x9200] =	vst v58;
	v60 =	vsel vm0, v39, v61;
	v61 =	vld [tilespmem:s5+$0x92C0]  }
0x34b: {  	[tilespmem:s5+$0x9230] =	vst v62;
	v57 =	vsel vm0, v36, v53;
	v53 =	vld [tilespmem:s5+$0x9290]  }
0x34c: {  	[tilespmem:s5+$0x9260] =	vst v59;
	v58 =	vsel vm0, v37, v54;
	v54 =	vld [tilespmem:s5+$0x92A0]  }
0x34d: {  	[tilespmem:s5+$0x9270] =	vst v60;
	v62 =	vsel vm0, v40, v63;
	v63 =	vld [tilespmem:s5+$0x92D0]  }
0x34e: {  	v59 =	vsel vm0, v43, v55;
	v55 =	vld [tilespmem:s15+$0x9000];
	[tilespmem:s5+$0x9240] =	vst v57  }
0x34f: {  	[tilespmem:s5+$0x9250] =	vst v58;
	v60 =	vsel vm0, v44, v61;
	v61 =	vld [tilespmem:s15+$0x9010]  }
0x350: {  	[tilespmem:s5+$0x9280] =	vst v62;
	v57 =	vsel vm0, v41, v53;
	v53 =	vld [tilespmem:s5+$0x92E0]  }
0x351: {  	[tilespmem:s5+$0x92B0] =	vst v59;
	v58 =	vsel vm0, v42, v54;
	v54 =	vld [tilespmem:s5+$0x92F0]  }
0x352: {  	[tilespmem:s5+$0x92C0] =	vst v60;
	v62 =	vsel vm0, v45, v63;
	v63 =	vld [tilespmem:s15+$0x9020]  }
0x353: {  	v60 =	vsel vm13, v0, v55;
	v55 =	vld [tilespmem:s15+$0x92F0];
	[tilespmem:s5+$0x9290] =	vst v57  }
0x354: {  	[tilespmem:s5+$0x92A0] =	vst v58;
	v58 =	vld [tilespmem:s15+$0x9030]  }
0x355: {  	[tilespmem:s5+$0x92D0] =	vst v62;
	v62 =	vld [tilespmem:s15+$0x9060]  }
0x356: {  	[tilespmem:s15+$0x9000] =	vst v60;
	v57 =	vsel vm0, v46, v53;
	v59 =	vsel vm0, v47, v54;
	v54 =	vld [tilespmem:s15+$0x9050]  }
0x357: {  	[tilespmem:s5+$0x92E0] =	vst v57;
	v57 =	vld [tilespmem:s15+$0x9070]  }
0x358: {  	v61 =	vsel vm13, v1, v61;
	[tilespmem:s5+$0x92F0] =	vst v59;
	v59 =	vld [tilespmem:s15+$0x9080]  }
0x359: {  	v60 =	vld [tilespmem:s15+$0x9090];
	[tilespmem:s15+$0x9010] =	vst v61;
	v55 =	vsel vm13, v47, v55  }
0x35a: {  	v63 =	vsel vm13, v2, v63;
	[tilespmem:s15+$0x92F0] =	vst v55;
	v55 =	vsel vm14, v9, v50;
	v50 =	vld [tilespmem:s13+$0x90E0]  }
0x35b: {  	[tilespmem:s15+$0x9020] =	vst v63;
	v58 =	vsel vm13, v3, v58;
	v61 =	vsel vm13, v5, v54;
	v54 =	vld [tilespmem:s15+$0x90A0]  }
0x35c: {  	v62 =	vsel vm13, v6, v62;
	[tilespmem:s15+$0x9030] =	vst v58;
	v63 =	vsel vm13, v7, v57;
	v57 =	vld [tilespmem:s15+$0x90C0]  }
0x35d: {  	[tilespmem:s15+$0x9060] =	vst v62;
	v58 =	vsel vm13, v8, v59;
	v59 =	vld [tilespmem:s15+$0x90D0]  }
0x35e: {  	[tilespmem:s15+$0x9050] =	vst v61;
	v61 =	vld [tilespmem:s15+$0x90E0]  }
0x35f: {  	v60 =	vsel vm13, v9, v60;
	[tilespmem:s15+$0x9070] =	vst v63;
	v63 =	vld [tilespmem:s15+$0x90F0]  }
0x360: {  	v53 =	vld [tilespmem:s15+$0x9120];
	[tilespmem:s15+$0x9090] =	vst v60  }
0x361: {  	[tilespmem:s13+$0x9090] =	vst v55;
	v55 =	vsel vm14, v14, v50;
	v50 =	vld [tilespmem:s13+$0x9130]  }
0x362: {  	[tilespmem:s15+$0x9080] =	vst v58;
	v58 =	vld [tilespmem:s15+$0x9110];
	v62 =	vsel vm13, v10, v54  }
0x363: {  	[tilespmem:s15+$0x90A0] =	vst v62;
	v57 =	vsel vm13, v12, v57;
	v60 =	vsel vm13, v14, v61;
	v61 =	vld [tilespmem:s15+$0x9130]  }
0x364: {  	v59 =	vsel vm13, v13, v59;
	[tilespmem:s15+$0x90C0] =	vst v57;
	v62 =	vsel vm13, v15, v63;
	v63 =	vld [tilespmem:s15+$0x9140]  }
0x365: {  	[tilespmem:s15+$0x90D0] =	vst v59;
	v57 =	vld [tilespmem:s15+$0x9150]  }
0x366: {  	[tilespmem:s15+$0x90E0] =	vst v60;
	v60 =	vsel vm13, v18, v53;
	v53 =	vld [tilespmem:s15+$0x9170]  }
0x367: {  	v58 =	vsel vm13, v17, v58;
	v59 =	vld [tilespmem:s15+$0x9160];
	[tilespmem:s15+$0x90F0] =	vst v62  }
0x368: {  	[tilespmem:s15+$0x9110] =	vst v58;
	v58 =	vld [tilespmem:s15+$0x91A0]  }
0x369: {  	[tilespmem:s15+$0x9120] =	vst v60;
	v60 =	vld [tilespmem:s15+$0x91B0];
	v61 =	vsel vm13, v19, v61  }
0x36a: {  	[tilespmem:s15+$0x9130] =	vst v61;
	v62 =	vsel vm13, v20, v63;
	v63 =	vld [tilespmem:s15+$0x9190]  }
0x36b: {  	v57 =	vsel vm13, v21, v57;
	v61 =	vsel vm13, v23, v53;
	v53 =	vld [tilespmem:s15+$0x91C0];
	[tilespmem:s15+$0x9140] =	vst v62  }
0x36c: {  	v59 =	vsel vm13, v22, v59;
	[tilespmem:s15+$0x9150] =	vst v57;
	v62 =	vsel vm13, v24, v51;
	v51 =	vld [tilespmem:s15+$0x91D0]  }
0x36d: {  	[tilespmem:s15+$0x9160] =	vst v59;
	v57 =	vld [tilespmem:s15+$0x91E0]  }
0x36e: {  	[tilespmem:s15+$0x9170] =	vst v61;
	v59 =	vld [tilespmem:s15+$0x91F0]  }
0x36f: {  	v58 =	vsel vm13, v26, v58;
	v61 =	vld [tilespmem:s15+$0x9200];
	[tilespmem:s15+$0x9180] =	vst v62  }
0x370: {  	v60 =	vsel vm13, v27, v60;
	[tilespmem:s15+$0x91A0] =	vst v58;
	v58 =	vld [tilespmem:s15+$0x9230]  }
0x371: {  	[tilespmem:s15+$0x91B0] =	vst v60;
	v60 =	vld [tilespmem:s15+$0x9240];
	v63 =	vsel vm13, v25, v63  }
0x372: {  	v62 =	vsel vm13, v28, v53;
	v53 =	vld [tilespmem:s15+$0x9260];
	[tilespmem:s15+$0x9190] =	vst v63  }
0x373: {  	v63 =	vld [tilespmem:s15+$0x9210];
	[tilespmem:s15+$0x91C0] =	vst v62;
	v56 =	vsel vm13, v29, v51  }
0x374: {  	v51 =	vld [tilespmem:s15+$0x9220];
	v57 =	vsel vm13, v30, v57;
	[tilespmem:s15+$0x91D0] =	vst v56  }
0x375: {  	v59 =	vsel vm13, v31, v59;
	v62 =	vld [tilespmem:s15+$0x9250];
	[tilespmem:s15+$0x91E0] =	vst v57  }
0x376: {  	v61 =	vsel vm13, v32, v61;
	[tilespmem:s15+$0x91F0] =	vst v59;
	v57 =	vld [tilespmem:s15+$0x9270]  }
0x377: {  	[tilespmem:s15+$0x9200] =	vst v61;
	v58 =	vsel vm13, v35, v58;
	v59 =	vld [tilespmem:s15+$0x9280]  }
0x378: {  	v60 =	vsel vm13, v36, v60;
	v61 =	vld [tilespmem:s15+$0x9290];
	[tilespmem:s15+$0x9230] =	vst v58  }
0x379: {  	[tilespmem:s15+$0x9240] =	vst v60;
	v58 =	vld [tilespmem:s15+$0x92C0];
	v63 =	vsel vm13, v33, v63  }
0x37a: {  	v60 =	vld [tilespmem:s15+$0x92D0];
	v56 =	vsel vm13, v34, v51;
	[tilespmem:s15+$0x9210] =	vst v63  }
0x37b: {  	v62 =	vsel vm13, v37, v62;
	[tilespmem:s15+$0x9220] =	vst v56;
	v63 =	vld [tilespmem:s15+$0x92A0]  }
0x37c: {  	[tilespmem:s15+$0x9250] =	vst v62;
	v56 =	vsel vm13, v38, v53;
	v53 =	vld [tilespmem:s15+$0x92B0];
	v57 =	vsel vm13, v39, v57  }
0x37d: {  	v59 =	vsel vm13, v40, v59;
	[tilespmem:s15+$0x9270] =	vst v57;
	v57 =	vld [tilespmem:s13+$0x9000]  }
0x37e: {  	v61 =	vsel vm13, v41, v61;
	[tilespmem:s15+$0x9280] =	vst v59;
	v59 =	vld [tilespmem:s13+$0x9010]  }
0x37f: {  	[tilespmem:s15+$0x9290] =	vst v61;
	v61 =	vld [tilespmem:s13+$0x9020]  }
0x380: {  	v62 =	vld [tilespmem:s15+$0x92E0];
	[tilespmem:s15+$0x9260] =	vst v56;
	v63 =	vsel vm13, v42, v63  }
0x381: {  	v56 =	vsel vm13, v43, v53;
	[tilespmem:s15+$0x92A0] =	vst v63;
	v63 =	vld [tilespmem:s13+$0x9030]  }
0x382: {  	v58 =	vsel vm13, v44, v58;
	[tilespmem:s15+$0x92B0] =	vst v56;
	v56 =	vsel vm14, v0, v57;
	v57 =	vld [tilespmem:s13+$0x9050]  }
0x383: {  	v60 =	vsel vm13, v45, v60;
	[tilespmem:s15+$0x92C0] =	vst v58;
	v58 =	vsel vm14, v1, v59;
	v59 =	vld [tilespmem:s13+$0x9060]  }
0x384: {  	[tilespmem:s15+$0x92D0] =	vst v60;
	v60 =	vsel vm14, v2, v61;
	v61 =	vld [tilespmem:s13+$0x9070]  }
0x385: {  	[tilespmem:s13+$0x90E0] =	vst v55;
	v55 =	vsel vm14, v19, v50;
	v50 =	vld [tilespmem:s13+$0x9180];
	v62 =	vsel vm13, v46, v62  }
0x386: {  	[tilespmem:s15+$0x92E0] =	vst v62;
	v62 =	vsel vm14, v3, v63;
	v63 =	vld [tilespmem:s13+$0x9080]  }
0x387: {  	[tilespmem:s13+$0x9000] =	vst v56;
	v56 =	vsel vm14, v5, v57;
	v57 =	vld [tilespmem:s13+$0x90A0]  }
0x388: {  	[tilespmem:s13+$0x9010] =	vst v58;
	v58 =	vsel vm14, v6, v59;
	v59 =	vld [tilespmem:s13+$0x90B0]  }
0x389: {  	[tilespmem:s13+$0x9020] =	vst v60;
	v60 =	vsel vm14, v7, v61;
	v61 =	vld [tilespmem:s13+$0x90C0]  }
0x38a: {  	[tilespmem:s13+$0x9130] =	vst v55;
	v55 =	vsel vm14, v24, v50;
	v50 =	vld [tilespmem:s13+$0x91D0]  }
0x38b: {  	[tilespmem:s13+$0x9030] =	vst v62;
	v62 =	vsel vm14, v8, v63;
	v63 =	vld [tilespmem:s13+$0x90D0]  }
0x38c: {  	[tilespmem:s13+$0x9050] =	vst v56;
	v56 =	vsel vm14, v10, v57;
	v57 =	vld [tilespmem:s13+$0x90F0]  }
0x38d: {  	[tilespmem:s13+$0x9060] =	vst v58;
	v58 =	vsel vm14, v11, v59;
	v59 =	vld [tilespmem:s13+$0x9100]  }
0x38e: {  	[tilespmem:s13+$0x9070] =	vst v60;
	v60 =	vsel vm14, v12, v61;
	v61 =	vld [tilespmem:s13+$0x9110]  }
0x38f: {  	[tilespmem:s13+$0x9180] =	vst v55;
	v55 =	vsel vm14, v29, v50;
	v50 =	vld [tilespmem:s13+$0x9220]  }
0x390: {  	[tilespmem:s13+$0x9080] =	vst v62;
	v62 =	vsel vm14, v13, v63;
	v63 =	vld [tilespmem:s13+$0x9120]  }
0x391: {  	[tilespmem:s13+$0x90A0] =	vst v56;
	v56 =	vsel vm14, v15, v57;
	v57 =	vld [tilespmem:s13+$0x9140]  }
0x392: {  	[tilespmem:s13+$0x90B0] =	vst v58;
	v58 =	vsel vm14, v16, v59;
	v59 =	vld [tilespmem:s13+$0x9150]  }
0x393: {  	[tilespmem:s13+$0x90C0] =	vst v60;
	v60 =	vsel vm14, v17, v61;
	v61 =	vld [tilespmem:s13+$0x9160]  }
0x394: {  	[tilespmem:s13+$0x91D0] =	vst v55;
	v55 =	vsel vm14, v34, v50;
	v50 =	vld [tilespmem:s13+$0x9270]  }
0x395: {  	[tilespmem:s13+$0x90D0] =	vst v62;
	v62 =	vsel vm14, v18, v63;
	v63 =	vld [tilespmem:s13+$0x9170]  }
0x396: {  	[tilespmem:s13+$0x90F0] =	vst v56;
	v56 =	vsel vm14, v20, v57;
	v57 =	vld [tilespmem:s13+$0x9190]  }
0x397: {  	[tilespmem:s13+$0x9100] =	vst v58;
	v58 =	vsel vm14, v21, v59;
	v59 =	vld [tilespmem:s13+$0x91A0]  }
0x398: {  	[tilespmem:s13+$0x9110] =	vst v60;
	v60 =	vsel vm14, v22, v61;
	v61 =	vld [tilespmem:s13+$0x91B0]  }
0x399: {  	[tilespmem:s13+$0x9220] =	vst v55;
	v55 =	vsel vm14, v39, v50;
	v50 =	vld [tilespmem:s13+$0x92C0]  }
0x39a: {  	[tilespmem:s13+$0x9120] =	vst v62;
	v62 =	vsel vm14, v23, v63;
	v63 =	vld [tilespmem:s13+$0x91C0]  }
0x39b: {  	s0 =	smul.u32 $0xC00, s0;
	[tilespmem:s13+$0x9140] =	vst v56;
	v56 =	vsel vm14, v25, v57;
	v57 =	vld [tilespmem:s13+$0x91E0]  }
0x39c: {  	[tilespmem:s13+$0x9150] =	vst v58;
	v58 =	vsel vm14, v26, v59;
	v59 =	vld [tilespmem:s13+$0x91F0]  }
0x39d: {  	s0 =	sshra.s32 s0, $0x2;
	[tilespmem:s13+$0x9160] =	vst v60;
	v60 =	vsel vm14, v27, v61;
	v61 =	vld [tilespmem:s13+$0x9200]  }
0x39e: {  	[tilespmem:s13+$0x9270] =	vst v55;
	v55 =	vsel vm14, v44, v50;
	v50 =	vld [tilespmem:s0+$0x9010]  }
0x39f: {  	[tilespmem:s13+$0x9170] =	vst v62;
	v62 =	vsel vm14, v28, v63;
	v63 =	vld [tilespmem:s13+$0x9210]  }
0x3a0: {  	[tilespmem:s13+$0x9190] =	vst v56;
	v56 =	vsel vm14, v30, v57;
	v57 =	vld [tilespmem:s13+$0x9230]  }
0x3a1: {  	[tilespmem:s13+$0x91A0] =	vst v58;
	v58 =	vsel vm14, v31, v59;
	v59 =	vld [tilespmem:s13+$0x9240]  }
0x3a2: {  	[tilespmem:s13+$0x91B0] =	vst v60;
	v60 =	vsel vm14, v32, v61;
	v61 =	vld [tilespmem:s13+$0x9250]  }
0x3a3: {  	[tilespmem:s13+$0x92C0] =	vst v55  }
0x3a4: {  	[tilespmem:s13+$0x91C0] =	vst v62;
	v62 =	vsel vm14, v33, v63;
	v63 =	vld [tilespmem:s13+$0x9260]  }
0x3a5: {  	[tilespmem:s13+$0x91E0] =	vst v56;
	v56 =	vsel vm14, v35, v57;
	v57 =	vld [tilespmem:s13+$0x9280]  }
0x3a6: {  	vm15 =	veq.s32 v48, $0x64;
	[tilespmem:s13+$0x91F0] =	vst v58;
	v58 =	vsel vm14, v36, v59;
	v59 =	vld [tilespmem:s13+$0x9290]  }
0x3a7: {  	v55 =	vsel vm15, v1, v50;
	[tilespmem:s13+$0x9200] =	vst v60;
	v60 =	vsel vm14, v37, v61;
	v61 =	vld [tilespmem:s13+$0x92A0]  }
0x3a8: {  	[tilespmem:s0+$0x9010] =	vst v55  }
0x3a9: {  	[tilespmem:s13+$0x9210] =	vst v62;
	v62 =	vsel vm14, v38, v63;
	v63 =	vld [tilespmem:s13+$0x92B0]  }
0x3aa: {  	[tilespmem:s13+$0x9230] =	vst v56;
	v56 =	vsel vm14, v40, v57;
	v57 =	vld [tilespmem:s13+$0x92D0]  }
0x3ab: {  	[tilespmem:s13+$0x9240] =	vst v58;
	v58 =	vsel vm14, v41, v59;
	v59 =	vld [tilespmem:s13+$0x92E0]  }
0x3ac: {  	[tilespmem:s13+$0x9250] =	vst v60;
	v60 =	vsel vm14, v42, v61;
	v61 =	vld [tilespmem:s13+$0x92F0]  }
0x3ad: {  	[tilespmem:s13+$0x9260] =	vst v62  }
0x3ae: {  	[tilespmem:s13+$0x9280] =	vst v56;
	v62 =	vsel vm14, v43, v63;
	v63 =	vld [tilespmem:s0+$0x9000]  }
0x3af: {  	[tilespmem:s13+$0x9290] =	vst v58;
	v56 =	vsel vm14, v45, v57;
	v57 =	vld [tilespmem:s0+$0x9020]  }
0x3b0: {  	[tilespmem:s13+$0x92A0] =	vst v60;
	v58 =	vsel vm14, v46, v59;
	v59 =	vld [tilespmem:s0+$0x9030]  }
0x3b1: {  	v60 =	vsel vm14, v47, v61;
	v61 =	vld [tilespmem:s0+$0x9040];
	[tilespmem:s13+$0x92B0] =	vst v62  }
0x3b2: {  	[tilespmem:s13+$0x92D0] =	vst v56;
	v56 =	vld [tilespmem:s0+$0x9060]  }
0x3b3: {  	[tilespmem:s13+$0x92E0] =	vst v58;
	v58 =	vld [tilespmem:s0+$0x9070]  }
0x3b4: {  	[tilespmem:s13+$0x92F0] =	vst v60;
	v62 =	vsel vm15, v0, v63;
	v63 =	vld [tilespmem:s0+$0x9050]  }
0x3b5: {  	v60 =	vld [tilespmem:s0+$0x9080];
	v57 =	vsel vm15, v2, v57;
	[tilespmem:s0+$0x9000] =	vst v62  }
0x3b6: {  	v50 =	vld [tilespmem:s0+$0x90B0];
	v59 =	vsel vm15, v3, v59;
	[tilespmem:s0+$0x9020] =	vst v57  }
0x3b7: {  	v48 =	vsel vm15, v4, v61;
	v61 =	vld [tilespmem:s0+$0x9090];
	[tilespmem:s0+$0x9030] =	vst v59  }
0x3b8: {  	[tilespmem:s0+$0x9040] =	vst v48;
	v55 =	vsel vm15, v6, v56;
	v57 =	vld [tilespmem:s0+$0x90C0]  }
0x3b9: {  	v56 =	vsel vm15, v7, v58;
	[tilespmem:s0+$0x9060] =	vst v55;
	v62 =	vsel vm15, v5, v63;
	v63 =	vld [tilespmem:s0+$0x90A0]  }
0x3ba: {  	v58 =	vsel vm15, v8, v60;
	v59 =	vld [tilespmem:s0+$0x90D0];
	[tilespmem:s0+$0x9070] =	vst v56  }
0x3bb: {  	[tilespmem:s0+$0x9080] =	vst v58;
	v55 =	vsel vm15, v11, v50;
	v50 =	vld [tilespmem:s0+$0x9100]  }
0x3bc: {  	[tilespmem:s0+$0x90B0] =	vst v55;
	v60 =	vsel vm15, v9, v61;
	v61 =	vld [tilespmem:s0+$0x90E0]  }
0x3bd: {  	[tilespmem:s0+$0x9050] =	vst v62;
	v56 =	vsel vm15, v12, v57;
	v57 =	vld [tilespmem:s0+$0x9110]  }
0x3be: {  	[tilespmem:s0+$0x9090] =	vst v60;
	v62 =	vsel vm15, v10, v63;
	v63 =	vld [tilespmem:s0+$0x90F0]  }
0x3bf: {  	v58 =	vsel vm15, v13, v59;
	v59 =	vld [tilespmem:s0+$0x9120];
	[tilespmem:s0+$0x90C0] =	vst v56  }
0x3c0: {  	[tilespmem:s0+$0x90D0] =	vst v58;
	v55 =	vsel vm15, v16, v50;
	v50 =	vld [tilespmem:s0+$0x9150]  }
0x3c1: {  	[tilespmem:s0+$0x9100] =	vst v55;
	v60 =	vsel vm15, v14, v61;
	v61 =	vld [tilespmem:s0+$0x9130]  }
0x3c2: {  	[tilespmem:s0+$0x90A0] =	vst v62;
	v56 =	vsel vm15, v17, v57;
	v57 =	vld [tilespmem:s0+$0x9160]  }
0x3c3: {  	[tilespmem:s0+$0x90E0] =	vst v60;
	v62 =	vsel vm15, v15, v63;
	v63 =	vld [tilespmem:s0+$0x9140]  }
0x3c4: {  	v58 =	vsel vm15, v18, v59;
	v59 =	vld [tilespmem:s0+$0x9170];
	[tilespmem:s0+$0x9110] =	vst v56  }
0x3c5: {  	[tilespmem:s0+$0x9120] =	vst v58;
	v55 =	vsel vm15, v21, v50;
	v50 =	vld [tilespmem:s0+$0x91A0]  }
0x3c6: {  	[tilespmem:s0+$0x9150] =	vst v55;
	v60 =	vsel vm15, v19, v61;
	v61 =	vld [tilespmem:s0+$0x9180]  }
0x3c7: {  	[tilespmem:s0+$0x90F0] =	vst v62;
	v56 =	vsel vm15, v22, v57;
	v57 =	vld [tilespmem:s0+$0x91B0]  }
0x3c8: {  	[tilespmem:s0+$0x9130] =	vst v60;
	v62 =	vsel vm15, v20, v63;
	v63 =	vld [tilespmem:s0+$0x9190]  }
0x3c9: {  	v58 =	vsel vm15, v23, v59;
	v59 =	vld [tilespmem:s0+$0x91C0];
	[tilespmem:s0+$0x9160] =	vst v56  }
0x3ca: {  	[tilespmem:s0+$0x9170] =	vst v58;
	v55 =	vsel vm15, v26, v50;
	v50 =	vld [tilespmem:s0+$0x91F0]  }
0x3cb: {  	[tilespmem:s0+$0x91A0] =	vst v55;
	v60 =	vsel vm15, v24, v61;
	v61 =	vld [tilespmem:s0+$0x91D0]  }
0x3cc: {  	[tilespmem:s0+$0x9140] =	vst v62;
	v56 =	vsel vm15, v27, v57;
	v57 =	vld [tilespmem:s0+$0x9200]  }
0x3cd: {  	[tilespmem:s0+$0x9180] =	vst v60;
	v62 =	vsel vm15, v25, v63;
	v63 =	vld [tilespmem:s0+$0x91E0]  }
0x3ce: {  	v58 =	vsel vm15, v28, v59;
	v59 =	vld [tilespmem:s0+$0x9210];
	[tilespmem:s0+$0x91B0] =	vst v56  }
0x3cf: {  	[tilespmem:s0+$0x91C0] =	vst v58;
	v55 =	vsel vm15, v31, v50;
	v50 =	vld [tilespmem:s0+$0x9240]  }
0x3d0: {  	[tilespmem:s0+$0x91F0] =	vst v55;
	v60 =	vsel vm15, v29, v61;
	v61 =	vld [tilespmem:s0+$0x9220]  }
0x3d1: {  	[tilespmem:s0+$0x9190] =	vst v62;
	v56 =	vsel vm15, v32, v57;
	v57 =	vld [tilespmem:s0+$0x9250]  }
0x3d2: {  	[tilespmem:s0+$0x91D0] =	vst v60;
	v62 =	vsel vm15, v30, v63;
	v63 =	vld [tilespmem:s0+$0x9230]  }
0x3d3: {  	v58 =	vsel vm15, v33, v59;
	v59 =	vld [tilespmem:s0+$0x9260];
	[tilespmem:s0+$0x9200] =	vst v56  }
0x3d4: {  	[tilespmem:s0+$0x9210] =	vst v58;
	v55 =	vsel vm15, v36, v50;
	v50 =	vld [tilespmem:s0+$0x9290]  }
0x3d5: {  	[tilespmem:s0+$0x9240] =	vst v55;
	v60 =	vsel vm15, v34, v61;
	v61 =	vld [tilespmem:s0+$0x9270]  }
0x3d6: {  	[tilespmem:s0+$0x91E0] =	vst v62;
	v56 =	vsel vm15, v37, v57;
	v57 =	vld [tilespmem:s0+$0x92A0]  }
0x3d7: {  	[tilespmem:s0+$0x9220] =	vst v60;
	v62 =	vsel vm15, v35, v63;
	v63 =	vld [tilespmem:s0+$0x9280]  }
0x3d8: {  	v58 =	vsel vm15, v38, v59;
	v59 =	vld [tilespmem:s0+$0x92B0];
	[tilespmem:s0+$0x9250] =	vst v56  }
0x3d9: {  	[tilespmem:s0+$0x9260] =	vst v58;
	v55 =	vsel vm15, v41, v50  }
0x3da: {  	[tilespmem:s0+$0x9290] =	vst v55;
	v60 =	vsel vm15, v39, v61;
	v61 =	vld [tilespmem:s0+$0x92C0]  }
0x3db: {  	v56 =	vld [tilespmem:s0+$0x92E0];
	[tilespmem:s0+$0x9230] =	vst v62  }
0x3dc: {  	[tilespmem:s0+$0x9270] =	vst v60;
	v57 =	vsel vm15, v42, v57;
	v62 =	vsel vm15, v40, v63;
	v63 =	vld [tilespmem:s0+$0x92D0]  }
0x3dd: {  	v58 =	vld [tilespmem:s0+$0x92F0];
	v59 =	vsel vm15, v43, v59;
	[tilespmem:s0+$0x92A0] =	vst v57  }
0x3de: {  	p0 =	slt.u32 s1, $0xC;
	[tilespmem:s0+$0x92B0] =	vst v59  }
.Ltmp13:
0x3df: {  	v60 =	vsel vm15, v44, v61;
	[tilespmem:s0+$0x9280] =	vst v62;
	(pc) =	sbr.rel @p0 .LBB2_15-.Ltmp13, $4  }
0x3e0: {  	[tilespmem:s0+$0x92C0] =	vst v60;
	v62 =	vsel vm15, v46, v56  }
0x3e1: {  	[tilespmem:s0+$0x92E0] =	vst v62;
	v61 =	vsel vm15, v45, v63  }
0x3e2: {  	s15 =	sadd.s32 $0x4, s1;
	v63 =	vsel vm15, v47, v58;
	[tilespmem:s0+$0x92D0] =	vst v61  }
0x3e3: {  	s1 =	smov.u32 s15;
	[tilespmem:s0+$0x92F0] =	vst v63  }
.Ltmp14:
0x3e4: {  	_ = 	snop;
	(pc) =	sbr.rel .LBB2_16-.Ltmp14, $1  }
0x3e5: {  	_ =	sdelay $0x3  }
.LBB2_19:
0x3e6: {  	_ =	sfence.sel $0x180000  }
0x3e7: {  	[bflag:$0x0] =	sbarrier.arrive $0xFFFF  }
0x3e8: {  	_ =	strace $0x90000047  }
0x3e9: {  	s0 =	stileid.u32;
	[bflag:$0x2] =	sbarrier.arrive $0xFFFF  }
0x3ea: {  	p0 =	sne.s32 s0, $0x0;
	s0 =	rddreg [dreg:$0x2]  }
0x3eb: {  	s0 =	sadd.s32 @!p0 $0x100000, s0  }
0x3ec: {  	[sflag:s0] =	ssyncadd.tile.s32 @!p0 $0x1;
	_ =	shalt  }
.Lfunc_end2:
_tile_overlayer_lowered:
.L_overlay_start_2:
0x3ed: {  	(tag) =	ssettag $0x2  }
0x3ee: {  	s0 =	rddreg [dreg:$0x0];
	s2 =	stileid.u32  }
0x3ef: {  	s1 =	rddreg [dreg:$0x1];
	p0 =	sne.s32 s2, $0x0  }
0x3f0: {  	s3 =	rddreg [dreg:$0x2];
	[bflag:$0x3] =	sbarrier.arrive $0xFFFF;
	s2 =	simm.s32 @!p0 $0x1C09  }
0x3f1: {  	[timem:s3], [sflag:s2] =	dma.local @!p0 [hbm:s0], s1  }
0x3f2: {  	s0 =	simm.s32 @!p0 $0x9  }
0x3f3: {  	_ =	swait.ge @!p0 [sflag:s0], s1  }
0x3f4: {  	s1 =	ssub.s32 @!p0 $0x0, s1;
	[sflag:s0] =	ssyncset.done @!p0 $0x0  }
0x3f5: {  	[sflag:s0] =	ssyncadd.s32 @!p0 s1  }
0x3f6: {  	[bflag:$0x3] =	sbarrier.arrive $0xFFFF  }
0x3f7: {  	_ =	shalt  }

// kernel: sparse-core-data-format-call.cloned.1.call-start
scs
called_computation_lowered:
.L_overlay_start_0:
0x0: {  	s2 =	sld [smem:$0x3FD9]  }
0x1: {  	s3 =	sld [smem:$0x3FFE];
	_ =	sdelay $0x1  }
0x2: {  	s1 =	srdreg.scid  }
0x3: {  	s0 =	sand.u32 $0x1, s1  }
0x4: {  	s18 =	sshll.u32 s0, $0xA;
	s2 =	sadd.s32 s3, s2  }
0x5: {  	s2 =	sadd.s32 s2, s18  }
0x6: {  	[smem:$0x3FC4] =	sst s2  }
0x7: {  	_ = 	snop  }
0x8: {  	s2 =	sld [smem:$0x3FD0];
	(tm) =	ssettm $0x1  }
0x9: {  	s19 =	sld [smem:$0x3FFB];
	_ =	sdelay $0x3  }
0xa: {  	_ =	strace s19  }
0xb: {  	s3 =	sld [smem:$0x3FFC];
	_ =	sdelay $0x3  }
0xc: {  	_ =	strace s3  }
0xd: {  	s3 =	sld [smem:$0x3FFD];
	_ =	sdelay $0x3  }
0xe: {  	_ =	strace s3  }
0xf: {  	_ =	strace $0x8FFFFFFF  }
0x10: {  	s20 =	sld [smem:$0x3FDB];
	_ =	sdelay $0x1  }
0x11: {  	s4 =	simm.s32 $_scs_section_size  }
0x12: {  	s5 =	simm.s32 $_size__tile_overlayer_lowered;
	s6 =	simm.s32 $_tile_overlayer_lowered  }
0x13: {  	s23 =	simm.s32 $0x1BFF;
	s22 =	sshll.u32 s6, $0x1;
	s3 =	sadd.s32 s4, s20  }
0x14: {  	s7 =	simm.s32 $0x0;
	s21 =	sshll.u32 s5, $0x1;
	s5 =	sadd.s32 s22, s3  }
0x15: {  	[timem:s7], [sflag:s23] =	dma.local [hbm:s5], s21  }
0x16: {  	_ =	swait.ge [sflag:s23], s21  }
0x17: {  	s4 =	ssub.s32 $0x0, s21;
	[sflag:s23] =	ssyncset.done $0x0  }
0x18: {  	[sflag:s23] =	ssyncadd.s32 s4;
	_ =	sdelay $0x1  }
0x19: {  	s24 =	simm.s32 $0x1B8B  }
0x1a: {  	_ =	swait.ge [sflag:s24], $0x1  }
0x1b: {  	[sflag:s24] =	ssyncset.done $0x0  }
0x1c: {  	s26 =	simm.s32 $0x1B8E;
	s25 =	sld [smem:$0x3FFE];
	[sflag:s24] =	ssyncadd.s32 $0xFFFFFFFF  }
0x1d: {  	s27 =	simm.s32 $execute0_lowered;
	[smem:$0x3FD2] =	sst s26  }
0x1e: {  	s5 =	sshll.u32 s27, $0x1;
	_ =	strace $0x80000049;
	[dreg:$0x1] =	wrdreg $0xFFFFFFFF  }
0x1f: {  	s28 =	simm.s32 $_size_execute0_lowered;
	s3 =	sadd.s32 s3, s5;
	[dreg:$0x0] =	wrdreg $0x0  }
0x20: {  	s5 =	sshll.u32 s28, $0x1;
	[dreg:$0x2] =	wrdreg s3  }
0x21: {  	[dreg:$0x3] =	wrdreg s5  }
0x22: {  	[dreg:$0x4] =	wrdreg $0xC0  }
0x23: {  	_ =	task [dreg:s7], $0x5FFFF  }
0x24: {  	[dreg:$0x1] =	wrdreg $0xFFFFFFFF  }
0x25: {  	[dreg:$0x0] =	wrdreg $0x60  }
0x26: {  	[dreg:$0x2] =	wrdreg s25  }
0x27: {  	[dreg:$0x3] =	wrdreg s2  }
0x28: {  	[dreg:$0x4] =	wrdreg $0x9  }
0x29: {  	_ =	task.clear_ibuf [dreg:s7], $0x5FFFF;
	_ =	strace $0x90000049  }
0x2a: {  	s29 =	simm.s32 $0x9;
	_ =	strace $0x8000004B  }
0x2b: {  	_ =	swait.ge [sflag:s29], $0x1  }
0x2c: {  	[sflag:s29] =	ssyncadd.s32 $0xFFFFFFFF  }
0x2d: {  	_ =	strace $0x9000004B  }
0x2e: {  	_ =	sfence  }
0x2f: {  	s30 =	sld [smem:$0x0];
	_ =	sdelay $0x2  }
0x30: {  	s31 =	sshll.u32 s1, $0xD;
	s1 =	sshrl.u32 s1, $0x2  }
0x31: {  	s3 =	sand.u32 $0x4000, s31;
	s1 =	sadd.s32 s1, s30  }
0x32: {  	s0 =	sor.u32 s3, s0;
	s1 =	sshll.u32 s1, $0x11  }
0x33: {  	s0 =	sor.u32 s1, s0  }
0x34: {  	s0 =	sadd.s32 $0x8F2B, s0  }
0x35: {  	[sflag:s0] =	ssyncadd.remote.s32 $0x1  }
0x36: {  	_ =	sfence.sel $0xFFFF  }
0x37: {  	[dreg:$0x0] =	wrdreg $0xFFFFFFFF;
	(pc) =	sbr.abs _section_cstart, $3  }
0x38: {  	[dreg:$0x1] =	wrdreg $0xFFFFFFFF  }
0x39: {  	_ =	task.clear_ibuf [dreg:s7], $0x2FFFF;
	_ =	strace $0x9FFFFFFF  }
0x3a: {  	(tm) =	ssettm $0x7FFFFFFF  }
0x3b: {  	_ =	shalt  }
tec
execute0_lowered:
.L_overlay_start_1:
0x0: {  	(tag) =	ssettag $0x1  }
0x1: {  	s0 =	stileid.u32  }
0x2: {  	s1 =	srdreg.scid;
	s2 =	sshll.u32 s0, $0x7  }
0x3: {  	s7 =	rddreg [dreg:$0x0];
	s3 =	sshll.u32 s1, $0x4;
	s1 =	sand.u32 $0x380, s2  }
0x4: {  	s8 =	simm.s32 $0x2;
	s30 =	sand.u32 $0x10, s3;
	s31 =	ssub.s32 $0x400, s1  }
0x5: {  	s16 =	simm.s32 $0x0;
	s2 =	sor.u32 s0, s30;
	s4 =	sand.u32 $0x380, s31  }
0x6: {  	s2 =	sshrl.u32 s2, $0x3;
	p0 =	sne.s32 s4, $0x0;
	s4 =	simm.s32 $0x1  }
0x7: {  	s3 =	sshrl.u32 s31, $0xA;
	s5 =	ssub.s32 $0x50, s2;
	s4 =	simm.s32 @!p0 $0x0  }
0x8: {  	s9 =	simm.s32 $0x1800;
	s5 =	sshrl.u32 s5, $0x2;
	s3 =	sadd.s32 s4, s3  }
0x9: {  	s10 =	simm.s32 $0x0;
	s15 =	simm.s32 $0x0;
	s6 =	smul.u32 s3, s5  }
.Ltmp0:
0xa: {  	s17 =	simm.s32 $0x0;
	s4 =	rddreg [dreg:$0x1];
	(pc) =	sbr.rel .LBB1_1-.Ltmp0, $4  }
0xb: {  	s11 =	simm.s32 $0x0;
	s14 =	simm.s32 $0x0;
	s3 =	rddreg [dreg:$0x2]  }
0xc: {  	_ =	strace $0x8000004A;
	s5 =	simm.s32 $0x1;
	s6 =	smul.u32 $0x6, s6  }
0xd: {  	s7 =	sadd.s32 $0x893000, s7;
	s13 =	smov.u32 s1;
	[sflag:s5] =	ssyncpa.u1 $0x0  }
0xe: {  	s12 =	smov.u32 s2;
	[sflag:s8] =	ssyncpa.u1 $0x0;
	s8 =	sor.u32 $0x1, s6  }
.LBB1_4:
0xf: {  	_ =	sdelay $0x2  }
0x10: {  	s21 =	sshrl.u32 s17, $0x3  }
0x11: {  	[tilespmem:v0+s20+$0xFFFFFFD0 ss:$0x1] =	vst.idx.msk $0xffff, v7;
	s22 =	sshll.u32 s16, $0x3;
	s21 =	smul.u32 $0x1800, s21  }
0x12: {  	v56 =	vld.idx.msk [tilespmem:v1+s19+$0x0 ss:$0x1], $0xffff;
	[tilespmem:v0+s20+$0xFFFFFFE0 ss:$0x1] =	vst.idx.msk $0xffff, v5;
	s27 =	sshll.u32 s17, $0x7;
	s22 =	sand.u32 $0xFFFFFC00, s22  }
0x13: {  	v57 =	vld.idx.msk [tilespmem:v1+s19+$0xFFFFFF90 ss:$0x1], $0xffff;
	[tilespmem:v0+s20+$0xFFFFFFF0 ss:$0x1] =	vst.idx.msk $0xffff, v4;
	s17 =	sand.u32 $0x380, s27;
	s21 =	sadd.s32 s21, s22  }
0x14: {  	v58 =	vld.idx.msk [tilespmem:v1+s19+$0xFFFFFFA0 ss:$0x1], $0xffff;
	[tilespmem:v0+s20+$0x0 ss:$0x1] =	vst.idx.msk $0xffff, v2;
	s28 =	sand.u32 $0x7F, s16;
	s17 =	sor.u32 s17, s21  }
0x15: {  	v59 =	vld.idx.msk [tilespmem:v1+s19+$0xFFFFFFB0 ss:$0x1], $0xffff;
	[tilespmem:v0+s20+$0x10 ss:$0x1] =	vst.idx.msk $0xffff, v3;
	s16 =	sor.u32 s28, s17  }
0x16: {  	v60 =	vld.idx.msk [tilespmem:v1+s19+$0xFFFFFFC0 ss:$0x1], $0xffff;
	[tilespmem:v0+s20+$0x20 ss:$0x1] =	vst.idx.msk $0xffff, v6;
	s29 =	smulhi.u32 $0xAAAAAAAB, s16  }
0x17: {  	v61 =	vld.idx.msk [tilespmem:v1+s19+$0xFFFFFFD0 ss:$0x1], $0xffff;
	[tilespmem:v0+s19+$0x30 ss:$0x1] =	vst.idx.msk $0xffff, v56;
	s17 =	smulhi.u32 $0xAAAAAAAB, s17  }
0x18: {  	v62 =	vld.idx.msk [tilespmem:v1+s19+$0xFFFFFFE0 ss:$0x1], $0xffff;
	[tilespmem:v0+s19+$0xFFFFFFC0 ss:$0x1] =	vst.idx.msk $0xffff, v57;
	s20 =	sshrl.u32 s29, $0x9  }
0x19: {  	v63 =	vld.idx.msk [tilespmem:v1+s19+$0xFFFFFFF0 ss:$0x1], $0xffff;
	[tilespmem:v0+s19+$0xFFFFFFD0 ss:$0x1] =	vst.idx.msk $0xffff, v58;
	s17 =	sshrl.u32 s17, $0x9;
	s20 =	smul.u32 $0x300, s20  }
0x1a: {  	s15 =	smul.u32 $0x18000, s15;
	[tilespmem:v0+s19+$0xFFFFFFE0 ss:$0x1] =	vst.idx.msk $0xffff, v59;
	s17 =	sand.u32 $0x3FF, s17  }
0x1b: {  	[tilespmem:v0+s19+$0xFFFFFFF0 ss:$0x1] =	vst.idx.msk $0xffff, v60;
	s17 =	smul.u32 $0x60, s17;
	s16 =	ssub.s32 s16, s20  }
0x1c: {  	s15 =	sadd.s32 s4, s15;
	[tilespmem:v0+s19+$0x0 ss:$0x1] =	vst.idx.msk $0xffff, v61;
	s20 =	sand.u32 $0x7, s16  }
0x1d: {  	[tilespmem:v0+s19+$0x10 ss:$0x1] =	vst.idx.msk $0xffff, v62;
	s15 =	sadd.s32 s17, s15;
	s16 =	sshrl.u32 s16, $0x3;
	s30 =	sshll.u32 s20, $0x12  }
0x1e: {  	[tilespmem:v0+s19+$0x20 ss:$0x1] =	vst.idx.msk $0xffff, v63;
	s15 =	sadd.s32 s16, s15;
	s31 =	sor.u32 $0x400, s30  }
0x1f: {  	[hbm4b:s15+s31] =	stream.strided.scatter [tilespmem:s18], [sflag:$0x2], $0x4000, s9, s31, $0x38;
	[tilespmem:$0x10000] =	vst v63  }
.LBB1_5:
0x20: {  	s18 =	sadd.s32 $0x80, s11  }
0x21: {  	s15 =	sadd.s32 $0x4, s12;
	s19 =	smov.u32 s12;
	p1 =	sgt.s32 s18, $0x2FF  }
0x22: {  	s19 =	smov.u32 @p1 s15  }
0x23: {  	s21 =	smov.u32 s13;
	s15 =	sadd.s32 $0x400, s13;
	p2 =	sgt.s32 s19, $0x4C  }
0x24: {  	s21 =	smov.u32 @p2 s15  }
0x25: {  	s18 =	simm.s32 @p1 $0x0;
	p1 =	sgt.s32 s21, $0x3FF  }
0x26: {  	p0 =	slt.u32 s14, $0x2;
	s21 =	smov.u32 @p1 s1;
	p1 =	sne.s32 s14, s8  }
.Ltmp1:
0x27: {  	s20 =	simm.s32 @!p0 $0x2;
	(pc) =	sbr.rel @!p1 .LBB1_6-.Ltmp1, $4  }
0x28: {  	s16 =	smov.u32 s11;
	s17 =	smov.u32 s13;
	_ =	swait.ge @!p0 [sflag:s20], $0x4000  }
0x29: {  	s10 =	sadd.s32 $0x4000, s10;
	[sflag:s20] =	ssyncset.done @!p0 $0x0;
	s11 =	smov.u32 s18  }
0x2a: {  	s19 =	smov.u32 @p2 s2;
	s15 =	smov.u32 s12;
	[sflag:s20] =	ssyncadd.s32 @!p0 $0xFFFFC000  }
0x2b: {  	s12 =	smov.u32 s19;
	s14 =	sadd.s32 $0x1, s14;
	s13 =	smov.u32 s21  }
.LBB1_1:
0x2c: {  	p0 =	sge.u32 s14, s6  }
0x2d: {  	s18 =	sshrl.u32 @!p0 s12, $0x3  }
0x2e: {  	s19 =	sshll.u32 @!p0 s11, $0x3;
	s18 =	smul.u32 @!p0 $0x1800, s18  }
0x2f: {  	s20 =	sshll.u32 @!p0 s12, $0x7;
	s19 =	sand.u32 @!p0 $0xFFFFFC00, s19  }
0x30: {  	s18 =	sadd.s32 @!p0 s18, s19;
	s19 =	sand.u32 @!p0 $0x380, s20  }
0x31: {  	s18 =	sor.u32 @!p0 s19, s18  }
0x32: {  	s19 =	sand.u32 @!p0 $0x7F, s11;
	s20 =	smulhi.u32 @!p0 $0xAAAAAAAB, s18  }
0x33: {  	s18 =	sor.u32 @!p0 s19, s18  }
0x34: {  	s19 =	smulhi.u32 @!p0 $0xAAAAAAAB, s18;
	s20 =	sshrl.u32 @!p0 s20, $0x9  }
0x35: {  	s21 =	smulhi.u32 @!p0 $0x3333334, s20;
	_ =	sdelay $0x1  }
0x36: {  	s19 =	sshrl.u32 @!p0 s19, $0x9;
	s21 =	smul.u32 @!p0 $0x50, s21  }
0x37: {  	s31 =	sadd.s32 $0xFFFFFFFF, s14;
	s19 =	smul.u32 @!p0 $0x300, s19  }
0x38: {  	s22 =	sxor.u32 @!p0 $0xFFFFFFFF, s14;
	s20 =	ssub.s32 @!p0 s20, s21;
	s21 =	smul.u32 @!p0 $0x1E00, s13  }
0x39: {  	s22 =	sshll.u32 @!p0 s22, $0xE;
	s18 =	ssub.s32 @!p0 s18, s19;
	s19 =	smul.u32 @!p0 $0x60, s20  }
0x3a: {  	s20 =	sand.u32 @!p0 $0x4000, s22;
	s22 =	sand.u32 @!p0 $0x7, s18;
	s21 =	sadd.s32 @!p0 s7, s21  }
0x3b: {  	s18 =	sshrl.u32 @!p0 s18, $0x3;
	s19 =	sadd.s32 @!p0 s19, s21;
	s21 =	sshll.u32 @!p0 s22, $0x12  }
0x3c: {  	s18 =	sadd.s32 @!p0 s18, s19;
	s19 =	sor.u32 @!p0 $0x80, s21;
	s21 =	simm.s32 @!p0 $0xF000  }
0x3d: {  	[tilespmem:s20], [sflag:$0x1] =	stream.strided.gather @!p0 [hbm4b:s18+s19], $0x4000, s21, s19, $0x38;
	[tilespmem:$0x10000] =	vst v63  }
0x3e: {  	p0 =	sge.u32 s31, s6  }
.Ltmp2:
0x3f: {  	_ = 	snop;
	(pc) =	sbr.rel @p0 .LBB1_5-.Ltmp2, $1  }
0x40: {  	_ =	sdelay $0x3  }
0x41: {  	s18 =	sand.u32 $0x4000, s10  }
0x42: {  	s19 =	sor.u32 $0x70, s18  }
0x43: {  	v1 =	vmov s19;
	_ =	sdelay $0x1  }
0x44: {  	_ =	swait.ge [sflag:s5], $0x4000  }
0x45: {  	[sflag:s5] =	ssyncset.done $0x0  }
0x46: {  	s20 =	simm.s32 $0x0;
	[sflag:s5] =	ssyncadd.s32 $0xFFFFC000  }
0x47: {  	s18 =	sor.u32 $0x8040, s18;
	v6 =	vld.idx.msk [tilespmem:v1+s20+$0x0 ss:$0x1], $0xffff  }
0x48: {  	v0 =	vmov s18;
	v8 =	vld.idx.msk [tilespmem:v1+s20+$0xFFFFFF90 ss:$0x1], $0xffff  }
0x49: {  	v7 =	vld.idx.msk [tilespmem:v1+s20+$0xFFFFFFA0 ss:$0x1], $0xffff  }
0x4a: {  	v5 =	vld.idx.msk [tilespmem:v1+s20+$0xFFFFFFB0 ss:$0x1], $0xffff  }
0x4b: {  	v4 =	vld.idx.msk [tilespmem:v1+s20+$0xFFFFFFC0 ss:$0x1], $0xffff  }
0x4c: {  	s31 =	sshll.u32 s14, $0xE;
	v2 =	vld.idx.msk [tilespmem:v1+s20+$0xFFFFFFD0 ss:$0x1], $0xffff  }
0x4d: {  	s18 =	sand.u32 $0x4000, s31;
	v3 =	vld.idx.msk [tilespmem:v1+s20+$0xFFFFFFE0 ss:$0x1], $0xffff;
	[tilespmem:v0+s20+$0x30 ss:$0x1] =	vst.idx.msk $0xffff, v6  }
0x4e: {  	s21 =	simm.s32 $0x400;
	s19 =	simm.s32 $0x80;
	s18 =	sor.u32 $0x8000, s18;
	[tilespmem:v0+s20+$0xFFFFFFC0 ss:$0x1] =	vst.idx.msk $0xffff, v8;
	v6 =	vld.idx.msk [tilespmem:v1+s20+$0xFFFFFFF0 ss:$0x1], $0xffff  }
.LBB1_3:
0x4f: {  	p0 =	sne.s32 s21, $0xFE00;
	v8 =	vld.idx.msk [tilespmem:v1+s19+$0x0 ss:$0x1], $0xffff;
	[tilespmem:v0+s20+$0xFFFFFFD0 ss:$0x1] =	vst.idx.msk $0xffff, v7  }
0x50: {  	v9 =	vld.idx.msk [tilespmem:v1+s19+$0xFFFFFF90 ss:$0x1], $0xffff;
	[tilespmem:v0+s20+$0xFFFFFFE0 ss:$0x1] =	vst.idx.msk $0xffff, v5  }
0x51: {  	v7 =	vld.idx.msk [tilespmem:v1+s19+$0xFFFFFFA0 ss:$0x1], $0xffff;
	[tilespmem:v0+s20+$0xFFFFFFF0 ss:$0x1] =	vst.idx.msk $0xffff, v4  }
.Ltmp3:
0x52: {  	v5 =	vld.idx.msk [tilespmem:v1+s19+$0xFFFFFFB0 ss:$0x1], $0xffff;
	[tilespmem:v0+s20+$0x0 ss:$0x1] =	vst.idx.msk $0xffff, v2;
	(pc) =	sbr.rel @p0 .LBB1_3-.Ltmp3, $4  }
0x53: {  	v4 =	vld.idx.msk [tilespmem:v1+s19+$0xFFFFFFC0 ss:$0x1], $0xffff;
	[tilespmem:v0+s20+$0x10 ss:$0x1] =	vst.idx.msk $0xffff, v3  }
0x54: {  	v2 =	vld.idx.msk [tilespmem:v1+s19+$0xFFFFFFD0 ss:$0x1], $0xffff;
	[tilespmem:v0+s20+$0x20 ss:$0x1] =	vst.idx.msk $0xffff, v6;
	s20 =	smov.u32 s19  }
0x55: {  	v3 =	vld.idx.msk [tilespmem:v1+s20+$0xFFFFFFE0 ss:$0x1], $0xffff;
	[tilespmem:v0+s20+$0x30 ss:$0x1] =	vst.idx.msk $0xffff, v8  }
0x56: {  	s19 =	sshra.s32 s21, $0x2;
	s21 =	sadd.s32 $0x200, s21;
	[tilespmem:v0+s20+$0xFFFFFFC0 ss:$0x1] =	vst.idx.msk $0xffff, v9;
	v6 =	vld.idx.msk [tilespmem:v1+s20+$0xFFFFFFF0 ss:$0x1], $0xffff  }
.Ltmp4:
0x57: {  	_ = 	snop;
	(pc) =	sbr.rel .LBB1_4-.Ltmp4, $1  }
0x58: {  	_ =	sdelay $0x3  }
.LBB1_6:
0x59: {  	_ =	sfence.sel $0x180000  }
0x5a: {  	s1 =	simm.s32 $0x1;
	[bflag:$0x0] =	sbarrier.arrive $0xFFFF  }
0x5b: {  	s31 =	simm.s32 $0x2;
	[sflag:s1] =	ssyncpa.u1 $0x1  }
0x5c: {  	[sflag:s31] =	ssyncpa.u1 $0x1  }
0x5d: {  	p0 =	sne.s32 s0, $0x0;
	_ =	strace $0x9000004A  }
0x5e: {  	s0 =	sadd.s32 @!p0 $0x100000, s3;
	[bflag:$0x2] =	sbarrier.arrive $0xFFFF  }
0x5f: {  	[sflag:s0] =	ssyncadd.tile.s32 @!p0 $0x1;
	_ =	shalt  }
.Lfunc_end1:
_tile_overlayer_lowered:
.L_overlay_start_2:
0x60: {  	(tag) =	ssettag $0x2  }
0x61: {  	s0 =	rddreg [dreg:$0x0];
	s2 =	stileid.u32  }
0x62: {  	s1 =	rddreg [dreg:$0x1];
	p0 =	sne.s32 s2, $0x0  }
0x63: {  	s3 =	rddreg [dreg:$0x2];
	[bflag:$0x3] =	sbarrier.arrive $0xFFFF;
	s2 =	simm.s32 @!p0 $0x1C01  }
0x64: {  	[timem:s3], [sflag:s2] =	dma.local @!p0 [hbm:s0], s1  }
0x65: {  	s0 =	simm.s32 @!p0 $0x1  }
0x66: {  	_ =	swait.ge @!p0 [sflag:s0], s1  }
0x67: {  	s1 =	ssub.s32 @!p0 $0x0, s1;
	[sflag:s0] =	ssyncset.done @!p0 $0x0  }
0x68: {  	[sflag:s0] =	ssyncadd.s32 @!p0 s1  }
0x69: {  	[bflag:$0x3] =	sbarrier.arrive $0xFFFF  }
0x6a: {  	_ =	shalt  }

</sc_bundles>
